<compile_context>
chip_gen: v7x
topology: tpu7x:2x2x1
jax: 0.10.2.dev20260603
libtpu: 0.0.44.dev20260713+nightly
codegen_flags: <defaults>
</compile_context>

<pallas_src>
import jax
import jax.numpy as jnp
from jax import lax
from jax.experimental import pallas as pl
from jax.experimental.pallas import tpu as pltpu
from jax.experimental.pallas import tpu_sc as plsc

N_NODES = 100000
N_EDGES = 6400000
NC = 2
NS = 16
NW = NC * NS
L = 16

NP = 100352
NPC = NP // NS
NPW = NP // NW
REAL_LAST_W = N_NODES - 31 * NPW

PW = N_EDGES // NW
CH0 = 4000
CH1 = 2000

_MESH = dict(core_axis_name="c", subcore_axis_name="s")
_PARAMS = dict(
    compiler_params=pltpu.CompilerParams(
        needs_layout_passes=False, use_tc_tiling_on_sc=False
    ),
)


def _mesh():
  return plsc.VectorSubcoreMesh(num_cores=NC, num_subcores=NS, **_MESH)


def _iota():
  return lax.iota(jnp.int32, L)


def _rsqrt_sc(d):
  i = plsc.bitcast(d, jnp.int32)
  i = jnp.int32(0x5F3759DF) - lax.shift_right_logical(i, jnp.int32(1))
  y = plsc.bitcast(i, jnp.float32)
  for _ in range(3):
    y = y * (jnp.float32(1.5) - jnp.float32(0.5) * d * y * y)
  return y


def _worker_id():
  return lax.axis_index("s") * NC + lax.axis_index("c")


def _k1_body(dst_hbm, ones_hbm, zeros8_hbm, cnt_out, deg_sh, didx, ones_v):
  cid = lax.axis_index("c")
  sid = lax.axis_index("s")
  wid = _worker_id()
  n0 = sid * NPC
  pltpu.sync_copy(zeros8_hbm, deg_sh.at[pl.ds(n0, NPC)])
  pltpu.sync_copy(ones_hbm, ones_v)
  plsc.subcore_barrier()
  base = wid * PW

  def step(i, carry):
    pltpu.sync_copy(dst_hbm.at[pl.ds(base + i * CH0, CH0)], didx)
    pltpu.sync_copy(ones_v, deg_sh.at[didx], add=True)
    return carry

  lax.fori_loop(0, PW // CH0, step, 0)
  plsc.subcore_barrier()
  pltpu.sync_copy(deg_sh.at[pl.ds(n0, NPC)], cnt_out.at[cid, pl.ds(n0, NPC)])


def _k1(dst, ones, zeros8):
  f = pl.kernel(
      _k1_body,
      out_type=jax.ShapeDtypeStruct((NC, NP, 8), jnp.float32),
      mesh=_mesh(),
      scratch_types=[
          pltpu.VMEM_SHARED((NP, 8), jnp.float32),
          pltpu.VMEM((CH0,), jnp.int32),
          pltpu.VMEM((CH0, 8), jnp.float32),
      ],
      **_PARAMS,
  )
  return f(dst, ones, zeros8)


def _k2_body(cnt_hbm, x_hbm, w1_hbm, dis_out, u1_out,
             x_v, c0_v, c1_v, dis_v, u_buf, wv):
  wid = _worker_id()
  n0 = wid * NPW

  pltpu.sync_copy(w1_hbm, wv)
  pltpu.sync_copy(cnt_hbm.at[0, pl.ds(n0, NPW)], c0_v)
  pltpu.sync_copy(cnt_hbm.at[1, pl.ds(n0, NPW)], c1_v)
  zv = jnp.zeros((L,), jnp.float32)

  @pl.when(wid < NW - 1)
  def _():
    pltpu.sync_copy(x_hbm.at[pl.ds(n0, NPW)], x_v)

  @pl.when(wid == NW - 1)
  def _():
    pltpu.sync_copy(x_hbm.at[pl.ds(n0, REAL_LAST_W)],
                    x_v.at[pl.ds(0, REAL_LAST_W)])

  wvec0 = wv[pl.ds(0, L)]
  wvec1 = wv[pl.ds(L, L)]
  w1s = [[wvec0[k * 4 + d] if k * 4 + d < L else wvec1[k * 4 + d - L]
          for d in range(4)] for k in range(5)]

  zc = jnp.full((L,), 0, jnp.int32)

  def dense(g, carry):
    r0 = g * L
    it = _iota()
    rows_i = r0 + it
    deg = (plsc.load_gather(c0_v, [rows_i, zc])
           + plsc.load_gather(c1_v, [rows_i, zc]) + jnp.float32(1.0))
    dis = _rsqrt_sc(deg)
    dis_v[pl.ds(r0, L)] = dis
    xk = [plsc.load_gather(x_v, [rows_i, jnp.full((L,), k, jnp.int32)])
          for k in range(5)]
    for d in range(4):
      acc = xk[0] * w1s[0][d]
      for k in range(1, 5):
        acc = acc + xk[k] * w1s[k][d]
      plsc.store_scatter(u_buf, [rows_i, jnp.full((L,), d, jnp.int32)],
                         dis * acc)
    for d in range(4, 8):
      plsc.store_scatter(u_buf, [rows_i, jnp.full((L,), d, jnp.int32)], zv)
    return carry

  lax.fori_loop(0, NPW // L, dense, 0)
  pltpu.sync_copy(dis_v, dis_out.at[pl.ds(n0, NPW)])
  pltpu.sync_copy(u_buf, u1_out.at[pl.ds(n0, NPW)])


def _k2(cnt, x, w1p):
  f = pl.kernel(
      _k2_body,
      out_type=(
          jax.ShapeDtypeStruct((NP,), jnp.float32),
          jax.ShapeDtypeStruct((NP, 8), jnp.float32),
      ),
      mesh=_mesh(),
      scratch_types=[
          pltpu.VMEM((NPW, 5), jnp.float32),
          pltpu.VMEM((NPW, 8), jnp.float32),
          pltpu.VMEM((NPW, 8), jnp.float32),
          pltpu.VMEM((NPW,), jnp.float32),
          pltpu.VMEM((NPW, 8), jnp.float32),
          pltpu.VMEM((32,), jnp.float32),
      ],
      **_PARAMS,
  )
  return f(cnt, x, w1p)


def _conv_body(ch, u_hbm, src_hbm, dst_hbm, zeros_hbm, acc_out,
               u_sh, acc_sh, sidx, didx, rows):
  cid = lax.axis_index("c")
  sid = lax.axis_index("s")
  wid = _worker_id()
  n0 = sid * NPC
  pltpu.sync_copy(u_hbm.at[pl.ds(n0, NPC)], u_sh.at[pl.ds(n0, NPC)])
  pltpu.sync_copy(zeros_hbm, acc_sh.at[pl.ds(n0, NPC)])
  plsc.subcore_barrier()
  base = wid * PW

  def step(i, carry):
    pltpu.sync_copy(src_hbm.at[pl.ds(base + i * ch, ch)], sidx)
    pltpu.sync_copy(dst_hbm.at[pl.ds(base + i * ch, ch)], didx)
    pltpu.sync_copy(u_sh.at[sidx], rows)
    pltpu.sync_copy(rows, acc_sh.at[didx], add=True)
    return carry

  lax.fori_loop(0, PW // ch, step, 0)
  plsc.subcore_barrier()
  pltpu.sync_copy(acc_sh.at[pl.ds(n0, NPC)], acc_out.at[cid, pl.ds(n0, NPC)])


def _conv(u, src, dst, zeros, d, ch):
  def body(*refs):
    _conv_body(ch, *refs)

  f = pl.kernel(
      body,
      out_type=jax.ShapeDtypeStruct((NC, NP, d), jnp.float32),
      mesh=_mesh(),
      scratch_types=[
          pltpu.VMEM_SHARED((NP, d), jnp.float32),
          pltpu.VMEM_SHARED((NP, d), jnp.float32),
          pltpu.VMEM((ch,), jnp.int32),
          pltpu.VMEM((ch,), jnp.int32),
          pltpu.VMEM((ch, d), jnp.float32),
      ],
      **_PARAMS,
  )
  return f(u, src, dst, zeros)


def _k4_body(acc1_hbm, dis_hbm, u1_hbm, w2_hbm, u2_out,
             a0_v, a1_v, u1_v, dis_v, u2_buf, wv):
  wid = _worker_id()
  n0 = wid * NPW

  pltpu.sync_copy(w2_hbm, wv)
  pltpu.sync_copy(acc1_hbm.at[0, pl.ds(n0, NPW)], a0_v)
  pltpu.sync_copy(acc1_hbm.at[1, pl.ds(n0, NPW)], a1_v)
  pltpu.sync_copy(u1_hbm.at[pl.ds(n0, NPW)], u1_v)
  pltpu.sync_copy(dis_hbm.at[pl.ds(n0, NPW)], dis_v)

  wvecs = [wv[pl.ds(j * L, L)] for j in range(3)]
  w2s = [[wvecs[(d * 8 + c) // L][(d * 8 + c) % L]
          for c in range(8)] for d in range(4)]
  b1s = [wvecs[2][d] for d in range(4)]

  def dense(g, carry):
    r0 = g * L
    it = _iota()
    rows_i = r0 + it
    dis = dis_v[pl.ds(r0, L)]
    hd = []
    for d in range(4):
      cd = jnp.full((L,), d, jnp.int32)
      s = (plsc.load_gather(a0_v, [rows_i, cd])
           + plsc.load_gather(a1_v, [rows_i, cd])
           + plsc.load_gather(u1_v, [rows_i, cd]))
      hd.append(jnp.maximum(dis * s + b1s[d], jnp.float32(0.0)))
    for c in range(8):
      acc = hd[0] * w2s[0][c]
      for d in range(1, 4):
        acc = acc + hd[d] * w2s[d][c]
      plsc.store_scatter(u2_buf, [rows_i, jnp.full((L,), c, jnp.int32)],
                         dis * acc)
    return carry

  lax.fori_loop(0, NPW // L, dense, 0)
  pltpu.sync_copy(u2_buf, u2_out.at[pl.ds(n0, NPW)])


def _k4(acc1, dis, u1, w2p):
  f = pl.kernel(
      _k4_body,
      out_type=jax.ShapeDtypeStruct((NP, 8), jnp.float32),
      mesh=_mesh(),
      scratch_types=[
          pltpu.VMEM((NPW, 8), jnp.float32),
          pltpu.VMEM((NPW, 8), jnp.float32),
          pltpu.VMEM((NPW, 8), jnp.float32),
          pltpu.VMEM((NPW,), jnp.float32),
          pltpu.VMEM((NPW, 8), jnp.float32),
          pltpu.VMEM((48,), jnp.float32),
      ],
      **_PARAMS,
  )
  return f(acc1, dis, u1, w2p)


def _k6_body(acc2_hbm, dis_hbm, u2_hbm, w2_hbm,
             outpre_out, ms_out,
             a0_v, a1_v, u2_v, dis_v, out_buf, wv, msbuf, t16):
  wid = _worker_id()
  n0 = wid * NPW
  nv = lax.select(wid == NW - 1,
                  jnp.int32(REAL_LAST_W * 8 // L),
                  jnp.int32(NPW * 8 // L))

  pltpu.sync_copy(w2_hbm, wv)
  pltpu.sync_copy(acc2_hbm.at[0, pl.ds(n0, NPW)], a0_v)
  pltpu.sync_copy(acc2_hbm.at[1, pl.ds(n0, NPW)], a1_v)
  pltpu.sync_copy(u2_hbm.at[pl.ds(n0, NPW)], u2_v)
  pltpu.sync_copy(dis_hbm.at[pl.ds(n0, NPW)], dis_v)

  it = _iota()
  b2v = plsc.load_gather(wv, [40 + jnp.bitwise_and(it, 7)])

  def pass1(i, m_run):
    rloc = 2 * i + jnp.right_shift(it, 3)
    cloc = jnp.bitwise_and(it, 7)
    val = (plsc.load_gather(a0_v, [rloc, cloc])
           + plsc.load_gather(a1_v, [rloc, cloc])
           + plsc.load_gather(u2_v, [rloc, cloc]))
    val = plsc.load_gather(dis_v, [rloc]) * val + b2v
    plsc.store_scatter(out_buf, [rloc, cloc], val)
    return jnp.maximum(m_run, val)

  m_run = lax.fori_loop(0, nv, pass1, jnp.full((L,), -1e30, jnp.float32))
  t16[pl.ds(0, L)] = m_run
  m2 = jnp.maximum(m_run, plsc.load_gather(t16, [jnp.bitwise_and(it + 8, 15)]))

  def pass2(i, s_run):
    rloc = 2 * i + jnp.right_shift(it, 3)
    cloc = jnp.bitwise_and(it, 7)
    val = plsc.load_gather(out_buf, [rloc, cloc])
    return s_run + jnp.exp(val - m2)

  s_run = lax.fori_loop(0, nv, pass2, jnp.zeros((L,), jnp.float32))
  t16[pl.ds(0, L)] = s_run
  s2 = s_run + plsc.load_gather(t16, [jnp.bitwise_and(it + 8, 15)])

  msbuf[pl.ds(0, L)] = m2
  msbuf[pl.ds(L, L)] = s2
  pltpu.sync_copy(msbuf, ms_out.at[pl.ds(wid * 2 * L, 2 * L)])

  @pl.when(wid < NW - 1)
  def _():
    pltpu.sync_copy(out_buf, outpre_out.at[pl.ds(n0, NPW)])

  @pl.when(wid == NW - 1)
  def _():
    pltpu.sync_copy(out_buf.at[pl.ds(0, REAL_LAST_W)],
                    outpre_out.at[pl.ds(n0, REAL_LAST_W)])


def _k6(acc2, dis, u2, w2p):
  f = pl.kernel(
      _k6_body,
      out_type=(
          jax.ShapeDtypeStruct((NP, 8), jnp.float32),
          jax.ShapeDtypeStruct((NW * 2 * L,), jnp.float32),
      ),
      mesh=_mesh(),
      scratch_types=[
          pltpu.VMEM((NPW, 8), jnp.float32),
          pltpu.VMEM((NPW, 8), jnp.float32),
          pltpu.VMEM((NPW, 8), jnp.float32),
          pltpu.VMEM((NPW,), jnp.float32),
          pltpu.VMEM((NPW, 8), jnp.float32),
          pltpu.VMEM((48,), jnp.float32),
          pltpu.VMEM((2 * L,), jnp.float32),
          pltpu.VMEM((L,), jnp.float32),
      ],
      **_PARAMS,
  )
  return f(acc2, dis, u2, w2p)


def _k7_body(outpre_hbm, ms_hbm, out_hbm, buf, msv):
  wid = _worker_id()
  n0 = wid * NPW
  nrows = lax.select(wid == NW - 1, jnp.int32(REAL_LAST_W), jnp.int32(NPW))
  nv = nrows * 8 // L

  pltpu.sync_copy(ms_hbm, msv)
  it = _iota()

  def combine(w, ms):
    m, s = ms
    mi = msv[pl.ds(w * 2 * L, L)]
    si = msv[pl.ds(w * 2 * L + L, L)]
    mn = jnp.maximum(m, mi)
    s = s * jnp.exp(m - mn) + si * jnp.exp(mi - mn)
    return mn, s

  m, s = lax.fori_loop(0, NW, combine,
                       (jnp.full((L,), -1e30, jnp.float32),
                        jnp.zeros((L,), jnp.float32)))

  bits = plsc.bitcast(s, jnp.int32)
  e = lax.shift_right_logical(bits, jnp.int32(23)) - jnp.int32(127)
  y = e.astype(jnp.float32) * jnp.float32(0.6931472) + jnp.float32(0.3466)
  for _ in range(4):
    y = y + s * jnp.exp(-y) - jnp.float32(1.0)
  lse = m + y

  @pl.when(wid < NW - 1)
  def _():
    pltpu.sync_copy(outpre_hbm.at[pl.ds(n0, NPW)], buf)

  @pl.when(wid == NW - 1)
  def _():
    pltpu.sync_copy(outpre_hbm.at[pl.ds(n0, REAL_LAST_W)],
                    buf.at[pl.ds(0, REAL_LAST_W)])

  def sub(i, carry):
    rloc = 2 * i + jnp.right_shift(it, 3)
    cloc = jnp.bitwise_and(it, 7)
    val = plsc.load_gather(buf, [rloc, cloc]) - lse
    plsc.store_scatter(buf, [rloc, cloc], val)
    return carry

  lax.fori_loop(0, nv, sub, 0)

  @pl.when(wid < NW - 1)
  def _():
    pltpu.sync_copy(buf, out_hbm.at[pl.ds(n0, NPW)])

  @pl.when(wid == NW - 1)
  def _():
    pltpu.sync_copy(buf.at[pl.ds(0, REAL_LAST_W)],
                    out_hbm.at[pl.ds(n0, REAL_LAST_W)])


def _k7(outpre, ms):
  f = pl.kernel(
      _k7_body,
      out_type=jax.ShapeDtypeStruct((N_NODES, 8), jnp.float32),
      mesh=_mesh(),
      scratch_types=[
          pltpu.VMEM((NPW, 8), jnp.float32),
          pltpu.VMEM((NW * 2 * L,), jnp.float32),
      ],
      **_PARAMS,
  )
  return f(outpre, ms)


def kernel(x, edge_index, W1, b1, W2, b2):
  src = edge_index[0].astype(jnp.int32)
  dst = edge_index[1].astype(jnp.int32)
  w1p = jnp.concatenate([W1.reshape(-1).astype(jnp.float32),
                         jnp.zeros((12,), jnp.float32)])
  w2p = jnp.concatenate([W2.reshape(-1).astype(jnp.float32),
                         b1.astype(jnp.float32),
                         jnp.zeros((4,), jnp.float32),
                         b2.astype(jnp.float32)])
  ones = jnp.zeros((CH0, 8), jnp.float32).at[:, 0].set(1.0)
  zeros8 = jnp.zeros((NPC, 8), jnp.float32)

  cnt = _k1(dst, ones, zeros8)
  dis, u1 = _k2(cnt, x, w1p)
  acc1 = _conv(u1, src, dst, zeros8, 8, CH1)
  u2 = _k4(acc1, dis, u1, w2p)
  acc2 = _conv(u2, src, dst, zeros8, 8, CH1)
  outpre, ms = _k6(acc2, dis, u2, w2p)
  return _k7(outpre, ms)

# --- scband reference (transcript-rebuilt; emitter-appended) ---
"""Pipeline reference for scband-gnn-10462540333056 (READ-ONLY COPY).

The authoritative reference and input builder live on the scoring server;
editing this copy changes nothing except your own understanding.
"""

import jax, jax.numpy as jnp
import numpy as np

N_NODES = 100000
N_EDGES = 6400000
NUM_CLASSES = 8


def setup_inputs(seed: int = 0) -> dict:
    key = jax.random.key(seed)
    k1, k2, k3, k4, k5, k6 = jax.random.split(key, 6)
    x = jax.random.normal(k1, (N_NODES, 5), dtype=jnp.float32)
    edge_index = jax.random.randint(k2, (2, N_EDGES), 0, N_NODES, dtype=jnp.int64)
    # GCNConv weights (glorot-ish init) and zero biases
    W1 = jax.random.normal(k3, (5, 4), dtype=jnp.float32) * (1.0 / np.sqrt(5.0))
    b1 = jnp.zeros((4,), dtype=jnp.float32)
    W2 = jax.random.normal(k4, (4, NUM_CLASSES), dtype=jnp.float32) * (1.0 / np.sqrt(4.0))
    b2 = jnp.zeros((NUM_CLASSES,), dtype=jnp.float32)
    return {"x": x, "edge_index": edge_index, "W1": W1, "b1": b1, "W2": W2, "b2": b2}


def _gcn_conv(x, W, b, src, dst, deg_inv_sqrt, num_nodes):
    # GCNConv: D^{-1/2} (A + I) D^{-1/2} X W + b
    xw = x @ W
    norm = deg_inv_sqrt[src] * deg_inv_sqrt[dst]
    msg = norm[:, None] * jnp.take(xw, src, axis=0)
    agg = jax.ops.segment_sum(msg, dst, num_segments=num_nodes)
    return agg + b


def reference(x, edge_index, W1, b1, W2, b2):
    num_nodes = x.shape[0]
    # add self-loops (PyG GCNConv default add_self_loops=True)
    ar = jnp.arange(num_nodes, dtype=edge_index.dtype)
    src = jnp.concatenate([edge_index[0], ar])
    dst = jnp.concatenate([edge_index[1], ar])
    # symmetric normalization via in-degree on the self-loop-augmented graph
    deg = jax.ops.segment_sum(jnp.ones_like(dst, dtype=jnp.float32), dst, num_segments=num_nodes)
    deg_inv_sqrt = jnp.where(deg > 0, 1.0 / jnp.sqrt(deg), 0.0)
    h = _gcn_conv(x, W1, b1, src, dst, deg_inv_sqrt, num_nodes)
    h = jax.nn.relu(h)
    # F.dropout(training=self.training): identity in eval mode
    out = _gcn_conv(h, W2, b2, src, dst, deg_inv_sqrt, num_nodes)
    # log_softmax over dim=0 (across nodes), faithful to the original code
    return out - jax.scipy.special.logsumexp(out, axis=0, keepdims=True)

if __name__ == "__main__":
    import jax
    _d = setup_inputs()
    print(jax.jit(kernel)(*tuple(_d.values())))

</pallas_src>

<mosaic_0001>
#map = affine_map<(d0, d1) -> (0)>
#map1 = affine_map<(d0, d1) -> (0, 0)>
#map2 = affine_map<(d0, d1) -> (0, 0, 0)>
module attributes {stable_mosaic.version = 14 : i64} {
  func.func @_k1_body(%arg0: i32, %arg1: i32, %arg2: memref<6400000xi32, #tpu.memory_space<hbm>>, %arg3: memref<4000x8xf32, #tpu.memory_space<hbm>>, %arg4: memref<6272x8xf32, #tpu.memory_space<hbm>>, %arg5: memref<2x100352x8xf32, #tpu.memory_space<hbm>>, %arg6: memref<100352x8xf32, #tpu.memory_space<vmem_shared>>, %arg7: memref<4000xi32, #tpu.memory_space<vmem>>, %arg8: memref<4000x8xf32, #tpu.memory_space<vmem>>) attributes {dimension_semantics = [#tpu.dimension_semantics<core_parallel>, #tpu.dimension_semantics<subcore_parallel>], iteration_bounds = array<i64: 2, 16>, scalar_prefetch = 0 : i64, scratch_operands = 3 : i64, tpu.core_type = #tpu.core_type<sc_vector_subcore>, window_params = [{transform_indices = #map}, {transform_indices = #map1}, {transform_indices = #map1}, {transform_indices = #map2}]} {
    %mul3A = arith.constant 2 : i32
    %mul3A_0 = arith.muli %arg1, %mul3A : i32
    %add3A = arith.addi %mul3A_0, %arg0 : i32
    %mul3A_1 = arith.constant 6272 : i32
    %mul3A_2 = arith.muli %arg1, %mul3A_1 : i32
    "tpu.region"() ({
      %run_scoped3A = tpu.sem_alloc : memref<!tpu.dma_semaphore, #tpu.memory_space<semaphore_mem>>
      %dma_start3A = arith.constant 0 : i32
      %dma_start3A_11 = tpu.memref_slice %arg6[%mul3A_2, %dma_start3A] : memref<100352x8xf32, #tpu.memory_space<vmem_shared>> -> memref<6272x8xf32, #tpu.memory_space<vmem_shared>>
      tpu.enqueue_dma source(%arg4 : memref<6272x8xf32, #tpu.memory_space<hbm>>) target(%dma_start3A_11 : memref<6272x8xf32, #tpu.memory_space<vmem_shared>>) target_semaphore(%run_scoped3A : memref<!tpu.dma_semaphore, #tpu.memory_space<semaphore_mem>>)
      %dma_wait3A = arith.constant 0 : i32
      %dma_wait3A_12 = tpu.memref_slice %arg6[%mul3A_2, %dma_wait3A] : memref<100352x8xf32, #tpu.memory_space<vmem_shared>> -> memref<6272x8xf32, #tpu.memory_space<vmem_shared>>
      tpu.wait_dma2 semaphore(%run_scoped3A : memref<!tpu.dma_semaphore, #tpu.memory_space<semaphore_mem>>) src(%arg4 : memref<6272x8xf32, #tpu.memory_space<hbm>>) dst(%dma_wait3A_12 : memref<6272x8xf32, #tpu.memory_space<vmem_shared>>)
      tpu.yield
    }) : () -> ()
    "tpu.region"() ({
      %run_scoped3A = tpu.sem_alloc : memref<!tpu.dma_semaphore, #tpu.memory_space<semaphore_mem>>
      tpu.enqueue_dma source(%arg3 : memref<4000x8xf32, #tpu.memory_space<hbm>>) target(%arg8 : memref<4000x8xf32, #tpu.memory_space<vmem>>) target_semaphore(%run_scoped3A : memref<!tpu.dma_semaphore, #tpu.memory_space<semaphore_mem>>)
      tpu.wait_dma2 semaphore(%run_scoped3A : memref<!tpu.dma_semaphore, #tpu.memory_space<semaphore_mem>>) src(%arg3 : memref<4000x8xf32, #tpu.memory_space<hbm>>) dst(%arg8 : memref<4000x8xf32, #tpu.memory_space<vmem>>)
      tpu.yield
    }) : () -> ()
    %barrier3A = arith.constant 0 : index
    tpu.barrier barrier_id(%barrier3A)
    %mul3A_3 = arith.constant 200000 : i32
    %mul3A_4 = arith.muli %add3A, %mul3A_3 : i32
    %scan3A = arith.constant 0 : i32
    %scan3A_5 = arith.constant 0 : i32
    %scan3A_6 = arith.constant 50 : i32
    %scan3A_7 = arith.addi %scan3A_5, %scan3A_6 : i32
    %scan3A_8 = arith.constant 1 : i32
    scf.for %scan3A_11 = %scan3A_5 to %scan3A_7 step %scan3A_8  : i32 {
      %mul3A_12 = arith.constant 4000 : i32
      %mul3A_13 = arith.muli %scan3A_11, %mul3A_12 : i32
      %add3A_14 = arith.addi %mul3A_4, %mul3A_13 : i32
      "tpu.region"() ({
        %run_scoped3A = tpu.sem_alloc : memref<!tpu.dma_semaphore, #tpu.memory_space<semaphore_mem>>
        %dma_start3A = tpu.memref_slice %arg2[%add3A_14] : memref<6400000xi32, #tpu.memory_space<hbm>> -> memref<4000xi32, #tpu.memory_space<hbm>>
        %dma_start3A_15 = tpu.memref_slice %arg2[%add3A_14] : memref<6400000xi32, #tpu.memory_space<hbm>> -> memref<4000xi32, #tpu.memory_space<hbm>>
        tpu.enqueue_dma source(%dma_start3A_15 : memref<4000xi32, #tpu.memory_space<hbm>>) target(%arg7 : memref<4000xi32, #tpu.memory_space<vmem>>) target_semaphore(%run_scoped3A : memref<!tpu.dma_semaphore, #tpu.memory_space<semaphore_mem>>)
        %dma_wait3A = tpu.memref_slice %arg2[%add3A_14] : memref<6400000xi32, #tpu.memory_space<hbm>> -> memref<4000xi32, #tpu.memory_space<hbm>>
        %dma_wait3A_16 = tpu.memref_slice %arg2[%add3A_14] : memref<6400000xi32, #tpu.memory_space<hbm>> -> memref<4000xi32, #tpu.memory_space<hbm>>
        tpu.wait_dma2 semaphore(%run_scoped3A : memref<!tpu.dma_semaphore, #tpu.memory_space<semaphore_mem>>) src(%dma_wait3A_16 : memref<4000xi32, #tpu.memory_space<hbm>>) dst(%arg7 : memref<4000xi32, #tpu.memory_space<vmem>>)
        tpu.yield
      }) : () -> ()
      "tpu.region"() ({
        %run_scoped3A = tpu.sem_alloc : memref<!tpu.dma_semaphore, #tpu.memory_space<semaphore_mem>>
        %dma_start3A = arith.constant 0 : i32
        %dma_start3A_15 = arith.constant 0 : i32
        %dma_start3A_16 = tpu.memref_slice %arg6[%dma_start3A, %dma_start3A_15] : memref<100352x8xf32, #tpu.memory_space<vmem_shared>> -> memref<100352x8xf32, #tpu.memory_space<vmem_shared>>
        tpu.enqueue_indirect_dma source(%arg8 : memref<4000x8xf32, #tpu.memory_space<vmem>>) target(%dma_start3A_16 : memref<100352x8xf32, #tpu.memory_space<vmem_shared>>) offsets(%arg7 : memref<4000xi32, #tpu.memory_space<vmem>>) semaphore(%run_scoped3A : memref<!tpu.dma_semaphore, #tpu.memory_space<semaphore_mem>>) {add = true}
        %dma_wait3A = arith.constant 0 : i32
        %dma_wait3A_17 = arith.constant 0 : i32
        %dma_wait3A_18 = tpu.memref_slice %arg6[%dma_wait3A, %dma_wait3A_17] : memref<100352x8xf32, #tpu.memory_space<vmem_shared>> -> memref<100352x8xf32, #tpu.memory_space<vmem_shared>>
        tpu.wait_indirect_dma semaphore(%run_scoped3A : memref<!tpu.dma_semaphore, #tpu.memory_space<semaphore_mem>>) src(%arg8 : memref<4000x8xf32, #tpu.memory_space<vmem>>) dst(%dma_wait3A_18 : memref<100352x8xf32, #tpu.memory_space<vmem_shared>>)
        tpu.yield
      }) : () -> ()
    }
    %scan3A_9 = arith.constant 50 : i32
    %barrier3A_10 = arith.constant 0 : index
    tpu.barrier barrier_id(%barrier3A_10)
    "tpu.region"() ({
      %run_scoped3A = tpu.sem_alloc : memref<!tpu.dma_semaphore, #tpu.memory_space<semaphore_mem>>
      %dma_start3A = arith.constant 0 : i32
      %dma_start3A_11 = tpu.memref_slice %arg5[%arg0, %mul3A_2, %dma_start3A] : memref<2x100352x8xf32, #tpu.memory_space<hbm>> -> memref<1x6272x8xf32, #tpu.memory_space<hbm>>
      %dma_start3A_12 = tpu.memref_squeeze %dma_start3A_11 : memref<1x6272x8xf32, #tpu.memory_space<hbm>> -> memref<6272x8xf32, #tpu.memory_space<hbm>>
      %dma_start3A_13 = arith.constant 0 : i32
      %dma_start3A_14 = tpu.memref_slice %arg6[%mul3A_2, %dma_start3A_13] : memref<100352x8xf32, #tpu.memory_space<vmem_shared>> -> memref<6272x8xf32, #tpu.memory_space<vmem_shared>>
      tpu.enqueue_dma source(%dma_start3A_14 : memref<6272x8xf32, #tpu.memory_space<vmem_shared>>) target(%dma_start3A_12 : memref<6272x8xf32, #tpu.memory_space<hbm>>) target_semaphore(%run_scoped3A : memref<!tpu.dma_semaphore, #tpu.memory_space<semaphore_mem>>)
      %dma_wait3A = arith.constant 0 : i32
      %dma_wait3A_15 = tpu.memref_slice %arg5[%arg0, %mul3A_2, %dma_wait3A] : memref<2x100352x8xf32, #tpu.memory_space<hbm>> -> memref<1x6272x8xf32, #tpu.memory_space<hbm>>
      %dma_wait3A_16 = tpu.memref_squeeze %dma_wait3A_15 : memref<1x6272x8xf32, #tpu.memory_space<hbm>> -> memref<6272x8xf32, #tpu.memory_space<hbm>>
      %dma_wait3A_17 = arith.constant 0 : i32
      %dma_wait3A_18 = tpu.memref_slice %arg6[%mul3A_2, %dma_wait3A_17] : memref<100352x8xf32, #tpu.memory_space<vmem_shared>> -> memref<6272x8xf32, #tpu.memory_space<vmem_shared>>
      tpu.wait_dma2 semaphore(%run_scoped3A : memref<!tpu.dma_semaphore, #tpu.memory_space<semaphore_mem>>) src(%dma_wait3A_18 : memref<6272x8xf32, #tpu.memory_space<vmem_shared>>) dst(%dma_wait3A_16 : memref<6272x8xf32, #tpu.memory_space<hbm>>)
      tpu.yield
    }) : () -> ()
    return
  }
}

#map = affine_map<(d0, d1) -> (0, 0, 0)>
#map1 = affine_map<(d0, d1) -> (0)>
#map2 = affine_map<(d0, d1) -> (0, 0)>
module attributes {stable_mosaic.version = 14 : i64} {
  func.func @_k4_body(%arg0: i32, %arg1: i32, %arg2: memref<2x100352x8xf32, #tpu.memory_space<hbm>>, %arg3: memref<100352xf32, #tpu.memory_space<hbm>>, %arg4: memref<100352x8xf32, #tpu.memory_space<hbm>>, %arg5: memref<48xf32, #tpu.memory_space<hbm>>, %arg6: memref<100352x8xf32, #tpu.memory_space<hbm>>, %arg7: memref<3136x8xf32, #tpu.memory_space<vmem>>, %arg8: memref<3136x8xf32, #tpu.memory_space<vmem>>, %arg9: memref<3136x8xf32, #tpu.memory_space<vmem>>, %arg10: memref<3136xf32, #tpu.memory_space<vmem>>, %arg11: memref<3136x8xf32, #tpu.memory_space<vmem>>, %arg12: memref<48xf32, #tpu.memory_space<vmem>>) attributes {dimension_semantics = [#tpu.dimension_semantics<core_parallel>, #tpu.dimension_semantics<subcore_parallel>], iteration_bounds = array<i64: 2, 16>, scalar_prefetch = 0 : i64, scratch_operands = 6 : i64, tpu.core_type = #tpu.core_type<sc_vector_subcore>, window_params = [{transform_indices = #map}, {transform_indices = #map1}, {transform_indices = #map2}, {transform_indices = #map1}, {transform_indices = #map2}]} {
    %mul3A = arith.constant 2 : i32
    %mul3A_0 = arith.muli %arg1, %mul3A : i32
    %add3A = arith.addi %mul3A_0, %arg0 : i32
    %mul3A_1 = arith.constant 3136 : i32
    %mul3A_2 = arith.muli %add3A, %mul3A_1 : i32
    "tpu.region"() ({
      %run_scoped3A_84 = tpu.sem_alloc : memref<!tpu.dma_semaphore, #tpu.memory_space<semaphore_mem>>
      tpu.enqueue_dma source(%arg5 : memref<48xf32, #tpu.memory_space<hbm>>) target(%arg12 : memref<48xf32, #tpu.memory_space<vmem>>) target_semaphore(%run_scoped3A_84 : memref<!tpu.dma_semaphore, #tpu.memory_space<semaphore_mem>>)
      tpu.wait_dma2 semaphore(%run_scoped3A_84 : memref<!tpu.dma_semaphore, #tpu.memory_space<semaphore_mem>>) src(%arg5 : memref<48xf32, #tpu.memory_space<hbm>>) dst(%arg12 : memref<48xf32, #tpu.memory_space<vmem>>)
      tpu.yield
    }) : () -> ()
    %run_scoped3A = arith.constant 0 : i32
    "tpu.region"() ({
      %run_scoped3A_84 = tpu.sem_alloc : memref<!tpu.dma_semaphore, #tpu.memory_space<semaphore_mem>>
      %dma_start3A = arith.constant 0 : i32
      %dma_start3A_85 = tpu.memref_slice %arg2[%run_scoped3A, %mul3A_2, %dma_start3A] : memref<2x100352x8xf32, #tpu.memory_space<hbm>> -> memref<1x3136x8xf32, #tpu.memory_space<hbm>>
      %dma_start3A_86 = tpu.memref_squeeze %dma_start3A_85 : memref<1x3136x8xf32, #tpu.memory_space<hbm>> -> memref<3136x8xf32, #tpu.memory_space<hbm>>
      %dma_start3A_87 = arith.constant 0 : i32
      %dma_start3A_88 = tpu.memref_slice %arg2[%run_scoped3A, %mul3A_2, %dma_start3A_87] : memref<2x100352x8xf32, #tpu.memory_space<hbm>> -> memref<1x3136x8xf32, #tpu.memory_space<hbm>>
      %dma_start3A_89 = tpu.memref_squeeze %dma_start3A_88 : memref<1x3136x8xf32, #tpu.memory_space<hbm>> -> memref<3136x8xf32, #tpu.memory_space<hbm>>
      tpu.enqueue_dma source(%dma_start3A_89 : memref<3136x8xf32, #tpu.memory_space<hbm>>) target(%arg7 : memref<3136x8xf32, #tpu.memory_space<vmem>>) target_semaphore(%run_scoped3A_84 : memref<!tpu.dma_semaphore, #tpu.memory_space<semaphore_mem>>)
      %dma_wait3A = arith.constant 0 : i32
      %dma_wait3A_90 = tpu.memref_slice %arg2[%run_scoped3A, %mul3A_2, %dma_wait3A] : memref<2x100352x8xf32, #tpu.memory_space<hbm>> -> memref<1x3136x8xf32, #tpu.memory_space<hbm>>
      %dma_wait3A_91 = tpu.memref_squeeze %dma_wait3A_90 : memref<1x3136x8xf32, #tpu.memory_space<hbm>> -> memref<3136x8xf32, #tpu.memory_space<hbm>>
      %dma_wait3A_92 = arith.constant 0 : i32
      %dma_wait3A_93 = tpu.memref_slice %arg2[%run_scoped3A, %mul3A_2, %dma_wait3A_92] : memref<2x100352x8xf32, #tpu.memory_space<hbm>> -> memref<1x3136x8xf32, #tpu.memory_space<hbm>>
      %dma_wait3A_94 = tpu.memref_squeeze %dma_wait3A_93 : memref<1x3136x8xf32, #tpu.memory_space<hbm>> -> memref<3136x8xf32, #tpu.memory_space<hbm>>
      tpu.wait_dma2 semaphore(%run_scoped3A_84 : memref<!tpu.dma_semaphore, #tpu.memory_space<semaphore_mem>>) src(%dma_wait3A_94 : memref<3136x8xf32, #tpu.memory_space<hbm>>) dst(%arg7 : memref<3136x8xf32, #tpu.memory_space<vmem>>)
      tpu.yield
    }) : () -> ()
    %run_scoped3A_3 = arith.constant 1 : i32
    "tpu.region"() ({
      %run_scoped3A_84 = tpu.sem_alloc : memref<!tpu.dma_semaphore, #tpu.memory_space<semaphore_mem>>
      %dma_start3A = arith.constant 0 : i32
      %dma_start3A_85 = tpu.memref_slice %arg2[%run_scoped3A_3, %mul3A_2, %dma_start3A] : memref<2x100352x8xf32, #tpu.memory_space<hbm>> -> memref<1x3136x8xf32, #tpu.memory_space<hbm>>
      %dma_start3A_86 = tpu.memref_squeeze %dma_start3A_85 : memref<1x3136x8xf32, #tpu.memory_space<hbm>> -> memref<3136x8xf32, #tpu.memory_space<hbm>>
      %dma_start3A_87 = arith.constant 0 : i32
      %dma_start3A_88 = tpu.memref_slice %arg2[%run_scoped3A_3, %mul3A_2, %dma_start3A_87] : memref<2x100352x8xf32, #tpu.memory_space<hbm>> -> memref<1x3136x8xf32, #tpu.memory_space<hbm>>
      %dma_start3A_89 = tpu.memref_squeeze %dma_start3A_88 : memref<1x3136x8xf32, #tpu.memory_space<hbm>> -> memref<3136x8xf32, #tpu.memory_space<hbm>>
      tpu.enqueue_dma source(%dma_start3A_89 : memref<3136x8xf32, #tpu.memory_space<hbm>>) target(%arg8 : memref<3136x8xf32, #tpu.memory_space<vmem>>) target_semaphore(%run_scoped3A_84 : memref<!tpu.dma_semaphore, #tpu.memory_space<semaphore_mem>>)
      %dma_wait3A = arith.constant 0 : i32
      %dma_wait3A_90 = tpu.memref_slice %arg2[%run_scoped3A_3, %mul3A_2, %dma_wait3A] : memref<2x100352x8xf32, #tpu.memory_space<hbm>> -> memref<1x3136x8xf32, #tpu.memory_space<hbm>>
      %dma_wait3A_91 = tpu.memref_squeeze %dma_wait3A_90 : memref<1x3136x8xf32, #tpu.memory_space<hbm>> -> memref<3136x8xf32, #tpu.memory_space<hbm>>
      %dma_wait3A_92 = arith.constant 0 : i32
      %dma_wait3A_93 = tpu.memref_slice %arg2[%run_scoped3A_3, %mul3A_2, %dma_wait3A_92] : memref<2x100352x8xf32, #tpu.memory_space<hbm>> -> memref<1x3136x8xf32, #tpu.memory_space<hbm>>
      %dma_wait3A_94 = tpu.memref_squeeze %dma_wait3A_93 : memref<1x3136x8xf32, #tpu.memory_space<hbm>> -> memref<3136x8xf32, #tpu.memory_space<hbm>>
      tpu.wait_dma2 semaphore(%run_scoped3A_84 : memref<!tpu.dma_semaphore, #tpu.memory_space<semaphore_mem>>) src(%dma_wait3A_94 : memref<3136x8xf32, #tpu.memory_space<hbm>>) dst(%arg8 : memref<3136x8xf32, #tpu.memory_space<vmem>>)
      tpu.yield
    }) : () -> ()
    "tpu.region"() ({
      %run_scoped3A_84 = tpu.sem_alloc : memref<!tpu.dma_semaphore, #tpu.memory_space<semaphore_mem>>
      %dma_start3A = arith.constant 0 : i32
      %dma_start3A_85 = tpu.memref_slice %arg4[%mul3A_2, %dma_start3A] : memref<100352x8xf32, #tpu.memory_space<hbm>> -> memref<3136x8xf32, #tpu.memory_space<hbm>>
      %dma_start3A_86 = arith.constant 0 : i32
      %dma_start3A_87 = tpu.memref_slice %arg4[%mul3A_2, %dma_start3A_86] : memref<100352x8xf32, #tpu.memory_space<hbm>> -> memref<3136x8xf32, #tpu.memory_space<hbm>>
      tpu.enqueue_dma source(%dma_start3A_87 : memref<3136x8xf32, #tpu.memory_space<hbm>>) target(%arg9 : memref<3136x8xf32, #tpu.memory_space<vmem>>) target_semaphore(%run_scoped3A_84 : memref<!tpu.dma_semaphore, #tpu.memory_space<semaphore_mem>>)
      %dma_wait3A = arith.constant 0 : i32
      %dma_wait3A_88 = tpu.memref_slice %arg4[%mul3A_2, %dma_wait3A] : memref<100352x8xf32, #tpu.memory_space<hbm>> -> memref<3136x8xf32, #tpu.memory_space<hbm>>
      %dma_wait3A_89 = arith.constant 0 : i32
      %dma_wait3A_90 = tpu.memref_slice %arg4[%mul3A_2, %dma_wait3A_89] : memref<100352x8xf32, #tpu.memory_space<hbm>> -> memref<3136x8xf32, #tpu.memory_space<hbm>>
      tpu.wait_dma2 semaphore(%run_scoped3A_84 : memref<!tpu.dma_semaphore, #tpu.memory_space<semaphore_mem>>) src(%dma_wait3A_90 : memref<3136x8xf32, #tpu.memory_space<hbm>>) dst(%arg9 : memref<3136x8xf32, #tpu.memory_space<vmem>>)
      tpu.yield
    }) : () -> ()
    "tpu.region"() ({
      %run_scoped3A_84 = tpu.sem_alloc : memref<!tpu.dma_semaphore, #tpu.memory_space<semaphore_mem>>
      %dma_start3A = tpu.memref_slice %arg3[%mul3A_2] : memref<100352xf32, #tpu.memory_space<hbm>> -> memref<3136xf32, #tpu.memory_space<hbm>>
      %dma_start3A_85 = tpu.memref_slice %arg3[%mul3A_2] : memref<100352xf32, #tpu.memory_space<hbm>> -> memref<3136xf32, #tpu.memory_space<hbm>>
      tpu.enqueue_dma source(%dma_start3A_85 : memref<3136xf32, #tpu.memory_space<hbm>>) target(%arg10 : memref<3136xf32, #tpu.memory_space<vmem>>) target_semaphore(%run_scoped3A_84 : memref<!tpu.dma_semaphore, #tpu.memory_space<semaphore_mem>>)
      %dma_wait3A = tpu.memref_slice %arg3[%mul3A_2] : memref<100352xf32, #tpu.memory_space<hbm>> -> memref<3136xf32, #tpu.memory_space<hbm>>
      %dma_wait3A_86 = tpu.memref_slice %arg3[%mul3A_2] : memref<100352xf32, #tpu.memory_space<hbm>> -> memref<3136xf32, #tpu.memory_space<hbm>>
      tpu.wait_dma2 semaphore(%run_scoped3A_84 : memref<!tpu.dma_semaphore, #tpu.memory_space<semaphore_mem>>) src(%dma_wait3A_86 : memref<3136xf32, #tpu.memory_space<hbm>>) dst(%arg10 : memref<3136xf32, #tpu.memory_space<vmem>>)
      tpu.yield
    }) : () -> ()
    %get3A = arith.constant 0 : index
    %get3A_4 = tpu.vector_load %arg12[%get3A] {strides = array<i32>} : memref<48xf32, #tpu.memory_space<vmem>>, vector<16xf32>,
    %get3A_5 = arith.constant 16 : index
    %get3A_6 = tpu.vector_load %arg12[%get3A_5] {strides = array<i32>} : memref<48xf32, #tpu.memory_space<vmem>>, vector<16xf32>,
    %get3A_7 = arith.constant 32 : index
    %get3A_8 = tpu.vector_load %arg12[%get3A_7] {strides = array<i32>} : memref<48xf32, #tpu.memory_space<vmem>>, vector<16xf32>,
    %slice3A = vector.extract_strided_slice %get3A_4 {offsets = [0], sizes = [1], strides = [1]} : vector<16xf32> to vector<1xf32>
    %squeeze3A = vector.extract %slice3A[0] : f32 from vector<1xf32>
    %slice3A_9 = vector.extract_strided_slice %get3A_4 {offsets = [1], sizes = [1], strides = [1]} : vector<16xf32> to vector<1xf32>
    %squeeze3A_10 = vector.extract %slice3A_9[0] : f32 from vector<1xf32>
    %slice3A_11 = vector.extract_strided_slice %get3A_4 {offsets = [2], sizes = [1], strides = [1]} : vector<16xf32> to vector<1xf32>
    %squeeze3A_12 = vector.extract %slice3A_11[0] : f32 from vector<1xf32>
    %slice3A_13 = vector.extract_strided_slice %get3A_4 {offsets = [3], sizes = [1], strides = [1]} : vector<16xf32> to vector<1xf32>
    %squeeze3A_14 = vector.extract %slice3A_13[0] : f32 from vector<1xf32>
    %slice3A_15 = vector.extract_strided_slice %get3A_4 {offsets = [4], sizes = [1], strides = [1]} : vector<16xf32> to vector<1xf32>
    %squeeze3A_16 = vector.extract %slice3A_15[0] : f32 from vector<1xf32>
    %slice3A_17 = vector.extract_strided_slice %get3A_4 {offsets = [5], sizes = [1], strides = [1]} : vector<16xf32> to vector<1xf32>
    %squeeze3A_18 = vector.extract %slice3A_17[0] : f32 from vector<1xf32>
    %slice3A_19 = vector.extract_strided_slice %get3A_4 {offsets = [6], sizes = [1], strides = [1]} : vector<16xf32> to vector<1xf32>
    %squeeze3A_20 = vector.extract %slice3A_19[0] : f32 from vector<1xf32>
    %slice3A_21 = vector.extract_strided_slice %get3A_4 {offsets = [7], sizes = [1], strides = [1]} : vector<16xf32> to vector<1xf32>
    %squeeze3A_22 = vector.extract %slice3A_21[0] : f32 from vector<1xf32>
    %slice3A_23 = vector.extract_strided_slice %get3A_4 {offsets = [8], sizes = [1], strides = [1]} : vector<16xf32> to vector<1xf32>
    %squeeze3A_24 = vector.extract %slice3A_23[0] : f32 from vector<1xf32>
    %slice3A_25 = vector.extract_strided_slice %get3A_4 {offsets = [9], sizes = [1], strides = [1]} : vector<16xf32> to vector<1xf32>
    %squeeze3A_26 = vector.extract %slice3A_25[0] : f32 from vector<1xf32>
    %slice3A_27 = vector.extract_strided_slice %get3A_4 {offsets = [10], sizes = [1], strides = [1]} : vector<16xf32> to vector<1xf32>
    %squeeze3A_28 = vector.extract %slice3A_27[0] : f32 from vector<1xf32>
    %slice3A_29 = vector.extract_strided_slice %get3A_4 {offsets = [11], sizes = [1], strides = [1]} : vector<16xf32> to vector<1xf32>
    %squeeze3A_30 = vector.extract %slice3A_29[0] : f32 from vector<1xf32>
    %slice3A_31 = vector.extract_strided_slice %get3A_4 {offsets = [12], sizes = [1], strides = [1]} : vector<16xf32> to vector<1xf32>
    %squeeze3A_32 = vector.extract %slice3A_31[0] : f32 from vector<1xf32>
    %slice3A_33 = vector.extract_strided_slice %get3A_4 {offsets = [13], sizes = [1], strides = [1]} : vector<16xf32> to vector<1xf32>
    %squeeze3A_34 = vector.extract %slice3A_33[0] : f32 from vector<1xf32>
    %slice3A_35 = vector.extract_strided_slice %get3A_4 {offsets = [14], sizes = [1], strides = [1]} : vector<16xf32> to vector<1xf32>
    %squeeze3A_36 = vector.extract %slice3A_35[0] : f32 from vector<1xf32>
    %slice3A_37 = vector.extract_strided_slice %get3A_4 {offsets = [15], sizes = [1], strides = [1]} : vector<16xf32> to vector<1xf32>
    %squeeze3A_38 = vector.extract %slice3A_37[0] : f32 from vector<1xf32>
    %slice3A_39 = vector.extract_strided_slice %get3A_6 {offsets = [0], sizes = [1], strides = [1]} : vector<16xf32> to vector<1xf32>
    %squeeze3A_40 = vector.extract %slice3A_39[0] : f32 from vector<1xf32>
    %slice3A_41 = vector.extract_strided_slice %get3A_6 {offsets = [1], sizes = [1], strides = [1]} : vector<16xf32> to vector<1xf32>
    %squeeze3A_42 = vector.extract %slice3A_41[0] : f32 from vector<1xf32>
    %slice3A_43 = vector.extract_strided_slice %get3A_6 {offsets = [2], sizes = [1], strides = [1]} : vector<16xf32> to vector<1xf32>
    %squeeze3A_44 = vector.extract %slice3A_43[0] : f32 from vector<1xf32>
    %slice3A_45 = vector.extract_strided_slice %get3A_6 {offsets = [3], sizes = [1], strides = [1]} : vector<16xf32> to vector<1xf32>
    %squeeze3A_46 = vector.extract %slice3A_45[0] : f32 from vector<1xf32>
    %slice3A_47 = vector.extract_strided_slice %get3A_6 {offsets = [4], sizes = [1], strides = [1]} : vector<16xf32> to vector<1xf32>
    %squeeze3A_48 = vector.extract %slice3A_47[0] : f32 from vector<1xf32>
    %slice3A_49 = vector.extract_strided_slice %get3A_6 {offsets = [5], sizes = [1], strides = [1]} : vector<16xf32> to vector<1xf32>
    %squeeze3A_50 = vector.extract %slice3A_49[0] : f32 from vector<1xf32>
    %slice3A_51 = vector.extract_strided_slice %get3A_6 {offsets = [6], sizes = [1], strides = [1]} : vector<16xf32> to vector<1xf32>
    %squeeze3A_52 = vector.extract %slice3A_51[0] : f32 from vector<1xf32>
    %slice3A_53 = vector.extract_strided_slice %get3A_6 {offsets = [7], sizes = [1], strides = [1]} : vector<16xf32> to vector<1xf32>
    %squeeze3A_54 = vector.extract %slice3A_53[0] : f32 from vector<1xf32>
    %slice3A_55 = vector.extract_strided_slice %get3A_6 {offsets = [8], sizes = [1], strides = [1]} : vector<16xf32> to vector<1xf32>
    %squeeze3A_56 = vector.extract %slice3A_55[0] : f32 from vector<1xf32>
    %slice3A_57 = vector.extract_strided_slice %get3A_6 {offsets = [9], sizes = [1], strides = [1]} : vector<16xf32> to vector<1xf32>
    %squeeze3A_58 = vector.extract %slice3A_57[0] : f32 from vector<1xf32>
    %slice3A_59 = vector.extract_strided_slice %get3A_6 {offsets = [10], sizes = [1], strides = [1]} : vector<16xf32> to vector<1xf32>
    %squeeze3A_60 = vector.extract %slice3A_59[0] : f32 from vector<1xf32>
    %slice3A_61 = vector.extract_strided_slice %get3A_6 {offsets = [11], sizes = [1], strides = [1]} : vector<16xf32> to vector<1xf32>
    %squeeze3A_62 = vector.extract %slice3A_61[0] : f32 from vector<1xf32>
    %slice3A_63 = vector.extract_strided_slice %get3A_6 {offsets = [12], sizes = [1], strides = [1]} : vector<16xf32> to vector<1xf32>
    %squeeze3A_64 = vector.extract %slice3A_63[0] : f32 from vector<1xf32>
    %slice3A_65 = vector.extract_strided_slice %get3A_6 {offsets = [13], sizes = [1], strides = [1]} : vector<16xf32> to vector<1xf32>
    %squeeze3A_66 = vector.extract %slice3A_65[0] : f32 from vector<1xf32>
    %slice3A_67 = vector.extract_strided_slice %get3A_6 {offsets = [14], sizes = [1], strides = [1]} : vector<16xf32> to vector<1xf32>
    %squeeze3A_68 = vector.extract %slice3A_67[0] : f32 from vector<1xf32>
    %slice3A_69 = vector.extract_strided_slice %get3A_6 {offsets = [15], sizes = [1], strides = [1]} : vector<16xf32> to vector<1xf32>
    %squeeze3A_70 = vector.extract %slice3A_69[0] : f32 from vector<1xf32>
    %slice3A_71 = vector.extract_strided_slice %get3A_8 {offsets = [0], sizes = [1], strides = [1]} : vector<16xf32> to vector<1xf32>
    %squeeze3A_72 = vector.extract %slice3A_71[0] : f32 from vector<1xf32>
    %slice3A_73 = vector.extract_strided_slice %get3A_8 {offsets = [1], sizes = [1], strides = [1]} : vector<16xf32> to vector<1xf32>
    %squeeze3A_74 = vector.extract %slice3A_73[0] : f32 from vector<1xf32>
    %slice3A_75 = vector.extract_strided_slice %get3A_8 {offsets = [2], sizes = [1], strides = [1]} : vector<16xf32> to vector<1xf32>
    %squeeze3A_76 = vector.extract %slice3A_75[0] : f32 from vector<1xf32>
    %slice3A_77 = vector.extract_strided_slice %get3A_8 {offsets = [3], sizes = [1], strides = [1]} : vector<16xf32> to vector<1xf32>
    %squeeze3A_78 = vector.extract %slice3A_77[0] : f32 from vector<1xf32>
    %scan3A = arith.constant 0 : i32
    %scan3A_79 = arith.constant 0 : i32
    %scan3A_80 = arith.constant 196 : i32
    %scan3A_81 = arith.addi %scan3A_79, %scan3A_80 : i32
    %scan3A_82 = arith.constant 1 : i32
    scf.for %scan3A_84 = %scan3A_79 to %scan3A_81 step %scan3A_82  : i32 {
      %mul3A_85 = arith.constant 16 : i32
      %mul3A_86 = arith.muli %scan3A_84, %mul3A_85 : i32
      %iota3A = tpu.iota {dimensions = array<i32: 0>} : vector<16xi32>
      %add3A_87 = vector.broadcast %mul3A_86 : i32 to vector<16xi32>
      %add3A_88 = arith.addi %add3A_87, %iota3A : vector<16xi32>
      %get3A_89 = arith.index_cast %mul3A_86 : i32 to index
      %get3A_90 = tpu.vector_load %arg10[%get3A_89] {strides = array<i32>} : memref<3136xf32, #tpu.memory_space<vmem>>, vector<16xf32>,
      %broadcast_in_dim3A = arith.constant 0 : i32
      %broadcast_in_dim3A_91 = vector.broadcast %broadcast_in_dim3A : i32 to vector<16xi32>
      %gather3A = tpu.vector_load_idx %arg7[%add3A_88, %broadcast_in_dim3A_91] : memref<3136x8xf32, #tpu.memory_space<vmem>>[vector<16xi32>, vector<16xi32>], vector<16xf32>,
      %gather3A_92 = tpu.vector_load_idx %arg8[%add3A_88, %broadcast_in_dim3A_91] : memref<3136x8xf32, #tpu.memory_space<vmem>>[vector<16xi32>, vector<16xi32>], vector<16xf32>,
      %add3A_93 = arith.addf %gather3A, %gather3A_92 : vector<16xf32>
      %gather3A_94 = tpu.vector_load_idx %arg9[%add3A_88, %broadcast_in_dim3A_91] : memref<3136x8xf32, #tpu.memory_space<vmem>>[vector<16xi32>, vector<16xi32>], vector<16xf32>,
      %add3A_95 = arith.addf %add3A_93, %gather3A_94 : vector<16xf32>
      %mul3A_96 = arith.mulf %get3A_90, %add3A_95 : vector<16xf32>
      %add3A_97 = vector.broadcast %squeeze3A_72 : f32 to vector<16xf32>
      %add3A_98 = arith.addf %mul3A_96, %add3A_97 : vector<16xf32>
      %max3A = arith.constant 0.000000e+00 : f32
      %max3A_99 = vector.broadcast %max3A : f32 to vector<16xf32>
      %max3A_100 = arith.maximumf %add3A_98, %max3A_99 : vector<16xf32>
      %broadcast_in_dim3A_101 = arith.constant 1 : i32
      %broadcast_in_dim3A_102 = vector.broadcast %broadcast_in_dim3A_101 : i32 to vector<16xi32>
      %gather3A_103 = tpu.vector_load_idx %arg7[%add3A_88, %broadcast_in_dim3A_102] : memref<3136x8xf32, #tpu.memory_space<vmem>>[vector<16xi32>, vector<16xi32>], vector<16xf32>,
      %gather3A_104 = tpu.vector_load_idx %arg8[%add3A_88, %broadcast_in_dim3A_102] : memref<3136x8xf32, #tpu.memory_space<vmem>>[vector<16xi32>, vector<16xi32>], vector<16xf32>,
      %add3A_105 = arith.addf %gather3A_103, %gather3A_104 : vector<16xf32>
      %gather3A_106 = tpu.vector_load_idx %arg9[%add3A_88, %broadcast_in_dim3A_102] : memref<3136x8xf32, #tpu.memory_space<vmem>>[vector<16xi32>, vector<16xi32>], vector<16xf32>,
      %add3A_107 = arith.addf %add3A_105, %gather3A_106 : vector<16xf32>
      %mul3A_108 = arith.mulf %get3A_90, %add3A_107 : vector<16xf32>
      %add3A_109 = vector.broadcast %squeeze3A_74 : f32 to vector<16xf32>
      %add3A_110 = arith.addf %mul3A_108, %add3A_109 : vector<16xf32>
      %max3A_111 = arith.constant 0.000000e+00 : f32
      %max3A_112 = vector.broadcast %max3A_111 : f32 to vector<16xf32>
      %max3A_113 = arith.maximumf %add3A_110, %max3A_112 : vector<16xf32>
      %broadcast_in_dim3A_114 = arith.constant 2 : i32
      %broadcast_in_dim3A_115 = vector.broadcast %broadcast_in_dim3A_114 : i32 to vector<16xi32>
      %gather3A_116 = tpu.vector_load_idx %arg7[%add3A_88, %broadcast_in_dim3A_115] : memref<3136x8xf32, #tpu.memory_space<vmem>>[vector<16xi32>, vector<16xi32>], vector<16xf32>,
      %gather3A_117 = tpu.vector_load_idx %arg8[%add3A_88, %broadcast_in_dim3A_115] : memref<3136x8xf32, #tpu.memory_space<vmem>>[vector<16xi32>, vector<16xi32>], vector<16xf32>,
      %add3A_118 = arith.addf %gather3A_116, %gather3A_117 : vector<16xf32>
      %gather3A_119 = tpu.vector_load_idx %arg9[%add3A_88, %broadcast_in_dim3A_115] : memref<3136x8xf32, #tpu.memory_space<vmem>>[vector<16xi32>, vector<16xi32>], vector<16xf32>,
      %add3A_120 = arith.addf %add3A_118, %gather3A_119 : vector<16xf32>
      %mul3A_121 = arith.mulf %get3A_90, %add3A_120 : vector<16xf32>
      %add3A_122 = vector.broadcast %squeeze3A_76 : f32 to vector<16xf32>
      %add3A_123 = arith.addf %mul3A_121, %add3A_122 : vector<16xf32>
      %max3A_124 = arith.constant 0.000000e+00 : f32
      %max3A_125 = vector.broadcast %max3A_124 : f32 to vector<16xf32>
      %max3A_126 = arith.maximumf %add3A_123, %max3A_125 : vector<16xf32>
      %broadcast_in_dim3A_127 = arith.constant 3 : i32
      %broadcast_in_dim3A_128 = vector.broadcast %broadcast_in_dim3A_127 : i32 to vector<16xi32>
      %gather3A_129 = tpu.vector_load_idx %arg7[%add3A_88, %broadcast_in_dim3A_128] : memref<3136x8xf32, #tpu.memory_space<vmem>>[vector<16xi32>, vector<16xi32>], vector<16xf32>,
      %gather3A_130 = tpu.vector_load_idx %arg8[%add3A_88, %broadcast_in_dim3A_128] : memref<3136x8xf32, #tpu.memory_space<vmem>>[vector<16xi32>, vector<16xi32>], vector<16xf32>,
      %add3A_131 = arith.addf %gather3A_129, %gather3A_130 : vector<16xf32>
      %gather3A_132 = tpu.vector_load_idx %arg9[%add3A_88, %broadcast_in_dim3A_128] : memref<3136x8xf32, #tpu.memory_space<vmem>>[vector<16xi32>, vector<16xi32>], vector<16xf32>,
      %add3A_133 = arith.addf %add3A_131, %gather3A_132 : vector<16xf32>
      %mul3A_134 = arith.mulf %get3A_90, %add3A_133 : vector<16xf32>
      %add3A_135 = vector.broadcast %squeeze3A_78 : f32 to vector<16xf32>
      %add3A_136 = arith.addf %mul3A_134, %add3A_135 : vector<16xf32>
      %max3A_137 = arith.constant 0.000000e+00 : f32
      %max3A_138 = vector.broadcast %max3A_137 : f32 to vector<16xf32>
      %max3A_139 = arith.maximumf %add3A_136, %max3A_138 : vector<16xf32>
      %mul3A_140 = vector.broadcast %squeeze3A : f32 to vector<16xf32>
      %mul3A_141 = arith.mulf %max3A_100, %mul3A_140 : vector<16xf32>
      %mul3A_142 = vector.broadcast %squeeze3A_24 : f32 to vector<16xf32>
      %mul3A_143 = arith.mulf %max3A_113, %mul3A_142 : vector<16xf32>
      %add3A_144 = arith.addf %mul3A_141, %mul3A_143 : vector<16xf32>
      %mul3A_145 = vector.broadcast %squeeze3A_40 : f32 to vector<16xf32>
      %mul3A_146 = arith.mulf %max3A_126, %mul3A_145 : vector<16xf32>
      %add3A_147 = arith.addf %add3A_144, %mul3A_146 : vector<16xf32>
      %mul3A_148 = vector.broadcast %squeeze3A_56 : f32 to vector<16xf32>
      %mul3A_149 = arith.mulf %max3A_139, %mul3A_148 : vector<16xf32>
      %add3A_150 = arith.addf %add3A_147, %mul3A_149 : vector<16xf32>
      %broadcast_in_dim3A_151 = arith.constant 0 : i32
      %broadcast_in_dim3A_152 = vector.broadcast %broadcast_in_dim3A_151 : i32 to vector<16xi32>
      %mul3A_153 = arith.mulf %get3A_90, %add3A_150 : vector<16xf32>
      tpu.vector_store_idx %arg11[%add3A_88, %broadcast_in_dim3A_152], %mul3A_153 : memref<3136x8xf32, #tpu.memory_space<vmem>>[vector<16xi32>, vector<16xi32>], vector<16xf32>,
      %mul3A_154 = vector.broadcast %squeeze3A_10 : f32 to vector<16xf32>
      %mul3A_155 = arith.mulf %max3A_100, %mul3A_154 : vector<16xf32>
      %mul3A_156 = vector.broadcast %squeeze3A_26 : f32 to vector<16xf32>
      %mul3A_157 = arith.mulf %max3A_113, %mul3A_156 : vector<16xf32>
      %add3A_158 = arith.addf %mul3A_155, %mul3A_157 : vector<16xf32>
      %mul3A_159 = vector.broadcast %squeeze3A_42 : f32 to vector<16xf32>
      %mul3A_160 = arith.mulf %max3A_126, %mul3A_159 : vector<16xf32>
      %add3A_161 = arith.addf %add3A_158, %mul3A_160 : vector<16xf32>
      %mul3A_162 = vector.broadcast %squeeze3A_58 : f32 to vector<16xf32>
      %mul3A_163 = arith.mulf %max3A_139, %mul3A_162 : vector<16xf32>
      %add3A_164 = arith.addf %add3A_161, %mul3A_163 : vector<16xf32>
      %broadcast_in_dim3A_165 = arith.constant 1 : i32
      %broadcast_in_dim3A_166 = vector.broadcast %broadcast_in_dim3A_165 : i32 to vector<16xi32>
      %mul3A_167 = arith.mulf %get3A_90, %add3A_164 : vector<16xf32>
      tpu.vector_store_idx %arg11[%add3A_88, %broadcast_in_dim3A_166], %mul3A_167 : memref<3136x8xf32, #tpu.memory_space<vmem>>[vector<16xi32>, vector<16xi32>], vector<16xf32>,
      %mul3A_168 = vector.broadcast %squeeze3A_12 : f32 to vector<16xf32>
      %mul3A_169 = arith.mulf %max3A_100, %mul3A_168 : vector<16xf32>
      %mul3A_170 = vector.broadcast %squeeze3A_28 : f32 to vector<16xf32>
      %mul3A_171 = arith.mulf %max3A_113, %mul3A_170 : vector<16xf32>
      %add3A_172 = arith.addf %mul3A_169, %mul3A_171 : vector<16xf32>
      %mul3A_173 = vector.broadcast %squeeze3A_44 : f32 to vector<16xf32>
      %mul3A_174 = arith.mulf %max3A_126, %mul3A_173 : vector<16xf32>
      %add3A_175 = arith.addf %add3A_172, %mul3A_174 : vector<16xf32>
      %mul3A_176 = vector.broadcast %squeeze3A_60 : f32 to vector<16xf32>
      %mul3A_177 = arith.mulf %max3A_139, %mul3A_176 : vector<16xf32>
      %add3A_178 = arith.addf %add3A_175, %mul3A_177 : vector<16xf32>
      %broadcast_in_dim3A_179 = arith.constant 2 : i32
      %broadcast_in_dim3A_180 = vector.broadcast %broadcast_in_dim3A_179 : i32 to vector<16xi32>
      %mul3A_181 = arith.mulf %get3A_90, %add3A_178 : vector<16xf32>
      tpu.vector_store_idx %arg11[%add3A_88, %broadcast_in_dim3A_180], %mul3A_181 : memref<3136x8xf32, #tpu.memory_space<vmem>>[vector<16xi32>, vector<16xi32>], vector<16xf32>,
      %mul3A_182 = vector.broadcast %squeeze3A_14 : f32 to vector<16xf32>
      %mul3A_183 = arith.mulf %max3A_100, %mul3A_182 : vector<16xf32>
      %mul3A_184 = vector.broadcast %squeeze3A_30 : f32 to vector<16xf32>
      %mul3A_185 = arith.mulf %max3A_113, %mul3A_184 : vector<16xf32>
      %add3A_186 = arith.addf %mul3A_183, %mul3A_185 : vector<16xf32>
      %mul3A_187 = vector.broadcast %squeeze3A_46 : f32 to vector<16xf32>
      %mul3A_188 = arith.mulf %max3A_126, %mul3A_187 : vector<16xf32>
      %add3A_189 = arith.addf %add3A_186, %mul3A_188 : vector<16xf32>
      %mul3A_190 = vector.broadcast %squeeze3A_62 : f32 to vector<16xf32>
      %mul3A_191 = arith.mulf %max3A_139, %mul3A_190 : vector<16xf32>
      %add3A_192 = arith.addf %add3A_189, %mul3A_191 : vector<16xf32>
      %broadcast_in_dim3A_193 = arith.constant 3 : i32
      %broadcast_in_dim3A_194 = vector.broadcast %broadcast_in_dim3A_193 : i32 to vector<16xi32>
      %mul3A_195 = arith.mulf %get3A_90, %add3A_192 : vector<16xf32>
      tpu.vector_store_idx %arg11[%add3A_88, %broadcast_in_dim3A_194], %mul3A_195 : memref<3136x8xf32, #tpu.memory_space<vmem>>[vector<16xi32>, vector<16xi32>], vector<16xf32>,
      %mul3A_196 = vector.broadcast %squeeze3A_16 : f32 to vector<16xf32>
      %mul3A_197 = arith.mulf %max3A_100, %mul3A_196 : vector<16xf32>
      %mul3A_198 = vector.broadcast %squeeze3A_32 : f32 to vector<16xf32>
      %mul3A_199 = arith.mulf %max3A_113, %mul3A_198 : vector<16xf32>
      %add3A_200 = arith.addf %mul3A_197, %mul3A_199 : vector<16xf32>
      %mul3A_201 = vector.broadcast %squeeze3A_48 : f32 to vector<16xf32>
      %mul3A_202 = arith.mulf %max3A_126, %mul3A_201 : vector<16xf32>
      %add3A_203 = arith.addf %add3A_200, %mul3A_202 : vector<16xf32>
      %mul3A_204 = vector.broadcast %squeeze3A_64 : f32 to vector<16xf32>
      %mul3A_205 = arith.mulf %max3A_139, %mul3A_204 : vector<16xf32>
      %add3A_206 = arith.addf %add3A_203, %mul3A_205 : vector<16xf32>
      %broadcast_in_dim3A_207 = arith.constant 4 : i32
      %broadcast_in_dim3A_208 = vector.broadcast %broadcast_in_dim3A_207 : i32 to vector<16xi32>
      %mul3A_209 = arith.mulf %get3A_90, %add3A_206 : vector<16xf32>
      tpu.vector_store_idx %arg11[%add3A_88, %broadcast_in_dim3A_208], %mul3A_209 : memref<3136x8xf32, #tpu.memory_space<vmem>>[vector<16xi32>, vector<16xi32>], vector<16xf32>,
      %mul3A_210 = vector.broadcast %squeeze3A_18 : f32 to vector<16xf32>
      %mul3A_211 = arith.mulf %max3A_100, %mul3A_210 : vector<16xf32>
      %mul3A_212 = vector.broadcast %squeeze3A_34 : f32 to vector<16xf32>
      %mul3A_213 = arith.mulf %max3A_113, %mul3A_212 : vector<16xf32>
      %add3A_214 = arith.addf %mul3A_211, %mul3A_213 : vector<16xf32>
      %mul3A_215 = vector.broadcast %squeeze3A_50 : f32 to vector<16xf32>
      %mul3A_216 = arith.mulf %max3A_126, %mul3A_215 : vector<16xf32>
      %add3A_217 = arith.addf %add3A_214, %mul3A_216 : vector<16xf32>
      %mul3A_218 = vector.broadcast %squeeze3A_66 : f32 to vector<16xf32>
      %mul3A_219 = arith.mulf %max3A_139, %mul3A_218 : vector<16xf32>
      %add3A_220 = arith.addf %add3A_217, %mul3A_219 : vector<16xf32>
      %broadcast_in_dim3A_221 = arith.constant 5 : i32
      %broadcast_in_dim3A_222 = vector.broadcast %broadcast_in_dim3A_221 : i32 to vector<16xi32>
      %mul3A_223 = arith.mulf %get3A_90, %add3A_220 : vector<16xf32>
      tpu.vector_store_idx %arg11[%add3A_88, %broadcast_in_dim3A_222], %mul3A_223 : memref<3136x8xf32, #tpu.memory_space<vmem>>[vector<16xi32>, vector<16xi32>], vector<16xf32>,
      %mul3A_224 = vector.broadcast %squeeze3A_20 : f32 to vector<16xf32>
      %mul3A_225 = arith.mulf %max3A_100, %mul3A_224 : vector<16xf32>
      %mul3A_226 = vector.broadcast %squeeze3A_36 : f32 to vector<16xf32>
      %mul3A_227 = arith.mulf %max3A_113, %mul3A_226 : vector<16xf32>
      %add3A_228 = arith.addf %mul3A_225, %mul3A_227 : vector<16xf32>
      %mul3A_229 = vector.broadcast %squeeze3A_52 : f32 to vector<16xf32>
      %mul3A_230 = arith.mulf %max3A_126, %mul3A_229 : vector<16xf32>
      %add3A_231 = arith.addf %add3A_228, %mul3A_230 : vector<16xf32>
      %mul3A_232 = vector.broadcast %squeeze3A_68 : f32 to vector<16xf32>
      %mul3A_233 = arith.mulf %max3A_139, %mul3A_232 : vector<16xf32>
      %add3A_234 = arith.addf %add3A_231, %mul3A_233 : vector<16xf32>
      %broadcast_in_dim3A_235 = arith.constant 6 : i32
      %broadcast_in_dim3A_236 = vector.broadcast %broadcast_in_dim3A_235 : i32 to vector<16xi32>
      %mul3A_237 = arith.mulf %get3A_90, %add3A_234 : vector<16xf32>
      tpu.vector_store_idx %arg11[%add3A_88, %broadcast_in_dim3A_236], %mul3A_237 : memref<3136x8xf32, #tpu.memory_space<vmem>>[vector<16xi32>, vector<16xi32>], vector<16xf32>,
      %mul3A_238 = vector.broadcast %squeeze3A_22 : f32 to vector<16xf32>
      %mul3A_239 = arith.mulf %max3A_100, %mul3A_238 : vector<16xf32>
      %mul3A_240 = vector.broadcast %squeeze3A_38 : f32 to vector<16xf32>
      %mul3A_241 = arith.mulf %max3A_113, %mul3A_240 : vector<16xf32>
      %add3A_242 = arith.addf %mul3A_239, %mul3A_241 : vector<16xf32>
      %mul3A_243 = vector.broadcast %squeeze3A_54 : f32 to vector<16xf32>
      %mul3A_244 = arith.mulf %max3A_126, %mul3A_243 : vector<16xf32>
      %add3A_245 = arith.addf %add3A_242, %mul3A_244 : vector<16xf32>
      %mul3A_246 = vector.broadcast %squeeze3A_70 : f32 to vector<16xf32>
      %mul3A_247 = arith.mulf %max3A_139, %mul3A_246 : vector<16xf32>
      %add3A_248 = arith.addf %add3A_245, %mul3A_247 : vector<16xf32>
      %broadcast_in_dim3A_249 = arith.constant 7 : i32
      %broadcast_in_dim3A_250 = vector.broadcast %broadcast_in_dim3A_249 : i32 to vector<16xi32>
      %mul3A_251 = arith.mulf %get3A_90, %add3A_248 : vector<16xf32>
      tpu.vector_store_idx %arg11[%add3A_88, %broadcast_in_dim3A_250], %mul3A_251 : memref<3136x8xf32, #tpu.memory_space<vmem>>[vector<16xi32>, vector<16xi32>], vector<16xf32>,
    }
    %scan3A_83 = arith.constant 196 : i32
    "tpu.region"() ({
      %run_scoped3A_84 = tpu.sem_alloc : memref<!tpu.dma_semaphore, #tpu.memory_space<semaphore_mem>>
      %dma_start3A = arith.constant 0 : i32
      %dma_start3A_85 = tpu.memref_slice %arg6[%mul3A_2, %dma_start3A] : memref<100352x8xf32, #tpu.memory_space<hbm>> -> memref<3136x8xf32, #tpu.memory_space<hbm>>
      %dma_start3A_86 = arith.constant 0 : i32
      %dma_start3A_87 = tpu.memref_slice %arg6[%mul3A_2, %dma_start3A_86] : memref<100352x8xf32, #tpu.memory_space<hbm>> -> memref<3136x8xf32, #tpu.memory_space<hbm>>
      tpu.enqueue_dma source(%arg11 : memref<3136x8xf32, #tpu.memory_space<vmem>>) target(%dma_start3A_87 : memref<3136x8xf32, #tpu.memory_space<hbm>>) target_semaphore(%run_scoped3A_84 : memref<!tpu.dma_semaphore, #tpu.memory_space<semaphore_mem>>)
      %dma_wait3A = arith.constant 0 : i32
      %dma_wait3A_88 = tpu.memref_slice %arg6[%mul3A_2, %dma_wait3A] : memref<100352x8xf32, #tpu.memory_space<hbm>> -> memref<3136x8xf32, #tpu.memory_space<hbm>>
      %dma_wait3A_89 = arith.constant 0 : i32
      %dma_wait3A_90 = tpu.memref_slice %arg6[%mul3A_2, %dma_wait3A_89] : memref<100352x8xf32, #tpu.memory_space<hbm>> -> memref<3136x8xf32, #tpu.memory_space<hbm>>
      tpu.wait_dma2 semaphore(%run_scoped3A_84 : memref<!tpu.dma_semaphore, #tpu.memory_space<semaphore_mem>>) src(%arg11 : memref<3136x8xf32, #tpu.memory_space<vmem>>) dst(%dma_wait3A_90 : memref<3136x8xf32, #tpu.memory_space<hbm>>)
      tpu.yield
    }) : () -> ()
    return
  }
}

#map = affine_map<(d0, d1) -> (0, 0, 0)>
#map1 = affine_map<(d0, d1) -> (0, 0)>
#map2 = affine_map<(d0, d1) -> (0)>
module attributes {stable_mosaic.version = 14 : i64} {
  func.func @_k2_body(%arg0: i32, %arg1: i32, %arg2: memref<2x100352x8xf32, #tpu.memory_space<hbm>>, %arg3: memref<100000x5xf32, #tpu.memory_space<hbm>>, %arg4: memref<32xf32, #tpu.memory_space<hbm>>, %arg5: memref<100352xf32, #tpu.memory_space<hbm>>, %arg6: memref<100352x8xf32, #tpu.memory_space<hbm>>, %arg7: memref<3136x5xf32, #tpu.memory_space<vmem>>, %arg8: memref<3136x8xf32, #tpu.memory_space<vmem>>, %arg9: memref<3136x8xf32, #tpu.memory_space<vmem>>, %arg10: memref<3136xf32, #tpu.memory_space<vmem>>, %arg11: memref<3136x8xf32, #tpu.memory_space<vmem>>, %arg12: memref<32xf32, #tpu.memory_space<vmem>>) attributes {dimension_semantics = [#tpu.dimension_semantics<core_parallel>, #tpu.dimension_semantics<subcore_parallel>], iteration_bounds = array<i64: 2, 16>, scalar_prefetch = 0 : i64, scratch_operands = 6 : i64, tpu.core_type = #tpu.core_type<sc_vector_subcore>, window_params = [{transform_indices = #map}, {transform_indices = #map1}, {transform_indices = #map2}, {transform_indices = #map2}, {transform_indices = #map1}]} {
    %mul3A = arith.constant 2 : i32
    %mul3A_0 = arith.muli %arg1, %mul3A : i32
    %add3A = arith.addi %mul3A_0, %arg0 : i32
    %mul3A_1 = arith.constant 3136 : i32
    %mul3A_2 = arith.muli %add3A, %mul3A_1 : i32
    "tpu.region"() ({
      %run_scoped3A_59 = tpu.sem_alloc : memref<!tpu.dma_semaphore, #tpu.memory_space<semaphore_mem>>
      tpu.enqueue_dma source(%arg4 : memref<32xf32, #tpu.memory_space<hbm>>) target(%arg12 : memref<32xf32, #tpu.memory_space<vmem>>) target_semaphore(%run_scoped3A_59 : memref<!tpu.dma_semaphore, #tpu.memory_space<semaphore_mem>>)
      tpu.wait_dma2 semaphore(%run_scoped3A_59 : memref<!tpu.dma_semaphore, #tpu.memory_space<semaphore_mem>>) src(%arg4 : memref<32xf32, #tpu.memory_space<hbm>>) dst(%arg12 : memref<32xf32, #tpu.memory_space<vmem>>)
      tpu.yield
    }) : () -> ()
    %run_scoped3A = arith.constant 0 : i32
    "tpu.region"() ({
      %run_scoped3A_59 = tpu.sem_alloc : memref<!tpu.dma_semaphore, #tpu.memory_space<semaphore_mem>>
      %dma_start3A = arith.constant 0 : i32
      %dma_start3A_60 = tpu.memref_slice %arg2[%run_scoped3A, %mul3A_2, %dma_start3A] : memref<2x100352x8xf32, #tpu.memory_space<hbm>> -> memref<1x3136x8xf32, #tpu.memory_space<hbm>>
      %dma_start3A_61 = tpu.memref_squeeze %dma_start3A_60 : memref<1x3136x8xf32, #tpu.memory_space<hbm>> -> memref<3136x8xf32, #tpu.memory_space<hbm>>
      %dma_start3A_62 = arith.constant 0 : i32
      %dma_start3A_63 = tpu.memref_slice %arg2[%run_scoped3A, %mul3A_2, %dma_start3A_62] : memref<2x100352x8xf32, #tpu.memory_space<hbm>> -> memref<1x3136x8xf32, #tpu.memory_space<hbm>>
      %dma_start3A_64 = tpu.memref_squeeze %dma_start3A_63 : memref<1x3136x8xf32, #tpu.memory_space<hbm>> -> memref<3136x8xf32, #tpu.memory_space<hbm>>
      tpu.enqueue_dma source(%dma_start3A_64 : memref<3136x8xf32, #tpu.memory_space<hbm>>) target(%arg8 : memref<3136x8xf32, #tpu.memory_space<vmem>>) target_semaphore(%run_scoped3A_59 : memref<!tpu.dma_semaphore, #tpu.memory_space<semaphore_mem>>)
      %dma_wait3A = arith.constant 0 : i32
      %dma_wait3A_65 = tpu.memref_slice %arg2[%run_scoped3A, %mul3A_2, %dma_wait3A] : memref<2x100352x8xf32, #tpu.memory_space<hbm>> -> memref<1x3136x8xf32, #tpu.memory_space<hbm>>
      %dma_wait3A_66 = tpu.memref_squeeze %dma_wait3A_65 : memref<1x3136x8xf32, #tpu.memory_space<hbm>> -> memref<3136x8xf32, #tpu.memory_space<hbm>>
      %dma_wait3A_67 = arith.constant 0 : i32
      %dma_wait3A_68 = tpu.memref_slice %arg2[%run_scoped3A, %mul3A_2, %dma_wait3A_67] : memref<2x100352x8xf32, #tpu.memory_space<hbm>> -> memref<1x3136x8xf32, #tpu.memory_space<hbm>>
      %dma_wait3A_69 = tpu.memref_squeeze %dma_wait3A_68 : memref<1x3136x8xf32, #tpu.memory_space<hbm>> -> memref<3136x8xf32, #tpu.memory_space<hbm>>
      tpu.wait_dma2 semaphore(%run_scoped3A_59 : memref<!tpu.dma_semaphore, #tpu.memory_space<semaphore_mem>>) src(%dma_wait3A_69 : memref<3136x8xf32, #tpu.memory_space<hbm>>) dst(%arg8 : memref<3136x8xf32, #tpu.memory_space<vmem>>)
      tpu.yield
    }) : () -> ()
    %run_scoped3A_3 = arith.constant 1 : i32
    "tpu.region"() ({
      %run_scoped3A_59 = tpu.sem_alloc : memref<!tpu.dma_semaphore, #tpu.memory_space<semaphore_mem>>
      %dma_start3A = arith.constant 0 : i32
      %dma_start3A_60 = tpu.memref_slice %arg2[%run_scoped3A_3, %mul3A_2, %dma_start3A] : memref<2x100352x8xf32, #tpu.memory_space<hbm>> -> memref<1x3136x8xf32, #tpu.memory_space<hbm>>
      %dma_start3A_61 = tpu.memref_squeeze %dma_start3A_60 : memref<1x3136x8xf32, #tpu.memory_space<hbm>> -> memref<3136x8xf32, #tpu.memory_space<hbm>>
      %dma_start3A_62 = arith.constant 0 : i32
      %dma_start3A_63 = tpu.memref_slice %arg2[%run_scoped3A_3, %mul3A_2, %dma_start3A_62] : memref<2x100352x8xf32, #tpu.memory_space<hbm>> -> memref<1x3136x8xf32, #tpu.memory_space<hbm>>
      %dma_start3A_64 = tpu.memref_squeeze %dma_start3A_63 : memref<1x3136x8xf32, #tpu.memory_space<hbm>> -> memref<3136x8xf32, #tpu.memory_space<hbm>>
      tpu.enqueue_dma source(%dma_start3A_64 : memref<3136x8xf32, #tpu.memory_space<hbm>>) target(%arg9 : memref<3136x8xf32, #tpu.memory_space<vmem>>) target_semaphore(%run_scoped3A_59 : memref<!tpu.dma_semaphore, #tpu.memory_space<semaphore_mem>>)
      %dma_wait3A = arith.constant 0 : i32
      %dma_wait3A_65 = tpu.memref_slice %arg2[%run_scoped3A_3, %mul3A_2, %dma_wait3A] : memref<2x100352x8xf32, #tpu.memory_space<hbm>> -> memref<1x3136x8xf32, #tpu.memory_space<hbm>>
      %dma_wait3A_66 = tpu.memref_squeeze %dma_wait3A_65 : memref<1x3136x8xf32, #tpu.memory_space<hbm>> -> memref<3136x8xf32, #tpu.memory_space<hbm>>
      %dma_wait3A_67 = arith.constant 0 : i32
      %dma_wait3A_68 = tpu.memref_slice %arg2[%run_scoped3A_3, %mul3A_2, %dma_wait3A_67] : memref<2x100352x8xf32, #tpu.memory_space<hbm>> -> memref<1x3136x8xf32, #tpu.memory_space<hbm>>
      %dma_wait3A_69 = tpu.memref_squeeze %dma_wait3A_68 : memref<1x3136x8xf32, #tpu.memory_space<hbm>> -> memref<3136x8xf32, #tpu.memory_space<hbm>>
      tpu.wait_dma2 semaphore(%run_scoped3A_59 : memref<!tpu.dma_semaphore, #tpu.memory_space<semaphore_mem>>) src(%dma_wait3A_69 : memref<3136x8xf32, #tpu.memory_space<hbm>>) dst(%arg9 : memref<3136x8xf32, #tpu.memory_space<vmem>>)
      tpu.yield
    }) : () -> ()
    %broadcast_in_dim3A = arith.constant 0.000000e+00 : f32
    %broadcast_in_dim3A_4 = vector.broadcast %broadcast_in_dim3A : f32 to vector<16xf32>
    %lt3A = arith.constant 31 : i32
    %lt3A_5 = arith.cmpi slt, %add3A, %lt3A : i32
    %convert_element_type3A = arith.extui %lt3A_5 : i1 to i32
    %cond3A = arith.constant 0 : i32
    %cond3A_6 = arith.cmpi ne, %convert_element_type3A, %cond3A : i32
    scf.if %cond3A_6 {
      "tpu.region"() ({
        %run_scoped3A_59 = tpu.sem_alloc : memref<!tpu.dma_semaphore, #tpu.memory_space<semaphore_mem>>
        %dma_start3A = arith.constant 0 : i32
        %dma_start3A_60 = tpu.memref_slice %arg3[%mul3A_2, %dma_start3A] : memref<100000x5xf32, #tpu.memory_space<hbm>> -> memref<3136x5xf32, #tpu.memory_space<hbm>>
        %dma_start3A_61 = arith.constant 0 : i32
        %dma_start3A_62 = tpu.memref_slice %arg3[%mul3A_2, %dma_start3A_61] : memref<100000x5xf32, #tpu.memory_space<hbm>> -> memref<3136x5xf32, #tpu.memory_space<hbm>>
        tpu.enqueue_dma source(%dma_start3A_62 : memref<3136x5xf32, #tpu.memory_space<hbm>>) target(%arg7 : memref<3136x5xf32, #tpu.memory_space<vmem>>) target_semaphore(%run_scoped3A_59 : memref<!tpu.dma_semaphore, #tpu.memory_space<semaphore_mem>>)
        %dma_wait3A = arith.constant 0 : i32
        %dma_wait3A_63 = tpu.memref_slice %arg3[%mul3A_2, %dma_wait3A] : memref<100000x5xf32, #tpu.memory_space<hbm>> -> memref<3136x5xf32, #tpu.memory_space<hbm>>
        %dma_wait3A_64 = arith.constant 0 : i32
        %dma_wait3A_65 = tpu.memref_slice %arg3[%mul3A_2, %dma_wait3A_64] : memref<100000x5xf32, #tpu.memory_space<hbm>> -> memref<3136x5xf32, #tpu.memory_space<hbm>>
        tpu.wait_dma2 semaphore(%run_scoped3A_59 : memref<!tpu.dma_semaphore, #tpu.memory_space<semaphore_mem>>) src(%dma_wait3A_65 : memref<3136x5xf32, #tpu.memory_space<hbm>>) dst(%arg7 : memref<3136x5xf32, #tpu.memory_space<vmem>>)
        tpu.yield
      }) : () -> ()
    } else {
    }
    %eq3A = arith.constant 31 : i32
    %eq3A_7 = arith.cmpi eq, %add3A, %eq3A : i32
    %convert_element_type3A_8 = arith.extui %eq3A_7 : i1 to i32
    %cond3A_9 = arith.constant 0 : i32
    %cond3A_10 = arith.cmpi ne, %convert_element_type3A_8, %cond3A_9 : i32
    scf.if %cond3A_10 {
      "tpu.region"() ({
        %run_scoped3A_59 = tpu.sem_alloc : memref<!tpu.dma_semaphore, #tpu.memory_space<semaphore_mem>>
        %dma_start3A = arith.constant 0 : i32
        %dma_start3A_60 = arith.constant 0 : i32
        %dma_start3A_61 = tpu.memref_slice %arg7[%dma_start3A, %dma_start3A_60] : memref<3136x5xf32, #tpu.memory_space<vmem>> -> memref<2784x5xf32, #tpu.memory_space<vmem>>
        %dma_start3A_62 = arith.constant 0 : i32
        %dma_start3A_63 = tpu.memref_slice %arg3[%mul3A_2, %dma_start3A_62] : memref<100000x5xf32, #tpu.memory_space<hbm>> -> memref<2784x5xf32, #tpu.memory_space<hbm>>
        %dma_start3A_64 = arith.constant 0 : i32
        %dma_start3A_65 = arith.constant 0 : i32
        %dma_start3A_66 = tpu.memref_slice %arg7[%dma_start3A_64, %dma_start3A_65] : memref<3136x5xf32, #tpu.memory_space<vmem>> -> memref<2784x5xf32, #tpu.memory_space<vmem>>
        %dma_start3A_67 = arith.constant 0 : i32
        %dma_start3A_68 = tpu.memref_slice %arg3[%mul3A_2, %dma_start3A_67] : memref<100000x5xf32, #tpu.memory_space<hbm>> -> memref<2784x5xf32, #tpu.memory_space<hbm>>
        tpu.enqueue_dma source(%dma_start3A_68 : memref<2784x5xf32, #tpu.memory_space<hbm>>) target(%dma_start3A_66 : memref<2784x5xf32, #tpu.memory_space<vmem>>) target_semaphore(%run_scoped3A_59 : memref<!tpu.dma_semaphore, #tpu.memory_space<semaphore_mem>>)
        %dma_wait3A = arith.constant 0 : i32
        %dma_wait3A_69 = arith.constant 0 : i32
        %dma_wait3A_70 = tpu.memref_slice %arg7[%dma_wait3A, %dma_wait3A_69] : memref<3136x5xf32, #tpu.memory_space<vmem>> -> memref<2784x5xf32, #tpu.memory_space<vmem>>
        %dma_wait3A_71 = arith.constant 0 : i32
        %dma_wait3A_72 = tpu.memref_slice %arg3[%mul3A_2, %dma_wait3A_71] : memref<100000x5xf32, #tpu.memory_space<hbm>> -> memref<2784x5xf32, #tpu.memory_space<hbm>>
        %dma_wait3A_73 = arith.constant 0 : i32
        %dma_wait3A_74 = arith.constant 0 : i32
        %dma_wait3A_75 = tpu.memref_slice %arg7[%dma_wait3A_73, %dma_wait3A_74] : memref<3136x5xf32, #tpu.memory_space<vmem>> -> memref<2784x5xf32, #tpu.memory_space<vmem>>
        %dma_wait3A_76 = arith.constant 0 : i32
        %dma_wait3A_77 = tpu.memref_slice %arg3[%mul3A_2, %dma_wait3A_76] : memref<100000x5xf32, #tpu.memory_space<hbm>> -> memref<2784x5xf32, #tpu.memory_space<hbm>>
        tpu.wait_dma2 semaphore(%run_scoped3A_59 : memref<!tpu.dma_semaphore, #tpu.memory_space<semaphore_mem>>) src(%dma_wait3A_77 : memref<2784x5xf32, #tpu.memory_space<hbm>>) dst(%dma_wait3A_75 : memref<2784x5xf32, #tpu.memory_space<vmem>>)
        tpu.yield
      }) : () -> ()
    } else {
    }
    %get3A = arith.constant 0 : index
    %get3A_11 = tpu.vector_load %arg12[%get3A] {strides = array<i32>} : memref<32xf32, #tpu.memory_space<vmem>>, vector<16xf32>,
    %get3A_12 = arith.constant 16 : index
    %get3A_13 = tpu.vector_load %arg12[%get3A_12] {strides = array<i32>} : memref<32xf32, #tpu.memory_space<vmem>>, vector<16xf32>,
    %slice3A = vector.extract_strided_slice %get3A_11 {offsets = [0], sizes = [1], strides = [1]} : vector<16xf32> to vector<1xf32>
    %squeeze3A = vector.extract %slice3A[0] : f32 from vector<1xf32>
    %slice3A_14 = vector.extract_strided_slice %get3A_11 {offsets = [1], sizes = [1], strides = [1]} : vector<16xf32> to vector<1xf32>
    %squeeze3A_15 = vector.extract %slice3A_14[0] : f32 from vector<1xf32>
    %slice3A_16 = vector.extract_strided_slice %get3A_11 {offsets = [2], sizes = [1], strides = [1]} : vector<16xf32> to vector<1xf32>
    %squeeze3A_17 = vector.extract %slice3A_16[0] : f32 from vector<1xf32>
    %slice3A_18 = vector.extract_strided_slice %get3A_11 {offsets = [3], sizes = [1], strides = [1]} : vector<16xf32> to vector<1xf32>
    %squeeze3A_19 = vector.extract %slice3A_18[0] : f32 from vector<1xf32>
    %slice3A_20 = vector.extract_strided_slice %get3A_11 {offsets = [4], sizes = [1], strides = [1]} : vector<16xf32> to vector<1xf32>
    %squeeze3A_21 = vector.extract %slice3A_20[0] : f32 from vector<1xf32>
    %slice3A_22 = vector.extract_strided_slice %get3A_11 {offsets = [5], sizes = [1], strides = [1]} : vector<16xf32> to vector<1xf32>
    %squeeze3A_23 = vector.extract %slice3A_22[0] : f32 from vector<1xf32>
    %slice3A_24 = vector.extract_strided_slice %get3A_11 {offsets = [6], sizes = [1], strides = [1]} : vector<16xf32> to vector<1xf32>
    %squeeze3A_25 = vector.extract %slice3A_24[0] : f32 from vector<1xf32>
    %slice3A_26 = vector.extract_strided_slice %get3A_11 {offsets = [7], sizes = [1], strides = [1]} : vector<16xf32> to vector<1xf32>
    %squeeze3A_27 = vector.extract %slice3A_26[0] : f32 from vector<1xf32>
    %slice3A_28 = vector.extract_strided_slice %get3A_11 {offsets = [8], sizes = [1], strides = [1]} : vector<16xf32> to vector<1xf32>
    %squeeze3A_29 = vector.extract %slice3A_28[0] : f32 from vector<1xf32>
    %slice3A_30 = vector.extract_strided_slice %get3A_11 {offsets = [9], sizes = [1], strides = [1]} : vector<16xf32> to vector<1xf32>
    %squeeze3A_31 = vector.extract %slice3A_30[0] : f32 from vector<1xf32>
    %slice3A_32 = vector.extract_strided_slice %get3A_11 {offsets = [10], sizes = [1], strides = [1]} : vector<16xf32> to vector<1xf32>
    %squeeze3A_33 = vector.extract %slice3A_32[0] : f32 from vector<1xf32>
    %slice3A_34 = vector.extract_strided_slice %get3A_11 {offsets = [11], sizes = [1], strides = [1]} : vector<16xf32> to vector<1xf32>
    %squeeze3A_35 = vector.extract %slice3A_34[0] : f32 from vector<1xf32>
    %slice3A_36 = vector.extract_strided_slice %get3A_11 {offsets = [12], sizes = [1], strides = [1]} : vector<16xf32> to vector<1xf32>
    %squeeze3A_37 = vector.extract %slice3A_36[0] : f32 from vector<1xf32>
    %slice3A_38 = vector.extract_strided_slice %get3A_11 {offsets = [13], sizes = [1], strides = [1]} : vector<16xf32> to vector<1xf32>
    %squeeze3A_39 = vector.extract %slice3A_38[0] : f32 from vector<1xf32>
    %slice3A_40 = vector.extract_strided_slice %get3A_11 {offsets = [14], sizes = [1], strides = [1]} : vector<16xf32> to vector<1xf32>
    %squeeze3A_41 = vector.extract %slice3A_40[0] : f32 from vector<1xf32>
    %slice3A_42 = vector.extract_strided_slice %get3A_11 {offsets = [15], sizes = [1], strides = [1]} : vector<16xf32> to vector<1xf32>
    %squeeze3A_43 = vector.extract %slice3A_42[0] : f32 from vector<1xf32>
    %slice3A_44 = vector.extract_strided_slice %get3A_13 {offsets = [0], sizes = [1], strides = [1]} : vector<16xf32> to vector<1xf32>
    %squeeze3A_45 = vector.extract %slice3A_44[0] : f32 from vector<1xf32>
    %slice3A_46 = vector.extract_strided_slice %get3A_13 {offsets = [1], sizes = [1], strides = [1]} : vector<16xf32> to vector<1xf32>
    %squeeze3A_47 = vector.extract %slice3A_46[0] : f32 from vector<1xf32>
    %slice3A_48 = vector.extract_strided_slice %get3A_13 {offsets = [2], sizes = [1], strides = [1]} : vector<16xf32> to vector<1xf32>
    %squeeze3A_49 = vector.extract %slice3A_48[0] : f32 from vector<1xf32>
    %slice3A_50 = vector.extract_strided_slice %get3A_13 {offsets = [3], sizes = [1], strides = [1]} : vector<16xf32> to vector<1xf32>
    %squeeze3A_51 = vector.extract %slice3A_50[0] : f32 from vector<1xf32>
    %broadcast_in_dim3A_52 = arith.constant 0 : i32
    %broadcast_in_dim3A_53 = vector.broadcast %broadcast_in_dim3A_52 : i32 to vector<16xi32>
    %scan3A = arith.constant 0 : i32
    %scan3A_54 = arith.constant 0 : i32
    %scan3A_55 = arith.constant 196 : i32
    %scan3A_56 = arith.addi %scan3A_54, %scan3A_55 : i32
    %scan3A_57 = arith.constant 1 : i32
    scf.for %scan3A_59 = %scan3A_54 to %scan3A_56 step %scan3A_57  : i32 {
      %mul3A_60 = arith.constant 16 : i32
      %mul3A_61 = arith.muli %scan3A_59, %mul3A_60 : i32
      %iota3A = tpu.iota {dimensions = array<i32: 0>} : vector<16xi32>
      %add3A_62 = vector.broadcast %mul3A_61 : i32 to vector<16xi32>
      %add3A_63 = arith.addi %add3A_62, %iota3A : vector<16xi32>
      %gather3A = tpu.vector_load_idx %arg8[%add3A_63, %broadcast_in_dim3A_53] : memref<3136x8xf32, #tpu.memory_space<vmem>>[vector<16xi32>, vector<16xi32>], vector<16xf32>,
      %gather3A_64 = tpu.vector_load_idx %arg9[%add3A_63, %broadcast_in_dim3A_53] : memref<3136x8xf32, #tpu.memory_space<vmem>>[vector<16xi32>, vector<16xi32>], vector<16xf32>,
      %add3A_65 = arith.addf %gather3A, %gather3A_64 : vector<16xf32>
      %add3A_66 = arith.constant 1.000000e+00 : f32
      %add3A_67 = vector.broadcast %add3A_66 : f32 to vector<16xf32>
      %add3A_68 = arith.addf %add3A_65, %add3A_67 : vector<16xf32>
      %bitcast3A = vector.bitcast %add3A_68 : vector<16xf32> to vector<16xi32>
      %shift_right_logical3A = arith.constant 1 : i32
      %shift_right_logical3A_69 = vector.broadcast %shift_right_logical3A : i32 to vector<16xi32>
      %shift_right_logical3A_70 = arith.shrui %bitcast3A, %shift_right_logical3A_69 : vector<16xi32>
      %sub3A = arith.constant 1597463007 : i32
      %sub3A_71 = vector.broadcast %sub3A : i32 to vector<16xi32>
      %sub3A_72 = arith.subi %sub3A_71, %shift_right_logical3A_70 : vector<16xi32>
      %bitcast3A_73 = vector.bitcast %sub3A_72 : vector<16xi32> to vector<16xf32>
      %mul3A_74 = arith.constant 5.000000e-01 : f32
      %mul3A_75 = vector.broadcast %mul3A_74 : f32 to vector<16xf32>
      %mul3A_76 = arith.mulf %mul3A_75, %add3A_68 : vector<16xf32>
      %mul3A_77 = arith.mulf %mul3A_76, %bitcast3A_73 : vector<16xf32>
      %mul3A_78 = arith.mulf %mul3A_77, %bitcast3A_73 : vector<16xf32>
      %sub3A_79 = arith.constant 1.500000e+00 : f32
      %sub3A_80 = vector.broadcast %sub3A_79 : f32 to vector<16xf32>
      %sub3A_81 = arith.subf %sub3A_80, %mul3A_78 : vector<16xf32>
      %mul3A_82 = arith.mulf %bitcast3A_73, %sub3A_81 : vector<16xf32>
      %mul3A_83 = arith.constant 5.000000e-01 : f32
      %mul3A_84 = vector.broadcast %mul3A_83 : f32 to vector<16xf32>
      %mul3A_85 = arith.mulf %mul3A_84, %add3A_68 : vector<16xf32>
      %mul3A_86 = arith.mulf %mul3A_85, %mul3A_82 : vector<16xf32>
      %mul3A_87 = arith.mulf %mul3A_86, %mul3A_82 : vector<16xf32>
      %sub3A_88 = arith.constant 1.500000e+00 : f32
      %sub3A_89 = vector.broadcast %sub3A_88 : f32 to vector<16xf32>
      %sub3A_90 = arith.subf %sub3A_89, %mul3A_87 : vector<16xf32>
      %mul3A_91 = arith.mulf %mul3A_82, %sub3A_90 : vector<16xf32>
      %mul3A_92 = arith.constant 5.000000e-01 : f32
      %mul3A_93 = vector.broadcast %mul3A_92 : f32 to vector<16xf32>
      %mul3A_94 = arith.mulf %mul3A_93, %add3A_68 : vector<16xf32>
      %mul3A_95 = arith.mulf %mul3A_94, %mul3A_91 : vector<16xf32>
      %mul3A_96 = arith.mulf %mul3A_95, %mul3A_91 : vector<16xf32>
      %sub3A_97 = arith.constant 1.500000e+00 : f32
      %sub3A_98 = vector.broadcast %sub3A_97 : f32 to vector<16xf32>
      %sub3A_99 = arith.subf %sub3A_98, %mul3A_96 : vector<16xf32>
      %mul3A_100 = arith.mulf %mul3A_91, %sub3A_99 : vector<16xf32>
      %swap3A = arith.index_cast %mul3A_61 : i32 to index
      %swap3A_101 = tpu.vector_load %arg10[%swap3A] {strides = array<i32>} : memref<3136xf32, #tpu.memory_space<vmem>>, vector<16xf32>,
      tpu.vector_store %arg10[%swap3A], %mul3A_100 {strides = array<i32>} : memref<3136xf32, #tpu.memory_space<vmem>>, vector<16xf32>,
      %broadcast_in_dim3A_102 = arith.constant 0 : i32
      %broadcast_in_dim3A_103 = vector.broadcast %broadcast_in_dim3A_102 : i32 to vector<16xi32>
      %gather3A_104 = tpu.vector_load_idx %arg7[%add3A_63, %broadcast_in_dim3A_103] : memref<3136x5xf32, #tpu.memory_space<vmem>>[vector<16xi32>, vector<16xi32>], vector<16xf32>,
      %broadcast_in_dim3A_105 = arith.constant 1 : i32
      %broadcast_in_dim3A_106 = vector.broadcast %broadcast_in_dim3A_105 : i32 to vector<16xi32>
      %gather3A_107 = tpu.vector_load_idx %arg7[%add3A_63, %broadcast_in_dim3A_106] : memref<3136x5xf32, #tpu.memory_space<vmem>>[vector<16xi32>, vector<16xi32>], vector<16xf32>,
      %broadcast_in_dim3A_108 = arith.constant 2 : i32
      %broadcast_in_dim3A_109 = vector.broadcast %broadcast_in_dim3A_108 : i32 to vector<16xi32>
      %gather3A_110 = tpu.vector_load_idx %arg7[%add3A_63, %broadcast_in_dim3A_109] : memref<3136x5xf32, #tpu.memory_space<vmem>>[vector<16xi32>, vector<16xi32>], vector<16xf32>,
      %broadcast_in_dim3A_111 = arith.constant 3 : i32
      %broadcast_in_dim3A_112 = vector.broadcast %broadcast_in_dim3A_111 : i32 to vector<16xi32>
      %gather3A_113 = tpu.vector_load_idx %arg7[%add3A_63, %broadcast_in_dim3A_112] : memref<3136x5xf32, #tpu.memory_space<vmem>>[vector<16xi32>, vector<16xi32>], vector<16xf32>,
      %broadcast_in_dim3A_114 = arith.constant 4 : i32
      %broadcast_in_dim3A_115 = vector.broadcast %broadcast_in_dim3A_114 : i32 to vector<16xi32>
      %gather3A_116 = tpu.vector_load_idx %arg7[%add3A_63, %broadcast_in_dim3A_115] : memref<3136x5xf32, #tpu.memory_space<vmem>>[vector<16xi32>, vector<16xi32>], vector<16xf32>,
      %mul3A_117 = vector.broadcast %squeeze3A : f32 to vector<16xf32>
      %mul3A_118 = arith.mulf %gather3A_104, %mul3A_117 : vector<16xf32>
      %mul3A_119 = vector.broadcast %squeeze3A_21 : f32 to vector<16xf32>
      %mul3A_120 = arith.mulf %gather3A_107, %mul3A_119 : vector<16xf32>
      %add3A_121 = arith.addf %mul3A_118, %mul3A_120 : vector<16xf32>
      %mul3A_122 = vector.broadcast %squeeze3A_29 : f32 to vector<16xf32>
      %mul3A_123 = arith.mulf %gather3A_110, %mul3A_122 : vector<16xf32>
      %add3A_124 = arith.addf %add3A_121, %mul3A_123 : vector<16xf32>
      %mul3A_125 = vector.broadcast %squeeze3A_37 : f32 to vector<16xf32>
      %mul3A_126 = arith.mulf %gather3A_113, %mul3A_125 : vector<16xf32>
      %add3A_127 = arith.addf %add3A_124, %mul3A_126 : vector<16xf32>
      %mul3A_128 = vector.broadcast %squeeze3A_45 : f32 to vector<16xf32>
      %mul3A_129 = arith.mulf %gather3A_116, %mul3A_128 : vector<16xf32>
      %add3A_130 = arith.addf %add3A_127, %mul3A_129 : vector<16xf32>
      %broadcast_in_dim3A_131 = arith.constant 0 : i32
      %broadcast_in_dim3A_132 = vector.broadcast %broadcast_in_dim3A_131 : i32 to vector<16xi32>
      %mul3A_133 = arith.mulf %mul3A_100, %add3A_130 : vector<16xf32>
      tpu.vector_store_idx %arg11[%add3A_63, %broadcast_in_dim3A_132], %mul3A_133 : memref<3136x8xf32, #tpu.memory_space<vmem>>[vector<16xi32>, vector<16xi32>], vector<16xf32>,
      %mul3A_134 = vector.broadcast %squeeze3A_15 : f32 to vector<16xf32>
      %mul3A_135 = arith.mulf %gather3A_104, %mul3A_134 : vector<16xf32>
      %mul3A_136 = vector.broadcast %squeeze3A_23 : f32 to vector<16xf32>
      %mul3A_137 = arith.mulf %gather3A_107, %mul3A_136 : vector<16xf32>
      %add3A_138 = arith.addf %mul3A_135, %mul3A_137 : vector<16xf32>
      %mul3A_139 = vector.broadcast %squeeze3A_31 : f32 to vector<16xf32>
      %mul3A_140 = arith.mulf %gather3A_110, %mul3A_139 : vector<16xf32>
      %add3A_141 = arith.addf %add3A_138, %mul3A_140 : vector<16xf32>
      %mul3A_142 = vector.broadcast %squeeze3A_39 : f32 to vector<16xf32>
      %mul3A_143 = arith.mulf %gather3A_113, %mul3A_142 : vector<16xf32>
      %add3A_144 = arith.addf %add3A_141, %mul3A_143 : vector<16xf32>
      %mul3A_145 = vector.broadcast %squeeze3A_47 : f32 to vector<16xf32>
      %mul3A_146 = arith.mulf %gather3A_116, %mul3A_145 : vector<16xf32>
      %add3A_147 = arith.addf %add3A_144, %mul3A_146 : vector<16xf32>
      %broadcast_in_dim3A_148 = arith.constant 1 : i32
      %broadcast_in_dim3A_149 = vector.broadcast %broadcast_in_dim3A_148 : i32 to vector<16xi32>
      %mul3A_150 = arith.mulf %mul3A_100, %add3A_147 : vector<16xf32>
      tpu.vector_store_idx %arg11[%add3A_63, %broadcast_in_dim3A_149], %mul3A_150 : memref<3136x8xf32, #tpu.memory_space<vmem>>[vector<16xi32>, vector<16xi32>], vector<16xf32>,
      %mul3A_151 = vector.broadcast %squeeze3A_17 : f32 to vector<16xf32>
      %mul3A_152 = arith.mulf %gather3A_104, %mul3A_151 : vector<16xf32>
      %mul3A_153 = vector.broadcast %squeeze3A_25 : f32 to vector<16xf32>
      %mul3A_154 = arith.mulf %gather3A_107, %mul3A_153 : vector<16xf32>
      %add3A_155 = arith.addf %mul3A_152, %mul3A_154 : vector<16xf32>
      %mul3A_156 = vector.broadcast %squeeze3A_33 : f32 to vector<16xf32>
      %mul3A_157 = arith.mulf %gather3A_110, %mul3A_156 : vector<16xf32>
      %add3A_158 = arith.addf %add3A_155, %mul3A_157 : vector<16xf32>
      %mul3A_159 = vector.broadcast %squeeze3A_41 : f32 to vector<16xf32>
      %mul3A_160 = arith.mulf %gather3A_113, %mul3A_159 : vector<16xf32>
      %add3A_161 = arith.addf %add3A_158, %mul3A_160 : vector<16xf32>
      %mul3A_162 = vector.broadcast %squeeze3A_49 : f32 to vector<16xf32>
      %mul3A_163 = arith.mulf %gather3A_116, %mul3A_162 : vector<16xf32>
      %add3A_164 = arith.addf %add3A_161, %mul3A_163 : vector<16xf32>
      %broadcast_in_dim3A_165 = arith.constant 2 : i32
      %broadcast_in_dim3A_166 = vector.broadcast %broadcast_in_dim3A_165 : i32 to vector<16xi32>
      %mul3A_167 = arith.mulf %mul3A_100, %add3A_164 : vector<16xf32>
      tpu.vector_store_idx %arg11[%add3A_63, %broadcast_in_dim3A_166], %mul3A_167 : memref<3136x8xf32, #tpu.memory_space<vmem>>[vector<16xi32>, vector<16xi32>], vector<16xf32>,
      %mul3A_168 = vector.broadcast %squeeze3A_19 : f32 to vector<16xf32>
      %mul3A_169 = arith.mulf %gather3A_104, %mul3A_168 : vector<16xf32>
      %mul3A_170 = vector.broadcast %squeeze3A_27 : f32 to vector<16xf32>
      %mul3A_171 = arith.mulf %gather3A_107, %mul3A_170 : vector<16xf32>
      %add3A_172 = arith.addf %mul3A_169, %mul3A_171 : vector<16xf32>
      %mul3A_173 = vector.broadcast %squeeze3A_35 : f32 to vector<16xf32>
      %mul3A_174 = arith.mulf %gather3A_110, %mul3A_173 : vector<16xf32>
      %add3A_175 = arith.addf %add3A_172, %mul3A_174 : vector<16xf32>
      %mul3A_176 = vector.broadcast %squeeze3A_43 : f32 to vector<16xf32>
      %mul3A_177 = arith.mulf %gather3A_113, %mul3A_176 : vector<16xf32>
      %add3A_178 = arith.addf %add3A_175, %mul3A_177 : vector<16xf32>
      %mul3A_179 = vector.broadcast %squeeze3A_51 : f32 to vector<16xf32>
      %mul3A_180 = arith.mulf %gather3A_116, %mul3A_179 : vector<16xf32>
      %add3A_181 = arith.addf %add3A_178, %mul3A_180 : vector<16xf32>
      %broadcast_in_dim3A_182 = arith.constant 3 : i32
      %broadcast_in_dim3A_183 = vector.broadcast %broadcast_in_dim3A_182 : i32 to vector<16xi32>
      %mul3A_184 = arith.mulf %mul3A_100, %add3A_181 : vector<16xf32>
      tpu.vector_store_idx %arg11[%add3A_63, %broadcast_in_dim3A_183], %mul3A_184 : memref<3136x8xf32, #tpu.memory_space<vmem>>[vector<16xi32>, vector<16xi32>], vector<16xf32>,
      %broadcast_in_dim3A_185 = arith.constant 4 : i32
      %broadcast_in_dim3A_186 = vector.broadcast %broadcast_in_dim3A_185 : i32 to vector<16xi32>
      tpu.vector_store_idx %arg11[%add3A_63, %broadcast_in_dim3A_186], %broadcast_in_dim3A_4 : memref<3136x8xf32, #tpu.memory_space<vmem>>[vector<16xi32>, vector<16xi32>], vector<16xf32>,
      %broadcast_in_dim3A_187 = arith.constant 5 : i32
      %broadcast_in_dim3A_188 = vector.broadcast %broadcast_in_dim3A_187 : i32 to vector<16xi32>
      tpu.vector_store_idx %arg11[%add3A_63, %broadcast_in_dim3A_188], %broadcast_in_dim3A_4 : memref<3136x8xf32, #tpu.memory_space<vmem>>[vector<16xi32>, vector<16xi32>], vector<16xf32>,
      %broadcast_in_dim3A_189 = arith.constant 6 : i32
      %broadcast_in_dim3A_190 = vector.broadcast %broadcast_in_dim3A_189 : i32 to vector<16xi32>
      tpu.vector_store_idx %arg11[%add3A_63, %broadcast_in_dim3A_190], %broadcast_in_dim3A_4 : memref<3136x8xf32, #tpu.memory_space<vmem>>[vector<16xi32>, vector<16xi32>], vector<16xf32>,
      %broadcast_in_dim3A_191 = arith.constant 7 : i32
      %broadcast_in_dim3A_192 = vector.broadcast %broadcast_in_dim3A_191 : i32 to vector<16xi32>
      tpu.vector_store_idx %arg11[%add3A_63, %broadcast_in_dim3A_192], %broadcast_in_dim3A_4 : memref<3136x8xf32, #tpu.memory_space<vmem>>[vector<16xi32>, vector<16xi32>], vector<16xf32>,
    }
    %scan3A_58 = arith.constant 196 : i32
    "tpu.region"() ({
      %run_scoped3A_59 = tpu.sem_alloc : memref<!tpu.dma_semaphore, #tpu.memory_space<semaphore_mem>>
      %dma_start3A = tpu.memref_slice %arg5[%mul3A_2] : memref<100352xf32, #tpu.memory_space<hbm>> -> memref<3136xf32, #tpu.memory_space<hbm>>
      %dma_start3A_60 = tpu.memref_slice %arg5[%mul3A_2] : memref<100352xf32, #tpu.memory_space<hbm>> -> memref<3136xf32, #tpu.memory_space<hbm>>
      tpu.enqueue_dma source(%arg10 : memref<3136xf32, #tpu.memory_space<vmem>>) target(%dma_start3A_60 : memref<3136xf32, #tpu.memory_space<hbm>>) target_semaphore(%run_scoped3A_59 : memref<!tpu.dma_semaphore, #tpu.memory_space<semaphore_mem>>)
      %dma_wait3A = tpu.memref_slice %arg5[%mul3A_2] : memref<100352xf32, #tpu.memory_space<hbm>> -> memref<3136xf32, #tpu.memory_space<hbm>>
      %dma_wait3A_61 = tpu.memref_slice %arg5[%mul3A_2] : memref<100352xf32, #tpu.memory_space<hbm>> -> memref<3136xf32, #tpu.memory_space<hbm>>
      tpu.wait_dma2 semaphore(%run_scoped3A_59 : memref<!tpu.dma_semaphore, #tpu.memory_space<semaphore_mem>>) src(%arg10 : memref<3136xf32, #tpu.memory_space<vmem>>) dst(%dma_wait3A_61 : memref<3136xf32, #tpu.memory_space<hbm>>)
      tpu.yield
    }) : () -> ()
    "tpu.region"() ({
      %run_scoped3A_59 = tpu.sem_alloc : memref<!tpu.dma_semaphore, #tpu.memory_space<semaphore_mem>>
      %dma_start3A = arith.constant 0 : i32
      %dma_start3A_60 = tpu.memref_slice %arg6[%mul3A_2, %dma_start3A] : memref<100352x8xf32, #tpu.memory_space<hbm>> -> memref<3136x8xf32, #tpu.memory_space<hbm>>
      %dma_start3A_61 = arith.constant 0 : i32
      %dma_start3A_62 = tpu.memref_slice %arg6[%mul3A_2, %dma_start3A_61] : memref<100352x8xf32, #tpu.memory_space<hbm>> -> memref<3136x8xf32, #tpu.memory_space<hbm>>
      tpu.enqueue_dma source(%arg11 : memref<3136x8xf32, #tpu.memory_space<vmem>>) target(%dma_start3A_62 : memref<3136x8xf32, #tpu.memory_space<hbm>>) target_semaphore(%run_scoped3A_59 : memref<!tpu.dma_semaphore, #tpu.memory_space<semaphore_mem>>)
      %dma_wait3A = arith.constant 0 : i32
      %dma_wait3A_63 = tpu.memref_slice %arg6[%mul3A_2, %dma_wait3A] : memref<100352x8xf32, #tpu.memory_space<hbm>> -> memref<3136x8xf32, #tpu.memory_space<hbm>>
      %dma_wait3A_64 = arith.constant 0 : i32
      %dma_wait3A_65 = tpu.memref_slice %arg6[%mul3A_2, %dma_wait3A_64] : memref<100352x8xf32, #tpu.memory_space<hbm>> -> memref<3136x8xf32, #tpu.memory_space<hbm>>
      tpu.wait_dma2 semaphore(%run_scoped3A_59 : memref<!tpu.dma_semaphore, #tpu.memory_space<semaphore_mem>>) src(%arg11 : memref<3136x8xf32, #tpu.memory_space<vmem>>) dst(%dma_wait3A_65 : memref<3136x8xf32, #tpu.memory_space<hbm>>)
      tpu.yield
    }) : () -> ()
    return
  }
}

#map = affine_map<(d0, d1) -> (0, 0)>
#map1 = affine_map<(d0, d1) -> (0)>
#map2 = affine_map<(d0, d1) -> (0, 0, 0)>
module attributes {stable_mosaic.version = 14 : i64} {
  func.func @body(%arg0: i32, %arg1: i32, %arg2: memref<100352x8xf32, #tpu.memory_space<hbm>>, %arg3: memref<6400000xi32, #tpu.memory_space<hbm>>, %arg4: memref<6400000xi32, #tpu.memory_space<hbm>>, %arg5: memref<6272x8xf32, #tpu.memory_space<hbm>>, %arg6: memref<2x100352x8xf32, #tpu.memory_space<hbm>>, %arg7: memref<100352x8xf32, #tpu.memory_space<vmem_shared>>, %arg8: memref<100352x8xf32, #tpu.memory_space<vmem_shared>>, %arg9: memref<2000xi32, #tpu.memory_space<vmem>>, %arg10: memref<2000xi32, #tpu.memory_space<vmem>>, %arg11: memref<2000x8xf32, #tpu.memory_space<vmem>>) attributes {dimension_semantics = [#tpu.dimension_semantics<core_parallel>, #tpu.dimension_semantics<subcore_parallel>], iteration_bounds = array<i64: 2, 16>, scalar_prefetch = 0 : i64, scratch_operands = 5 : i64, tpu.core_type = #tpu.core_type<sc_vector_subcore>, window_params = [{transform_indices = #map}, {transform_indices = #map1}, {transform_indices = #map1}, {transform_indices = #map}, {transform_indices = #map2}]} {
    %mul3A = arith.constant 2 : i32
    %mul3A_0 = arith.muli %arg1, %mul3A : i32
    %add3A = arith.addi %mul3A_0, %arg0 : i32
    %mul3A_1 = arith.constant 6272 : i32
    %mul3A_2 = arith.muli %arg1, %mul3A_1 : i32
    "tpu.region"() ({
      %run_scoped3A = tpu.sem_alloc : memref<!tpu.dma_semaphore, #tpu.memory_space<semaphore_mem>>
      %dma_start3A = arith.constant 0 : i32
      %dma_start3A_11 = tpu.memref_slice %arg7[%mul3A_2, %dma_start3A] : memref<100352x8xf32, #tpu.memory_space<vmem_shared>> -> memref<6272x8xf32, #tpu.memory_space<vmem_shared>>
      %dma_start3A_12 = arith.constant 0 : i32
      %dma_start3A_13 = tpu.memref_slice %arg2[%mul3A_2, %dma_start3A_12] : memref<100352x8xf32, #tpu.memory_space<hbm>> -> memref<6272x8xf32, #tpu.memory_space<hbm>>
      tpu.enqueue_dma source(%dma_start3A_13 : memref<6272x8xf32, #tpu.memory_space<hbm>>) target(%dma_start3A_11 : memref<6272x8xf32, #tpu.memory_space<vmem_shared>>) target_semaphore(%run_scoped3A : memref<!tpu.dma_semaphore, #tpu.memory_space<semaphore_mem>>)
      %dma_wait3A = arith.constant 0 : i32
      %dma_wait3A_14 = tpu.memref_slice %arg7[%mul3A_2, %dma_wait3A] : memref<100352x8xf32, #tpu.memory_space<vmem_shared>> -> memref<6272x8xf32, #tpu.memory_space<vmem_shared>>
      %dma_wait3A_15 = arith.constant 0 : i32
      %dma_wait3A_16 = tpu.memref_slice %arg2[%mul3A_2, %dma_wait3A_15] : memref<100352x8xf32, #tpu.memory_space<hbm>> -> memref<6272x8xf32, #tpu.memory_space<hbm>>
      tpu.wait_dma2 semaphore(%run_scoped3A : memref<!tpu.dma_semaphore, #tpu.memory_space<semaphore_mem>>) src(%dma_wait3A_16 : memref<6272x8xf32, #tpu.memory_space<hbm>>) dst(%dma_wait3A_14 : memref<6272x8xf32, #tpu.memory_space<vmem_shared>>)
      tpu.yield
    }) : () -> ()
    "tpu.region"() ({
      %run_scoped3A = tpu.sem_alloc : memref<!tpu.dma_semaphore, #tpu.memory_space<semaphore_mem>>
      %dma_start3A = arith.constant 0 : i32
      %dma_start3A_11 = tpu.memref_slice %arg8[%mul3A_2, %dma_start3A] : memref<100352x8xf32, #tpu.memory_space<vmem_shared>> -> memref<6272x8xf32, #tpu.memory_space<vmem_shared>>
      tpu.enqueue_dma source(%arg5 : memref<6272x8xf32, #tpu.memory_space<hbm>>) target(%dma_start3A_11 : memref<6272x8xf32, #tpu.memory_space<vmem_shared>>) target_semaphore(%run_scoped3A : memref<!tpu.dma_semaphore, #tpu.memory_space<semaphore_mem>>)
      %dma_wait3A = arith.constant 0 : i32
      %dma_wait3A_12 = tpu.memref_slice %arg8[%mul3A_2, %dma_wait3A] : memref<100352x8xf32, #tpu.memory_space<vmem_shared>> -> memref<6272x8xf32, #tpu.memory_space<vmem_shared>>
      tpu.wait_dma2 semaphore(%run_scoped3A : memref<!tpu.dma_semaphore, #tpu.memory_space<semaphore_mem>>) src(%arg5 : memref<6272x8xf32, #tpu.memory_space<hbm>>) dst(%dma_wait3A_12 : memref<6272x8xf32, #tpu.memory_space<vmem_shared>>)
      tpu.yield
    }) : () -> ()
    %barrier3A = arith.constant 0 : index
    tpu.barrier barrier_id(%barrier3A)
    %mul3A_3 = arith.constant 200000 : i32
    %mul3A_4 = arith.muli %add3A, %mul3A_3 : i32
    %scan3A = arith.constant 0 : i32
    %scan3A_5 = arith.constant 0 : i32
    %scan3A_6 = arith.constant 100 : i32
    %scan3A_7 = arith.addi %scan3A_5, %scan3A_6 : i32
    %scan3A_8 = arith.constant 1 : i32
    scf.for %scan3A_11 = %scan3A_5 to %scan3A_7 step %scan3A_8  : i32 {
      %mul3A_12 = arith.constant 2000 : i32
      %mul3A_13 = arith.muli %scan3A_11, %mul3A_12 : i32
      %add3A_14 = arith.addi %mul3A_4, %mul3A_13 : i32
      "tpu.region"() ({
        %run_scoped3A = tpu.sem_alloc : memref<!tpu.dma_semaphore, #tpu.memory_space<semaphore_mem>>
        %dma_start3A = tpu.memref_slice %arg3[%add3A_14] : memref<6400000xi32, #tpu.memory_space<hbm>> -> memref<2000xi32, #tpu.memory_space<hbm>>
        %dma_start3A_18 = tpu.memref_slice %arg3[%add3A_14] : memref<6400000xi32, #tpu.memory_space<hbm>> -> memref<2000xi32, #tpu.memory_space<hbm>>
        tpu.enqueue_dma source(%dma_start3A_18 : memref<2000xi32, #tpu.memory_space<hbm>>) target(%arg9 : memref<2000xi32, #tpu.memory_space<vmem>>) target_semaphore(%run_scoped3A : memref<!tpu.dma_semaphore, #tpu.memory_space<semaphore_mem>>)
        %dma_wait3A = tpu.memref_slice %arg3[%add3A_14] : memref<6400000xi32, #tpu.memory_space<hbm>> -> memref<2000xi32, #tpu.memory_space<hbm>>
        %dma_wait3A_19 = tpu.memref_slice %arg3[%add3A_14] : memref<6400000xi32, #tpu.memory_space<hbm>> -> memref<2000xi32, #tpu.memory_space<hbm>>
        tpu.wait_dma2 semaphore(%run_scoped3A : memref<!tpu.dma_semaphore, #tpu.memory_space<semaphore_mem>>) src(%dma_wait3A_19 : memref<2000xi32, #tpu.memory_space<hbm>>) dst(%arg9 : memref<2000xi32, #tpu.memory_space<vmem>>)
        tpu.yield
      }) : () -> ()
      %mul3A_15 = arith.constant 2000 : i32
      %mul3A_16 = arith.muli %scan3A_11, %mul3A_15 : i32
      %add3A_17 = arith.addi %mul3A_4, %mul3A_16 : i32
      "tpu.region"() ({
        %run_scoped3A = tpu.sem_alloc : memref<!tpu.dma_semaphore, #tpu.memory_space<semaphore_mem>>
        %dma_start3A = tpu.memref_slice %arg4[%add3A_17] : memref<6400000xi32, #tpu.memory_space<hbm>> -> memref<2000xi32, #tpu.memory_space<hbm>>
        %dma_start3A_18 = tpu.memref_slice %arg4[%add3A_17] : memref<6400000xi32, #tpu.memory_space<hbm>> -> memref<2000xi32, #tpu.memory_space<hbm>>
        tpu.enqueue_dma source(%dma_start3A_18 : memref<2000xi32, #tpu.memory_space<hbm>>) target(%arg10 : memref<2000xi32, #tpu.memory_space<vmem>>) target_semaphore(%run_scoped3A : memref<!tpu.dma_semaphore, #tpu.memory_space<semaphore_mem>>)
        %dma_wait3A = tpu.memref_slice %arg4[%add3A_17] : memref<6400000xi32, #tpu.memory_space<hbm>> -> memref<2000xi32, #tpu.memory_space<hbm>>
        %dma_wait3A_19 = tpu.memref_slice %arg4[%add3A_17] : memref<6400000xi32, #tpu.memory_space<hbm>> -> memref<2000xi32, #tpu.memory_space<hbm>>
        tpu.wait_dma2 semaphore(%run_scoped3A : memref<!tpu.dma_semaphore, #tpu.memory_space<semaphore_mem>>) src(%dma_wait3A_19 : memref<2000xi32, #tpu.memory_space<hbm>>) dst(%arg10 : memref<2000xi32, #tpu.memory_space<vmem>>)
        tpu.yield
      }) : () -> ()
      "tpu.region"() ({
        %run_scoped3A = tpu.sem_alloc : memref<!tpu.dma_semaphore, #tpu.memory_space<semaphore_mem>>
        %dma_start3A = arith.constant 0 : i32
        %dma_start3A_18 = arith.constant 0 : i32
        %dma_start3A_19 = tpu.memref_slice %arg7[%dma_start3A, %dma_start3A_18] : memref<100352x8xf32, #tpu.memory_space<vmem_shared>> -> memref<100352x8xf32, #tpu.memory_space<vmem_shared>>
        tpu.enqueue_indirect_dma source(%dma_start3A_19 : memref<100352x8xf32, #tpu.memory_space<vmem_shared>>) target(%arg11 : memref<2000x8xf32, #tpu.memory_space<vmem>>) offsets(%arg9 : memref<2000xi32, #tpu.memory_space<vmem>>) semaphore(%run_scoped3A : memref<!tpu.dma_semaphore, #tpu.memory_space<semaphore_mem>>)
        %dma_wait3A = arith.constant 0 : i32
        %dma_wait3A_20 = arith.constant 0 : i32
        %dma_wait3A_21 = tpu.memref_slice %arg7[%dma_wait3A, %dma_wait3A_20] : memref<100352x8xf32, #tpu.memory_space<vmem_shared>> -> memref<100352x8xf32, #tpu.memory_space<vmem_shared>>
        tpu.wait_indirect_dma semaphore(%run_scoped3A : memref<!tpu.dma_semaphore, #tpu.memory_space<semaphore_mem>>) src(%dma_wait3A_21 : memref<100352x8xf32, #tpu.memory_space<vmem_shared>>) dst(%arg11 : memref<2000x8xf32, #tpu.memory_space<vmem>>)
        tpu.yield
      }) : () -> ()
      "tpu.region"() ({
        %run_scoped3A = tpu.sem_alloc : memref<!tpu.dma_semaphore, #tpu.memory_space<semaphore_mem>>
        %dma_start3A = arith.constant 0 : i32
        %dma_start3A_18 = arith.constant 0 : i32
        %dma_start3A_19 = tpu.memref_slice %arg8[%dma_start3A, %dma_start3A_18] : memref<100352x8xf32, #tpu.memory_space<vmem_shared>> -> memref<100352x8xf32, #tpu.memory_space<vmem_shared>>
        tpu.enqueue_indirect_dma source(%arg11 : memref<2000x8xf32, #tpu.memory_space<vmem>>) target(%dma_start3A_19 : memref<100352x8xf32, #tpu.memory_space<vmem_shared>>) offsets(%arg10 : memref<2000xi32, #tpu.memory_space<vmem>>) semaphore(%run_scoped3A : memref<!tpu.dma_semaphore, #tpu.memory_space<semaphore_mem>>) {add = true}
        %dma_wait3A = arith.constant 0 : i32
        %dma_wait3A_20 = arith.constant 0 : i32
        %dma_wait3A_21 = tpu.memref_slice %arg8[%dma_wait3A, %dma_wait3A_20] : memref<100352x8xf32, #tpu.memory_space<vmem_shared>> -> memref<100352x8xf32, #tpu.memory_space<vmem_shared>>
        tpu.wait_indirect_dma semaphore(%run_scoped3A : memref<!tpu.dma_semaphore, #tpu.memory_space<semaphore_mem>>) src(%arg11 : memref<2000x8xf32, #tpu.memory_space<vmem>>) dst(%dma_wait3A_21 : memref<100352x8xf32, #tpu.memory_space<vmem_shared>>)
        tpu.yield
      }) : () -> ()
    }
    %scan3A_9 = arith.constant 100 : i32
    %barrier3A_10 = arith.constant 0 : index
    tpu.barrier barrier_id(%barrier3A_10)
    "tpu.region"() ({
      %run_scoped3A = tpu.sem_alloc : memref<!tpu.dma_semaphore, #tpu.memory_space<semaphore_mem>>
      %dma_start3A = arith.constant 0 : i32
      %dma_start3A_11 = tpu.memref_slice %arg6[%arg0, %mul3A_2, %dma_start3A] : memref<2x100352x8xf32, #tpu.memory_space<hbm>> -> memref<1x6272x8xf32, #tpu.memory_space<hbm>>
      %dma_start3A_12 = tpu.memref_squeeze %dma_start3A_11 : memref<1x6272x8xf32, #tpu.memory_space<hbm>> -> memref<6272x8xf32, #tpu.memory_space<hbm>>
      %dma_start3A_13 = arith.constant 0 : i32
      %dma_start3A_14 = tpu.memref_slice %arg8[%mul3A_2, %dma_start3A_13] : memref<100352x8xf32, #tpu.memory_space<vmem_shared>> -> memref<6272x8xf32, #tpu.memory_space<vmem_shared>>
      tpu.enqueue_dma source(%dma_start3A_14 : memref<6272x8xf32, #tpu.memory_space<vmem_shared>>) target(%dma_start3A_12 : memref<6272x8xf32, #tpu.memory_space<hbm>>) target_semaphore(%run_scoped3A : memref<!tpu.dma_semaphore, #tpu.memory_space<semaphore_mem>>)
      %dma_wait3A = arith.constant 0 : i32
      %dma_wait3A_15 = tpu.memref_slice %arg6[%arg0, %mul3A_2, %dma_wait3A] : memref<2x100352x8xf32, #tpu.memory_space<hbm>> -> memref<1x6272x8xf32, #tpu.memory_space<hbm>>
      %dma_wait3A_16 = tpu.memref_squeeze %dma_wait3A_15 : memref<1x6272x8xf32, #tpu.memory_space<hbm>> -> memref<6272x8xf32, #tpu.memory_space<hbm>>
      %dma_wait3A_17 = arith.constant 0 : i32
      %dma_wait3A_18 = tpu.memref_slice %arg8[%mul3A_2, %dma_wait3A_17] : memref<100352x8xf32, #tpu.memory_space<vmem_shared>> -> memref<6272x8xf32, #tpu.memory_space<vmem_shared>>
      tpu.wait_dma2 semaphore(%run_scoped3A : memref<!tpu.dma_semaphore, #tpu.memory_space<semaphore_mem>>) src(%dma_wait3A_18 : memref<6272x8xf32, #tpu.memory_space<vmem_shared>>) dst(%dma_wait3A_16 : memref<6272x8xf32, #tpu.memory_space<hbm>>)
      tpu.yield
    }) : () -> ()
    return
  }
}

#map = affine_map<(d0, d1) -> (0, 0)>
#map1 = affine_map<(d0, d1) -> (0)>
#map2 = affine_map<(d0, d1) -> (0, 0, 0)>
module attributes {stable_mosaic.version = 14 : i64} {
  func.func @body(%arg0: i32, %arg1: i32, %arg2: memref<100352x8xf32, #tpu.memory_space<hbm>>, %arg3: memref<6400000xi32, #tpu.memory_space<hbm>>, %arg4: memref<6400000xi32, #tpu.memory_space<hbm>>, %arg5: memref<6272x8xf32, #tpu.memory_space<hbm>>, %arg6: memref<2x100352x8xf32, #tpu.memory_space<hbm>>, %arg7: memref<100352x8xf32, #tpu.memory_space<vmem_shared>>, %arg8: memref<100352x8xf32, #tpu.memory_space<vmem_shared>>, %arg9: memref<2000xi32, #tpu.memory_space<vmem>>, %arg10: memref<2000xi32, #tpu.memory_space<vmem>>, %arg11: memref<2000x8xf32, #tpu.memory_space<vmem>>) attributes {dimension_semantics = [#tpu.dimension_semantics<core_parallel>, #tpu.dimension_semantics<subcore_parallel>], iteration_bounds = array<i64: 2, 16>, scalar_prefetch = 0 : i64, scratch_operands = 5 : i64, tpu.core_type = #tpu.core_type<sc_vector_subcore>, window_params = [{transform_indices = #map}, {transform_indices = #map1}, {transform_indices = #map1}, {transform_indices = #map}, {transform_indices = #map2}]} {
    %mul3A = arith.constant 2 : i32
    %mul3A_0 = arith.muli %arg1, %mul3A : i32
    %add3A = arith.addi %mul3A_0, %arg0 : i32
    %mul3A_1 = arith.constant 6272 : i32
    %mul3A_2 = arith.muli %arg1, %mul3A_1 : i32
    "tpu.region"() ({
      %run_scoped3A = tpu.sem_alloc : memref<!tpu.dma_semaphore, #tpu.memory_space<semaphore_mem>>
      %dma_start3A = arith.constant 0 : i32
      %dma_start3A_11 = tpu.memref_slice %arg7[%mul3A_2, %dma_start3A] : memref<100352x8xf32, #tpu.memory_space<vmem_shared>> -> memref<6272x8xf32, #tpu.memory_space<vmem_shared>>
      %dma_start3A_12 = arith.constant 0 : i32
      %dma_start3A_13 = tpu.memref_slice %arg2[%mul3A_2, %dma_start3A_12] : memref<100352x8xf32, #tpu.memory_space<hbm>> -> memref<6272x8xf32, #tpu.memory_space<hbm>>
      tpu.enqueue_dma source(%dma_start3A_13 : memref<6272x8xf32, #tpu.memory_space<hbm>>) target(%dma_start3A_11 : memref<6272x8xf32, #tpu.memory_space<vmem_shared>>) target_semaphore(%run_scoped3A : memref<!tpu.dma_semaphore, #tpu.memory_space<semaphore_mem>>)
      %dma_wait3A = arith.constant 0 : i32
      %dma_wait3A_14 = tpu.memref_slice %arg7[%mul3A_2, %dma_wait3A] : memref<100352x8xf32, #tpu.memory_space<vmem_shared>> -> memref<6272x8xf32, #tpu.memory_space<vmem_shared>>
      %dma_wait3A_15 = arith.constant 0 : i32
      %dma_wait3A_16 = tpu.memref_slice %arg2[%mul3A_2, %dma_wait3A_15] : memref<100352x8xf32, #tpu.memory_space<hbm>> -> memref<6272x8xf32, #tpu.memory_space<hbm>>
      tpu.wait_dma2 semaphore(%run_scoped3A : memref<!tpu.dma_semaphore, #tpu.memory_space<semaphore_mem>>) src(%dma_wait3A_16 : memref<6272x8xf32, #tpu.memory_space<hbm>>) dst(%dma_wait3A_14 : memref<6272x8xf32, #tpu.memory_space<vmem_shared>>)
      tpu.yield
    }) : () -> ()
    "tpu.region"() ({
      %run_scoped3A = tpu.sem_alloc : memref<!tpu.dma_semaphore, #tpu.memory_space<semaphore_mem>>
      %dma_start3A = arith.constant 0 : i32
      %dma_start3A_11 = tpu.memref_slice %arg8[%mul3A_2, %dma_start3A] : memref<100352x8xf32, #tpu.memory_space<vmem_shared>> -> memref<6272x8xf32, #tpu.memory_space<vmem_shared>>
      tpu.enqueue_dma source(%arg5 : memref<6272x8xf32, #tpu.memory_space<hbm>>) target(%dma_start3A_11 : memref<6272x8xf32, #tpu.memory_space<vmem_shared>>) target_semaphore(%run_scoped3A : memref<!tpu.dma_semaphore, #tpu.memory_space<semaphore_mem>>)
      %dma_wait3A = arith.constant 0 : i32
      %dma_wait3A_12 = tpu.memref_slice %arg8[%mul3A_2, %dma_wait3A] : memref<100352x8xf32, #tpu.memory_space<vmem_shared>> -> memref<6272x8xf32, #tpu.memory_space<vmem_shared>>
      tpu.wait_dma2 semaphore(%run_scoped3A : memref<!tpu.dma_semaphore, #tpu.memory_space<semaphore_mem>>) src(%arg5 : memref<6272x8xf32, #tpu.memory_space<hbm>>) dst(%dma_wait3A_12 : memref<6272x8xf32, #tpu.memory_space<vmem_shared>>)
      tpu.yield
    }) : () -> ()
    %barrier3A = arith.constant 0 : index
    tpu.barrier barrier_id(%barrier3A)
    %mul3A_3 = arith.constant 200000 : i32
    %mul3A_4 = arith.muli %add3A, %mul3A_3 : i32
    %scan3A = arith.constant 0 : i32
    %scan3A_5 = arith.constant 0 : i32
    %scan3A_6 = arith.constant 100 : i32
    %scan3A_7 = arith.addi %scan3A_5, %scan3A_6 : i32
    %scan3A_8 = arith.constant 1 : i32
    scf.for %scan3A_11 = %scan3A_5 to %scan3A_7 step %scan3A_8  : i32 {
      %mul3A_12 = arith.constant 2000 : i32
      %mul3A_13 = arith.muli %scan3A_11, %mul3A_12 : i32
      %add3A_14 = arith.addi %mul3A_4, %mul3A_13 : i32
      "tpu.region"() ({
        %run_scoped3A = tpu.sem_alloc : memref<!tpu.dma_semaphore, #tpu.memory_space<semaphore_mem>>
        %dma_start3A = tpu.memref_slice %arg3[%add3A_14] : memref<6400000xi32, #tpu.memory_space<hbm>> -> memref<2000xi32, #tpu.memory_space<hbm>>
        %dma_start3A_18 = tpu.memref_slice %arg3[%add3A_14] : memref<6400000xi32, #tpu.memory_space<hbm>> -> memref<2000xi32, #tpu.memory_space<hbm>>
        tpu.enqueue_dma source(%dma_start3A_18 : memref<2000xi32, #tpu.memory_space<hbm>>) target(%arg9 : memref<2000xi32, #tpu.memory_space<vmem>>) target_semaphore(%run_scoped3A : memref<!tpu.dma_semaphore, #tpu.memory_space<semaphore_mem>>)
        %dma_wait3A = tpu.memref_slice %arg3[%add3A_14] : memref<6400000xi32, #tpu.memory_space<hbm>> -> memref<2000xi32, #tpu.memory_space<hbm>>
        %dma_wait3A_19 = tpu.memref_slice %arg3[%add3A_14] : memref<6400000xi32, #tpu.memory_space<hbm>> -> memref<2000xi32, #tpu.memory_space<hbm>>
        tpu.wait_dma2 semaphore(%run_scoped3A : memref<!tpu.dma_semaphore, #tpu.memory_space<semaphore_mem>>) src(%dma_wait3A_19 : memref<2000xi32, #tpu.memory_space<hbm>>) dst(%arg9 : memref<2000xi32, #tpu.memory_space<vmem>>)
        tpu.yield
      }) : () -> ()
      %mul3A_15 = arith.constant 2000 : i32
      %mul3A_16 = arith.muli %scan3A_11, %mul3A_15 : i32
      %add3A_17 = arith.addi %mul3A_4, %mul3A_16 : i32
      "tpu.region"() ({
        %run_scoped3A = tpu.sem_alloc : memref<!tpu.dma_semaphore, #tpu.memory_space<semaphore_mem>>
        %dma_start3A = tpu.memref_slice %arg4[%add3A_17] : memref<6400000xi32, #tpu.memory_space<hbm>> -> memref<2000xi32, #tpu.memory_space<hbm>>
        %dma_start3A_18 = tpu.memref_slice %arg4[%add3A_17] : memref<6400000xi32, #tpu.memory_space<hbm>> -> memref<2000xi32, #tpu.memory_space<hbm>>
        tpu.enqueue_dma source(%dma_start3A_18 : memref<2000xi32, #tpu.memory_space<hbm>>) target(%arg10 : memref<2000xi32, #tpu.memory_space<vmem>>) target_semaphore(%run_scoped3A : memref<!tpu.dma_semaphore, #tpu.memory_space<semaphore_mem>>)
        %dma_wait3A = tpu.memref_slice %arg4[%add3A_17] : memref<6400000xi32, #tpu.memory_space<hbm>> -> memref<2000xi32, #tpu.memory_space<hbm>>
        %dma_wait3A_19 = tpu.memref_slice %arg4[%add3A_17] : memref<6400000xi32, #tpu.memory_space<hbm>> -> memref<2000xi32, #tpu.memory_space<hbm>>
        tpu.wait_dma2 semaphore(%run_scoped3A : memref<!tpu.dma_semaphore, #tpu.memory_space<semaphore_mem>>) src(%dma_wait3A_19 : memref<2000xi32, #tpu.memory_space<hbm>>) dst(%arg10 : memref<2000xi32, #tpu.memory_space<vmem>>)
        tpu.yield
      }) : () -> ()
      "tpu.region"() ({
        %run_scoped3A = tpu.sem_alloc : memref<!tpu.dma_semaphore, #tpu.memory_space<semaphore_mem>>
        %dma_start3A = arith.constant 0 : i32
        %dma_start3A_18 = arith.constant 0 : i32
        %dma_start3A_19 = tpu.memref_slice %arg7[%dma_start3A, %dma_start3A_18] : memref<100352x8xf32, #tpu.memory_space<vmem_shared>> -> memref<100352x8xf32, #tpu.memory_space<vmem_shared>>
        tpu.enqueue_indirect_dma source(%dma_start3A_19 : memref<100352x8xf32, #tpu.memory_space<vmem_shared>>) target(%arg11 : memref<2000x8xf32, #tpu.memory_space<vmem>>) offsets(%arg9 : memref<2000xi32, #tpu.memory_space<vmem>>) semaphore(%run_scoped3A : memref<!tpu.dma_semaphore, #tpu.memory_space<semaphore_mem>>)
        %dma_wait3A = arith.constant 0 : i32
        %dma_wait3A_20 = arith.constant 0 : i32
        %dma_wait3A_21 = tpu.memref_slice %arg7[%dma_wait3A, %dma_wait3A_20] : memref<100352x8xf32, #tpu.memory_space<vmem_shared>> -> memref<100352x8xf32, #tpu.memory_space<vmem_shared>>
        tpu.wait_indirect_dma semaphore(%run_scoped3A : memref<!tpu.dma_semaphore, #tpu.memory_space<semaphore_mem>>) src(%dma_wait3A_21 : memref<100352x8xf32, #tpu.memory_space<vmem_shared>>) dst(%arg11 : memref<2000x8xf32, #tpu.memory_space<vmem>>)
        tpu.yield
      }) : () -> ()
      "tpu.region"() ({
        %run_scoped3A = tpu.sem_alloc : memref<!tpu.dma_semaphore, #tpu.memory_space<semaphore_mem>>
        %dma_start3A = arith.constant 0 : i32
        %dma_start3A_18 = arith.constant 0 : i32
        %dma_start3A_19 = tpu.memref_slice %arg8[%dma_start3A, %dma_start3A_18] : memref<100352x8xf32, #tpu.memory_space<vmem_shared>> -> memref<100352x8xf32, #tpu.memory_space<vmem_shared>>
        tpu.enqueue_indirect_dma source(%arg11 : memref<2000x8xf32, #tpu.memory_space<vmem>>) target(%dma_start3A_19 : memref<100352x8xf32, #tpu.memory_space<vmem_shared>>) offsets(%arg10 : memref<2000xi32, #tpu.memory_space<vmem>>) semaphore(%run_scoped3A : memref<!tpu.dma_semaphore, #tpu.memory_space<semaphore_mem>>) {add = true}
        %dma_wait3A = arith.constant 0 : i32
        %dma_wait3A_20 = arith.constant 0 : i32
        %dma_wait3A_21 = tpu.memref_slice %arg8[%dma_wait3A, %dma_wait3A_20] : memref<100352x8xf32, #tpu.memory_space<vmem_shared>> -> memref<100352x8xf32, #tpu.memory_space<vmem_shared>>
        tpu.wait_indirect_dma semaphore(%run_scoped3A : memref<!tpu.dma_semaphore, #tpu.memory_space<semaphore_mem>>) src(%arg11 : memref<2000x8xf32, #tpu.memory_space<vmem>>) dst(%dma_wait3A_21 : memref<100352x8xf32, #tpu.memory_space<vmem_shared>>)
        tpu.yield
      }) : () -> ()
    }
    %scan3A_9 = arith.constant 100 : i32
    %barrier3A_10 = arith.constant 0 : index
    tpu.barrier barrier_id(%barrier3A_10)
    "tpu.region"() ({
      %run_scoped3A = tpu.sem_alloc : memref<!tpu.dma_semaphore, #tpu.memory_space<semaphore_mem>>
      %dma_start3A = arith.constant 0 : i32
      %dma_start3A_11 = tpu.memref_slice %arg6[%arg0, %mul3A_2, %dma_start3A] : memref<2x100352x8xf32, #tpu.memory_space<hbm>> -> memref<1x6272x8xf32, #tpu.memory_space<hbm>>
      %dma_start3A_12 = tpu.memref_squeeze %dma_start3A_11 : memref<1x6272x8xf32, #tpu.memory_space<hbm>> -> memref<6272x8xf32, #tpu.memory_space<hbm>>
      %dma_start3A_13 = arith.constant 0 : i32
      %dma_start3A_14 = tpu.memref_slice %arg8[%mul3A_2, %dma_start3A_13] : memref<100352x8xf32, #tpu.memory_space<vmem_shared>> -> memref<6272x8xf32, #tpu.memory_space<vmem_shared>>
      tpu.enqueue_dma source(%dma_start3A_14 : memref<6272x8xf32, #tpu.memory_space<vmem_shared>>) target(%dma_start3A_12 : memref<6272x8xf32, #tpu.memory_space<hbm>>) target_semaphore(%run_scoped3A : memref<!tpu.dma_semaphore, #tpu.memory_space<semaphore_mem>>)
      %dma_wait3A = arith.constant 0 : i32
      %dma_wait3A_15 = tpu.memref_slice %arg6[%arg0, %mul3A_2, %dma_wait3A] : memref<2x100352x8xf32, #tpu.memory_space<hbm>> -> memref<1x6272x8xf32, #tpu.memory_space<hbm>>
      %dma_wait3A_16 = tpu.memref_squeeze %dma_wait3A_15 : memref<1x6272x8xf32, #tpu.memory_space<hbm>> -> memref<6272x8xf32, #tpu.memory_space<hbm>>
      %dma_wait3A_17 = arith.constant 0 : i32
      %dma_wait3A_18 = tpu.memref_slice %arg8[%mul3A_2, %dma_wait3A_17] : memref<100352x8xf32, #tpu.memory_space<vmem_shared>> -> memref<6272x8xf32, #tpu.memory_space<vmem_shared>>
      tpu.wait_dma2 semaphore(%run_scoped3A : memref<!tpu.dma_semaphore, #tpu.memory_space<semaphore_mem>>) src(%dma_wait3A_18 : memref<6272x8xf32, #tpu.memory_space<vmem_shared>>) dst(%dma_wait3A_16 : memref<6272x8xf32, #tpu.memory_space<hbm>>)
      tpu.yield
    }) : () -> ()
    return
  }
}

#map = affine_map<(d0, d1) -> (0, 0, 0)>
#map1 = affine_map<(d0, d1) -> (0)>
#map2 = affine_map<(d0, d1) -> (0, 0)>
module attributes {stable_mosaic.version = 14 : i64} {
  func.func @_k6_body(%arg0: i32, %arg1: i32, %arg2: memref<2x100352x8xf32, #tpu.memory_space<hbm>>, %arg3: memref<100352xf32, #tpu.memory_space<hbm>>, %arg4: memref<100352x8xf32, #tpu.memory_space<hbm>>, %arg5: memref<48xf32, #tpu.memory_space<hbm>>, %arg6: memref<100352x8xf32, #tpu.memory_space<hbm>>, %arg7: memref<1024xf32, #tpu.memory_space<hbm>>, %arg8: memref<3136x8xf32, #tpu.memory_space<vmem>>, %arg9: memref<3136x8xf32, #tpu.memory_space<vmem>>, %arg10: memref<3136x8xf32, #tpu.memory_space<vmem>>, %arg11: memref<3136xf32, #tpu.memory_space<vmem>>, %arg12: memref<3136x8xf32, #tpu.memory_space<vmem>>, %arg13: memref<48xf32, #tpu.memory_space<vmem>>, %arg14: memref<32xf32, #tpu.memory_space<vmem>>, %arg15: memref<16xf32, #tpu.memory_space<vmem>>) attributes {dimension_semantics = [#tpu.dimension_semantics<core_parallel>, #tpu.dimension_semantics<subcore_parallel>], iteration_bounds = array<i64: 2, 16>, scalar_prefetch = 0 : i64, scratch_operands = 8 : i64, tpu.core_type = #tpu.core_type<sc_vector_subcore>, window_params = [{transform_indices = #map}, {transform_indices = #map1}, {transform_indices = #map2}, {transform_indices = #map1}, {transform_indices = #map2}, {transform_indices = #map1}]} {
    %mul3A = arith.constant 2 : i32
    %mul3A_0 = arith.muli %arg1, %mul3A : i32
    %add3A = arith.addi %mul3A_0, %arg0 : i32
    %mul3A_1 = arith.constant 3136 : i32
    %mul3A_2 = arith.muli %add3A, %mul3A_1 : i32
    %eq3A = arith.constant 31 : i32
    %eq3A_3 = arith.cmpi eq, %add3A, %eq3A : i32
    %select_n3A = arith.constant 1568 : i32
    %select_n3A_4 = arith.constant 1392 : i32
    %select_n3A_5 = arith.select %eq3A_3, %select_n3A_4, %select_n3A : i32
    "tpu.region"() ({
      %run_scoped3A_69 = tpu.sem_alloc : memref<!tpu.dma_semaphore, #tpu.memory_space<semaphore_mem>>
      tpu.enqueue_dma source(%arg5 : memref<48xf32, #tpu.memory_space<hbm>>) target(%arg13 : memref<48xf32, #tpu.memory_space<vmem>>) target_semaphore(%run_scoped3A_69 : memref<!tpu.dma_semaphore, #tpu.memory_space<semaphore_mem>>)
      tpu.wait_dma2 semaphore(%run_scoped3A_69 : memref<!tpu.dma_semaphore, #tpu.memory_space<semaphore_mem>>) src(%arg5 : memref<48xf32, #tpu.memory_space<hbm>>) dst(%arg13 : memref<48xf32, #tpu.memory_space<vmem>>)
      tpu.yield
    }) : () -> ()
    %run_scoped3A = arith.constant 0 : i32
    "tpu.region"() ({
      %run_scoped3A_69 = tpu.sem_alloc : memref<!tpu.dma_semaphore, #tpu.memory_space<semaphore_mem>>
      %dma_start3A = arith.constant 0 : i32
      %dma_start3A_70 = tpu.memref_slice %arg2[%run_scoped3A, %mul3A_2, %dma_start3A] : memref<2x100352x8xf32, #tpu.memory_space<hbm>> -> memref<1x3136x8xf32, #tpu.memory_space<hbm>>
      %dma_start3A_71 = tpu.memref_squeeze %dma_start3A_70 : memref<1x3136x8xf32, #tpu.memory_space<hbm>> -> memref<3136x8xf32, #tpu.memory_space<hbm>>
      %dma_start3A_72 = arith.constant 0 : i32
      %dma_start3A_73 = tpu.memref_slice %arg2[%run_scoped3A, %mul3A_2, %dma_start3A_72] : memref<2x100352x8xf32, #tpu.memory_space<hbm>> -> memref<1x3136x8xf32, #tpu.memory_space<hbm>>
      %dma_start3A_74 = tpu.memref_squeeze %dma_start3A_73 : memref<1x3136x8xf32, #tpu.memory_space<hbm>> -> memref<3136x8xf32, #tpu.memory_space<hbm>>
      tpu.enqueue_dma source(%dma_start3A_74 : memref<3136x8xf32, #tpu.memory_space<hbm>>) target(%arg8 : memref<3136x8xf32, #tpu.memory_space<vmem>>) target_semaphore(%run_scoped3A_69 : memref<!tpu.dma_semaphore, #tpu.memory_space<semaphore_mem>>)
      %dma_wait3A = arith.constant 0 : i32
      %dma_wait3A_75 = tpu.memref_slice %arg2[%run_scoped3A, %mul3A_2, %dma_wait3A] : memref<2x100352x8xf32, #tpu.memory_space<hbm>> -> memref<1x3136x8xf32, #tpu.memory_space<hbm>>
      %dma_wait3A_76 = tpu.memref_squeeze %dma_wait3A_75 : memref<1x3136x8xf32, #tpu.memory_space<hbm>> -> memref<3136x8xf32, #tpu.memory_space<hbm>>
      %dma_wait3A_77 = arith.constant 0 : i32
      %dma_wait3A_78 = tpu.memref_slice %arg2[%run_scoped3A, %mul3A_2, %dma_wait3A_77] : memref<2x100352x8xf32, #tpu.memory_space<hbm>> -> memref<1x3136x8xf32, #tpu.memory_space<hbm>>
      %dma_wait3A_79 = tpu.memref_squeeze %dma_wait3A_78 : memref<1x3136x8xf32, #tpu.memory_space<hbm>> -> memref<3136x8xf32, #tpu.memory_space<hbm>>
      tpu.wait_dma2 semaphore(%run_scoped3A_69 : memref<!tpu.dma_semaphore, #tpu.memory_space<semaphore_mem>>) src(%dma_wait3A_79 : memref<3136x8xf32, #tpu.memory_space<hbm>>) dst(%arg8 : memref<3136x8xf32, #tpu.memory_space<vmem>>)
      tpu.yield
    }) : () -> ()
    %run_scoped3A_6 = arith.constant 1 : i32
    "tpu.region"() ({
      %run_scoped3A_69 = tpu.sem_alloc : memref<!tpu.dma_semaphore, #tpu.memory_space<semaphore_mem>>
      %dma_start3A = arith.constant 0 : i32
      %dma_start3A_70 = tpu.memref_slice %arg2[%run_scoped3A_6, %mul3A_2, %dma_start3A] : memref<2x100352x8xf32, #tpu.memory_space<hbm>> -> memref<1x3136x8xf32, #tpu.memory_space<hbm>>
      %dma_start3A_71 = tpu.memref_squeeze %dma_start3A_70 : memref<1x3136x8xf32, #tpu.memory_space<hbm>> -> memref<3136x8xf32, #tpu.memory_space<hbm>>
      %dma_start3A_72 = arith.constant 0 : i32
      %dma_start3A_73 = tpu.memref_slice %arg2[%run_scoped3A_6, %mul3A_2, %dma_start3A_72] : memref<2x100352x8xf32, #tpu.memory_space<hbm>> -> memref<1x3136x8xf32, #tpu.memory_space<hbm>>
      %dma_start3A_74 = tpu.memref_squeeze %dma_start3A_73 : memref<1x3136x8xf32, #tpu.memory_space<hbm>> -> memref<3136x8xf32, #tpu.memory_space<hbm>>
      tpu.enqueue_dma source(%dma_start3A_74 : memref<3136x8xf32, #tpu.memory_space<hbm>>) target(%arg9 : memref<3136x8xf32, #tpu.memory_space<vmem>>) target_semaphore(%run_scoped3A_69 : memref<!tpu.dma_semaphore, #tpu.memory_space<semaphore_mem>>)
      %dma_wait3A = arith.constant 0 : i32
      %dma_wait3A_75 = tpu.memref_slice %arg2[%run_scoped3A_6, %mul3A_2, %dma_wait3A] : memref<2x100352x8xf32, #tpu.memory_space<hbm>> -> memref<1x3136x8xf32, #tpu.memory_space<hbm>>
      %dma_wait3A_76 = tpu.memref_squeeze %dma_wait3A_75 : memref<1x3136x8xf32, #tpu.memory_space<hbm>> -> memref<3136x8xf32, #tpu.memory_space<hbm>>
      %dma_wait3A_77 = arith.constant 0 : i32
      %dma_wait3A_78 = tpu.memref_slice %arg2[%run_scoped3A_6, %mul3A_2, %dma_wait3A_77] : memref<2x100352x8xf32, #tpu.memory_space<hbm>> -> memref<1x3136x8xf32, #tpu.memory_space<hbm>>
      %dma_wait3A_79 = tpu.memref_squeeze %dma_wait3A_78 : memref<1x3136x8xf32, #tpu.memory_space<hbm>> -> memref<3136x8xf32, #tpu.memory_space<hbm>>
      tpu.wait_dma2 semaphore(%run_scoped3A_69 : memref<!tpu.dma_semaphore, #tpu.memory_space<semaphore_mem>>) src(%dma_wait3A_79 : memref<3136x8xf32, #tpu.memory_space<hbm>>) dst(%arg9 : memref<3136x8xf32, #tpu.memory_space<vmem>>)
      tpu.yield
    }) : () -> ()
    "tpu.region"() ({
      %run_scoped3A_69 = tpu.sem_alloc : memref<!tpu.dma_semaphore, #tpu.memory_space<semaphore_mem>>
      %dma_start3A = arith.constant 0 : i32
      %dma_start3A_70 = tpu.memref_slice %arg4[%mul3A_2, %dma_start3A] : memref<100352x8xf32, #tpu.memory_space<hbm>> -> memref<3136x8xf32, #tpu.memory_space<hbm>>
      %dma_start3A_71 = arith.constant 0 : i32
      %dma_start3A_72 = tpu.memref_slice %arg4[%mul3A_2, %dma_start3A_71] : memref<100352x8xf32, #tpu.memory_space<hbm>> -> memref<3136x8xf32, #tpu.memory_space<hbm>>
      tpu.enqueue_dma source(%dma_start3A_72 : memref<3136x8xf32, #tpu.memory_space<hbm>>) target(%arg10 : memref<3136x8xf32, #tpu.memory_space<vmem>>) target_semaphore(%run_scoped3A_69 : memref<!tpu.dma_semaphore, #tpu.memory_space<semaphore_mem>>)
      %dma_wait3A = arith.constant 0 : i32
      %dma_wait3A_73 = tpu.memref_slice %arg4[%mul3A_2, %dma_wait3A] : memref<100352x8xf32, #tpu.memory_space<hbm>> -> memref<3136x8xf32, #tpu.memory_space<hbm>>
      %dma_wait3A_74 = arith.constant 0 : i32
      %dma_wait3A_75 = tpu.memref_slice %arg4[%mul3A_2, %dma_wait3A_74] : memref<100352x8xf32, #tpu.memory_space<hbm>> -> memref<3136x8xf32, #tpu.memory_space<hbm>>
      tpu.wait_dma2 semaphore(%run_scoped3A_69 : memref<!tpu.dma_semaphore, #tpu.memory_space<semaphore_mem>>) src(%dma_wait3A_75 : memref<3136x8xf32, #tpu.memory_space<hbm>>) dst(%arg10 : memref<3136x8xf32, #tpu.memory_space<vmem>>)
      tpu.yield
    }) : () -> ()
    "tpu.region"() ({
      %run_scoped3A_69 = tpu.sem_alloc : memref<!tpu.dma_semaphore, #tpu.memory_space<semaphore_mem>>
      %dma_start3A = tpu.memref_slice %arg3[%mul3A_2] : memref<100352xf32, #tpu.memory_space<hbm>> -> memref<3136xf32, #tpu.memory_space<hbm>>
      %dma_start3A_70 = tpu.memref_slice %arg3[%mul3A_2] : memref<100352xf32, #tpu.memory_space<hbm>> -> memref<3136xf32, #tpu.memory_space<hbm>>
      tpu.enqueue_dma source(%dma_start3A_70 : memref<3136xf32, #tpu.memory_space<hbm>>) target(%arg11 : memref<3136xf32, #tpu.memory_space<vmem>>) target_semaphore(%run_scoped3A_69 : memref<!tpu.dma_semaphore, #tpu.memory_space<semaphore_mem>>)
      %dma_wait3A = tpu.memref_slice %arg3[%mul3A_2] : memref<100352xf32, #tpu.memory_space<hbm>> -> memref<3136xf32, #tpu.memory_space<hbm>>
      %dma_wait3A_71 = tpu.memref_slice %arg3[%mul3A_2] : memref<100352xf32, #tpu.memory_space<hbm>> -> memref<3136xf32, #tpu.memory_space<hbm>>
      tpu.wait_dma2 semaphore(%run_scoped3A_69 : memref<!tpu.dma_semaphore, #tpu.memory_space<semaphore_mem>>) src(%dma_wait3A_71 : memref<3136xf32, #tpu.memory_space<hbm>>) dst(%arg11 : memref<3136xf32, #tpu.memory_space<vmem>>)
      tpu.yield
    }) : () -> ()
    %iota3A = tpu.iota {dimensions = array<i32: 0>} : vector<16xi32>
    %and3A = arith.constant 7 : i32
    %and3A_7 = vector.broadcast %and3A : i32 to vector<16xi32>
    %and3A_8 = arith.andi %iota3A, %and3A_7 : vector<16xi32>
    %add3A_9 = arith.constant 40 : i32
    %add3A_10 = vector.broadcast %add3A_9 : i32 to vector<16xi32>
    %add3A_11 = arith.addi %add3A_10, %and3A_8 : vector<16xi32>
    %gather3A = tpu.vector_load_idx %arg13[%add3A_11] : memref<48xf32, #tpu.memory_space<vmem>>[vector<16xi32>], vector<16xf32>,
    %broadcast_in_dim3A = arith.constant -1.000000e+30 : f32
    %broadcast_in_dim3A_12 = vector.broadcast %broadcast_in_dim3A : f32 to vector<16xf32>
    %while3A = arith.constant 0 : i32
    %while3A_13 = arith.subi %select_n3A_5, %while3A : i32
    %while3A_14 = arith.addi %while3A, %while3A_13 : i32
    %while3A_15 = arith.constant 1 : i32
    %while3A_16 = arith.divsi %while3A_13, %while3A_15 : i32
    %while3A_17 = arith.muli %while3A_16, %while3A_15 : i32
    %while3A_18 = arith.addi %while3A, %while3A_17 : i32
    %while3A_19 = arith.constant 1 : i32
    %while3A_20 = scf.for %while3A_69 = %while3A to %while3A_18 step %while3A_19 iter_args(%while3A_70 = %broadcast_in_dim3A_12) -> (vector<16xf32>)  : i32 {
      %mul3A_71 = arith.constant 2 : i32
      %mul3A_72 = arith.muli %mul3A_71, %while3A_69 : i32
      %shift_right_arithmetic3A = arith.constant 3 : i32
      %shift_right_arithmetic3A_73 = vector.broadcast %shift_right_arithmetic3A : i32 to vector<16xi32>
      %shift_right_arithmetic3A_74 = arith.shrsi %iota3A, %shift_right_arithmetic3A_73 : vector<16xi32>
      %add3A_75 = vector.broadcast %mul3A_72 : i32 to vector<16xi32>
      %add3A_76 = arith.addi %add3A_75, %shift_right_arithmetic3A_74 : vector<16xi32>
      %and3A_77 = arith.constant 7 : i32
      %and3A_78 = vector.broadcast %and3A_77 : i32 to vector<16xi32>
      %and3A_79 = arith.andi %iota3A, %and3A_78 : vector<16xi32>
      %gather3A_80 = tpu.vector_load_idx %arg8[%add3A_76, %and3A_79] : memref<3136x8xf32, #tpu.memory_space<vmem>>[vector<16xi32>, vector<16xi32>], vector<16xf32>,
      %gather3A_81 = tpu.vector_load_idx %arg9[%add3A_76, %and3A_79] : memref<3136x8xf32, #tpu.memory_space<vmem>>[vector<16xi32>, vector<16xi32>], vector<16xf32>,
      %add3A_82 = arith.addf %gather3A_80, %gather3A_81 : vector<16xf32>
      %gather3A_83 = tpu.vector_load_idx %arg10[%add3A_76, %and3A_79] : memref<3136x8xf32, #tpu.memory_space<vmem>>[vector<16xi32>, vector<16xi32>], vector<16xf32>,
      %add3A_84 = arith.addf %add3A_82, %gather3A_83 : vector<16xf32>
      %gather3A_85 = tpu.vector_load_idx %arg11[%add3A_76] : memref<3136xf32, #tpu.memory_space<vmem>>[vector<16xi32>], vector<16xf32>,
      %mul3A_86 = arith.mulf %gather3A_85, %add3A_84 : vector<16xf32>
      %add3A_87 = arith.addf %mul3A_86, %gather3A : vector<16xf32>
      tpu.vector_store_idx %arg12[%add3A_76, %and3A_79], %add3A_87 : memref<3136x8xf32, #tpu.memory_space<vmem>>[vector<16xi32>, vector<16xi32>], vector<16xf32>,
      %max3A_88 = arith.maximumf %while3A_70, %add3A_87 : vector<16xf32>
      scf.yield %max3A_88 : vector<16xf32>
    }
    %while3A_21 = arith.constant 1 : i32
    %while3A_22 = scf.for %while3A_69 = %while3A_18 to %while3A_14 step %while3A_21 iter_args(%while3A_70 = %while3A_20) -> (vector<16xf32>)  : i32 {
      %mul3A_71 = arith.constant 2 : i32
      %mul3A_72 = arith.muli %mul3A_71, %while3A_69 : i32
      %shift_right_arithmetic3A = arith.constant 3 : i32
      %shift_right_arithmetic3A_73 = vector.broadcast %shift_right_arithmetic3A : i32 to vector<16xi32>
      %shift_right_arithmetic3A_74 = arith.shrsi %iota3A, %shift_right_arithmetic3A_73 : vector<16xi32>
      %add3A_75 = vector.broadcast %mul3A_72 : i32 to vector<16xi32>
      %add3A_76 = arith.addi %add3A_75, %shift_right_arithmetic3A_74 : vector<16xi32>
      %and3A_77 = arith.constant 7 : i32
      %and3A_78 = vector.broadcast %and3A_77 : i32 to vector<16xi32>
      %and3A_79 = arith.andi %iota3A, %and3A_78 : vector<16xi32>
      %gather3A_80 = tpu.vector_load_idx %arg8[%add3A_76, %and3A_79] : memref<3136x8xf32, #tpu.memory_space<vmem>>[vector<16xi32>, vector<16xi32>], vector<16xf32>,
      %gather3A_81 = tpu.vector_load_idx %arg9[%add3A_76, %and3A_79] : memref<3136x8xf32, #tpu.memory_space<vmem>>[vector<16xi32>, vector<16xi32>], vector<16xf32>,
      %add3A_82 = arith.addf %gather3A_80, %gather3A_81 : vector<16xf32>
      %gather3A_83 = tpu.vector_load_idx %arg10[%add3A_76, %and3A_79] : memref<3136x8xf32, #tpu.memory_space<vmem>>[vector<16xi32>, vector<16xi32>], vector<16xf32>,
      %add3A_84 = arith.addf %add3A_82, %gather3A_83 : vector<16xf32>
      %gather3A_85 = tpu.vector_load_idx %arg11[%add3A_76] : memref<3136xf32, #tpu.memory_space<vmem>>[vector<16xi32>], vector<16xf32>,
      %mul3A_86 = arith.mulf %gather3A_85, %add3A_84 : vector<16xf32>
      %add3A_87 = arith.addf %mul3A_86, %gather3A : vector<16xf32>
      tpu.vector_store_idx %arg12[%add3A_76, %and3A_79], %add3A_87 : memref<3136x8xf32, #tpu.memory_space<vmem>>[vector<16xi32>, vector<16xi32>], vector<16xf32>,
      %max3A_88 = arith.maximumf %while3A_70, %add3A_87 : vector<16xf32>
      scf.yield %max3A_88 : vector<16xf32>
    }
    %swap3A = arith.constant 0 : index
    %swap3A_23 = tpu.vector_load %arg15[%swap3A] {strides = array<i32>} : memref<16xf32, #tpu.memory_space<vmem>>, vector<16xf32>,
    tpu.vector_store %arg15[%swap3A], %while3A_22 {strides = array<i32>} : memref<16xf32, #tpu.memory_space<vmem>>, vector<16xf32>,
    %add3A_24 = arith.constant 8 : i32
    %add3A_25 = vector.broadcast %add3A_24 : i32 to vector<16xi32>
    %add3A_26 = arith.addi %iota3A, %add3A_25 : vector<16xi32>
    %and3A_27 = arith.constant 15 : i32
    %and3A_28 = vector.broadcast %and3A_27 : i32 to vector<16xi32>
    %and3A_29 = arith.andi %add3A_26, %and3A_28 : vector<16xi32>
    %gather3A_30 = tpu.vector_load_idx %arg15[%and3A_29] : memref<16xf32, #tpu.memory_space<vmem>>[vector<16xi32>], vector<16xf32>,
    %max3A = arith.maximumf %while3A_22, %gather3A_30 : vector<16xf32>
    %broadcast_in_dim3A_31 = arith.constant 0.000000e+00 : f32
    %broadcast_in_dim3A_32 = vector.broadcast %broadcast_in_dim3A_31 : f32 to vector<16xf32>
    %while3A_33 = arith.constant 0 : i32
    %while3A_34 = arith.subi %select_n3A_5, %while3A_33 : i32
    %while3A_35 = arith.addi %while3A_33, %while3A_34 : i32
    %while3A_36 = arith.constant 1 : i32
    %while3A_37 = arith.divsi %while3A_34, %while3A_36 : i32
    %while3A_38 = arith.muli %while3A_37, %while3A_36 : i32
    %while3A_39 = arith.addi %while3A_33, %while3A_38 : i32
    %while3A_40 = arith.constant 1 : i32
    %while3A_41 = scf.for %while3A_69 = %while3A_33 to %while3A_39 step %while3A_40 iter_args(%while3A_70 = %broadcast_in_dim3A_32) -> (vector<16xf32>)  : i32 {
      %mul3A_71 = arith.constant 2 : i32
      %mul3A_72 = arith.muli %mul3A_71, %while3A_69 : i32
      %shift_right_arithmetic3A = arith.constant 3 : i32
      %shift_right_arithmetic3A_73 = vector.broadcast %shift_right_arithmetic3A : i32 to vector<16xi32>
      %shift_right_arithmetic3A_74 = arith.shrsi %iota3A, %shift_right_arithmetic3A_73 : vector<16xi32>
      %add3A_75 = vector.broadcast %mul3A_72 : i32 to vector<16xi32>
      %add3A_76 = arith.addi %add3A_75, %shift_right_arithmetic3A_74 : vector<16xi32>
      %and3A_77 = arith.constant 7 : i32
      %and3A_78 = vector.broadcast %and3A_77 : i32 to vector<16xi32>
      %and3A_79 = arith.andi %iota3A, %and3A_78 : vector<16xi32>
      %gather3A_80 = tpu.vector_load_idx %arg12[%add3A_76, %and3A_79] : memref<3136x8xf32, #tpu.memory_space<vmem>>[vector<16xi32>, vector<16xi32>], vector<16xf32>,
      %sub3A = arith.subf %gather3A_80, %max3A : vector<16xf32>
      %exp3A = math.exp %sub3A : vector<16xf32>
      %add3A_81 = arith.addf %while3A_70, %exp3A : vector<16xf32>
      scf.yield %add3A_81 : vector<16xf32>
    }
    %while3A_42 = arith.constant 1 : i32
    %while3A_43 = scf.for %while3A_69 = %while3A_39 to %while3A_35 step %while3A_42 iter_args(%while3A_70 = %while3A_41) -> (vector<16xf32>)  : i32 {
      %mul3A_71 = arith.constant 2 : i32
      %mul3A_72 = arith.muli %mul3A_71, %while3A_69 : i32
      %shift_right_arithmetic3A = arith.constant 3 : i32
      %shift_right_arithmetic3A_73 = vector.broadcast %shift_right_arithmetic3A : i32 to vector<16xi32>
      %shift_right_arithmetic3A_74 = arith.shrsi %iota3A, %shift_right_arithmetic3A_73 : vector<16xi32>
      %add3A_75 = vector.broadcast %mul3A_72 : i32 to vector<16xi32>
      %add3A_76 = arith.addi %add3A_75, %shift_right_arithmetic3A_74 : vector<16xi32>
      %and3A_77 = arith.constant 7 : i32
      %and3A_78 = vector.broadcast %and3A_77 : i32 to vector<16xi32>
      %and3A_79 = arith.andi %iota3A, %and3A_78 : vector<16xi32>
      %gather3A_80 = tpu.vector_load_idx %arg12[%add3A_76, %and3A_79] : memref<3136x8xf32, #tpu.memory_space<vmem>>[vector<16xi32>, vector<16xi32>], vector<16xf32>,
      %sub3A = arith.subf %gather3A_80, %max3A : vector<16xf32>
      %exp3A = math.exp %sub3A : vector<16xf32>
      %add3A_81 = arith.addf %while3A_70, %exp3A : vector<16xf32>
      scf.yield %add3A_81 : vector<16xf32>
    }
    %swap3A_44 = arith.constant 0 : index
    %swap3A_45 = tpu.vector_load %arg15[%swap3A_44] {strides = array<i32>} : memref<16xf32, #tpu.memory_space<vmem>>, vector<16xf32>,
    tpu.vector_store %arg15[%swap3A_44], %while3A_43 {strides = array<i32>} : memref<16xf32, #tpu.memory_space<vmem>>, vector<16xf32>,
    %add3A_46 = arith.constant 8 : i32
    %add3A_47 = vector.broadcast %add3A_46 : i32 to vector<16xi32>
    %add3A_48 = arith.addi %iota3A, %add3A_47 : vector<16xi32>
    %and3A_49 = arith.constant 15 : i32
    %and3A_50 = vector.broadcast %and3A_49 : i32 to vector<16xi32>
    %and3A_51 = arith.andi %add3A_48, %and3A_50 : vector<16xi32>
    %gather3A_52 = tpu.vector_load_idx %arg15[%and3A_51] : memref<16xf32, #tpu.memory_space<vmem>>[vector<16xi32>], vector<16xf32>,
    %add3A_53 = arith.addf %while3A_43, %gather3A_52 : vector<16xf32>
    %swap3A_54 = arith.constant 0 : index
    %swap3A_55 = tpu.vector_load %arg14[%swap3A_54] {strides = array<i32>} : memref<32xf32, #tpu.memory_space<vmem>>, vector<16xf32>,
    tpu.vector_store %arg14[%swap3A_54], %max3A {strides = array<i32>} : memref<32xf32, #tpu.memory_space<vmem>>, vector<16xf32>,
    %swap3A_56 = arith.constant 16 : index
    %swap3A_57 = tpu.vector_load %arg14[%swap3A_56] {strides = array<i32>} : memref<32xf32, #tpu.memory_space<vmem>>, vector<16xf32>,
    tpu.vector_store %arg14[%swap3A_56], %add3A_53 {strides = array<i32>} : memref<32xf32, #tpu.memory_space<vmem>>, vector<16xf32>,
    %mul3A_58 = arith.constant 2 : i32
    %mul3A_59 = arith.muli %add3A, %mul3A_58 : i32
    %mul3A_60 = arith.constant 16 : i32
    %mul3A_61 = arith.muli %mul3A_59, %mul3A_60 : i32
    "tpu.region"() ({
      %run_scoped3A_69 = tpu.sem_alloc : memref<!tpu.dma_semaphore, #tpu.memory_space<semaphore_mem>>
      %dma_start3A = tpu.memref_slice %arg7[%mul3A_61] : memref<1024xf32, #tpu.memory_space<hbm>> -> memref<32xf32, #tpu.memory_space<hbm>>
      %dma_start3A_70 = tpu.memref_slice %arg7[%mul3A_61] : memref<1024xf32, #tpu.memory_space<hbm>> -> memref<32xf32, #tpu.memory_space<hbm>>
      tpu.enqueue_dma source(%arg14 : memref<32xf32, #tpu.memory_space<vmem>>) target(%dma_start3A_70 : memref<32xf32, #tpu.memory_space<hbm>>) target_semaphore(%run_scoped3A_69 : memref<!tpu.dma_semaphore, #tpu.memory_space<semaphore_mem>>)
      %dma_wait3A = tpu.memref_slice %arg7[%mul3A_61] : memref<1024xf32, #tpu.memory_space<hbm>> -> memref<32xf32, #tpu.memory_space<hbm>>
      %dma_wait3A_71 = tpu.memref_slice %arg7[%mul3A_61] : memref<1024xf32, #tpu.memory_space<hbm>> -> memref<32xf32, #tpu.memory_space<hbm>>
      tpu.wait_dma2 semaphore(%run_scoped3A_69 : memref<!tpu.dma_semaphore, #tpu.memory_space<semaphore_mem>>) src(%arg14 : memref<32xf32, #tpu.memory_space<vmem>>) dst(%dma_wait3A_71 : memref<32xf32, #tpu.memory_space<hbm>>)
      tpu.yield
    }) : () -> ()
    %lt3A = arith.constant 31 : i32
    %lt3A_62 = arith.cmpi slt, %add3A, %lt3A : i32
    %convert_element_type3A = arith.extui %lt3A_62 : i1 to i32
    %cond3A = arith.constant 0 : i32
    %cond3A_63 = arith.cmpi ne, %convert_element_type3A, %cond3A : i32
    scf.if %cond3A_63 {
      "tpu.region"() ({
        %run_scoped3A_69 = tpu.sem_alloc : memref<!tpu.dma_semaphore, #tpu.memory_space<semaphore_mem>>
        %dma_start3A = arith.constant 0 : i32
        %dma_start3A_70 = tpu.memref_slice %arg6[%mul3A_2, %dma_start3A] : memref<100352x8xf32, #tpu.memory_space<hbm>> -> memref<3136x8xf32, #tpu.memory_space<hbm>>
        %dma_start3A_71 = arith.constant 0 : i32
        %dma_start3A_72 = tpu.memref_slice %arg6[%mul3A_2, %dma_start3A_71] : memref<100352x8xf32, #tpu.memory_space<hbm>> -> memref<3136x8xf32, #tpu.memory_space<hbm>>
        tpu.enqueue_dma source(%arg12 : memref<3136x8xf32, #tpu.memory_space<vmem>>) target(%dma_start3A_72 : memref<3136x8xf32, #tpu.memory_space<hbm>>) target_semaphore(%run_scoped3A_69 : memref<!tpu.dma_semaphore, #tpu.memory_space<semaphore_mem>>)
        %dma_wait3A = arith.constant 0 : i32
        %dma_wait3A_73 = tpu.memref_slice %arg6[%mul3A_2, %dma_wait3A] : memref<100352x8xf32, #tpu.memory_space<hbm>> -> memref<3136x8xf32, #tpu.memory_space<hbm>>
        %dma_wait3A_74 = arith.constant 0 : i32
        %dma_wait3A_75 = tpu.memref_slice %arg6[%mul3A_2, %dma_wait3A_74] : memref<100352x8xf32, #tpu.memory_space<hbm>> -> memref<3136x8xf32, #tpu.memory_space<hbm>>
        tpu.wait_dma2 semaphore(%run_scoped3A_69 : memref<!tpu.dma_semaphore, #tpu.memory_space<semaphore_mem>>) src(%arg12 : memref<3136x8xf32, #tpu.memory_space<vmem>>) dst(%dma_wait3A_75 : memref<3136x8xf32, #tpu.memory_space<hbm>>)
        tpu.yield
      }) : () -> ()
    } else {
    }
    %eq3A_64 = arith.constant 31 : i32
    %eq3A_65 = arith.cmpi eq, %add3A, %eq3A_64 : i32
    %convert_element_type3A_66 = arith.extui %eq3A_65 : i1 to i32
    %cond3A_67 = arith.constant 0 : i32
    %cond3A_68 = arith.cmpi ne, %convert_element_type3A_66, %cond3A_67 : i32
    scf.if %cond3A_68 {
      "tpu.region"() ({
        %run_scoped3A_69 = tpu.sem_alloc : memref<!tpu.dma_semaphore, #tpu.memory_space<semaphore_mem>>
        %dma_start3A = arith.constant 0 : i32
        %dma_start3A_70 = arith.constant 0 : i32
        %dma_start3A_71 = tpu.memref_slice %arg12[%dma_start3A, %dma_start3A_70] : memref<3136x8xf32, #tpu.memory_space<vmem>> -> memref<2784x8xf32, #tpu.memory_space<vmem>>
        %dma_start3A_72 = arith.constant 0 : i32
        %dma_start3A_73 = tpu.memref_slice %arg6[%mul3A_2, %dma_start3A_72] : memref<100352x8xf32, #tpu.memory_space<hbm>> -> memref<2784x8xf32, #tpu.memory_space<hbm>>
        %dma_start3A_74 = arith.constant 0 : i32
        %dma_start3A_75 = tpu.memref_slice %arg6[%mul3A_2, %dma_start3A_74] : memref<100352x8xf32, #tpu.memory_space<hbm>> -> memref<2784x8xf32, #tpu.memory_space<hbm>>
        %dma_start3A_76 = arith.constant 0 : i32
        %dma_start3A_77 = arith.constant 0 : i32
        %dma_start3A_78 = tpu.memref_slice %arg12[%dma_start3A_76, %dma_start3A_77] : memref<3136x8xf32, #tpu.memory_space<vmem>> -> memref<2784x8xf32, #tpu.memory_space<vmem>>
        tpu.enqueue_dma source(%dma_start3A_78 : memref<2784x8xf32, #tpu.memory_space<vmem>>) target(%dma_start3A_75 : memref<2784x8xf32, #tpu.memory_space<hbm>>) target_semaphore(%run_scoped3A_69 : memref<!tpu.dma_semaphore, #tpu.memory_space<semaphore_mem>>)
        %dma_wait3A = arith.constant 0 : i32
        %dma_wait3A_79 = arith.constant 0 : i32
        %dma_wait3A_80 = tpu.memref_slice %arg12[%dma_wait3A, %dma_wait3A_79] : memref<3136x8xf32, #tpu.memory_space<vmem>> -> memref<2784x8xf32, #tpu.memory_space<vmem>>
        %dma_wait3A_81 = arith.constant 0 : i32
        %dma_wait3A_82 = tpu.memref_slice %arg6[%mul3A_2, %dma_wait3A_81] : memref<100352x8xf32, #tpu.memory_space<hbm>> -> memref<2784x8xf32, #tpu.memory_space<hbm>>
        %dma_wait3A_83 = arith.constant 0 : i32
        %dma_wait3A_84 = tpu.memref_slice %arg6[%mul3A_2, %dma_wait3A_83] : memref<100352x8xf32, #tpu.memory_space<hbm>> -> memref<2784x8xf32, #tpu.memory_space<hbm>>
        %dma_wait3A_85 = arith.constant 0 : i32
        %dma_wait3A_86 = arith.constant 0 : i32
        %dma_wait3A_87 = tpu.memref_slice %arg12[%dma_wait3A_85, %dma_wait3A_86] : memref<3136x8xf32, #tpu.memory_space<vmem>> -> memref<2784x8xf32, #tpu.memory_space<vmem>>
        tpu.wait_dma2 semaphore(%run_scoped3A_69 : memref<!tpu.dma_semaphore, #tpu.memory_space<semaphore_mem>>) src(%dma_wait3A_87 : memref<2784x8xf32, #tpu.memory_space<vmem>>) dst(%dma_wait3A_84 : memref<2784x8xf32, #tpu.memory_space<hbm>>)
        tpu.yield
      }) : () -> ()
    } else {
    }
    return
  }
}

#map = affine_map<(d0, d1) -> (0, 0)>
#map1 = affine_map<(d0, d1) -> (0)>
module attributes {stable_mosaic.version = 14 : i64} {
  func.func @_k7_body(%arg0: i32, %arg1: i32, %arg2: memref<100352x8xf32, #tpu.memory_space<hbm>>, %arg3: memref<1024xf32, #tpu.memory_space<hbm>>, %arg4: memref<100000x8xf32, #tpu.memory_space<hbm>>, %arg5: memref<3136x8xf32, #tpu.memory_space<vmem>>, %arg6: memref<1024xf32, #tpu.memory_space<vmem>>) attributes {dimension_semantics = [#tpu.dimension_semantics<core_parallel>, #tpu.dimension_semantics<subcore_parallel>], iteration_bounds = array<i64: 2, 16>, scalar_prefetch = 0 : i64, scratch_operands = 2 : i64, tpu.core_type = #tpu.core_type<sc_vector_subcore>, window_params = [{transform_indices = #map}, {transform_indices = #map1}, {transform_indices = #map}]} {
    %mul3A = arith.constant 2 : i32
    %mul3A_0 = arith.muli %arg1, %mul3A : i32
    %add3A = arith.addi %mul3A_0, %arg0 : i32
    %mul3A_1 = arith.constant 3136 : i32
    %mul3A_2 = arith.muli %add3A, %mul3A_1 : i32
    %eq3A = arith.constant 31 : i32
    %eq3A_3 = arith.cmpi eq, %add3A, %eq3A : i32
    %select_n3A = arith.constant 3136 : i32
    %select_n3A_4 = arith.constant 2784 : i32
    %select_n3A_5 = arith.select %eq3A_3, %select_n3A_4, %select_n3A : i32
    %mul3A_6 = arith.constant 8 : i32
    %mul3A_7 = arith.muli %select_n3A_5, %mul3A_6 : i32
    %jit3A = arith.constant 16 : i32
    %div3A = arith.divsi %mul3A_7, %jit3A : i32
    %sign3A = arith.constant 0 : i32
    %sign3A_8 = arith.cmpi sgt, %mul3A_7, %sign3A : i32
    %sign3A_9 = arith.extui %sign3A_8 : i1 to i32
    %sign3A_10 = arith.constant 0 : i32
    %sign3A_11 = arith.cmpi slt, %mul3A_7, %sign3A_10 : i32
    %sign3A_12 = arith.extui %sign3A_11 : i1 to i32
    %sign3A_13 = arith.subi %sign3A_9, %sign3A_12 : i32
    %sign3A_14 = arith.constant 0 : i32
    %sign3A_15 = arith.cmpi sgt, %jit3A, %sign3A_14 : i32
    %sign3A_16 = arith.extui %sign3A_15 : i1 to i32
    %sign3A_17 = arith.constant 0 : i32
    %sign3A_18 = arith.cmpi slt, %jit3A, %sign3A_17 : i32
    %sign3A_19 = arith.extui %sign3A_18 : i1 to i32
    %sign3A_20 = arith.subi %sign3A_16, %sign3A_19 : i32
    %ne3A = arith.cmpi ne, %sign3A_13, %sign3A_20 : i32
    %rem3A = arith.remsi %mul3A_7, %jit3A : i32
    %ne3A_21 = arith.constant 0 : i32
    %ne3A_22 = arith.cmpi ne, %rem3A, %ne3A_21 : i32
    %and3A = arith.andi %ne3A, %ne3A_22 : i1
    %sub3A = arith.constant 1 : i32
    %sub3A_23 = arith.subi %div3A, %sub3A : i32
    %select_n3A_24 = arith.select %and3A, %sub3A_23, %div3A : i32
    "tpu.region"() ({
      %run_scoped3A = tpu.sem_alloc : memref<!tpu.dma_semaphore, #tpu.memory_space<semaphore_mem>>
      tpu.enqueue_dma source(%arg3 : memref<1024xf32, #tpu.memory_space<hbm>>) target(%arg6 : memref<1024xf32, #tpu.memory_space<vmem>>) target_semaphore(%run_scoped3A : memref<!tpu.dma_semaphore, #tpu.memory_space<semaphore_mem>>)
      tpu.wait_dma2 semaphore(%run_scoped3A : memref<!tpu.dma_semaphore, #tpu.memory_space<semaphore_mem>>) src(%arg3 : memref<1024xf32, #tpu.memory_space<hbm>>) dst(%arg6 : memref<1024xf32, #tpu.memory_space<vmem>>)
      tpu.yield
    }) : () -> ()
    %iota3A = tpu.iota {dimensions = array<i32: 0>} : vector<16xi32>
    %broadcast_in_dim3A = arith.constant -1.000000e+30 : f32
    %broadcast_in_dim3A_25 = vector.broadcast %broadcast_in_dim3A : f32 to vector<16xf32>
    %broadcast_in_dim3A_26 = arith.constant 0.000000e+00 : f32
    %broadcast_in_dim3A_27 = vector.broadcast %broadcast_in_dim3A_26 : f32 to vector<16xf32>
    %scan3A = arith.constant 0 : i32
    %scan3A_28 = arith.constant 32 : i32
    %scan3A_29 = arith.addi %scan3A, %scan3A_28 : i32
    %scan3A_30 = arith.constant 1 : i32
    %scan3A_31:2 = scf.for %scan3A_106 = %scan3A to %scan3A_29 step %scan3A_30 iter_args(%scan3A_107 = %broadcast_in_dim3A_25, %scan3A_108 = %broadcast_in_dim3A_27) -> (vector<16xf32>, vector<16xf32>)  : i32 {
      %mul3A_109 = arith.constant 2 : i32
      %mul3A_110 = arith.muli %scan3A_106, %mul3A_109 : i32
      %mul3A_111 = arith.constant 16 : i32
      %mul3A_112 = arith.muli %mul3A_110, %mul3A_111 : i32
      %get3A = arith.index_cast %mul3A_112 : i32 to index
      %get3A_113 = tpu.vector_load %arg6[%get3A] {strides = array<i32>} : memref<1024xf32, #tpu.memory_space<vmem>>, vector<16xf32>,
      %mul3A_114 = arith.constant 2 : i32
      %mul3A_115 = arith.muli %scan3A_106, %mul3A_114 : i32
      %mul3A_116 = arith.constant 16 : i32
      %mul3A_117 = arith.muli %mul3A_115, %mul3A_116 : i32
      %add3A_118 = arith.constant 16 : i32
      %add3A_119 = arith.addi %mul3A_117, %add3A_118 : i32
      %get3A_120 = arith.index_cast %add3A_119 : i32 to index
      %get3A_121 = tpu.vector_load %arg6[%get3A_120] {strides = array<i32>} : memref<1024xf32, #tpu.memory_space<vmem>>, vector<16xf32>,
      %max3A = arith.maximumf %scan3A_107, %get3A_113 : vector<16xf32>
      %sub3A_122 = arith.subf %scan3A_107, %max3A : vector<16xf32>
      %exp3A_123 = math.exp %sub3A_122 : vector<16xf32>
      %mul3A_124 = arith.mulf %scan3A_108, %exp3A_123 : vector<16xf32>
      %sub3A_125 = arith.subf %get3A_113, %max3A : vector<16xf32>
      %exp3A_126 = math.exp %sub3A_125 : vector<16xf32>
      %mul3A_127 = arith.mulf %get3A_121, %exp3A_126 : vector<16xf32>
      %add3A_128 = arith.addf %mul3A_124, %mul3A_127 : vector<16xf32>
      scf.yield %max3A, %add3A_128 : vector<16xf32>, vector<16xf32>
    }
    %scan3A_32 = arith.constant 32 : i32
    %bitcast3A = vector.bitcast %scan3A_31#1 : vector<16xf32> to vector<16xi32>
    %shift_right_logical3A = arith.constant 23 : i32
    %shift_right_logical3A_33 = vector.broadcast %shift_right_logical3A : i32 to vector<16xi32>
    %shift_right_logical3A_34 = arith.shrui %bitcast3A, %shift_right_logical3A_33 : vector<16xi32>
    %sub3A_35 = arith.constant 127 : i32
    %sub3A_36 = vector.broadcast %sub3A_35 : i32 to vector<16xi32>
    %sub3A_37 = arith.subi %shift_right_logical3A_34, %sub3A_36 : vector<16xi32>
    %convert_element_type3A = arith.sitofp %sub3A_37 : vector<16xi32> to vector<16xf32>
    %mul3A_38 = arith.constant 0.693147182 : f32
    %mul3A_39 = vector.broadcast %mul3A_38 : f32 to vector<16xf32>
    %mul3A_40 = arith.mulf %convert_element_type3A, %mul3A_39 : vector<16xf32>
    %add3A_41 = arith.constant 3.466000e-01 : f32
    %add3A_42 = vector.broadcast %add3A_41 : f32 to vector<16xf32>
    %add3A_43 = arith.addf %mul3A_40, %add3A_42 : vector<16xf32>
    %neg3A = arith.constant 0.000000e+00 : f32
    %neg3A_44 = vector.broadcast %neg3A : f32 to vector<16xf32>
    %neg3A_45 = arith.subf %neg3A_44, %add3A_43 : vector<16xf32>
    %exp3A = math.exp %neg3A_45 : vector<16xf32>
    %mul3A_46 = arith.mulf %scan3A_31#1, %exp3A : vector<16xf32>
    %add3A_47 = arith.addf %add3A_43, %mul3A_46 : vector<16xf32>
    %sub3A_48 = arith.constant 1.000000e+00 : f32
    %sub3A_49 = vector.broadcast %sub3A_48 : f32 to vector<16xf32>
    %sub3A_50 = arith.subf %add3A_47, %sub3A_49 : vector<16xf32>
    %neg3A_51 = arith.constant 0.000000e+00 : f32
    %neg3A_52 = vector.broadcast %neg3A_51 : f32 to vector<16xf32>
    %neg3A_53 = arith.subf %neg3A_52, %sub3A_50 : vector<16xf32>
    %exp3A_54 = math.exp %neg3A_53 : vector<16xf32>
    %mul3A_55 = arith.mulf %scan3A_31#1, %exp3A_54 : vector<16xf32>
    %add3A_56 = arith.addf %sub3A_50, %mul3A_55 : vector<16xf32>
    %sub3A_57 = arith.constant 1.000000e+00 : f32
    %sub3A_58 = vector.broadcast %sub3A_57 : f32 to vector<16xf32>
    %sub3A_59 = arith.subf %add3A_56, %sub3A_58 : vector<16xf32>
    %neg3A_60 = arith.constant 0.000000e+00 : f32
    %neg3A_61 = vector.broadcast %neg3A_60 : f32 to vector<16xf32>
    %neg3A_62 = arith.subf %neg3A_61, %sub3A_59 : vector<16xf32>
    %exp3A_63 = math.exp %neg3A_62 : vector<16xf32>
    %mul3A_64 = arith.mulf %scan3A_31#1, %exp3A_63 : vector<16xf32>
    %add3A_65 = arith.addf %sub3A_59, %mul3A_64 : vector<16xf32>
    %sub3A_66 = arith.constant 1.000000e+00 : f32
    %sub3A_67 = vector.broadcast %sub3A_66 : f32 to vector<16xf32>
    %sub3A_68 = arith.subf %add3A_65, %sub3A_67 : vector<16xf32>
    %neg3A_69 = arith.constant 0.000000e+00 : f32
    %neg3A_70 = vector.broadcast %neg3A_69 : f32 to vector<16xf32>
    %neg3A_71 = arith.subf %neg3A_70, %sub3A_68 : vector<16xf32>
    %exp3A_72 = math.exp %neg3A_71 : vector<16xf32>
    %mul3A_73 = arith.mulf %scan3A_31#1, %exp3A_72 : vector<16xf32>
    %add3A_74 = arith.addf %sub3A_68, %mul3A_73 : vector<16xf32>
    %sub3A_75 = arith.constant 1.000000e+00 : f32
    %sub3A_76 = vector.broadcast %sub3A_75 : f32 to vector<16xf32>
    %sub3A_77 = arith.subf %add3A_74, %sub3A_76 : vector<16xf32>
    %add3A_78 = arith.addf %scan3A_31#0, %sub3A_77 : vector<16xf32>
    %lt3A = arith.constant 31 : i32
    %lt3A_79 = arith.cmpi slt, %add3A, %lt3A : i32
    %convert_element_type3A_80 = arith.extui %lt3A_79 : i1 to i32
    %cond3A = arith.constant 0 : i32
    %cond3A_81 = arith.cmpi ne, %convert_element_type3A_80, %cond3A : i32
    scf.if %cond3A_81 {
      "tpu.region"() ({
        %run_scoped3A = tpu.sem_alloc : memref<!tpu.dma_semaphore, #tpu.memory_space<semaphore_mem>>
        %dma_start3A = arith.constant 0 : i32
        %dma_start3A_106 = tpu.memref_slice %arg2[%mul3A_2, %dma_start3A] : memref<100352x8xf32, #tpu.memory_space<hbm>> -> memref<3136x8xf32, #tpu.memory_space<hbm>>
        %dma_start3A_107 = arith.constant 0 : i32
        %dma_start3A_108 = tpu.memref_slice %arg2[%mul3A_2, %dma_start3A_107] : memref<100352x8xf32, #tpu.memory_space<hbm>> -> memref<3136x8xf32, #tpu.memory_space<hbm>>
        tpu.enqueue_dma source(%dma_start3A_108 : memref<3136x8xf32, #tpu.memory_space<hbm>>) target(%arg5 : memref<3136x8xf32, #tpu.memory_space<vmem>>) target_semaphore(%run_scoped3A : memref<!tpu.dma_semaphore, #tpu.memory_space<semaphore_mem>>)
        %dma_wait3A = arith.constant 0 : i32
        %dma_wait3A_109 = tpu.memref_slice %arg2[%mul3A_2, %dma_wait3A] : memref<100352x8xf32, #tpu.memory_space<hbm>> -> memref<3136x8xf32, #tpu.memory_space<hbm>>
        %dma_wait3A_110 = arith.constant 0 : i32
        %dma_wait3A_111 = tpu.memref_slice %arg2[%mul3A_2, %dma_wait3A_110] : memref<100352x8xf32, #tpu.memory_space<hbm>> -> memref<3136x8xf32, #tpu.memory_space<hbm>>
        tpu.wait_dma2 semaphore(%run_scoped3A : memref<!tpu.dma_semaphore, #tpu.memory_space<semaphore_mem>>) src(%dma_wait3A_111 : memref<3136x8xf32, #tpu.memory_space<hbm>>) dst(%arg5 : memref<3136x8xf32, #tpu.memory_space<vmem>>)
        tpu.yield
      }) : () -> ()
    } else {
    }
    %eq3A_82 = arith.constant 31 : i32
    %eq3A_83 = arith.cmpi eq, %add3A, %eq3A_82 : i32
    %convert_element_type3A_84 = arith.extui %eq3A_83 : i1 to i32
    %cond3A_85 = arith.constant 0 : i32
    %cond3A_86 = arith.cmpi ne, %convert_element_type3A_84, %cond3A_85 : i32
    scf.if %cond3A_86 {
      "tpu.region"() ({
        %run_scoped3A = tpu.sem_alloc : memref<!tpu.dma_semaphore, #tpu.memory_space<semaphore_mem>>
        %dma_start3A = arith.constant 0 : i32
        %dma_start3A_106 = arith.constant 0 : i32
        %dma_start3A_107 = tpu.memref_slice %arg5[%dma_start3A, %dma_start3A_106] : memref<3136x8xf32, #tpu.memory_space<vmem>> -> memref<2784x8xf32, #tpu.memory_space<vmem>>
        %dma_start3A_108 = arith.constant 0 : i32
        %dma_start3A_109 = tpu.memref_slice %arg2[%mul3A_2, %dma_start3A_108] : memref<100352x8xf32, #tpu.memory_space<hbm>> -> memref<2784x8xf32, #tpu.memory_space<hbm>>
        %dma_start3A_110 = arith.constant 0 : i32
        %dma_start3A_111 = arith.constant 0 : i32
        %dma_start3A_112 = tpu.memref_slice %arg5[%dma_start3A_110, %dma_start3A_111] : memref<3136x8xf32, #tpu.memory_space<vmem>> -> memref<2784x8xf32, #tpu.memory_space<vmem>>
        %dma_start3A_113 = arith.constant 0 : i32
        %dma_start3A_114 = tpu.memref_slice %arg2[%mul3A_2, %dma_start3A_113] : memref<100352x8xf32, #tpu.memory_space<hbm>> -> memref<2784x8xf32, #tpu.memory_space<hbm>>
        tpu.enqueue_dma source(%dma_start3A_114 : memref<2784x8xf32, #tpu.memory_space<hbm>>) target(%dma_start3A_112 : memref<2784x8xf32, #tpu.memory_space<vmem>>) target_semaphore(%run_scoped3A : memref<!tpu.dma_semaphore, #tpu.memory_space<semaphore_mem>>)
        %dma_wait3A = arith.constant 0 : i32
        %dma_wait3A_115 = arith.constant 0 : i32
        %dma_wait3A_116 = tpu.memref_slice %arg5[%dma_wait3A, %dma_wait3A_115] : memref<3136x8xf32, #tpu.memory_space<vmem>> -> memref<2784x8xf32, #tpu.memory_space<vmem>>
        %dma_wait3A_117 = arith.constant 0 : i32
        %dma_wait3A_118 = tpu.memref_slice %arg2[%mul3A_2, %dma_wait3A_117] : memref<100352x8xf32, #tpu.memory_space<hbm>> -> memref<2784x8xf32, #tpu.memory_space<hbm>>
        %dma_wait3A_119 = arith.constant 0 : i32
        %dma_wait3A_120 = arith.constant 0 : i32
        %dma_wait3A_121 = tpu.memref_slice %arg5[%dma_wait3A_119, %dma_wait3A_120] : memref<3136x8xf32, #tpu.memory_space<vmem>> -> memref<2784x8xf32, #tpu.memory_space<vmem>>
        %dma_wait3A_122 = arith.constant 0 : i32
        %dma_wait3A_123 = tpu.memref_slice %arg2[%mul3A_2, %dma_wait3A_122] : memref<100352x8xf32, #tpu.memory_space<hbm>> -> memref<2784x8xf32, #tpu.memory_space<hbm>>
        tpu.wait_dma2 semaphore(%run_scoped3A : memref<!tpu.dma_semaphore, #tpu.memory_space<semaphore_mem>>) src(%dma_wait3A_123 : memref<2784x8xf32, #tpu.memory_space<hbm>>) dst(%dma_wait3A_121 : memref<2784x8xf32, #tpu.memory_space<vmem>>)
        tpu.yield
      }) : () -> ()
    } else {
    }
    %while3A = arith.constant 0 : i32
    %while3A_87 = arith.constant 0 : i32
    %while3A_88 = arith.subi %select_n3A_24, %while3A_87 : i32
    %while3A_89 = arith.addi %while3A_87, %while3A_88 : i32
    %while3A_90 = arith.constant 1 : i32
    %while3A_91 = arith.divsi %while3A_88, %while3A_90 : i32
    %while3A_92 = arith.muli %while3A_91, %while3A_90 : i32
    %while3A_93 = arith.addi %while3A_87, %while3A_92 : i32
    %while3A_94 = arith.constant 1 : i32
    scf.for %while3A_106 = %while3A_87 to %while3A_93 step %while3A_94  : i32 {
      %mul3A_107 = arith.constant 2 : i32
      %mul3A_108 = arith.muli %mul3A_107, %while3A_106 : i32
      %shift_right_arithmetic3A = arith.constant 3 : i32
      %shift_right_arithmetic3A_109 = vector.broadcast %shift_right_arithmetic3A : i32 to vector<16xi32>
      %shift_right_arithmetic3A_110 = arith.shrsi %iota3A, %shift_right_arithmetic3A_109 : vector<16xi32>
      %add3A_111 = vector.broadcast %mul3A_108 : i32 to vector<16xi32>
      %add3A_112 = arith.addi %add3A_111, %shift_right_arithmetic3A_110 : vector<16xi32>
      %and3A_113 = arith.constant 7 : i32
      %and3A_114 = vector.broadcast %and3A_113 : i32 to vector<16xi32>
      %and3A_115 = arith.andi %iota3A, %and3A_114 : vector<16xi32>
      %gather3A = tpu.vector_load_idx %arg5[%add3A_112, %and3A_115] : memref<3136x8xf32, #tpu.memory_space<vmem>>[vector<16xi32>, vector<16xi32>], vector<16xf32>,
      %sub3A_116 = arith.subf %gather3A, %add3A_78 : vector<16xf32>
      tpu.vector_store_idx %arg5[%add3A_112, %and3A_115], %sub3A_116 : memref<3136x8xf32, #tpu.memory_space<vmem>>[vector<16xi32>, vector<16xi32>], vector<16xf32>,
    }
    %while3A_95 = arith.constant 1 : i32
    scf.for %while3A_106 = %while3A_93 to %while3A_89 step %while3A_95  : i32 {
      %mul3A_107 = arith.constant 2 : i32
      %mul3A_108 = arith.muli %mul3A_107, %while3A_106 : i32
      %shift_right_arithmetic3A = arith.constant 3 : i32
      %shift_right_arithmetic3A_109 = vector.broadcast %shift_right_arithmetic3A : i32 to vector<16xi32>
      %shift_right_arithmetic3A_110 = arith.shrsi %iota3A, %shift_right_arithmetic3A_109 : vector<16xi32>
      %add3A_111 = vector.broadcast %mul3A_108 : i32 to vector<16xi32>
      %add3A_112 = arith.addi %add3A_111, %shift_right_arithmetic3A_110 : vector<16xi32>
      %and3A_113 = arith.constant 7 : i32
      %and3A_114 = vector.broadcast %and3A_113 : i32 to vector<16xi32>
      %and3A_115 = arith.andi %iota3A, %and3A_114 : vector<16xi32>
      %gather3A = tpu.vector_load_idx %arg5[%add3A_112, %and3A_115] : memref<3136x8xf32, #tpu.memory_space<vmem>>[vector<16xi32>, vector<16xi32>], vector<16xf32>,
      %sub3A_116 = arith.subf %gather3A, %add3A_78 : vector<16xf32>
      tpu.vector_store_idx %arg5[%add3A_112, %and3A_115], %sub3A_116 : memref<3136x8xf32, #tpu.memory_space<vmem>>[vector<16xi32>, vector<16xi32>], vector<16xf32>,
    }
    %lt3A_96 = arith.constant 31 : i32
    %lt3A_97 = arith.cmpi slt, %add3A, %lt3A_96 : i32
    %convert_element_type3A_98 = arith.extui %lt3A_97 : i1 to i32
    %cond3A_99 = arith.constant 0 : i32
    %cond3A_100 = arith.cmpi ne, %convert_element_type3A_98, %cond3A_99 : i32
    scf.if %cond3A_100 {
      "tpu.region"() ({
        %run_scoped3A = tpu.sem_alloc : memref<!tpu.dma_semaphore, #tpu.memory_space<semaphore_mem>>
        %dma_start3A = arith.constant 0 : i32
        %dma_start3A_106 = tpu.memref_slice %arg4[%mul3A_2, %dma_start3A] : memref<100000x8xf32, #tpu.memory_space<hbm>> -> memref<3136x8xf32, #tpu.memory_space<hbm>>
        %dma_start3A_107 = arith.constant 0 : i32
        %dma_start3A_108 = tpu.memref_slice %arg4[%mul3A_2, %dma_start3A_107] : memref<100000x8xf32, #tpu.memory_space<hbm>> -> memref<3136x8xf32, #tpu.memory_space<hbm>>
        tpu.enqueue_dma source(%arg5 : memref<3136x8xf32, #tpu.memory_space<vmem>>) target(%dma_start3A_108 : memref<3136x8xf32, #tpu.memory_space<hbm>>) target_semaphore(%run_scoped3A : memref<!tpu.dma_semaphore, #tpu.memory_space<semaphore_mem>>)
        %dma_wait3A = arith.constant 0 : i32
        %dma_wait3A_109 = tpu.memref_slice %arg4[%mul3A_2, %dma_wait3A] : memref<100000x8xf32, #tpu.memory_space<hbm>> -> memref<3136x8xf32, #tpu.memory_space<hbm>>
        %dma_wait3A_110 = arith.constant 0 : i32
        %dma_wait3A_111 = tpu.memref_slice %arg4[%mul3A_2, %dma_wait3A_110] : memref<100000x8xf32, #tpu.memory_space<hbm>> -> memref<3136x8xf32, #tpu.memory_space<hbm>>
        tpu.wait_dma2 semaphore(%run_scoped3A : memref<!tpu.dma_semaphore, #tpu.memory_space<semaphore_mem>>) src(%arg5 : memref<3136x8xf32, #tpu.memory_space<vmem>>) dst(%dma_wait3A_111 : memref<3136x8xf32, #tpu.memory_space<hbm>>)
        tpu.yield
      }) : () -> ()
    } else {
    }
    %eq3A_101 = arith.constant 31 : i32
    %eq3A_102 = arith.cmpi eq, %add3A, %eq3A_101 : i32
    %convert_element_type3A_103 = arith.extui %eq3A_102 : i1 to i32
    %cond3A_104 = arith.constant 0 : i32
    %cond3A_105 = arith.cmpi ne, %convert_element_type3A_103, %cond3A_104 : i32
    scf.if %cond3A_105 {
      "tpu.region"() ({
        %run_scoped3A = tpu.sem_alloc : memref<!tpu.dma_semaphore, #tpu.memory_space<semaphore_mem>>
        %dma_start3A = arith.constant 0 : i32
        %dma_start3A_106 = arith.constant 0 : i32
        %dma_start3A_107 = tpu.memref_slice %arg5[%dma_start3A, %dma_start3A_106] : memref<3136x8xf32, #tpu.memory_space<vmem>> -> memref<2784x8xf32, #tpu.memory_space<vmem>>
        %dma_start3A_108 = arith.constant 0 : i32
        %dma_start3A_109 = tpu.memref_slice %arg4[%mul3A_2, %dma_start3A_108] : memref<100000x8xf32, #tpu.memory_space<hbm>> -> memref<2784x8xf32, #tpu.memory_space<hbm>>
        %dma_start3A_110 = arith.constant 0 : i32
        %dma_start3A_111 = tpu.memref_slice %arg4[%mul3A_2, %dma_start3A_110] : memref<100000x8xf32, #tpu.memory_space<hbm>> -> memref<2784x8xf32, #tpu.memory_space<hbm>>
        %dma_start3A_112 = arith.constant 0 : i32
        %dma_start3A_113 = arith.constant 0 : i32
        %dma_start3A_114 = tpu.memref_slice %arg5[%dma_start3A_112, %dma_start3A_113] : memref<3136x8xf32, #tpu.memory_space<vmem>> -> memref<2784x8xf32, #tpu.memory_space<vmem>>
        tpu.enqueue_dma source(%dma_start3A_114 : memref<2784x8xf32, #tpu.memory_space<vmem>>) target(%dma_start3A_111 : memref<2784x8xf32, #tpu.memory_space<hbm>>) target_semaphore(%run_scoped3A : memref<!tpu.dma_semaphore, #tpu.memory_space<semaphore_mem>>)
        %dma_wait3A = arith.constant 0 : i32
        %dma_wait3A_115 = arith.constant 0 : i32
        %dma_wait3A_116 = tpu.memref_slice %arg5[%dma_wait3A, %dma_wait3A_115] : memref<3136x8xf32, #tpu.memory_space<vmem>> -> memref<2784x8xf32, #tpu.memory_space<vmem>>
        %dma_wait3A_117 = arith.constant 0 : i32
        %dma_wait3A_118 = tpu.memref_slice %arg4[%mul3A_2, %dma_wait3A_117] : memref<100000x8xf32, #tpu.memory_space<hbm>> -> memref<2784x8xf32, #tpu.memory_space<hbm>>
        %dma_wait3A_119 = arith.constant 0 : i32
        %dma_wait3A_120 = tpu.memref_slice %arg4[%mul3A_2, %dma_wait3A_119] : memref<100000x8xf32, #tpu.memory_space<hbm>> -> memref<2784x8xf32, #tpu.memory_space<hbm>>
        %dma_wait3A_121 = arith.constant 0 : i32
        %dma_wait3A_122 = arith.constant 0 : i32
        %dma_wait3A_123 = tpu.memref_slice %arg5[%dma_wait3A_121, %dma_wait3A_122] : memref<3136x8xf32, #tpu.memory_space<vmem>> -> memref<2784x8xf32, #tpu.memory_space<vmem>>
        tpu.wait_dma2 semaphore(%run_scoped3A : memref<!tpu.dma_semaphore, #tpu.memory_space<semaphore_mem>>) src(%dma_wait3A_123 : memref<2784x8xf32, #tpu.memory_space<vmem>>) dst(%dma_wait3A_120 : memref<2784x8xf32, #tpu.memory_space<hbm>>)
        tpu.yield
      }) : () -> ()
    } else {
    }
    return
  }
}

</mosaic_0001>

<sc_bundles>
// kernel: kernel.12.cloned.1.call-start
scs
__scs_entry_jumppad:
0x0: {  	(pc) =	sbr.rel $0x88, $3  }
0x1: {  	(tag) =	ssettag $0x0;
	lr =	simm.s32 $0x1  }
0x2: {  	[smem:$0x3F9B] =	sst lr;
	_ =	strace $0xD0000000  }
0x3: {  	_ = 	snop  }
0x4: {  	_ = 	snop  }
0x5: {  	_ = 	snop  }
0x6: {  	_ = 	snop  }
0x7: {  	_ = 	snop  }
__scs_overlays_trampoline_lowered:
0x8: {  	[smem:$0x3FAA] =	sst s0  }
0x9: {  	[smem:$0x3FAB] =	sst s1  }
0xa: {  	[smem:$0x3FAC] =	sst s2  }
0xb: {  	[smem:$0x3FAD] =	sst s3  }
0xc: {  	[smem:$0x3FAE] =	sst s4  }
0xd: {  	[smem:$0x3FAF] =	sst s5  }
0xe: {  	[smem:$0x3FB0] =	sst s6  }
0xf: {  	[smem:$0x3FB1] =	sst s7  }
0x10: {  	[smem:$0x3FB2] =	sst s8  }
0x11: {  	[smem:$0x3FB3] =	sst s9;
	s0 =	simm.s32 @!p0 $0x0  }
0x12: {  	s1 =	sld [smem:$0x3F99];
	s0 =	simm.s32 @p0 $0x1  }
0x13: {  	[smem:$0x3FB4] =	sst s0;
	s0 =	simm.s32 @!p1 $0x0  }
0x14: {  	s2 =	sld [smem:$0x3F98];
	s0 =	simm.s32 @p1 $0x1  }
0x15: {  	[smem:$0x3FB5] =	sst s0;
	s0 =	simm.s32 @!p2 $0x0  }
0x16: {  	s3 =	sld [smem:$0x3FDB];
	s0 =	simm.s32 @p2 $0x1  }
0x17: {  	s4 =	simm.s32 $0x1BF5;
	[smem:$0x3FB7] =	sst s0  }
0x18: {  	s0 =	sld [smem:$0x3F9A];
	_ =	swait.ge [sflag:s4], $0x0  }
0x19: {  	s7 =	sld [smem:$0x3F9B]  }
0x1a: {  	s8 =	sadd.s32 $0xFFFFE003, lr  }
0x1b: {  	s9 =	sadd.s32 $0xFFFFFEF7, lr;
	s5 =	simm.s32 $0xFFFFFFFF;
	p2 =	slt.u32 s8, $0xFFFFF086  }
0x1c: {  	p1 =	slt.u32 s9, $0xF7A;
	s5 =	simm.s32 @!p2 $0x0  }
0x1d: {  	s5 =	simm.s32 @p1 $0x1;
	p0 =	seq.s32 s7, s2  }
0x1e: {  	s7 =	smul.u32 @!p0 $0xF7A, s2;
	p2 =	seq.s32 @!p0 s5, $0x0  }
0x1f: {  	s9 =	smul.u32 $0xF7A, s1;
	s8 =	simm.s32 @!p0 $0x1BF5;
	p2 =	por !p2, p0  }
0x20: {  	[sflag:s8] =	ssyncset.s32 @!p0 $0xFFFFF086;
	s6 =	sadd.s32 @!p0 s3, s7;
	s7 =	simm.s32 @!p0 $0x108  }
0x21: {  	s3 =	sadd.s32 s3, s9;
	s6 =	sadd.s32 @!p0 $0x88, s6;
	s7 =	simm.s32 @p2 $0x1082  }
0x22: {  	[simem:s7], [sflag:s8] =	dma.local @!p0 [hbm:s6], $0xF7A  }
0x23: {  	s9 =	sor.u32 $0xD0000000, s2;
	s6 =	simm.s32 $0x108;
	_ =	swait.ge @!p0 [sflag:s8], $0x0  }
0x24: {  	s3 =	sadd.s32 $0x88, s3;
	s6 =	simm.s32 @!p1 $0x1082;
	[sflag:s4] =	ssyncset.s32 $0xFFFFF086  }
0x25: {  	[simem:s6], [sflag:s4] =	dma.local [hbm:s3], $0xF7A  }
0x26: {  	[smem:$0x3F9B] =	sst s1;
	(tag) =	ssettag s2;
	_ =	strace s9  }
0x27: {  	s1 =	sld [smem:$0x3FAB]  }
0x28: {  	s2 =	sld [smem:$0x3FAC]  }
0x29: {  	s4 =	sld [smem:$0x3FAE]  }
0x2a: {  	p0 =	seq.s32 s5, $0x0;
	s5 =	sld [smem:$0x3FAF]  }
0x2b: {  	s6 =	sld [smem:$0x3FB0]  }
0x2c: {  	s7 =	sld [smem:$0x3FB1]  }
0x2d: {  	s3 =	simm.s32 $0x108;
	s8 =	sld [smem:$0x3FB2]  }
0x2e: {  	s3 =	simm.s32 @!p0 $0x1082;
	s9 =	sld [smem:$0x3FB3]  }
0x2f: {  	lr =	sadd.s32 s0, s3;
	s0 =	sld [smem:$0x3FAA]  }
0x30: {  	s3 =	sld [smem:$0x3FAD]  }
0x31: {  	[smem:$0x3FB6] =	sst s10  }
0x32: {  	s10 =	sld [smem:$0x3FB4];
	_ =	sdelay $0x3  }
0x33: {  	p0 =	seq.s32 s10, $0x1;
	s10 =	sld [smem:$0x3FB6];
	_ =	sdelay $0x3  }
0x34: {  	[smem:$0x3FB6] =	sst s10  }
0x35: {  	s10 =	sld [smem:$0x3FB5];
	_ =	sdelay $0x3  }
0x36: {  	p1 =	seq.s32 s10, $0x1;
	s10 =	sld [smem:$0x3FB6];
	_ =	sdelay $0x3  }
0x37: {  	[smem:$0x3FB6] =	sst s10  }
0x38: {  	s10 =	sld [smem:$0x3FB7]  }
0x39: {  	_ = 	snop;
	(pc) =	sbr.ind lr, $3  }
0x3a: {  	_ = 	snop  }
0x3b: {  	_ = 	snop  }
0x3c: {  	p2 =	seq.s32 s10, $0x1;
	s10 =	sld [smem:$0x3FB6]  }
0x3d: {  	_ =	shalt  }
0x3e: {  	_ =	shalt  }
0x3f: {  	_ =	shalt  }
0x40: {  	_ =	shalt  }
0x41: {  	_ =	shalt  }
0x42: {  	_ =	shalt  }
0x43: {  	_ =	shalt  }
0x44: {  	_ =	shalt  }
0x45: {  	_ =	shalt  }
0x46: {  	_ =	shalt  }
0x47: {  	_ =	shalt  }
0x48: {  	_ =	shalt  }
0x49: {  	_ =	shalt  }
0x4a: {  	_ =	shalt  }
0x4b: {  	_ =	shalt  }
0x4c: {  	_ =	shalt  }
0x4d: {  	_ =	shalt  }
0x4e: {  	_ =	shalt  }
0x4f: {  	_ =	shalt  }
0x50: {  	_ =	shalt  }
0x51: {  	_ =	shalt  }
0x52: {  	_ =	shalt  }
0x53: {  	_ =	shalt  }
0x54: {  	_ =	shalt  }
0x55: {  	_ =	shalt  }
0x56: {  	_ =	shalt  }
0x57: {  	_ =	shalt  }
0x58: {  	_ =	shalt  }
0x59: {  	_ =	shalt  }
0x5a: {  	_ =	shalt  }
0x5b: {  	_ =	shalt  }
0x5c: {  	_ =	shalt  }
0x5d: {  	_ =	shalt  }
0x5e: {  	_ =	shalt  }
0x5f: {  	_ =	shalt  }
0x60: {  	_ =	shalt  }
0x61: {  	_ =	shalt  }
0x62: {  	_ =	shalt  }
0x63: {  	_ =	shalt  }
0x64: {  	_ =	shalt  }
0x65: {  	_ =	shalt  }
0x66: {  	_ =	shalt  }
0x67: {  	_ =	shalt  }
0x68: {  	_ =	shalt  }
0x69: {  	_ =	shalt  }
0x6a: {  	_ =	shalt  }
0x6b: {  	_ =	shalt  }
0x6c: {  	_ =	shalt  }
0x6d: {  	_ =	shalt  }
0x6e: {  	_ =	shalt  }
0x6f: {  	_ =	shalt  }
0x70: {  	_ =	shalt  }
0x71: {  	_ =	shalt  }
0x72: {  	_ =	shalt  }
0x73: {  	_ =	shalt  }
0x74: {  	_ =	shalt  }
0x75: {  	_ =	shalt  }
0x76: {  	_ =	shalt  }
0x77: {  	_ =	shalt  }
0x78: {  	_ =	shalt  }
0x79: {  	_ =	shalt  }
0x7a: {  	_ =	shalt  }
0x7b: {  	_ =	shalt  }
0x7c: {  	_ =	shalt  }
0x7d: {  	_ =	shalt  }
0x7e: {  	_ =	shalt  }
0x7f: {  	_ =	shalt  }
0x80: {  	_ =	shalt  }
0x81: {  	_ =	shalt  }
0x82: {  	_ =	shalt  }
0x83: {  	_ =	shalt  }
0x84: {  	_ =	shalt  }
0x85: {  	_ =	shalt  }
0x86: {  	_ =	shalt  }
0x87: {  	_ =	shalt  }
.Lfunc_end0:
.L_simem_size_0:
called_computation.1_lowered:
.L_overlay_start_0:
0x88: {  	s2 =	sld [smem:$0x3FD9]  }
0x89: {  	s3 =	sld [smem:$0x3FFE];
	_ =	sdelay $0x1  }
0x8a: {  	s1 =	srdreg.scid  }
0x8b: {  	s0 =	sand.u32 $0x1, s1  }
0x8c: {  	s17 =	sshll.u32 s0, $0xA;
	s2 =	sadd.s32 s3, s2  }
0x8d: {  	s2 =	sadd.s32 s2, s17  }
0x8e: {  	[smem:$0x3FC2] =	sst s2  }
0x8f: {  	_ = 	snop  }
0x90: {  	s2 =	sld [smem:$0x3FD0];
	(tm) =	ssettm $0x1  }
0x91: {  	s18 =	sld [smem:$0x3FFB];
	_ =	sdelay $0x3  }
0x92: {  	_ =	strace s18  }
0x93: {  	s3 =	sld [smem:$0x3FFC];
	_ =	sdelay $0x3  }
0x94: {  	_ =	strace s3  }
0x95: {  	s3 =	sld [smem:$0x3FFD];
	_ =	sdelay $0x3  }
0x96: {  	_ =	strace s3  }
0x97: {  	_ =	strace $0x8FFFFFFF  }
0x98: {  	s19 =	sld [smem:$0x3FDB];
	_ =	sdelay $0x1  }
0x99: {  	s4 =	simm.s32 $_scs_section_size  }
0x9a: {  	s5 =	simm.s32 $_size__tile_overlayer_lowered;
	s6 =	simm.s32 $_tile_overlayer_lowered  }
0x9b: {  	s22 =	simm.s32 $0x1BFF;
	s21 =	sshll.u32 s6, $0x1;
	s3 =	sadd.s32 s4, s19  }
0x9c: {  	s7 =	simm.s32 $0x0;
	s20 =	sshll.u32 s5, $0x1;
	s5 =	sadd.s32 s21, s3  }
0x9d: {  	[timem:s7], [sflag:s22] =	dma.local [hbm:s5], s20  }
0x9e: {  	_ =	swait.ge [sflag:s22], s20  }
0x9f: {  	s4 =	ssub.s32 $0x0, s20;
	[sflag:s22] =	ssyncset.done $0x0  }
0xa0: {  	[sflag:s22] =	ssyncadd.s32 s4;
	_ =	sdelay $0x1  }
0xa1: {  	s23 =	simm.s32 $0x1B8B  }
0xa2: {  	_ =	swait.ge [sflag:s23], $0x1  }
0xa3: {  	[sflag:s23] =	ssyncset.done $0x0  }
0xa4: {  	s25 =	simm.s32 $0x1B8E;
	s24 =	sld [smem:$0x3FFE];
	[sflag:s23] =	ssyncadd.s32 $0xFFFFFFFF  }
0xa5: {  	s26 =	simm.s32 $execute0_lowered;
	[smem:$0x3FD2] =	sst s25  }
0xa6: {  	s5 =	sshll.u32 s26, $0x1;
	_ =	strace $0x80000049;
	[dreg:$0x1] =	wrdreg $0xFFFFFFFF  }
0xa7: {  	s28 =	simm.s32 $_size_execute0_lowered;
	s3 =	sadd.s32 s3, s5;
	[dreg:$0x0] =	wrdreg $0x0  }
0xa8: {  	s5 =	sshll.u32 s28, $0x1;
	[dreg:$0x2] =	wrdreg s3  }
0xa9: {  	[dreg:$0x3] =	wrdreg s5  }
0xaa: {  	[dreg:$0x4] =	wrdreg $0xC0  }
0xab: {  	_ =	task [dreg:s7], $0x5FFFF  }
0xac: {  	[dreg:$0x1] =	wrdreg $0xFFFFFFFF  }
0xad: {  	[dreg:$0x0] =	wrdreg $0x60  }
0xae: {  	[dreg:$0x2] =	wrdreg s24  }
0xaf: {  	[dreg:$0x3] =	wrdreg s2  }
0xb0: {  	[dreg:$0x4] =	wrdreg $0x9  }
0xb1: {  	_ =	task.clear_ibuf [dreg:s7], $0x5FFFF;
	_ =	strace $0x90000049  }
0xb2: {  	s29 =	simm.s32 $0x9;
	_ =	strace $0x8000004B  }
0xb3: {  	_ =	swait.ge [sflag:s29], $0x1  }
0xb4: {  	[sflag:s29] =	ssyncadd.s32 $0xFFFFFFFF  }
0xb5: {  	_ =	strace $0x9000004B  }
0xb6: {  	_ =	sfence  }
0xb7: {  	s30 =	sld [smem:$0x0];
	_ =	sdelay $0x2  }
0xb8: {  	s31 =	sshll.u32 s1, $0xD;
	s1 =	sshrl.u32 s1, $0x2  }
0xb9: {  	s3 =	sand.u32 $0x4000, s31;
	s1 =	sadd.s32 s1, s30  }
0xba: {  	s0 =	sor.u32 s3, s0;
	s1 =	sshll.u32 s1, $0x11  }
0xbb: {  	s0 =	sor.u32 s1, s0  }
0xbc: {  	s0 =	sadd.s32 $0x8F2B, s0  }
0xbd: {  	[sflag:s0] =	ssyncadd.remote.s32 $0x1  }
0xbe: {  	_ =	sfence.sel $0xFFFF  }
0xbf: {  	[dreg:$0x0] =	wrdreg $0xFFFFFFFF;
	(pc) =	sbr.abs _section_cstart, $3  }
0xc0: {  	[dreg:$0x1] =	wrdreg $0xFFFFFFFF  }
0xc1: {  	_ =	task.clear_ibuf [dreg:s7], $0x2FFFF;
	_ =	strace $0x9FFFFFFF  }
0xc2: {  	(tm) =	ssettm $0x7FFFFFFF  }
0xc3: {  	_ =	shalt  }
tec
execute0_lowered:
.L_overlay_start_1:
0x0: {  	(tag) =	ssettag $0x1  }
0x1: {  	s4 =	rddreg [dreg:$0x0];
	s1 =	srdreg.scid  }
0x2: {  	s0 =	stileid.u32;
	s6 =	rddreg [dreg:$0x1]  }
0x3: {  	s2 =	simm.s32 $0x0;
	s12 =	simm.s32 $0x6200;
	s13 =	simm.s32 $0xC400  }
0x4: {  	s14 =	simm.s32 $0x13240;
	s5 =	sand.u32 $0x1, s1;
	s3 =	sshll.u32 s0, $0x1  }
0x5: {  	s15 =	simm.s32 $0x12600;
	s1 =	rddreg [dreg:$0x2];
	s10 =	sor.u32 s5, s3  }
0x6: {  	s16 =	simm.s32 $0x0;
	[smem:$0x7FF] =	sst s2;
	s7 =	smul.u32 $0x6200, s10  }
0x7: {  	_ =	strace $0x8000004A;
	s5 =	ssub.s32 $0x2, s5;
	s8 =	smul.u32 $0x188, s10  }
0x8: {  	s3 =	sadd.s32 $0x1BD200, s4;
	s31 =	sshrl.u32 s5, $0x1;
	p0 =	seq.s32 s10, $0x1F  }
0x9: {  	s10 =	simm.s32 $0x19440;
	s7 =	sshrl.u32 s7, $0x3;
	s8 =	sadd.s32 s8, s4  }
0xa: {  	s9 =	sadd.s32 s7, s4;
	s6 =	sadd.s32 s6, s7;
	s7 =	sadd.s32 $0x1D5C00, s8  }
0xb: {  	v0 =	vlaneseq.u32;
	s11 =	ssub.s32 s5, s31;
	s4 =	sadd.s32 $0x18C200, s9;
	s5 =	sadd.s32 $0x1A4A00, s9  }
0xc: {  	v1 =	vimm.f32 $0.0e+00;
	v0 =	vmul.u32 $0x8, v0;
	s8 =	sadd.s32 $0x1BD400, s9;
	s9 =	smax.u32 s11, $0x1;
	s11 =	simm.s32 $0x1  }
.LBB2_1:
0xd: {  	[tilespmem:s10], [sflag:$0x1] =	stream.linear.gather [hbm4b:s3+s2], $0x20, $0x38;
	[tilespmem:$0x19460] =	vst v63  }
0xe: {  	_ =	swait.ge [sflag:s11], $0x20  }
0xf: {  	[sflag:s11] =	ssyncset.done $0x0  }
0x10: {  	[sflag:s11] =	ssyncadd.s32 $0xFFFFFFE0  }
0x11: {  	[tilespmem:s12], [sflag:$0x1] =	stream.linear.gather [hbm4b:s4+s2], $0x6200, $0x38;
	[tilespmem:$0x19460] =	vst v63  }
0x12: {  	_ =	swait.ge [sflag:s11], $0x6200  }
0x13: {  	[sflag:s11] =	ssyncset.done $0x0  }
0x14: {  	[sflag:s11] =	ssyncadd.s32 $0xFFFF9E00  }
0x15: {  	[tilespmem:s13], [sflag:$0x1] =	stream.linear.gather [hbm4b:s5+s2], $0x6200, $0x38;
	[tilespmem:$0x19460] =	vst v63  }
0x16: {  	_ =	swait.ge [sflag:s11], $0x6200  }
0x17: {  	[sflag:s11] =	ssyncset.done $0x0  }
0x18: {  	s17 =	simm.s32 @p0 $0x0;
	[sflag:s11] =	ssyncadd.s32 $0xFFFF9E00  }
0x19: {  	[tilespmem:s17], [sflag:$0x1] =	stream.linear.gather @p0 [hbm4b:s6+s17], $0x5700, $0x38;
	[tilespmem:$0x19460] =	vst v63  }
0x1a: {  	s17 =	simm.s32 @p0 $0x1  }
0x1b: {  	_ =	swait.ge @p0 [sflag:s17], $0x5700  }
0x1c: {  	v2 =	vmov s2;
	[sflag:s17] =	ssyncset.done @p0 $0x0  }
0x1d: {  	v2 =	vshll.u32 v2, $0x3;
	[sflag:s17] =	ssyncadd.s32 @p0 $0xFFFFA900;
	s17 =	simm.s32 @!p0 $0x0  }
0x1e: {  	v21 =	vor.u32 v0, v2;
	[tilespmem:s17], [sflag:$0x1] =	stream.linear.gather @!p0 [hbm4b:s6+s17], $0x6200, $0x38;
	[tilespmem:$0x19460] =	vst v63  }
0x1f: {  	s17 =	simm.s32 @!p0 $0x1  }
0x20: {  	_ =	swait.ge @!p0 [sflag:s17], $0x6200  }
0x21: {  	[sflag:s17] =	ssyncset.done @!p0 $0x0  }
0x22: {  	[sflag:s17] =	ssyncadd.s32 @!p0 $0xFFFF9E00  }
0x23: {  	v2 =	vld.idx.msk [tilespmem:v21+s12+$0x0], $0xffff  }
0x24: {  	v3 =	vld.idx.msk [tilespmem:v21+s13+$0x0], $0xffff;
	_ =	sdelay $0x4  }
0x25: {  	v2 =	vadd.f32 v3, v2;
	_ =	sdelay $0x1  }
0x26: {  	v2 =	vadd.f32 $1.000000000e+00, v2;
	_ =	sdelay $0x1  }
0x27: {  	v3 =	vshrl.u32 v2, $0x1;
	v2 =	vmul.f32 $5.000000000e-01, v2  }
0x28: {  	v3 =	vsub.s32 $0x5F3759DF, v3  }
0x29: {  	v4 =	vmul.f32 v3, v2;
	_ =	sdelay $0x1  }
0x2a: {  	v4 =	vmul.f32 v3, v4;
	_ =	sdelay $0x1  }
0x2b: {  	v4 =	vsub.f32 $1.500000000e+00, v4;
	_ =	sdelay $0x1  }
0x2c: {  	v3 =	vmul.f32 v3, v4;
	_ =	sdelay $0x1  }
0x2d: {  	v4 =	vmul.f32 v3, v2;
	_ =	sdelay $0x1  }
0x2e: {  	v4 =	vmul.f32 v4, v3;
	_ =	sdelay $0x1  }
0x2f: {  	v9 =	vld [tilespmem:$0x19440];
	v4 =	vsub.f32 $1.500000000e+00, v4;
	_ =	sdelay $0x1  }
0x30: {  	v3 =	vmul.f32 v4, v3;
	_ =	sdelay $0x1  }
0x31: {  	v2 =	vmul.f32 v3, v2  }
0x32: {  	v11 =	vbroadcast v9, $0x0;
	v12 =	vbroadcast v9, $0x4  }
0x33: {  	v8 =	vbroadcast v9, $0x8;
	v4 =	vmul.f32 v2, v3  }
0x34: {  	v5 =	vbroadcast v9, $0xC;
	v14 =	vbroadcast v9, $0x1  }
0x35: {  	v17 =	vbroadcast v9, $0x5;
	v10 =	vbroadcast v9, $0x9;
	v4 =	vsub.f32 $1.500000000e+00, v4  }
0x36: {  	v24 =	vor.u32 $0x1, v21;
	v27 =	vld [tilespmem:$0x19450];
	v6 =	vbroadcast v9, $0xD;
	v15 =	vbroadcast v9, $0x2  }
0x37: {  	v23 =	vor.u32 $0x3, v21;
	v20 =	vbroadcast v9, $0x6;
	v25 =	vmul.f32 v4, v3  }
0x38: {  	v26 =	vor.u32 $0x2, v21;
	v16 =	vbroadcast v9, $0xA;
	v7 =	vbroadcast v9, $0xE  }
0x39: {  	v19 =	vbroadcast v9, $0x3;
	v22 =	vbroadcast v9, $0x7;
	[tilespmem:s15+$0x0] =	vst v25  }
0x3a: {  	s31 =	simm.s32 $0x10;
	v18 =	vbroadcast v9, $0xB;
	v13 =	vbroadcast v9, $0xF;
	v29 =	vld.idx.msk [tilespmem:v21+s2+$0x0], $0xffff  }
0x3b: {  	v31 =	vmov s31;
	v9 =	vbroadcast v27, $0x3;
	v2 =	vbroadcast v27, $0x0;
	v32 =	vld.idx.msk [tilespmem:v24+s2+$0x0], $0xffff  }
0x3c: {  	v3 =	vbroadcast v27, $0x1;
	v4 =	vbroadcast v27, $0x2;
	v27 =	vor.u32 $0x4, v21;
	v28 =	vld.idx.msk [tilespmem:v23+s2+$0x0], $0xffff  }
0x3d: {  	s18 =	simm.s32 $0x20;
	v31 =	vshll.u32 v31, $0x3;
	s17 =	simm.s32 $0x12600;
	v30 =	vld.idx.msk [tilespmem:v26+s2+$0x0], $0xffff  }
.LBB2_2:
0x3e: {  	p1 =	sne.s32 s18, $0xC30  }
0x3f: {  	v31 =	vor.u32 v0, v31;
	s17 =	sadd.s32 $0x10, s17;
	s19 =	smov.u32 s18;
	s18 =	sadd.s32 $0x10, s18  }
0x40: {  	v33 =	vmul.f32 v29, v11;
	v34 =	vmul.f32 v29, v14  }
0x41: {  	v36 =	vmul.f32 v32, v12;
	v37 =	vmul.f32 v32, v22;
	v35 =	vld.idx.msk [tilespmem:v27+s2+$0x0], $0xffff  }
0x42: {  	v38 =	vmul.f32 v32, v17;
	v32 =	vmul.f32 v32, v20  }
0x43: {  	v33 =	vadd.f32 v36, v33;
	v36 =	vmul.f32 v30, v8;
	v39 =	vmul.f32 v30, v16  }
0x44: {  	v40 =	vmul.f32 v29, v15;
	v34 =	vadd.f32 v38, v34;
	v38 =	vmul.f32 v30, v10  }
0x45: {  	v29 =	vmul.f32 v29, v19;
	v33 =	vadd.f32 v36, v33;
	v36 =	vmul.f32 v28, v5  }
0x46: {  	v34 =	vadd.f32 v38, v34;
	v38 =	vmul.f32 v28, v6  }
0x47: {  	v32 =	vadd.f32 v32, v40;
	v33 =	vadd.f32 v36, v33;
	v36 =	vmul.f32 v35, v2  }
0x48: {  	v29 =	vadd.f32 v37, v29;
	v30 =	vmul.f32 v30, v18;
	v34 =	vadd.f32 v38, v34  }
0x49: {  	v32 =	vadd.f32 v39, v32;
	v33 =	vadd.f32 v36, v33;
	v36 =	vmul.f32 v28, v7  }
0x4a: {  	v29 =	vadd.f32 v30, v29;
	v37 =	vmul.f32 v35, v3;
	v28 =	vmul.f32 v28, v13  }
0x4b: {  	v30 =	vmul.f32 v25, v33;
	v32 =	vadd.f32 v36, v32;
	v33 =	vmul.f32 v35, v4  }
0x4c: {  	v34 =	vadd.f32 v37, v34;
	v28 =	vadd.f32 v28, v29;
	v29 =	vmul.f32 v35, v9  }
0x4d: {  	[tilespmem:v21+s14+$0x0] =	vst.idx.msk $0xffff, v30;
	v30 =	vadd.f32 v33, v32  }
0x4e: {  	v28 =	vadd.f32 v29, v28;
	v32 =	vmul.f32 v25, v34  }
0x4f: {  	v29 =	vmul.f32 v25, v30;
	v30 =	vor.u32 $0x5, v21  }
0x50: {  	[tilespmem:v24+s14+$0x0] =	vst.idx.msk $0xffff, v32;
	v24 =	vmul.f32 v25, v28;
	v25 =	vor.u32 $0x6, v21  }
0x51: {  	[tilespmem:v26+s14+$0x0] =	vst.idx.msk $0xffff, v29;
	v26 =	vor.u32 $0x7, v21;
	v21 =	vmov v31  }
0x52: {  	[tilespmem:v23+s14+$0x0] =	vst.idx.msk $0xffff, v24  }
0x53: {  	[tilespmem:v27+s14+$0x0] =	vst.idx.msk $0xffff, v1  }
0x54: {  	[tilespmem:v30+s14+$0x0] =	vst.idx.msk $0xffff, v1  }
0x55: {  	[tilespmem:v25+s14+$0x0] =	vst.idx.msk $0xffff, v1  }
0x56: {  	[tilespmem:v26+s14+$0x0] =	vst.idx.msk $0xffff, v1  }
0x57: {  	v23 =	vld.idx.msk [tilespmem:v31+s12+$0x0], $0xffff  }
0x58: {  	v24 =	vld.idx.msk [tilespmem:v31+s13+$0x0], $0xffff;
	_ =	sdelay $0x5  }
0x59: {  	v23 =	vadd.f32 v24, v23;
	_ =	sdelay $0x1  }
0x5a: {  	v23 =	vadd.f32 $1.000000000e+00, v23;
	_ =	sdelay $0x1  }
0x5b: {  	v24 =	vshrl.u32 v23, $0x1;
	v23 =	vmul.f32 $5.000000000e-01, v23  }
0x5c: {  	v24 =	vsub.s32 $0x5F3759DF, v24  }
0x5d: {  	v25 =	vmul.f32 v24, v23;
	_ =	sdelay $0x1  }
0x5e: {  	v25 =	vmul.f32 v24, v25;
	_ =	sdelay $0x1  }
0x5f: {  	v25 =	vsub.f32 $1.500000000e+00, v25;
	_ =	sdelay $0x1  }
0x60: {  	v24 =	vmul.f32 v24, v25;
	_ =	sdelay $0x1  }
0x61: {  	v25 =	vmul.f32 v24, v23;
	_ =	sdelay $0x1  }
0x62: {  	v25 =	vmul.f32 v25, v24;
	_ =	sdelay $0x1  }
0x63: {  	v25 =	vsub.f32 $1.500000000e+00, v25;
	_ =	sdelay $0x1  }
0x64: {  	v25 =	vmul.f32 v25, v24;
	_ =	sdelay $0x1  }
0x65: {  	v23 =	vmul.f32 v25, v23;
	_ =	sdelay $0x1  }
0x66: {  	v23 =	vmul.f32 v23, v25;
	_ =	sdelay $0x1  }
0x67: {  	v23 =	vsub.f32 $1.500000000e+00, v23  }
0x68: {  	v24 =	vor.u32 $0x1, v21  }
0x69: {  	v25 =	vmul.f32 v23, v25;
	v23 =	vor.u32 $0x3, v21  }
0x6a: {  	v26 =	vor.u32 $0x2, v21  }
0x6b: {  	[tilespmem:s17+$0x0] =	vst v25  }
.Ltmp0:
0x6c: {  	v29 =	vld.idx.msk [tilespmem:v21+s2+$0x0], $0xffff;
	(pc) =	sbr.rel @p1 .LBB2_2-.Ltmp0, $4  }
0x6d: {  	v32 =	vld.idx.msk [tilespmem:v24+s2+$0x0], $0xffff  }
0x6e: {  	v27 =	vor.u32 $0x4, v21;
	v28 =	vld.idx.msk [tilespmem:v23+s2+$0x0], $0xffff  }
0x6f: {  	v31 =	vmov s19;
	v30 =	vld.idx.msk [tilespmem:v26+s2+$0x0], $0xffff  }
0x70: {  	v31 =	vshll.u32 v31, $0x3  }
0x71: {  	v33 =	vmul.f32 v29, v11;
	v35 =	vmul.f32 v29, v14  }
0x72: {  	v39 =	vmul.f32 v29, v15;
	v44 =	vmul.f32 v29, v19  }
0x73: {  	v34 =	vmul.f32 v32, v12;
	v36 =	vmul.f32 v32, v17  }
0x74: {  	v38 =	vmul.f32 v32, v22;
	v61 =	vmul.f32 v32, v20  }
0x75: {  	v37 =	vld.idx.msk [tilespmem:v27+s2+$0x0], $0xffff;
	v63 =	vmul.f32 v28, v5;
	v45 =	vmul.f32 v28, v6  }
0x76: {  	v48 =	vmul.f32 v28, v7;
	v33 =	vadd.f32 v34, v33;
	v60 =	vmul.f32 v30, v8  }
0x77: {  	v50 =	vmul.f32 v28, v13;
	v35 =	vadd.f32 v36, v35;
	v62 =	vmul.f32 v30, v10  }
0x78: {  	v40 =	vmul.f32 v30, v16;
	v32 =	vadd.f32 v61, v39;
	v33 =	vadd.f32 v60, v33  }
0x79: {  	v29 =	vadd.f32 v38, v44;
	v47 =	vmul.f32 v30, v18;
	v35 =	vadd.f32 v62, v35  }
0x7a: {  	v46 =	vmul.f32 v37, v2;
	v32 =	vadd.f32 v40, v32;
	v33 =	vadd.f32 v63, v33  }
0x7b: {  	v49 =	vmul.f32 v37, v3;
	v29 =	vadd.f32 v47, v29;
	v35 =	vadd.f32 v45, v35  }
0x7c: {  	v52 =	vmul.f32 v37, v4;
	v32 =	vadd.f32 v48, v32;
	v51 =	vadd.f32 v46, v33  }
0x7d: {  	v54 =	vmul.f32 v37, v9;
	v28 =	vadd.f32 v50, v29;
	v53 =	vadd.f32 v49, v35  }
0x7e: {  	v32 =	vadd.f32 v52, v32;
	v30 =	vmul.f32 v25, v51  }
0x7f: {  	v28 =	vadd.f32 v54, v28;
	v55 =	vmul.f32 v25, v53  }
0x80: {  	v57 =	vor.u32 $0x5, v21;
	v56 =	vmul.f32 v25, v32;
	[tilespmem:v21+s14+$0x0] =	vst.idx.msk $0xffff, v30  }
0x81: {  	v59 =	vor.u32 $0x6, v21;
	v58 =	vmul.f32 v25, v28;
	[tilespmem:v24+s14+$0x0] =	vst.idx.msk $0xffff, v55  }
0x82: {  	v60 =	vor.u32 $0x7, v21;
	[tilespmem:v26+s14+$0x0] =	vst.idx.msk $0xffff, v56  }
0x83: {  	v26 =	vor.u32 v0, v31;
	[tilespmem:v23+s14+$0x0] =	vst.idx.msk $0xffff, v58  }
0x84: {  	[tilespmem:v27+s14+$0x0] =	vst.idx.msk $0xffff, v1  }
0x85: {  	[tilespmem:v57+s14+$0x0] =	vst.idx.msk $0xffff, v1  }
0x86: {  	[tilespmem:v59+s14+$0x0] =	vst.idx.msk $0xffff, v1  }
0x87: {  	[tilespmem:v60+s14+$0x0] =	vst.idx.msk $0xffff, v1  }
0x88: {  	v21 =	vld.idx.msk [tilespmem:v26+s12+$0x0], $0xffff  }
0x89: {  	v23 =	vld.idx.msk [tilespmem:v26+s13+$0x0], $0xffff;
	_ =	sdelay $0x4  }
0x8a: {  	v21 =	vadd.f32 v23, v21;
	_ =	sdelay $0x1  }
0x8b: {  	v21 =	vadd.f32 $1.000000000e+00, v21;
	_ =	sdelay $0x1  }
0x8c: {  	v61 =	vshrl.u32 v21, $0x1;
	v21 =	vmul.f32 $5.000000000e-01, v21  }
0x8d: {  	v23 =	vsub.s32 $0x5F3759DF, v61  }
0x8e: {  	v62 =	vmul.f32 v23, v21;
	_ =	sdelay $0x1  }
0x8f: {  	v24 =	vmul.f32 v23, v62;
	_ =	sdelay $0x1  }
0x90: {  	v24 =	vsub.f32 $1.500000000e+00, v24;
	_ =	sdelay $0x1  }
0x91: {  	v23 =	vmul.f32 v23, v24;
	_ =	sdelay $0x1  }
0x92: {  	v24 =	vmul.f32 v23, v21;
	_ =	sdelay $0x1  }
0x93: {  	v24 =	vmul.f32 v24, v23;
	_ =	sdelay $0x1  }
0x94: {  	v24 =	vsub.f32 $1.500000000e+00, v24;
	_ =	sdelay $0x1  }
0x95: {  	v23 =	vmul.f32 v24, v23;
	_ =	sdelay $0x1  }
0x96: {  	v21 =	vmul.f32 v23, v21;
	_ =	sdelay $0x1  }
0x97: {  	v21 =	vmul.f32 v21, v23;
	_ =	sdelay $0x1  }
0x98: {  	v21 =	vsub.f32 $1.500000000e+00, v21  }
0x99: {  	v24 =	vor.u32 $0x1, v26  }
0x9a: {  	v21 =	vmul.f32 v21, v23  }
0x9b: {  	s17 =	sadd.s32 $0x10, s17  }
0x9c: {  	v25 =	vor.u32 $0x3, v26;
	[tilespmem:s17+$0x0] =	vst v21  }
0x9d: {  	v29 =	vor.u32 $0x4, v26;
	v27 =	vld.idx.msk [tilespmem:v26+s2+$0x0], $0xffff  }
0x9e: {  	v23 =	vor.u32 $0x2, v26;
	v63 =	vld.idx.msk [tilespmem:v24+s2+$0x0], $0xffff;
	_ =	sdelay $0x2  }
0x9f: {  	v36 =	vld.idx.msk [tilespmem:v25+s2+$0x0], $0xffff  }
0xa0: {  	v41 =	vld.idx.msk [tilespmem:v29+s2+$0x0], $0xffff  }
0xa1: {  	v30 =	vld.idx.msk [tilespmem:v23+s2+$0x0], $0xffff;
	v37 =	vmul.f32 v27, v11;
	v38 =	vmul.f32 v63, v12  }
0xa2: {  	v39 =	vmul.f32 v27, v14;
	v40 =	vmul.f32 v63, v17  }
0xa3: {  	v42 =	vmul.f32 v63, v22;
	v44 =	vmul.f32 v63, v20  }
0xa4: {  	v46 =	vmul.f32 v27, v15;
	v47 =	vmul.f32 v36, v5  }
0xa5: {  	v49 =	vmul.f32 v27, v19;
	v50 =	vmul.f32 v36, v6  }
0xa6: {  	v2 =	vmul.f32 v41, v2;
	v11 =	vadd.f32 v38, v37;
	v43 =	vmul.f32 v30, v8  }
0xa7: {  	v54 =	vmul.f32 v36, v7;
	v14 =	vadd.f32 v40, v39;
	v45 =	vmul.f32 v30, v10  }
0xa8: {  	v48 =	vmul.f32 v30, v16;
	v51 =	vadd.f32 v44, v46;
	v8 =	vadd.f32 v43, v11  }
0xa9: {  	v52 =	vadd.f32 v42, v49;
	v53 =	vmul.f32 v30, v18;
	v10 =	vadd.f32 v45, v14  }
0xaa: {  	v3 =	vmul.f32 v41, v3;
	v5 =	vadd.f32 v47, v8;
	v8 =	vadd.f32 v48, v51  }
0xab: {  	v56 =	vmul.f32 v36, v13;
	v55 =	vadd.f32 v53, v52;
	v6 =	vadd.f32 v50, v10  }
0xac: {  	v58 =	vmul.f32 v41, v4;
	v2 =	vadd.f32 v2, v5;
	v57 =	vadd.f32 v54, v8  }
0xad: {  	v60 =	vmul.f32 v41, v9;
	v59 =	vadd.f32 v56, v55;
	v3 =	vadd.f32 v3, v6  }
0xae: {  	v2 =	vmul.f32 v21, v2;
	v4 =	vadd.f32 v58, v57  }
0xaf: {  	v61 =	vadd.f32 v60, v59;
	v3 =	vmul.f32 v21, v3  }
0xb0: {  	v62 =	vor.u32 $0x5, v26;
	[tilespmem:v26+s14+$0x0] =	vst.idx.msk $0xffff, v2;
	v2 =	vmul.f32 v21, v4  }
0xb1: {  	v63 =	vor.u32 $0x6, v26;
	[tilespmem:v24+s14+$0x0] =	vst.idx.msk $0xffff, v3;
	v3 =	vmul.f32 v21, v61  }
0xb2: {  	[tilespmem:v23+s14+$0x0] =	vst.idx.msk $0xffff, v2;
	v2 =	vor.u32 $0x7, v26  }
0xb3: {  	[tilespmem:v25+s14+$0x0] =	vst.idx.msk $0xffff, v3  }
0xb4: {  	[tilespmem:v29+s14+$0x0] =	vst.idx.msk $0xffff, v1  }
0xb5: {  	[tilespmem:v62+s14+$0x0] =	vst.idx.msk $0xffff, v1  }
0xb6: {  	[tilespmem:v63+s14+$0x0] =	vst.idx.msk $0xffff, v1  }
0xb7: {  	[tilespmem:v2+s14+$0x0] =	vst.idx.msk $0xffff, v1  }
0xb8: {  	[hbm4b:s7+s2] =	stream.linear.scatter [tilespmem:s15], [sflag:$0x1], $0xC40, $0x38;
	[tilespmem:$0x19460] =	vst v63  }
0xb9: {  	s16 =	sadd.s32 $0x1, s16;
	_ =	swait.ge [sflag:s11], $0xC40  }
0xba: {  	p1 =	sne.s32 s16, s9;
	[sflag:s11] =	ssyncset.done $0x0  }
.Ltmp1:
0xbb: {  	[sflag:s11] =	ssyncadd.s32 $0xFFFFF3C0;
	(pc) =	sbr.rel @p1 .LBB2_1-.Ltmp1, $4  }
0xbc: {  	[hbm4b:s8+s2] =	stream.linear.scatter [tilespmem:s14], [sflag:$0x1], $0x6200, $0x38;
	[tilespmem:$0x19460] =	vst v63  }
0xbd: {  	_ =	swait.ge [sflag:s11], $0x6200  }
0xbe: {  	[sflag:s11] =	ssyncset.done $0x0  }
0xbf: {  	[sflag:s11] =	ssyncadd.s32 $0xFFFF9E00  }
0xc0: {  	_ =	sfence.sel $0x180000  }
0xc1: {  	[bflag:$0x0] =	sbarrier.arrive $0xFFFF  }
0xc2: {  	p0 =	sne.s32 s0, $0x0;
	_ =	strace $0x9000004A  }
0xc3: {  	s0 =	sadd.s32 @!p0 $0x100000, s1;
	[bflag:$0x2] =	sbarrier.arrive $0xFFFF  }
0xc4: {  	[sflag:s0] =	ssyncadd.tile.s32 @!p0 $0x1;
	_ =	shalt  }
.Lfunc_end2:
_tile_overlayer_lowered:
.L_overlay_start_2:
0xc5: {  	(tag) =	ssettag $0x2  }
0xc6: {  	s0 =	rddreg [dreg:$0x0];
	s2 =	stileid.u32  }
0xc7: {  	s1 =	rddreg [dreg:$0x1];
	p0 =	sne.s32 s2, $0x0  }
0xc8: {  	s3 =	rddreg [dreg:$0x2];
	[bflag:$0x3] =	sbarrier.arrive $0xFFFF;
	s2 =	simm.s32 @!p0 $0x1C01  }
0xc9: {  	[timem:s3], [sflag:s2] =	dma.local @!p0 [hbm:s0], s1  }
0xca: {  	s0 =	simm.s32 @!p0 $0x1  }
0xcb: {  	_ =	swait.ge @!p0 [sflag:s0], s1  }
0xcc: {  	s1 =	ssub.s32 @!p0 $0x0, s1;
	[sflag:s0] =	ssyncset.done @!p0 $0x0  }
0xcd: {  	[sflag:s0] =	ssyncadd.s32 @!p0 s1  }
0xce: {  	[bflag:$0x3] =	sbarrier.arrive $0xFFFF  }
0xcf: {  	_ =	shalt  }

// kernel: kernel.15.cloned.1.call-start
scs
__scs_entry_jumppad:
0x0: {  	(pc) =	sbr.rel $0x88, $3  }
0x1: {  	(tag) =	ssettag $0x0;
	lr =	simm.s32 $0x1  }
0x2: {  	[smem:$0x3F9B] =	sst lr;
	_ =	strace $0xD0000000  }
0x3: {  	_ = 	snop  }
0x4: {  	_ = 	snop  }
0x5: {  	_ = 	snop  }
0x6: {  	_ = 	snop  }
0x7: {  	_ = 	snop  }
__scs_overlays_trampoline_lowered:
0x8: {  	[smem:$0x3FAA] =	sst s0  }
0x9: {  	[smem:$0x3FAB] =	sst s1  }
0xa: {  	[smem:$0x3FAC] =	sst s2  }
0xb: {  	[smem:$0x3FAD] =	sst s3  }
0xc: {  	[smem:$0x3FAE] =	sst s4  }
0xd: {  	[smem:$0x3FAF] =	sst s5  }
0xe: {  	[smem:$0x3FB0] =	sst s6  }
0xf: {  	[smem:$0x3FB1] =	sst s7  }
0x10: {  	[smem:$0x3FB2] =	sst s8  }
0x11: {  	[smem:$0x3FB3] =	sst s9;
	s0 =	simm.s32 @!p0 $0x0  }
0x12: {  	s1 =	sld [smem:$0x3F99];
	s0 =	simm.s32 @p0 $0x1  }
0x13: {  	[smem:$0x3FB4] =	sst s0;
	s0 =	simm.s32 @!p1 $0x0  }
0x14: {  	s2 =	sld [smem:$0x3F98];
	s0 =	simm.s32 @p1 $0x1  }
0x15: {  	[smem:$0x3FB5] =	sst s0;
	s0 =	simm.s32 @!p2 $0x0  }
0x16: {  	s3 =	sld [smem:$0x3FDB];
	s0 =	simm.s32 @p2 $0x1  }
0x17: {  	s4 =	simm.s32 $0x1BF5;
	[smem:$0x3FB7] =	sst s0  }
0x18: {  	s0 =	sld [smem:$0x3F9A];
	_ =	swait.ge [sflag:s4], $0x0  }
0x19: {  	s7 =	sld [smem:$0x3F9B]  }
0x1a: {  	s8 =	sadd.s32 $0xFFFFE003, lr  }
0x1b: {  	s9 =	sadd.s32 $0xFFFFFEF7, lr;
	s5 =	simm.s32 $0xFFFFFFFF;
	p2 =	slt.u32 s8, $0xFFFFF086  }
0x1c: {  	p1 =	slt.u32 s9, $0xF7A;
	s5 =	simm.s32 @!p2 $0x0  }
0x1d: {  	s5 =	simm.s32 @p1 $0x1;
	p0 =	seq.s32 s7, s2  }
0x1e: {  	s7 =	smul.u32 @!p0 $0xF7A, s2;
	p2 =	seq.s32 @!p0 s5, $0x0  }
0x1f: {  	s9 =	smul.u32 $0xF7A, s1;
	s8 =	simm.s32 @!p0 $0x1BF5;
	p2 =	por !p2, p0  }
0x20: {  	[sflag:s8] =	ssyncset.s32 @!p0 $0xFFFFF086;
	s6 =	sadd.s32 @!p0 s3, s7;
	s7 =	simm.s32 @!p0 $0x108  }
0x21: {  	s3 =	sadd.s32 s3, s9;
	s6 =	sadd.s32 @!p0 $0x88, s6;
	s7 =	simm.s32 @p2 $0x1082  }
0x22: {  	[simem:s7], [sflag:s8] =	dma.local @!p0 [hbm:s6], $0xF7A  }
0x23: {  	s9 =	sor.u32 $0xD0000000, s2;
	s6 =	simm.s32 $0x108;
	_ =	swait.ge @!p0 [sflag:s8], $0x0  }
0x24: {  	s3 =	sadd.s32 $0x88, s3;
	s6 =	simm.s32 @!p1 $0x1082;
	[sflag:s4] =	ssyncset.s32 $0xFFFFF086  }
0x25: {  	[simem:s6], [sflag:s4] =	dma.local [hbm:s3], $0xF7A  }
0x26: {  	[smem:$0x3F9B] =	sst s1;
	(tag) =	ssettag s2;
	_ =	strace s9  }
0x27: {  	s1 =	sld [smem:$0x3FAB]  }
0x28: {  	s2 =	sld [smem:$0x3FAC]  }
0x29: {  	s4 =	sld [smem:$0x3FAE]  }
0x2a: {  	p0 =	seq.s32 s5, $0x0;
	s5 =	sld [smem:$0x3FAF]  }
0x2b: {  	s6 =	sld [smem:$0x3FB0]  }
0x2c: {  	s7 =	sld [smem:$0x3FB1]  }
0x2d: {  	s3 =	simm.s32 $0x108;
	s8 =	sld [smem:$0x3FB2]  }
0x2e: {  	s3 =	simm.s32 @!p0 $0x1082;
	s9 =	sld [smem:$0x3FB3]  }
0x2f: {  	lr =	sadd.s32 s0, s3;
	s0 =	sld [smem:$0x3FAA]  }
0x30: {  	s3 =	sld [smem:$0x3FAD]  }
0x31: {  	[smem:$0x3FB6] =	sst s10  }
0x32: {  	s10 =	sld [smem:$0x3FB4];
	_ =	sdelay $0x3  }
0x33: {  	p0 =	seq.s32 s10, $0x1;
	s10 =	sld [smem:$0x3FB6];
	_ =	sdelay $0x3  }
0x34: {  	[smem:$0x3FB6] =	sst s10  }
0x35: {  	s10 =	sld [smem:$0x3FB5];
	_ =	sdelay $0x3  }
0x36: {  	p1 =	seq.s32 s10, $0x1;
	s10 =	sld [smem:$0x3FB6];
	_ =	sdelay $0x3  }
0x37: {  	[smem:$0x3FB6] =	sst s10  }
0x38: {  	s10 =	sld [smem:$0x3FB7]  }
0x39: {  	_ = 	snop;
	(pc) =	sbr.ind lr, $3  }
0x3a: {  	_ = 	snop  }
0x3b: {  	_ = 	snop  }
0x3c: {  	p2 =	seq.s32 s10, $0x1;
	s10 =	sld [smem:$0x3FB6]  }
0x3d: {  	_ =	shalt  }
0x3e: {  	_ =	shalt  }
0x3f: {  	_ =	shalt  }
0x40: {  	_ =	shalt  }
0x41: {  	_ =	shalt  }
0x42: {  	_ =	shalt  }
0x43: {  	_ =	shalt  }
0x44: {  	_ =	shalt  }
0x45: {  	_ =	shalt  }
0x46: {  	_ =	shalt  }
0x47: {  	_ =	shalt  }
0x48: {  	_ =	shalt  }
0x49: {  	_ =	shalt  }
0x4a: {  	_ =	shalt  }
0x4b: {  	_ =	shalt  }
0x4c: {  	_ =	shalt  }
0x4d: {  	_ =	shalt  }
0x4e: {  	_ =	shalt  }
0x4f: {  	_ =	shalt  }
0x50: {  	_ =	shalt  }
0x51: {  	_ =	shalt  }
0x52: {  	_ =	shalt  }
0x53: {  	_ =	shalt  }
0x54: {  	_ =	shalt  }
0x55: {  	_ =	shalt  }
0x56: {  	_ =	shalt  }
0x57: {  	_ =	shalt  }
0x58: {  	_ =	shalt  }
0x59: {  	_ =	shalt  }
0x5a: {  	_ =	shalt  }
0x5b: {  	_ =	shalt  }
0x5c: {  	_ =	shalt  }
0x5d: {  	_ =	shalt  }
0x5e: {  	_ =	shalt  }
0x5f: {  	_ =	shalt  }
0x60: {  	_ =	shalt  }
0x61: {  	_ =	shalt  }
0x62: {  	_ =	shalt  }
0x63: {  	_ =	shalt  }
0x64: {  	_ =	shalt  }
0x65: {  	_ =	shalt  }
0x66: {  	_ =	shalt  }
0x67: {  	_ =	shalt  }
0x68: {  	_ =	shalt  }
0x69: {  	_ =	shalt  }
0x6a: {  	_ =	shalt  }
0x6b: {  	_ =	shalt  }
0x6c: {  	_ =	shalt  }
0x6d: {  	_ =	shalt  }
0x6e: {  	_ =	shalt  }
0x6f: {  	_ =	shalt  }
0x70: {  	_ =	shalt  }
0x71: {  	_ =	shalt  }
0x72: {  	_ =	shalt  }
0x73: {  	_ =	shalt  }
0x74: {  	_ =	shalt  }
0x75: {  	_ =	shalt  }
0x76: {  	_ =	shalt  }
0x77: {  	_ =	shalt  }
0x78: {  	_ =	shalt  }
0x79: {  	_ =	shalt  }
0x7a: {  	_ =	shalt  }
0x7b: {  	_ =	shalt  }
0x7c: {  	_ =	shalt  }
0x7d: {  	_ =	shalt  }
0x7e: {  	_ =	shalt  }
0x7f: {  	_ =	shalt  }
0x80: {  	_ =	shalt  }
0x81: {  	_ =	shalt  }
0x82: {  	_ =	shalt  }
0x83: {  	_ =	shalt  }
0x84: {  	_ =	shalt  }
0x85: {  	_ =	shalt  }
0x86: {  	_ =	shalt  }
0x87: {  	_ =	shalt  }
.Lfunc_end0:
.L_simem_size_0:
called_computation.2_lowered:
.L_overlay_start_0:
0x88: {  	s2 =	sld [smem:$0x3FD9]  }
0x89: {  	s3 =	sld [smem:$0x3FFE];
	_ =	sdelay $0x1  }
0x8a: {  	s1 =	srdreg.scid  }
0x8b: {  	s0 =	sand.u32 $0x1, s1  }
0x8c: {  	s16 =	sshll.u32 s0, $0xA;
	s2 =	sadd.s32 s3, s2  }
0x8d: {  	s2 =	sadd.s32 s2, s16  }
0x8e: {  	[smem:$0x3FC2] =	sst s2  }
0x8f: {  	_ = 	snop  }
0x90: {  	(tm) =	ssettm $0x1  }
0x91: {  	s17 =	sld [smem:$0x3FFB];
	_ =	sdelay $0x3  }
0x92: {  	_ =	strace s17  }
0x93: {  	s2 =	sld [smem:$0x3FFC];
	_ =	sdelay $0x3  }
0x94: {  	_ =	strace s2  }
0x95: {  	s2 =	sld [smem:$0x3FFD];
	_ =	sdelay $0x3  }
0x96: {  	_ =	strace s2  }
0x97: {  	_ =	strace $0x8FFFFFFF  }
0x98: {  	s18 =	sld [smem:$0x3FDB];
	_ =	sdelay $0x1  }
0x99: {  	s19 =	simm.s32 $_scs_section_size  }
0x9a: {  	s4 =	simm.s32 $_size__tile_overlayer_lowered;
	s5 =	simm.s32 $_tile_overlayer_lowered  }
0x9b: {  	s22 =	simm.s32 $0x1BFF;
	s21 =	sshll.u32 s5, $0x1;
	s2 =	sadd.s32 s19, s18  }
0x9c: {  	s6 =	simm.s32 $0x0;
	s20 =	sshll.u32 s4, $0x1;
	s4 =	sadd.s32 s21, s2  }
0x9d: {  	[timem:s6], [sflag:s22] =	dma.local [hbm:s4], s20  }
0x9e: {  	_ =	swait.ge [sflag:s22], s20  }
0x9f: {  	s3 =	ssub.s32 $0x0, s20;
	[sflag:s22] =	ssyncset.done $0x0  }
0xa0: {  	[sflag:s22] =	ssyncadd.s32 s3;
	_ =	sdelay $0x1  }
0xa1: {  	s23 =	simm.s32 $0x1B8B  }
0xa2: {  	_ =	swait.ge [sflag:s23], $0x1  }
0xa3: {  	[sflag:s23] =	ssyncset.done $0x0  }
0xa4: {  	s25 =	simm.s32 $0x1B8E;
	s24 =	sld [smem:$0x3FFE];
	[sflag:s23] =	ssyncadd.s32 $0xFFFFFFFF  }
0xa5: {  	s26 =	simm.s32 $execute0_lowered;
	[smem:$0x3FD2] =	sst s25  }
0xa6: {  	s4 =	sshll.u32 s26, $0x1;
	_ =	strace $0x8000004C;
	[dreg:$0x1] =	wrdreg $0xFFFFFFFF  }
0xa7: {  	s28 =	simm.s32 $_size_execute0_lowered;
	s2 =	sadd.s32 s2, s4;
	[dreg:$0x0] =	wrdreg $0x0  }
0xa8: {  	s4 =	sshll.u32 s28, $0x1;
	[dreg:$0x2] =	wrdreg s2  }
0xa9: {  	[dreg:$0x3] =	wrdreg s4  }
0xaa: {  	[dreg:$0x4] =	wrdreg $0xC0  }
0xab: {  	_ =	task [dreg:s6], $0x5FFFF  }
0xac: {  	[dreg:$0x1] =	wrdreg $0xFFFFFFFF  }
0xad: {  	[dreg:$0x0] =	wrdreg $0x60  }
0xae: {  	[dreg:$0x2] =	wrdreg s24  }
0xaf: {  	[dreg:$0x3] =	wrdreg $0x0  }
0xb0: {  	[dreg:$0x4] =	wrdreg $0xC4000  }
0xb1: {  	[dreg:$0x5] =	wrdreg $0x9  }
0xb2: {  	_ =	task.clear_ibuf [dreg:s6], $0x6FFFF;
	_ =	strace $0x9000004C  }
0xb3: {  	s29 =	simm.s32 $0x9;
	_ =	strace $0x8000004E  }
0xb4: {  	_ =	swait.ge [sflag:s29], $0x1  }
0xb5: {  	[sflag:s29] =	ssyncadd.s32 $0xFFFFFFFF  }
0xb6: {  	_ =	strace $0x9000004E  }
0xb7: {  	_ =	sfence  }
0xb8: {  	s30 =	sld [smem:$0x0];
	_ =	sdelay $0x2  }
0xb9: {  	s31 =	sshll.u32 s1, $0xD;
	s1 =	sshrl.u32 s1, $0x2  }
0xba: {  	s3 =	sand.u32 $0x4000, s31;
	s1 =	sadd.s32 s1, s30  }
0xbb: {  	s0 =	sor.u32 s3, s0;
	s1 =	sshll.u32 s1, $0x11  }
0xbc: {  	s0 =	sor.u32 s1, s0  }
0xbd: {  	s0 =	sadd.s32 $0x8F2B, s0  }
0xbe: {  	[sflag:s0] =	ssyncadd.remote.s32 $0x1  }
0xbf: {  	_ =	sfence.sel $0xFFFF  }
0xc0: {  	[dreg:$0x0] =	wrdreg $0xFFFFFFFF;
	(pc) =	sbr.abs _section_cstart, $3  }
0xc1: {  	[dreg:$0x1] =	wrdreg $0xFFFFFFFF  }
0xc2: {  	_ =	task.clear_ibuf [dreg:s6], $0x2FFFF;
	_ =	strace $0x9FFFFFFF  }
0xc3: {  	(tm) =	ssettm $0x7FFFFFFF  }
tec
execute0_lowered:
.L_overlay_start_1:
0x0: {  	(tag) =	ssettag $0x1  }
0x1: {  	s6 =	rddreg [dreg:$0x0]  }
0x2: {  	s1 =	rddreg [dreg:$0x1]  }
0x3: {  	s0 =	stileid.u32;
	s2 =	srdreg.scid  }
0x4: {  	s3 =	rddreg [dreg:$0x2];
	s4 =	simm.s32 $0x0;
	s15 =	simm.s32 $0x18800  }
0x5: {  	s16 =	simm.s32 $0x18FD0;
	s17 =	simm.s32 $0x7D0;
	s8 =	smul.u32 $0xC400, s0  }
0x6: {  	s18 =	simm.s32 $0x197A0;
	s5 =	sand.u32 $0x1, s2;
	s7 =	smul.u32 $0x61A80, s0  }
0x7: {  	s19 =	simm.s32 $0x0;
	s2 =	rddreg [dreg:$0x3];
	s9 =	smul.u32 $0x30D40, s5  }
0x8: {  	[smem:$0x7FF] =	sst s4;
	s31 =	sshll.u32 s0, $0x6;
	s10 =	smul.u32 $0xC4000, s5  }
0x9: {  	_ =	strace $0x8000004D;
	s29 =	ssub.s32 $0x2, s5;
	s5 =	sadd.s32 $0x18A800, s6  }
0xa: {  	s11 =	sshrl.u32 s8, $0x3;
	s30 =	sshrl.u32 s29, $0x1;
	s13 =	sadd.s32 s8, s1  }
0xb: {  	s14 =	sadd.s32 s8, s3;
	s7 =	sadd.s32 s9, s7;
	s25 =	sadd.s32 s11, s6  }
0xc: {  	s10 =	sadd.s32 s8, s10;
	s14 =	sshrl.u32 s14, $0x3;
	s7 =	sshrl.u32 s7, $0x3  }
0xd: {  	s28 =	sshrl.u32 s10, $0x3;
	s10 =	ssub.s32 s29, s30;
	s26 =	sadd.s32 s7, s6  }
0xe: {  	s12 =	sadd.s32 s28, s6;
	s6 =	sadd.s32 $0x1BD400, s25;
	s7 =	sor.u32 $0x1C01, s31  }
0xf: {  	s9 =	smax.u32 s10, $0x1;
	s8 =	sadd.s32 $0x18C200, s12;
	s10 =	sadd.s32 $0xC7200, s26  }
0x10: {  	s11 =	sadd.s32 $0x3C00, s26;
	s12 =	sshrl.u32 s13, $0x3;
	s13 =	simm.s32 $0x1  }
.LBB2_1:
0x11: {  	[spmem:s12], [sflag:s7] =	dma.local [hbm:s6], $0x1880  }
0x12: {  	_ =	swait.ge [sflag:s13], $0x1880  }
0x13: {  	[sflag:s13] =	ssyncset.done $0x0  }
0x14: {  	[sflag:s13] =	ssyncadd.s32 $0xFFFFE780  }
0x15: {  	[spmem:s14], [sflag:s7] =	dma.local [hbm:s5], $0x1880  }
0x16: {  	_ =	swait.ge [sflag:s13], $0x1880  }
0x17: {  	[sflag:s13] =	ssyncset.done $0x0  }
0x18: {  	[sflag:s13] =	ssyncadd.s32 $0xFFFFE780  }
0x19: {  	s20 =	sadd.s32 $0x0, s11;
	[bflag:$0x0] =	sbarrier.arrive $0xFFFF  }
0x1a: {  	[tilespmem:s15], [sflag:$0x1] =	stream.linear.gather [hbm4b:s20+s4], $0x7D0, $0x38;
	[tilespmem:$0x1D620] =	vst v63  }
0x1b: {  	_ =	swait.ge [sflag:s13], $0x7D0  }
0x1c: {  	[sflag:s13] =	ssyncset.done $0x0  }
0x1d: {  	s31 =	sadd.s32 $0x0, s10;
	[sflag:s13] =	ssyncadd.s32 $0xFFFFF830  }
0x1e: {  	[tilespmem:s16], [sflag:$0x1] =	stream.linear.gather [hbm4b:s31+s4], $0x7D0, $0x38;
	[tilespmem:$0x1D620] =	vst v63  }
0x1f: {  	_ =	swait.ge [sflag:s13], $0x7D0  }
0x20: {  	[sflag:s13] =	ssyncset.done $0x0  }
0x21: {  	[sflag:s13] =	ssyncadd.s32 $0xFFFFF830  }
0x22: {  	[tilespmem:s18], [sflag:$0x1] =	stream.indirect.gather [spmem:s1], $0x8, s15, s17, $0xb8;
	[tilespmem:$0x1D620] =	vst v63  }
0x23: {  	_ =	swait.ge [sflag:s13], $0x3E80  }
0x24: {  	[sflag:s13] =	ssyncset.done $0x0  }
0x25: {  	[sflag:s13] =	ssyncadd.s32 $0xFFFFC180  }
0x26: {  	[spmem:s3] =	stream.indirect.scatter.add.f32 [tilespmem:s18], [sflag:$0x1], $0x8, s16, s17, $0xb8;
	[tilespmem:$0x1D620] =	vst v63  }
0x27: {  	_ =	swait.ge [sflag:s13], $0x3E80  }
0x28: {  	s21 =	simm.s32 $0x1F4;
	s20 =	simm.s32 $0xFA;
	[sflag:s13] =	ssyncset.done $0x0  }
.LBB2_2:
0x29: {  	s22 =	sadd.s32 s20, s11  }
0x2a: {  	[sflag:s13] =	ssyncadd.s32 $0xFFFFC180;
	s23 =	smov.u32 s21;
	s24 =	sadd.s32 $0xFA, s21  }
0x2b: {  	[tilespmem:s15], [sflag:$0x1] =	stream.linear.gather [hbm4b:s22+s4], $0x7D0, $0x38;
	[tilespmem:$0x1D620] =	vst v63  }
0x2c: {  	p0 =	sne.s32 s21, $0x60AE;
	_ =	swait.ge [sflag:s13], $0x7D0  }
0x2d: {  	[sflag:s13] =	ssyncset.done $0x0  }
0x2e: {  	s21 =	sadd.s32 s20, s10;
	s20 =	smov.u32 s23;
	[sflag:s13] =	ssyncadd.s32 $0xFFFFF830  }
0x2f: {  	[tilespmem:s16], [sflag:$0x1] =	stream.linear.gather [hbm4b:s21+s4], $0x7D0, $0x38;
	[tilespmem:$0x1D620] =	vst v63  }
0x30: {  	_ =	swait.ge [sflag:s13], $0x7D0  }
0x31: {  	[sflag:s13] =	ssyncset.done $0x0  }
0x32: {  	[sflag:s13] =	ssyncadd.s32 $0xFFFFF830  }
0x33: {  	[tilespmem:s18], [sflag:$0x1] =	stream.indirect.gather [spmem:s1], $0x8, s15, s17, $0xb8;
	[tilespmem:$0x1D620] =	vst v63  }
0x34: {  	_ =	swait.ge [sflag:s13], $0x3E80  }
.Ltmp0:
0x35: {  	[sflag:s13] =	ssyncset.done $0x0;
	(pc) =	sbr.rel @p0 .LBB2_2-.Ltmp0, $4  }
0x36: {  	[sflag:s13] =	ssyncadd.s32 $0xFFFFC180  }
0x37: {  	[spmem:s3] =	stream.indirect.scatter.add.f32 [tilespmem:s18], [sflag:$0x1], $0x8, s16, s17, $0xb8;
	[tilespmem:$0x1D620] =	vst v63  }
0x38: {  	_ =	swait.ge [sflag:s13], $0x3E80  }
0x39: {  	s21 =	smov.u32 s24;
	[sflag:s13] =	ssyncset.done $0x0  }
0x3a: {  	s21 =	sadd.s32 s20, s11;
	[sflag:s13] =	ssyncadd.s32 $0xFFFFC180  }
0x3b: {  	[tilespmem:s15], [sflag:$0x1] =	stream.linear.gather [hbm4b:s21+s4], $0x7D0, $0x38;
	[tilespmem:$0x1D620] =	vst v63  }
0x3c: {  	_ =	swait.ge [sflag:s13], $0x7D0  }
0x3d: {  	[sflag:s13] =	ssyncset.done $0x0  }
0x3e: {  	s31 =	sadd.s32 s20, s10;
	[sflag:s13] =	ssyncadd.s32 $0xFFFFF830  }
0x3f: {  	[tilespmem:s16], [sflag:$0x1] =	stream.linear.gather [hbm4b:s31+s4], $0x7D0, $0x38;
	[tilespmem:$0x1D620] =	vst v63  }
0x40: {  	_ =	swait.ge [sflag:s13], $0x7D0  }
0x41: {  	[sflag:s13] =	ssyncset.done $0x0  }
0x42: {  	[sflag:s13] =	ssyncadd.s32 $0xFFFFF830  }
0x43: {  	[tilespmem:s18], [sflag:$0x1] =	stream.indirect.gather [spmem:s1], $0x8, s15, s17, $0xb8;
	[tilespmem:$0x1D620] =	vst v63  }
0x44: {  	_ =	swait.ge [sflag:s13], $0x3E80  }
0x45: {  	[sflag:s13] =	ssyncset.done $0x0  }
0x46: {  	[sflag:s13] =	ssyncadd.s32 $0xFFFFC180  }
0x47: {  	[spmem:s3] =	stream.indirect.scatter.add.f32 [tilespmem:s18], [sflag:$0x1], $0x8, s16, s17, $0xb8;
	[tilespmem:$0x1D620] =	vst v63  }
0x48: {  	_ =	swait.ge [sflag:s13], $0x3E80  }
0x49: {  	s19 =	sadd.s32 $0x1, s19;
	[sflag:s13] =	ssyncset.done $0x0  }
0x4a: {  	p0 =	sne.s32 s19, s9;
	[sflag:s13] =	ssyncadd.s32 $0xFFFFC180  }
.Ltmp1:
0x4b: {  	[bflag:$0x0] =	sbarrier.arrive $0xFFFF;
	(pc) =	sbr.rel @p0 .LBB2_1-.Ltmp1, $4  }
0x4c: {  	[hbm:s8], [sflag:s7] =	dma.local [spmem:s14], $0x1880  }
0x4d: {  	_ =	swait.ge [sflag:s13], $0x1880  }
0x4e: {  	[sflag:s13] =	ssyncset.done $0x0  }
0x4f: {  	[sflag:s13] =	ssyncadd.s32 $0xFFFFE780  }
0x50: {  	_ =	sfence.sel $0x180000  }
0x51: {  	[bflag:$0x0] =	sbarrier.arrive $0xFFFF  }
0x52: {  	p0 =	sne.s32 s0, $0x0;
	_ =	strace $0x9000004D  }
0x53: {  	s0 =	sadd.s32 @!p0 $0x100000, s2;
	[bflag:$0x2] =	sbarrier.arrive $0xFFFF  }
0x54: {  	[sflag:s0] =	ssyncadd.tile.s32 @!p0 $0x1;
	_ =	shalt  }
.Lfunc_end2:
_tile_overlayer_lowered:
.L_overlay_start_2:
0x55: {  	(tag) =	ssettag $0x2  }
0x56: {  	s0 =	rddreg [dreg:$0x0];
	s2 =	stileid.u32  }
0x57: {  	s1 =	rddreg [dreg:$0x1];
	p0 =	sne.s32 s2, $0x0  }
0x58: {  	s3 =	rddreg [dreg:$0x2];
	[bflag:$0x3] =	sbarrier.arrive $0xFFFF;
	s2 =	simm.s32 @!p0 $0x1C01  }
0x59: {  	[timem:s3], [sflag:s2] =	dma.local @!p0 [hbm:s0], s1  }
0x5a: {  	s0 =	simm.s32 @!p0 $0x1  }
0x5b: {  	_ =	swait.ge @!p0 [sflag:s0], s1  }
0x5c: {  	s1 =	ssub.s32 @!p0 $0x0, s1;
	[sflag:s0] =	ssyncset.done @!p0 $0x0  }
0x5d: {  	[sflag:s0] =	ssyncadd.s32 @!p0 s1  }
0x5e: {  	[bflag:$0x3] =	sbarrier.arrive $0xFFFF  }
0x5f: {  	_ =	shalt  }

// kernel: kernel.18.cloned.1.call-start
scs
__scs_entry_jumppad:
0x0: {  	(pc) =	sbr.rel $0x88, $3  }
0x1: {  	(tag) =	ssettag $0x0;
	lr =	simm.s32 $0x1  }
0x2: {  	[smem:$0x3F9B] =	sst lr;
	_ =	strace $0xD0000000  }
0x3: {  	_ = 	snop  }
0x4: {  	_ = 	snop  }
0x5: {  	_ = 	snop  }
0x6: {  	_ = 	snop  }
0x7: {  	_ = 	snop  }
__scs_overlays_trampoline_lowered:
0x8: {  	[smem:$0x3FAA] =	sst s0  }
0x9: {  	[smem:$0x3FAB] =	sst s1  }
0xa: {  	[smem:$0x3FAC] =	sst s2  }
0xb: {  	[smem:$0x3FAD] =	sst s3  }
0xc: {  	[smem:$0x3FAE] =	sst s4  }
0xd: {  	[smem:$0x3FAF] =	sst s5  }
0xe: {  	[smem:$0x3FB0] =	sst s6  }
0xf: {  	[smem:$0x3FB1] =	sst s7  }
0x10: {  	[smem:$0x3FB2] =	sst s8  }
0x11: {  	[smem:$0x3FB3] =	sst s9;
	s0 =	simm.s32 @!p0 $0x0  }
0x12: {  	s1 =	sld [smem:$0x3F99];
	s0 =	simm.s32 @p0 $0x1  }
0x13: {  	[smem:$0x3FB4] =	sst s0;
	s0 =	simm.s32 @!p1 $0x0  }
0x14: {  	s2 =	sld [smem:$0x3F98];
	s0 =	simm.s32 @p1 $0x1  }
0x15: {  	[smem:$0x3FB5] =	sst s0;
	s0 =	simm.s32 @!p2 $0x0  }
0x16: {  	s3 =	sld [smem:$0x3FDB];
	s0 =	simm.s32 @p2 $0x1  }
0x17: {  	s4 =	simm.s32 $0x1BF5;
	[smem:$0x3FB7] =	sst s0  }
0x18: {  	s0 =	sld [smem:$0x3F9A];
	_ =	swait.ge [sflag:s4], $0x0  }
0x19: {  	s7 =	sld [smem:$0x3F9B]  }
0x1a: {  	s8 =	sadd.s32 $0xFFFFE003, lr  }
0x1b: {  	s9 =	sadd.s32 $0xFFFFFEF7, lr;
	s5 =	simm.s32 $0xFFFFFFFF;
	p2 =	slt.u32 s8, $0xFFFFF086  }
0x1c: {  	p1 =	slt.u32 s9, $0xF7A;
	s5 =	simm.s32 @!p2 $0x0  }
0x1d: {  	s5 =	simm.s32 @p1 $0x1;
	p0 =	seq.s32 s7, s2  }
0x1e: {  	s7 =	smul.u32 @!p0 $0xF7A, s2;
	p2 =	seq.s32 @!p0 s5, $0x0  }
0x1f: {  	s9 =	smul.u32 $0xF7A, s1;
	s8 =	simm.s32 @!p0 $0x1BF5;
	p2 =	por !p2, p0  }
0x20: {  	[sflag:s8] =	ssyncset.s32 @!p0 $0xFFFFF086;
	s6 =	sadd.s32 @!p0 s3, s7;
	s7 =	simm.s32 @!p0 $0x108  }
0x21: {  	s3 =	sadd.s32 s3, s9;
	s6 =	sadd.s32 @!p0 $0x88, s6;
	s7 =	simm.s32 @p2 $0x1082  }
0x22: {  	[simem:s7], [sflag:s8] =	dma.local @!p0 [hbm:s6], $0xF7A  }
0x23: {  	s9 =	sor.u32 $0xD0000000, s2;
	s6 =	simm.s32 $0x108;
	_ =	swait.ge @!p0 [sflag:s8], $0x0  }
0x24: {  	s3 =	sadd.s32 $0x88, s3;
	s6 =	simm.s32 @!p1 $0x1082;
	[sflag:s4] =	ssyncset.s32 $0xFFFFF086  }
0x25: {  	[simem:s6], [sflag:s4] =	dma.local [hbm:s3], $0xF7A  }
0x26: {  	[smem:$0x3F9B] =	sst s1;
	(tag) =	ssettag s2;
	_ =	strace s9  }
0x27: {  	s1 =	sld [smem:$0x3FAB]  }
0x28: {  	s2 =	sld [smem:$0x3FAC]  }
0x29: {  	s4 =	sld [smem:$0x3FAE]  }
0x2a: {  	p0 =	seq.s32 s5, $0x0;
	s5 =	sld [smem:$0x3FAF]  }
0x2b: {  	s6 =	sld [smem:$0x3FB0]  }
0x2c: {  	s7 =	sld [smem:$0x3FB1]  }
0x2d: {  	s3 =	simm.s32 $0x108;
	s8 =	sld [smem:$0x3FB2]  }
0x2e: {  	s3 =	simm.s32 @!p0 $0x1082;
	s9 =	sld [smem:$0x3FB3]  }
0x2f: {  	lr =	sadd.s32 s0, s3;
	s0 =	sld [smem:$0x3FAA]  }
0x30: {  	s3 =	sld [smem:$0x3FAD]  }
0x31: {  	[smem:$0x3FB6] =	sst s10  }
0x32: {  	s10 =	sld [smem:$0x3FB4];
	_ =	sdelay $0x3  }
0x33: {  	p0 =	seq.s32 s10, $0x1;
	s10 =	sld [smem:$0x3FB6];
	_ =	sdelay $0x3  }
0x34: {  	[smem:$0x3FB6] =	sst s10  }
0x35: {  	s10 =	sld [smem:$0x3FB5];
	_ =	sdelay $0x3  }
0x36: {  	p1 =	seq.s32 s10, $0x1;
	s10 =	sld [smem:$0x3FB6];
	_ =	sdelay $0x3  }
0x37: {  	[smem:$0x3FB6] =	sst s10  }
0x38: {  	s10 =	sld [smem:$0x3FB7]  }
0x39: {  	_ = 	snop;
	(pc) =	sbr.ind lr, $3  }
0x3a: {  	_ = 	snop  }
0x3b: {  	_ = 	snop  }
0x3c: {  	p2 =	seq.s32 s10, $0x1;
	s10 =	sld [smem:$0x3FB6]  }
0x3d: {  	_ =	shalt  }
0x3e: {  	_ =	shalt  }
0x3f: {  	_ =	shalt  }
0x40: {  	_ =	shalt  }
0x41: {  	_ =	shalt  }
0x42: {  	_ =	shalt  }
0x43: {  	_ =	shalt  }
0x44: {  	_ =	shalt  }
0x45: {  	_ =	shalt  }
0x46: {  	_ =	shalt  }
0x47: {  	_ =	shalt  }
0x48: {  	_ =	shalt  }
0x49: {  	_ =	shalt  }
0x4a: {  	_ =	shalt  }
0x4b: {  	_ =	shalt  }
0x4c: {  	_ =	shalt  }
0x4d: {  	_ =	shalt  }
0x4e: {  	_ =	shalt  }
0x4f: {  	_ =	shalt  }
0x50: {  	_ =	shalt  }
0x51: {  	_ =	shalt  }
0x52: {  	_ =	shalt  }
0x53: {  	_ =	shalt  }
0x54: {  	_ =	shalt  }
0x55: {  	_ =	shalt  }
0x56: {  	_ =	shalt  }
0x57: {  	_ =	shalt  }
0x58: {  	_ =	shalt  }
0x59: {  	_ =	shalt  }
0x5a: {  	_ =	shalt  }
0x5b: {  	_ =	shalt  }
0x5c: {  	_ =	shalt  }
0x5d: {  	_ =	shalt  }
0x5e: {  	_ =	shalt  }
0x5f: {  	_ =	shalt  }
0x60: {  	_ =	shalt  }
0x61: {  	_ =	shalt  }
0x62: {  	_ =	shalt  }
0x63: {  	_ =	shalt  }
0x64: {  	_ =	shalt  }
0x65: {  	_ =	shalt  }
0x66: {  	_ =	shalt  }
0x67: {  	_ =	shalt  }
0x68: {  	_ =	shalt  }
0x69: {  	_ =	shalt  }
0x6a: {  	_ =	shalt  }
0x6b: {  	_ =	shalt  }
0x6c: {  	_ =	shalt  }
0x6d: {  	_ =	shalt  }
0x6e: {  	_ =	shalt  }
0x6f: {  	_ =	shalt  }
0x70: {  	_ =	shalt  }
0x71: {  	_ =	shalt  }
0x72: {  	_ =	shalt  }
0x73: {  	_ =	shalt  }
0x74: {  	_ =	shalt  }
0x75: {  	_ =	shalt  }
0x76: {  	_ =	shalt  }
0x77: {  	_ =	shalt  }
0x78: {  	_ =	shalt  }
0x79: {  	_ =	shalt  }
0x7a: {  	_ =	shalt  }
0x7b: {  	_ =	shalt  }
0x7c: {  	_ =	shalt  }
0x7d: {  	_ =	shalt  }
0x7e: {  	_ =	shalt  }
0x7f: {  	_ =	shalt  }
0x80: {  	_ =	shalt  }
0x81: {  	_ =	shalt  }
0x82: {  	_ =	shalt  }
0x83: {  	_ =	shalt  }
0x84: {  	_ =	shalt  }
0x85: {  	_ =	shalt  }
0x86: {  	_ =	shalt  }
0x87: {  	_ =	shalt  }
.Lfunc_end0:
.L_simem_size_0:
called_computation.3_lowered:
.L_overlay_start_0:
0x88: {  	s2 =	sld [smem:$0x3FD9]  }
0x89: {  	s3 =	sld [smem:$0x3FFE];
	_ =	sdelay $0x1  }
0x8a: {  	s1 =	srdreg.scid  }
0x8b: {  	s0 =	sand.u32 $0x1, s1  }
0x8c: {  	s17 =	sshll.u32 s0, $0xA;
	s2 =	sadd.s32 s3, s2  }
0x8d: {  	s2 =	sadd.s32 s2, s17  }
0x8e: {  	[smem:$0x3FC2] =	sst s2  }
0x8f: {  	_ = 	snop  }
0x90: {  	s2 =	sld [smem:$0x3FD0];
	(tm) =	ssettm $0x1  }
0x91: {  	s18 =	sld [smem:$0x3FFB];
	_ =	sdelay $0x3  }
0x92: {  	_ =	strace s18  }
0x93: {  	s3 =	sld [smem:$0x3FFC];
	_ =	sdelay $0x3  }
0x94: {  	_ =	strace s3  }
0x95: {  	s3 =	sld [smem:$0x3FFD];
	_ =	sdelay $0x3  }
0x96: {  	_ =	strace s3  }
0x97: {  	_ =	strace $0x8FFFFFFF  }
0x98: {  	s19 =	sld [smem:$0x3FDB];
	_ =	sdelay $0x1  }
0x99: {  	s4 =	simm.s32 $_scs_section_size  }
0x9a: {  	s5 =	simm.s32 $_size__tile_overlayer_lowered;
	s6 =	simm.s32 $_tile_overlayer_lowered  }
0x9b: {  	s22 =	simm.s32 $0x1BFF;
	s21 =	sshll.u32 s6, $0x1;
	s3 =	sadd.s32 s4, s19  }
0x9c: {  	s7 =	simm.s32 $0x0;
	s20 =	sshll.u32 s5, $0x1;
	s5 =	sadd.s32 s21, s3  }
0x9d: {  	[timem:s7], [sflag:s22] =	dma.local [hbm:s5], s20  }
0x9e: {  	_ =	swait.ge [sflag:s22], s20  }
0x9f: {  	s4 =	ssub.s32 $0x0, s20;
	[sflag:s22] =	ssyncset.done $0x0  }
0xa0: {  	[sflag:s22] =	ssyncadd.s32 s4;
	_ =	sdelay $0x1  }
0xa1: {  	s23 =	simm.s32 $0x1B8B  }
0xa2: {  	_ =	swait.ge [sflag:s23], $0x1  }
0xa3: {  	[sflag:s23] =	ssyncset.done $0x0  }
0xa4: {  	s25 =	simm.s32 $0x1B8E;
	s24 =	sld [smem:$0x3FFE];
	[sflag:s23] =	ssyncadd.s32 $0xFFFFFFFF  }
0xa5: {  	s26 =	simm.s32 $execute0_lowered;
	[smem:$0x3FD2] =	sst s25  }
0xa6: {  	s5 =	sshll.u32 s26, $0x1;
	_ =	strace $0x8000004F;
	[dreg:$0x1] =	wrdreg $0xFFFFFFFF  }
0xa7: {  	s28 =	simm.s32 $_size_execute0_lowered;
	s3 =	sadd.s32 s3, s5;
	[dreg:$0x0] =	wrdreg $0x0  }
0xa8: {  	s5 =	sshll.u32 s28, $0x1;
	[dreg:$0x2] =	wrdreg s3  }
0xa9: {  	[dreg:$0x3] =	wrdreg s5  }
0xaa: {  	[dreg:$0x4] =	wrdreg $0xC0  }
0xab: {  	_ =	task [dreg:s7], $0x5FFFF  }
0xac: {  	[dreg:$0x1] =	wrdreg $0xFFFFFFFF  }
0xad: {  	[dreg:$0x0] =	wrdreg $0x60  }
0xae: {  	[dreg:$0x2] =	wrdreg s24  }
0xaf: {  	[dreg:$0x3] =	wrdreg s2  }
0xb0: {  	[dreg:$0x4] =	wrdreg $0x9  }
0xb1: {  	_ =	task.clear_ibuf [dreg:s7], $0x5FFFF;
	_ =	strace $0x9000004F  }
0xb2: {  	s29 =	simm.s32 $0x9;
	_ =	strace $0x80000051  }
0xb3: {  	_ =	swait.ge [sflag:s29], $0x1  }
0xb4: {  	[sflag:s29] =	ssyncadd.s32 $0xFFFFFFFF  }
0xb5: {  	_ =	strace $0x90000051  }
0xb6: {  	_ =	sfence  }
0xb7: {  	s30 =	sld [smem:$0x0];
	_ =	sdelay $0x2  }
0xb8: {  	s31 =	sshll.u32 s1, $0xD;
	s1 =	sshrl.u32 s1, $0x2  }
0xb9: {  	s3 =	sand.u32 $0x4000, s31;
	s1 =	sadd.s32 s1, s30  }
0xba: {  	s0 =	sor.u32 s3, s0;
	s1 =	sshll.u32 s1, $0x11  }
0xbb: {  	s0 =	sor.u32 s1, s0  }
0xbc: {  	s0 =	sadd.s32 $0x8F2B, s0  }
0xbd: {  	[sflag:s0] =	ssyncadd.remote.s32 $0x1  }
0xbe: {  	_ =	sfence.sel $0xFFFF  }
0xbf: {  	[dreg:$0x0] =	wrdreg $0xFFFFFFFF;
	(pc) =	sbr.abs _section_cstart, $3  }
0xc0: {  	[dreg:$0x1] =	wrdreg $0xFFFFFFFF  }
0xc1: {  	_ =	task.clear_ibuf [dreg:s7], $0x2FFFF;
	_ =	strace $0x9FFFFFFF  }
0xc2: {  	(tm) =	ssettm $0x7FFFFFFF  }
0xc3: {  	_ =	shalt  }
tec
execute0_lowered:
.L_overlay_start_1:
0x0: {  	(tag) =	ssettag $0x1  }
0x1: {  	s1 =	srdreg.scid;
	s5 =	rddreg [dreg:$0x0]  }
0x2: {  	s0 =	stileid.u32;
	s2 =	rddreg [dreg:$0x1]  }
0x3: {  	s3 =	simm.s32 $0x0;
	s4 =	sand.u32 $0x1, s1;
	s29 =	sshll.u32 s0, $0x1  }
0x4: {  	s12 =	simm.s32 $0x6200;
	s13 =	simm.s32 $0xC400;
	s6 =	sor.u32 s4, s29  }
0x5: {  	s14 =	simm.s32 $0x13240;
	s1 =	rddreg [dreg:$0x2];
	s7 =	smul.u32 $0x6200, s6  }
0x6: {  	[smem:$0x7FF] =	sst s3;
	s30 =	ssub.s32 $0x2, s4;
	s6 =	smul.u32 $0x188, s6  }
0x7: {  	_ =	strace $0x80000050;
	s31 =	sshrl.u32 s30, $0x1;
	s7 =	sshrl.u32 s7, $0x3  }
0x8: {  	s10 =	ssub.s32 s30, s31;
	s9 =	sadd.s32 s6, s5;
	s8 =	sadd.s32 s7, s5  }
0x9: {  	s7 =	sadd.s32 $0x1D5C00, s9;
	s9 =	smax.u32 s10, $0x1;
	s10 =	simm.s32 $0x19440  }
0xa: {  	s11 =	simm.s32 $0x1;
	v0 =	vlaneseq.u32;
	s4 =	sadd.s32 $0x18C200, s8;
	s5 =	sadd.s32 $0x1A4A00, s8  }
0xb: {  	s15 =	simm.s32 $0x0;
	v0 =	vmul.u32 $0x8, v0;
	s6 =	sadd.s32 $0x1BD400, s8;
	s8 =	sadd.s32 $0x1D8E00, s8  }
.LBB2_1:
0xc: {  	[tilespmem:s10], [sflag:$0x1] =	stream.linear.gather [hbm4b:s2+s3], $0x30, $0x38;
	[tilespmem:$0x19470] =	vst v63  }
0xd: {  	_ =	swait.ge [sflag:s11], $0x30  }
0xe: {  	[sflag:s11] =	ssyncset.done $0x0  }
0xf: {  	[sflag:s11] =	ssyncadd.s32 $0xFFFFFFD0  }
0x10: {  	[tilespmem:s3], [sflag:$0x1] =	stream.linear.gather [hbm4b:s4+s3], $0x6200, $0x38;
	[tilespmem:$0x19470] =	vst v63  }
0x11: {  	_ =	swait.ge [sflag:s11], $0x6200  }
0x12: {  	[sflag:s11] =	ssyncset.done $0x0  }
0x13: {  	[sflag:s11] =	ssyncadd.s32 $0xFFFF9E00  }
0x14: {  	[tilespmem:s12], [sflag:$0x1] =	stream.linear.gather [hbm4b:s5+s3], $0x6200, $0x38;
	[tilespmem:$0x19470] =	vst v63  }
0x15: {  	_ =	swait.ge [sflag:s11], $0x6200  }
0x16: {  	[sflag:s11] =	ssyncset.done $0x0  }
0x17: {  	[sflag:s11] =	ssyncadd.s32 $0xFFFF9E00  }
0x18: {  	[tilespmem:s13], [sflag:$0x1] =	stream.linear.gather [hbm4b:s6+s3], $0x6200, $0x38;
	[tilespmem:$0x19470] =	vst v63  }
0x19: {  	_ =	swait.ge [sflag:s11], $0x6200  }
0x1a: {  	[sflag:s11] =	ssyncset.done $0x0  }
0x1b: {  	s16 =	simm.s32 $0x12600;
	[sflag:s11] =	ssyncadd.s32 $0xFFFF9E00  }
0x1c: {  	[tilespmem:s16], [sflag:$0x1] =	stream.linear.gather [hbm4b:s7+s3], $0xC40, $0x38;
	[tilespmem:$0x19470] =	vst v63  }
0x1d: {  	_ =	swait.ge [sflag:s11], $0xC40  }
0x1e: {  	[sflag:s11] =	ssyncset.done $0x0  }
0x1f: {  	v1 =	vmov s3;
	[sflag:s11] =	ssyncadd.s32 $0xFFFFF3C0  }
0x20: {  	v1 =	vshll.u32 v1, $0x3;
	v3 =	vld [tilespmem:$0x19460]  }
0x21: {  	v1 =	vor.u32 v0, v1  }
0x22: {  	v38 =	vld [tilespmem:$0x19440]  }
0x23: {  	v2 =	vor.u32 $0x1, v1;
	v42 =	vld [tilespmem:$0x19450];
	_ =	sdelay $0x1  }
0x24: {  	v5 =	vbroadcast v3, $0x0  }
0x25: {  	v22 =	vld.idx.msk [tilespmem:v1+s3+$0x0], $0xffff;
	v6 =	vbroadcast v3, $0x1;
	v8 =	vbroadcast v3, $0x2  }
0x26: {  	v31 =	vld.idx.msk [tilespmem:v1+s12+$0x0], $0xffff;
	v9 =	vbroadcast v3, $0x3;
	v10 =	vbroadcast v38, $0x0  }
0x27: {  	v33 =	vld.idx.msk [tilespmem:v2+s3+$0x0], $0xffff;
	v11 =	vbroadcast v38, $0x8;
	v13 =	vbroadcast v42, $0x0  }
0x28: {  	v35 =	vld.idx.msk [tilespmem:v2+s12+$0x0], $0xffff;
	v7 =	vbroadcast v42, $0x8;
	v16 =	vbroadcast v38, $0x1  }
0x29: {  	v34 =	vld.idx.msk [tilespmem:v1+s13+$0x0], $0xffff;
	v17 =	vbroadcast v38, $0x9;
	v18 =	vbroadcast v42, $0x1  }
0x2a: {  	v20 =	vor.u32 $0x3, v1;
	v36 =	vld.idx.msk [tilespmem:v2+s13+$0x0], $0xffff;
	v4 =	vbroadcast v42, $0x9;
	v19 =	vbroadcast v38, $0x2  }
0x2b: {  	v15 =	vld [tilespmem:s16+$0x0];
	v3 =	vor.u32 $0x2, v1;
	v21 =	vbroadcast v38, $0xA;
	v24 =	vbroadcast v42, $0x2  }
0x2c: {  	v14 =	vbroadcast v42, $0xA;
	v25 =	vbroadcast v38, $0x3;
	v40 =	vadd.f32 v31, v22  }
0x2d: {  	v26 =	vbroadcast v38, $0xB;
	v27 =	vbroadcast v42, $0x3;
	v43 =	vadd.f32 v35, v33  }
0x2e: {  	v12 =	vbroadcast v42, $0xB;
	v28 =	vbroadcast v38, $0x4;
	v34 =	vadd.f32 v34, v40  }
0x2f: {  	v29 =	vbroadcast v38, $0xC;
	v30 =	vbroadcast v42, $0x4;
	v57 =	vadd.f32 v36, v43  }
0x30: {  	v23 =	vbroadcast v42, $0xC;
	v44 =	vmul.f32 v34, v15  }
0x31: {  	v58 =	vld.idx.msk [tilespmem:v20+s3+$0x0], $0xffff;
	v31 =	vbroadcast v38, $0x5;
	v46 =	vmul.f32 v57, v15  }
0x32: {  	v32 =	vbroadcast v38, $0xD;
	v33 =	vbroadcast v42, $0x5;
	v37 =	vld.idx.msk [tilespmem:v3+s3+$0x0], $0xffff;
	v44 =	vadd.f32 v44, v5  }
0x33: {  	v22 =	vbroadcast v42, $0xD;
	v35 =	vbroadcast v38, $0x6;
	v39 =	vld.idx.msk [tilespmem:v3+s12+$0x0], $0xffff;
	v46 =	vadd.f32 v46, v6  }
0x34: {  	v45 =	vld.idx.msk [tilespmem:v20+s12+$0x0], $0xffff;
	v36 =	vbroadcast v38, $0xE;
	v40 =	vbroadcast v38, $0xF;
	v61 =	vmax.f32 v44, $0.0e+00  }
0x35: {  	v34 =	vbroadcast v42, $0xE;
	v41 =	vld.idx.msk [tilespmem:v3+s13+$0x0], $0xffff;
	v53 =	vmax.f32 v46, $0.0e+00;
	v48 =	vmul.f32 v61, v10  }
0x36: {  	v50 =	vmul.f32 v53, v11;
	v55 =	vmul.f32 v53, v17  }
0x37: {  	v51 =	vmul.f32 v61, v35;
	v54 =	vmul.f32 v53, v36  }
0x38: {  	v59 =	vld.idx.msk [tilespmem:v20+s13+$0x0], $0xffff;
	v57 =	vmul.f32 v61, v25;
	v62 =	vmul.f32 v61, v31;
	v39 =	vadd.f32 v39, v37  }
0x39: {  	v43 =	vadd.f32 v45, v58;
	v56 =	vmul.f32 v53, v21;
	v58 =	vmul.f32 v61, v19  }
0x3a: {  	v37 =	vbroadcast v42, $0x6;
	v48 =	vadd.f32 v50, v48;
	v41 =	vadd.f32 v41, v39  }
0x3b: {  	v50 =	vmul.f32 v53, v29;
	v54 =	vadd.f32 v54, v51;
	v51 =	vmul.f32 v53, v26  }
0x3c: {  	v39 =	vbroadcast v38, $0x7;
	v47 =	vmul.f32 v41, v15  }
0x3d: {  	v38 =	vbroadcast v42, $0xF;
	v41 =	vbroadcast v42, $0x7;
	v42 =	vadd.f32 v59, v43  }
0x3e: {  	v44 =	vmul.f32 v61, v39;
	v59 =	vmul.f32 v53, v32;
	v63 =	vadd.f32 v47, v8  }
0x3f: {  	v51 =	vadd.f32 v51, v57;
	v53 =	vmul.f32 v53, v40;
	v60 =	vmul.f32 v42, v15  }
0x40: {  	v49 =	vmax.f32 v63, $0.0e+00;
	v63 =	vmul.f32 v61, v16;
	v61 =	vmul.f32 v61, v28  }
0x41: {  	v42 =	vor.u32 $0x6, v1;
	v46 =	vmul.f32 v49, v13;
	v47 =	vmul.f32 v49, v24  }
0x42: {  	v57 =	vadd.f32 v59, v62;
	v45 =	vmul.f32 v49, v30;
	v43 =	vmul.f32 v49, v41  }
0x43: {  	v60 =	vadd.f32 v60, v9;
	v52 =	vmul.f32 v49, v33;
	v59 =	vmul.f32 v49, v37  }
0x44: {  	s17 =	simm.s32 $0x10;
	v55 =	vadd.f32 v55, v63;
	v46 =	vadd.f32 v46, v48;
	v48 =	vmul.f32 v49, v27  }
.LBB2_2:
0x45: {  	p0 =	sne.s32 s17, $0xC30  }
0x46: {  	v49 =	vmul.f32 v49, v18;
	v56 =	vadd.f32 v56, v58;
	v54 =	vadd.f32 v59, v54;
	s16 =	sadd.s32 $0x10, s16;
	s18 =	smov.u32 s17;
	s17 =	sadd.s32 $0x10, s17  }
0x47: {  	v52 =	vadd.f32 v52, v57;
	v58 =	vmax.f32 v60, $0.0e+00;
	v50 =	vadd.f32 v50, v61  }
0x48: {  	v57 =	vmul.f32 v58, v7;
	v47 =	vadd.f32 v47, v56;
	v56 =	vmul.f32 v58, v38  }
0x49: {  	v49 =	vadd.f32 v49, v55;
	v55 =	vmul.f32 v58, v14;
	v59 =	vmul.f32 v58, v34  }
0x4a: {  	v44 =	vadd.f32 v53, v44;
	v46 =	vadd.f32 v57, v46;
	v57 =	vmul.f32 v58, v23  }
0x4b: {  	v53 =	vmul.f32 v58, v4;
	v45 =	vadd.f32 v45, v50;
	v50 =	vmul.f32 v58, v22  }
0x4c: {  	v48 =	vadd.f32 v48, v51;
	v51 =	vmul.f32 v58, v12;
	v46 =	vmul.f32 v46, v15  }
0x4d: {  	v49 =	vadd.f32 v53, v49;
	v47 =	vadd.f32 v55, v47;
	v53 =	vor.u32 $0x5, v1  }
0x4e: {  	v50 =	vadd.f32 v50, v52;
	[tilespmem:v1+s14+$0x0] =	vst.idx.msk $0xffff, v46;
	v46 =	vadd.f32 v51, v48;
	v48 =	vor.u32 $0x4, v1  }
0x4f: {  	v43 =	vadd.f32 v43, v44;
	v49 =	vmul.f32 v49, v15;
	v45 =	vadd.f32 v57, v45  }
0x50: {  	v44 =	vmov s18;
	v47 =	vmul.f32 v47, v15;
	v50 =	vmul.f32 v50, v15  }
0x51: {  	v44 =	vshll.u32 v44, $0x3;
	v46 =	vmul.f32 v46, v15;
	[tilespmem:v2+s14+$0x0] =	vst.idx.msk $0xffff, v49;
	v49 =	vadd.f32 v59, v54  }
0x52: {  	[tilespmem:v3+s14+$0x0] =	vst.idx.msk $0xffff, v47;
	v3 =	vmul.f32 v45, v15;
	v45 =	vor.u32 $0x7, v1;
	v1 =	vor.u32 v0, v44  }
0x53: {  	v2 =	vor.u32 $0x1, v1;
	[tilespmem:v20+s14+$0x0] =	vst.idx.msk $0xffff, v46;
	v20 =	vadd.f32 v56, v43  }
0x54: {  	v43 =	vmul.f32 v49, v15;
	[tilespmem:v48+s14+$0x0] =	vst.idx.msk $0xffff, v3  }
0x55: {  	[tilespmem:v53+s14+$0x0] =	vst.idx.msk $0xffff, v50;
	v15 =	vmul.f32 v20, v15  }
0x56: {  	v3 =	vor.u32 $0x2, v1;
	[tilespmem:v42+s14+$0x0] =	vst.idx.msk $0xffff, v43  }
0x57: {  	[tilespmem:v45+s14+$0x0] =	vst.idx.msk $0xffff, v15  }
0x58: {  	v42 =	vld.idx.msk [tilespmem:v1+s13+$0x0], $0xffff  }
0x59: {  	v43 =	vld.idx.msk [tilespmem:v1+s3+$0x0], $0xffff  }
0x5a: {  	v44 =	vld.idx.msk [tilespmem:v2+s13+$0x0], $0xffff  }
0x5b: {  	v45 =	vld.idx.msk [tilespmem:v1+s12+$0x0], $0xffff  }
0x5c: {  	v46 =	vld.idx.msk [tilespmem:v2+s3+$0x0], $0xffff  }
0x5d: {  	v47 =	vld.idx.msk [tilespmem:v2+s12+$0x0], $0xffff  }
0x5e: {  	v20 =	vor.u32 $0x3, v1;
	v48 =	vld.idx.msk [tilespmem:v3+s3+$0x0], $0xffff  }
0x5f: {  	v49 =	vld.idx.msk [tilespmem:v3+s12+$0x0], $0xffff  }
0x60: {  	v15 =	vld [tilespmem:s16+$0x0]  }
0x61: {  	v43 =	vadd.f32 v45, v43;
	v45 =	vld.idx.msk [tilespmem:v3+s13+$0x0], $0xffff;
	_ =	sdelay $0x1  }
0x62: {  	v42 =	vadd.f32 v42, v43;
	v43 =	vadd.f32 v47, v46;
	v46 =	vld.idx.msk [tilespmem:v20+s3+$0x0], $0xffff  }
0x63: {  	v47 =	vld.idx.msk [tilespmem:v20+s12+$0x0], $0xffff  }
0x64: {  	v43 =	vadd.f32 v44, v43;
	v44 =	vadd.f32 v49, v48;
	v42 =	vmul.f32 v42, v15  }
0x65: {  	v48 =	vld.idx.msk [tilespmem:v20+s13+$0x0], $0xffff  }
0x66: {  	v43 =	vmul.f32 v43, v15;
	v44 =	vadd.f32 v45, v44;
	v42 =	vadd.f32 v42, v5;
	_ =	sdelay $0x1  }
0x67: {  	v61 =	vmax.f32 v42, $0.0e+00;
	v42 =	vadd.f32 v43, v6;
	v43 =	vmul.f32 v44, v15  }
0x68: {  	v45 =	vmul.f32 v61, v10;
	v44 =	vmul.f32 v61, v39  }
0x69: {  	v53 =	vmax.f32 v42, $0.0e+00;
	v42 =	vadd.f32 v43, v8;
	v43 =	vadd.f32 v47, v46  }
0x6a: {  	v46 =	vmul.f32 v53, v11;
	v55 =	vmul.f32 v53, v17  }
0x6b: {  	v49 =	vmax.f32 v42, $0.0e+00;
	v42 =	vadd.f32 v48, v43;
	v48 =	vmul.f32 v61, v35  }
0x6c: {  	v51 =	vmul.f32 v53, v36;
	v43 =	vadd.f32 v46, v45;
	v46 =	vmul.f32 v49, v13  }
0x6d: {  	v47 =	vmul.f32 v49, v24;
	v45 =	vmul.f32 v49, v30  }
0x6e: {  	v50 =	vmul.f32 v53, v29;
	v46 =	vadd.f32 v46, v43;
	v43 =	vmul.f32 v49, v41  }
0x6f: {  	v52 =	vmul.f32 v49, v33;
	v60 =	vmul.f32 v42, v15;
	v54 =	vadd.f32 v51, v48  }
0x70: {  	v57 =	vmul.f32 v53, v32;
	v51 =	vmul.f32 v61, v25  }
.Ltmp0:
0x71: {  	v62 =	vmul.f32 v61, v31;
	v59 =	vmul.f32 v53, v26;
	(pc) =	sbr.rel @p0 .LBB2_2-.Ltmp0, $4  }
0x72: {  	v56 =	vmul.f32 v53, v21;
	v48 =	vmul.f32 v49, v27;
	v42 =	vor.u32 $0x6, v1  }
0x73: {  	v63 =	vmul.f32 v61, v16;
	v58 =	vmul.f32 v61, v19;
	v51 =	vadd.f32 v59, v51  }
0x74: {  	v53 =	vmul.f32 v53, v40;
	v57 =	vadd.f32 v57, v62;
	v59 =	vmul.f32 v49, v37  }
0x75: {  	v55 =	vadd.f32 v55, v63;
	v61 =	vmul.f32 v61, v28;
	v60 =	vadd.f32 v60, v9  }
0x76: {  	v6 =	vadd.f32 v56, v58  }
0x77: {  	v9 =	vadd.f32 v59, v54;
	v11 =	vadd.f32 v52, v57  }
0x78: {  	v5 =	vmul.f32 v49, v18;
	v57 =	vadd.f32 v53, v44;
	v19 =	vadd.f32 v48, v51  }
0x79: {  	v8 =	vmax.f32 v60, $0.0e+00;
	v10 =	vadd.f32 v50, v61;
	v61 =	vor.u32 $0x4, v1  }
0x7a: {  	v7 =	vmul.f32 v8, v7;
	v6 =	vadd.f32 v47, v6;
	v13 =	vmul.f32 v8, v38  }
0x7b: {  	v14 =	vmul.f32 v8, v14;
	v5 =	vadd.f32 v5, v55;
	v4 =	vmul.f32 v8, v4  }
0x7c: {  	v16 =	vmul.f32 v8, v34;
	v17 =	vmul.f32 v8, v23;
	v7 =	vadd.f32 v7, v46  }
0x7d: {  	v12 =	vmul.f32 v8, v12;
	v58 =	vmul.f32 v8, v22;
	v4 =	vadd.f32 v4, v5  }
0x7e: {  	v10 =	vadd.f32 v45, v10;
	v6 =	vadd.f32 v14, v6;
	v7 =	vmul.f32 v7, v15  }
0x7f: {  	v62 =	vadd.f32 v43, v57;
	v60 =	vadd.f32 v12, v19;
	v4 =	vmul.f32 v4, v15  }
0x80: {  	v59 =	vor.u32 $0x5, v1;
	v10 =	vadd.f32 v17, v10;
	v6 =	vmul.f32 v6, v15;
	[tilespmem:v1+s14+$0x0] =	vst.idx.msk $0xffff, v7  }
0x81: {  	v5 =	vadd.f32 v58, v11;
	[tilespmem:v2+s14+$0x0] =	vst.idx.msk $0xffff, v4;
	v2 =	vmul.f32 v60, v15  }
0x82: {  	v63 =	vadd.f32 v16, v9;
	v1 =	vor.u32 $0x7, v1;
	[tilespmem:v3+s14+$0x0] =	vst.idx.msk $0xffff, v6;
	v3 =	vmul.f32 v10, v15  }
0x83: {  	v5 =	vmul.f32 v5, v15;
	[tilespmem:v20+s14+$0x0] =	vst.idx.msk $0xffff, v2;
	v2 =	vadd.f32 v13, v62  }
0x84: {  	[tilespmem:v61+s14+$0x0] =	vst.idx.msk $0xffff, v3;
	v3 =	vmul.f32 v63, v15  }
0x85: {  	s15 =	sadd.s32 $0x1, s15;
	[tilespmem:v59+s14+$0x0] =	vst.idx.msk $0xffff, v5;
	v2 =	vmul.f32 v2, v15  }
0x86: {  	p0 =	sne.s32 s15, s9;
	[tilespmem:v42+s14+$0x0] =	vst.idx.msk $0xffff, v3  }
.Ltmp1:
0x87: {  	[tilespmem:v1+s14+$0x0] =	vst.idx.msk $0xffff, v2;
	(pc) =	sbr.rel @p0 .LBB2_1-.Ltmp1, $4  }
0x88: {  	[hbm4b:s8+s3] =	stream.linear.scatter [tilespmem:s14], [sflag:$0x1], $0x6200, $0x38;
	[tilespmem:$0x19470] =	vst v63  }
0x89: {  	_ =	swait.ge [sflag:s11], $0x6200  }
0x8a: {  	[sflag:s11] =	ssyncset.done $0x0  }
0x8b: {  	[sflag:s11] =	ssyncadd.s32 $0xFFFF9E00  }
0x8c: {  	_ =	sfence.sel $0x180000  }
0x8d: {  	[bflag:$0x0] =	sbarrier.arrive $0xFFFF  }
0x8e: {  	p0 =	sne.s32 s0, $0x0;
	_ =	strace $0x90000050  }
0x8f: {  	s0 =	sadd.s32 @!p0 $0x100000, s1;
	[bflag:$0x2] =	sbarrier.arrive $0xFFFF  }
0x90: {  	[sflag:s0] =	ssyncadd.tile.s32 @!p0 $0x1;
	_ =	shalt  }
.Lfunc_end2:
_tile_overlayer_lowered:
.L_overlay_start_2:
0x91: {  	(tag) =	ssettag $0x2  }
0x92: {  	s0 =	rddreg [dreg:$0x0];
	s2 =	stileid.u32  }
0x93: {  	s1 =	rddreg [dreg:$0x1];
	p0 =	sne.s32 s2, $0x0  }
0x94: {  	s3 =	rddreg [dreg:$0x2];
	[bflag:$0x3] =	sbarrier.arrive $0xFFFF;
	s2 =	simm.s32 @!p0 $0x1C01  }
0x95: {  	[timem:s3], [sflag:s2] =	dma.local @!p0 [hbm:s0], s1  }
0x96: {  	s0 =	simm.s32 @!p0 $0x1  }
0x97: {  	_ =	swait.ge @!p0 [sflag:s0], s1  }
0x98: {  	s1 =	ssub.s32 @!p0 $0x0, s1;
	[sflag:s0] =	ssyncset.done @!p0 $0x0  }
0x99: {  	[sflag:s0] =	ssyncadd.s32 @!p0 s1  }
0x9a: {  	[bflag:$0x3] =	sbarrier.arrive $0xFFFF  }
0x9b: {  	_ =	shalt  }

// kernel: kernel.21.cloned.1.call-start
scs
__scs_entry_jumppad:
0x0: {  	(pc) =	sbr.rel $0x88, $3  }
0x1: {  	(tag) =	ssettag $0x0;
	lr =	simm.s32 $0x1  }
0x2: {  	[smem:$0x3F9B] =	sst lr;
	_ =	strace $0xD0000000  }
0x3: {  	_ = 	snop  }
0x4: {  	_ = 	snop  }
0x5: {  	_ = 	snop  }
0x6: {  	_ = 	snop  }
0x7: {  	_ = 	snop  }
__scs_overlays_trampoline_lowered:
0x8: {  	[smem:$0x3FAA] =	sst s0  }
0x9: {  	[smem:$0x3FAB] =	sst s1  }
0xa: {  	[smem:$0x3FAC] =	sst s2  }
0xb: {  	[smem:$0x3FAD] =	sst s3  }
0xc: {  	[smem:$0x3FAE] =	sst s4  }
0xd: {  	[smem:$0x3FAF] =	sst s5  }
0xe: {  	[smem:$0x3FB0] =	sst s6  }
0xf: {  	[smem:$0x3FB1] =	sst s7  }
0x10: {  	[smem:$0x3FB2] =	sst s8  }
0x11: {  	[smem:$0x3FB3] =	sst s9;
	s0 =	simm.s32 @!p0 $0x0  }
0x12: {  	s1 =	sld [smem:$0x3F99];
	s0 =	simm.s32 @p0 $0x1  }
0x13: {  	[smem:$0x3FB4] =	sst s0;
	s0 =	simm.s32 @!p1 $0x0  }
0x14: {  	s2 =	sld [smem:$0x3F98];
	s0 =	simm.s32 @p1 $0x1  }
0x15: {  	[smem:$0x3FB5] =	sst s0;
	s0 =	simm.s32 @!p2 $0x0  }
0x16: {  	s3 =	sld [smem:$0x3FDB];
	s0 =	simm.s32 @p2 $0x1  }
0x17: {  	s4 =	simm.s32 $0x1BF5;
	[smem:$0x3FB7] =	sst s0  }
0x18: {  	s0 =	sld [smem:$0x3F9A];
	_ =	swait.ge [sflag:s4], $0x0  }
0x19: {  	s7 =	sld [smem:$0x3F9B]  }
0x1a: {  	s8 =	sadd.s32 $0xFFFFE003, lr  }
0x1b: {  	s9 =	sadd.s32 $0xFFFFFEF7, lr;
	s5 =	simm.s32 $0xFFFFFFFF;
	p2 =	slt.u32 s8, $0xFFFFF086  }
0x1c: {  	p1 =	slt.u32 s9, $0xF7A;
	s5 =	simm.s32 @!p2 $0x0  }
0x1d: {  	s5 =	simm.s32 @p1 $0x1;
	p0 =	seq.s32 s7, s2  }
0x1e: {  	s7 =	smul.u32 @!p0 $0xF7A, s2;
	p2 =	seq.s32 @!p0 s5, $0x0  }
0x1f: {  	s9 =	smul.u32 $0xF7A, s1;
	s8 =	simm.s32 @!p0 $0x1BF5;
	p2 =	por !p2, p0  }
0x20: {  	[sflag:s8] =	ssyncset.s32 @!p0 $0xFFFFF086;
	s6 =	sadd.s32 @!p0 s3, s7;
	s7 =	simm.s32 @!p0 $0x108  }
0x21: {  	s3 =	sadd.s32 s3, s9;
	s6 =	sadd.s32 @!p0 $0x88, s6;
	s7 =	simm.s32 @p2 $0x1082  }
0x22: {  	[simem:s7], [sflag:s8] =	dma.local @!p0 [hbm:s6], $0xF7A  }
0x23: {  	s9 =	sor.u32 $0xD0000000, s2;
	s6 =	simm.s32 $0x108;
	_ =	swait.ge @!p0 [sflag:s8], $0x0  }
0x24: {  	s3 =	sadd.s32 $0x88, s3;
	s6 =	simm.s32 @!p1 $0x1082;
	[sflag:s4] =	ssyncset.s32 $0xFFFFF086  }
0x25: {  	[simem:s6], [sflag:s4] =	dma.local [hbm:s3], $0xF7A  }
0x26: {  	[smem:$0x3F9B] =	sst s1;
	(tag) =	ssettag s2;
	_ =	strace s9  }
0x27: {  	s1 =	sld [smem:$0x3FAB]  }
0x28: {  	s2 =	sld [smem:$0x3FAC]  }
0x29: {  	s4 =	sld [smem:$0x3FAE]  }
0x2a: {  	p0 =	seq.s32 s5, $0x0;
	s5 =	sld [smem:$0x3FAF]  }
0x2b: {  	s6 =	sld [smem:$0x3FB0]  }
0x2c: {  	s7 =	sld [smem:$0x3FB1]  }
0x2d: {  	s3 =	simm.s32 $0x108;
	s8 =	sld [smem:$0x3FB2]  }
0x2e: {  	s3 =	simm.s32 @!p0 $0x1082;
	s9 =	sld [smem:$0x3FB3]  }
0x2f: {  	lr =	sadd.s32 s0, s3;
	s0 =	sld [smem:$0x3FAA]  }
0x30: {  	s3 =	sld [smem:$0x3FAD]  }
0x31: {  	[smem:$0x3FB6] =	sst s10  }
0x32: {  	s10 =	sld [smem:$0x3FB4];
	_ =	sdelay $0x3  }
0x33: {  	p0 =	seq.s32 s10, $0x1;
	s10 =	sld [smem:$0x3FB6];
	_ =	sdelay $0x3  }
0x34: {  	[smem:$0x3FB6] =	sst s10  }
0x35: {  	s10 =	sld [smem:$0x3FB5];
	_ =	sdelay $0x3  }
0x36: {  	p1 =	seq.s32 s10, $0x1;
	s10 =	sld [smem:$0x3FB6];
	_ =	sdelay $0x3  }
0x37: {  	[smem:$0x3FB6] =	sst s10  }
0x38: {  	s10 =	sld [smem:$0x3FB7]  }
0x39: {  	_ = 	snop;
	(pc) =	sbr.ind lr, $3  }
0x3a: {  	_ = 	snop  }
0x3b: {  	_ = 	snop  }
0x3c: {  	p2 =	seq.s32 s10, $0x1;
	s10 =	sld [smem:$0x3FB6]  }
0x3d: {  	_ =	shalt  }
0x3e: {  	_ =	shalt  }
0x3f: {  	_ =	shalt  }
0x40: {  	_ =	shalt  }
0x41: {  	_ =	shalt  }
0x42: {  	_ =	shalt  }
0x43: {  	_ =	shalt  }
0x44: {  	_ =	shalt  }
0x45: {  	_ =	shalt  }
0x46: {  	_ =	shalt  }
0x47: {  	_ =	shalt  }
0x48: {  	_ =	shalt  }
0x49: {  	_ =	shalt  }
0x4a: {  	_ =	shalt  }
0x4b: {  	_ =	shalt  }
0x4c: {  	_ =	shalt  }
0x4d: {  	_ =	shalt  }
0x4e: {  	_ =	shalt  }
0x4f: {  	_ =	shalt  }
0x50: {  	_ =	shalt  }
0x51: {  	_ =	shalt  }
0x52: {  	_ =	shalt  }
0x53: {  	_ =	shalt  }
0x54: {  	_ =	shalt  }
0x55: {  	_ =	shalt  }
0x56: {  	_ =	shalt  }
0x57: {  	_ =	shalt  }
0x58: {  	_ =	shalt  }
0x59: {  	_ =	shalt  }
0x5a: {  	_ =	shalt  }
0x5b: {  	_ =	shalt  }
0x5c: {  	_ =	shalt  }
0x5d: {  	_ =	shalt  }
0x5e: {  	_ =	shalt  }
0x5f: {  	_ =	shalt  }
0x60: {  	_ =	shalt  }
0x61: {  	_ =	shalt  }
0x62: {  	_ =	shalt  }
0x63: {  	_ =	shalt  }
0x64: {  	_ =	shalt  }
0x65: {  	_ =	shalt  }
0x66: {  	_ =	shalt  }
0x67: {  	_ =	shalt  }
0x68: {  	_ =	shalt  }
0x69: {  	_ =	shalt  }
0x6a: {  	_ =	shalt  }
0x6b: {  	_ =	shalt  }
0x6c: {  	_ =	shalt  }
0x6d: {  	_ =	shalt  }
0x6e: {  	_ =	shalt  }
0x6f: {  	_ =	shalt  }
0x70: {  	_ =	shalt  }
0x71: {  	_ =	shalt  }
0x72: {  	_ =	shalt  }
0x73: {  	_ =	shalt  }
0x74: {  	_ =	shalt  }
0x75: {  	_ =	shalt  }
0x76: {  	_ =	shalt  }
0x77: {  	_ =	shalt  }
0x78: {  	_ =	shalt  }
0x79: {  	_ =	shalt  }
0x7a: {  	_ =	shalt  }
0x7b: {  	_ =	shalt  }
0x7c: {  	_ =	shalt  }
0x7d: {  	_ =	shalt  }
0x7e: {  	_ =	shalt  }
0x7f: {  	_ =	shalt  }
0x80: {  	_ =	shalt  }
0x81: {  	_ =	shalt  }
0x82: {  	_ =	shalt  }
0x83: {  	_ =	shalt  }
0x84: {  	_ =	shalt  }
0x85: {  	_ =	shalt  }
0x86: {  	_ =	shalt  }
0x87: {  	_ =	shalt  }
.Lfunc_end0:
.L_simem_size_0:
called_computation.4_lowered:
.L_overlay_start_0:
0x88: {  	s2 =	sld [smem:$0x3FD9]  }
0x89: {  	s3 =	sld [smem:$0x3FFE];
	_ =	sdelay $0x1  }
0x8a: {  	s1 =	srdreg.scid  }
0x8b: {  	s0 =	sand.u32 $0x1, s1  }
0x8c: {  	s16 =	sshll.u32 s0, $0xA;
	s2 =	sadd.s32 s3, s2  }
0x8d: {  	s2 =	sadd.s32 s2, s16  }
0x8e: {  	[smem:$0x3FC2] =	sst s2  }
0x8f: {  	_ = 	snop  }
0x90: {  	(tm) =	ssettm $0x1  }
0x91: {  	s17 =	sld [smem:$0x3FFB];
	_ =	sdelay $0x3  }
0x92: {  	_ =	strace s17  }
0x93: {  	s2 =	sld [smem:$0x3FFC];
	_ =	sdelay $0x3  }
0x94: {  	_ =	strace s2  }
0x95: {  	s2 =	sld [smem:$0x3FFD];
	_ =	sdelay $0x3  }
0x96: {  	_ =	strace s2  }
0x97: {  	_ =	strace $0x8FFFFFFF  }
0x98: {  	s18 =	sld [smem:$0x3FDB];
	_ =	sdelay $0x1  }
0x99: {  	s19 =	simm.s32 $_scs_section_size  }
0x9a: {  	s4 =	simm.s32 $_size__tile_overlayer_lowered;
	s5 =	simm.s32 $_tile_overlayer_lowered  }
0x9b: {  	s22 =	simm.s32 $0x1BFF;
	s21 =	sshll.u32 s5, $0x1;
	s2 =	sadd.s32 s19, s18  }
0x9c: {  	s6 =	simm.s32 $0x0;
	s20 =	sshll.u32 s4, $0x1;
	s4 =	sadd.s32 s21, s2  }
0x9d: {  	[timem:s6], [sflag:s22] =	dma.local [hbm:s4], s20  }
0x9e: {  	_ =	swait.ge [sflag:s22], s20  }
0x9f: {  	s3 =	ssub.s32 $0x0, s20;
	[sflag:s22] =	ssyncset.done $0x0  }
0xa0: {  	[sflag:s22] =	ssyncadd.s32 s3;
	_ =	sdelay $0x1  }
0xa1: {  	s23 =	simm.s32 $0x1B8B  }
0xa2: {  	_ =	swait.ge [sflag:s23], $0x1  }
0xa3: {  	[sflag:s23] =	ssyncset.done $0x0  }
0xa4: {  	s25 =	simm.s32 $0x1B8E;
	s24 =	sld [smem:$0x3FFE];
	[sflag:s23] =	ssyncadd.s32 $0xFFFFFFFF  }
0xa5: {  	s26 =	simm.s32 $execute0_lowered;
	[smem:$0x3FD2] =	sst s25  }
0xa6: {  	s4 =	sshll.u32 s26, $0x1;
	_ =	strace $0x80000052;
	[dreg:$0x1] =	wrdreg $0xFFFFFFFF  }
0xa7: {  	s28 =	simm.s32 $_size_execute0_lowered;
	s2 =	sadd.s32 s2, s4;
	[dreg:$0x0] =	wrdreg $0x0  }
0xa8: {  	s4 =	sshll.u32 s28, $0x1;
	[dreg:$0x2] =	wrdreg s2  }
0xa9: {  	[dreg:$0x3] =	wrdreg s4  }
0xaa: {  	[dreg:$0x4] =	wrdreg $0xC0  }
0xab: {  	_ =	task [dreg:s6], $0x5FFFF  }
0xac: {  	[dreg:$0x1] =	wrdreg $0xFFFFFFFF  }
0xad: {  	[dreg:$0x0] =	wrdreg $0x60  }
0xae: {  	[dreg:$0x2] =	wrdreg s24  }
0xaf: {  	[dreg:$0x3] =	wrdreg $0x0  }
0xb0: {  	[dreg:$0x4] =	wrdreg $0xC4000  }
0xb1: {  	[dreg:$0x5] =	wrdreg $0x9  }
0xb2: {  	_ =	task.clear_ibuf [dreg:s6], $0x6FFFF;
	_ =	strace $0x90000052  }
0xb3: {  	s29 =	simm.s32 $0x9;
	_ =	strace $0x80000054  }
0xb4: {  	_ =	swait.ge [sflag:s29], $0x1  }
0xb5: {  	[sflag:s29] =	ssyncadd.s32 $0xFFFFFFFF  }
0xb6: {  	_ =	strace $0x90000054  }
0xb7: {  	_ =	sfence  }
0xb8: {  	s30 =	sld [smem:$0x0];
	_ =	sdelay $0x2  }
0xb9: {  	s31 =	sshll.u32 s1, $0xD;
	s1 =	sshrl.u32 s1, $0x2  }
0xba: {  	s3 =	sand.u32 $0x4000, s31;
	s1 =	sadd.s32 s1, s30  }
0xbb: {  	s0 =	sor.u32 s3, s0;
	s1 =	sshll.u32 s1, $0x11  }
0xbc: {  	s0 =	sor.u32 s1, s0  }
0xbd: {  	s0 =	sadd.s32 $0x8F2B, s0  }
0xbe: {  	[sflag:s0] =	ssyncadd.remote.s32 $0x1  }
0xbf: {  	_ =	sfence.sel $0xFFFF  }
0xc0: {  	[dreg:$0x0] =	wrdreg $0xFFFFFFFF;
	(pc) =	sbr.abs _section_cstart, $3  }
0xc1: {  	[dreg:$0x1] =	wrdreg $0xFFFFFFFF  }
0xc2: {  	_ =	task.clear_ibuf [dreg:s6], $0x2FFFF;
	_ =	strace $0x9FFFFFFF  }
0xc3: {  	(tm) =	ssettm $0x7FFFFFFF  }
tec
execute0_lowered:
.L_overlay_start_1:
0x0: {  	(tag) =	ssettag $0x1  }
0x1: {  	s6 =	rddreg [dreg:$0x0]  }
0x2: {  	s1 =	rddreg [dreg:$0x1]  }
0x3: {  	s0 =	stileid.u32;
	s2 =	srdreg.scid  }
0x4: {  	s3 =	rddreg [dreg:$0x2];
	s4 =	simm.s32 $0x0;
	s15 =	simm.s32 $0x18800  }
0x5: {  	s16 =	simm.s32 $0x18FD0;
	s17 =	simm.s32 $0x7D0;
	s8 =	smul.u32 $0xC400, s0  }
0x6: {  	s18 =	simm.s32 $0x197A0;
	s5 =	sand.u32 $0x1, s2;
	s7 =	smul.u32 $0x61A80, s0  }
0x7: {  	s19 =	simm.s32 $0x0;
	s2 =	rddreg [dreg:$0x3];
	s9 =	smul.u32 $0x30D40, s5  }
0x8: {  	[smem:$0x7FF] =	sst s4;
	s31 =	sshll.u32 s0, $0x6;
	s10 =	smul.u32 $0xC4000, s5  }
0x9: {  	_ =	strace $0x80000053;
	s29 =	ssub.s32 $0x2, s5;
	s5 =	sadd.s32 $0x18A800, s6  }
0xa: {  	s11 =	sshrl.u32 s8, $0x3;
	s30 =	sshrl.u32 s29, $0x1;
	s13 =	sadd.s32 s8, s1  }
0xb: {  	s14 =	sadd.s32 s8, s3;
	s7 =	sadd.s32 s9, s7;
	s25 =	sadd.s32 s11, s6  }
0xc: {  	s10 =	sadd.s32 s8, s10;
	s14 =	sshrl.u32 s14, $0x3;
	s7 =	sshrl.u32 s7, $0x3  }
0xd: {  	s28 =	sshrl.u32 s10, $0x3;
	s10 =	ssub.s32 s29, s30;
	s26 =	sadd.s32 s7, s6  }
0xe: {  	s12 =	sadd.s32 s28, s6;
	s6 =	sadd.s32 $0x1D8E00, s25;
	s7 =	sor.u32 $0x1C01, s31  }
0xf: {  	s9 =	smax.u32 s10, $0x1;
	s8 =	sadd.s32 $0x18C200, s12;
	s10 =	sadd.s32 $0xC7200, s26  }
0x10: {  	s11 =	sadd.s32 $0x3C00, s26;
	s12 =	sshrl.u32 s13, $0x3;
	s13 =	simm.s32 $0x1  }
.LBB2_1:
0x11: {  	[spmem:s12], [sflag:s7] =	dma.local [hbm:s6], $0x1880  }
0x12: {  	_ =	swait.ge [sflag:s13], $0x1880  }
0x13: {  	[sflag:s13] =	ssyncset.done $0x0  }
0x14: {  	[sflag:s13] =	ssyncadd.s32 $0xFFFFE780  }
0x15: {  	[spmem:s14], [sflag:s7] =	dma.local [hbm:s5], $0x1880  }
0x16: {  	_ =	swait.ge [sflag:s13], $0x1880  }
0x17: {  	[sflag:s13] =	ssyncset.done $0x0  }
0x18: {  	[sflag:s13] =	ssyncadd.s32 $0xFFFFE780  }
0x19: {  	s20 =	sadd.s32 $0x0, s11;
	[bflag:$0x0] =	sbarrier.arrive $0xFFFF  }
0x1a: {  	[tilespmem:s15], [sflag:$0x1] =	stream.linear.gather [hbm4b:s20+s4], $0x7D0, $0x38;
	[tilespmem:$0x1D620] =	vst v63  }
0x1b: {  	_ =	swait.ge [sflag:s13], $0x7D0  }
0x1c: {  	[sflag:s13] =	ssyncset.done $0x0  }
0x1d: {  	s31 =	sadd.s32 $0x0, s10;
	[sflag:s13] =	ssyncadd.s32 $0xFFFFF830  }
0x1e: {  	[tilespmem:s16], [sflag:$0x1] =	stream.linear.gather [hbm4b:s31+s4], $0x7D0, $0x38;
	[tilespmem:$0x1D620] =	vst v63  }
0x1f: {  	_ =	swait.ge [sflag:s13], $0x7D0  }
0x20: {  	[sflag:s13] =	ssyncset.done $0x0  }
0x21: {  	[sflag:s13] =	ssyncadd.s32 $0xFFFFF830  }
0x22: {  	[tilespmem:s18], [sflag:$0x1] =	stream.indirect.gather [spmem:s1], $0x8, s15, s17, $0xb8;
	[tilespmem:$0x1D620] =	vst v63  }
0x23: {  	_ =	swait.ge [sflag:s13], $0x3E80  }
0x24: {  	[sflag:s13] =	ssyncset.done $0x0  }
0x25: {  	[sflag:s13] =	ssyncadd.s32 $0xFFFFC180  }
0x26: {  	[spmem:s3] =	stream.indirect.scatter.add.f32 [tilespmem:s18], [sflag:$0x1], $0x8, s16, s17, $0xb8;
	[tilespmem:$0x1D620] =	vst v63  }
0x27: {  	_ =	swait.ge [sflag:s13], $0x3E80  }
0x28: {  	s21 =	simm.s32 $0x1F4;
	s20 =	simm.s32 $0xFA;
	[sflag:s13] =	ssyncset.done $0x0  }
.LBB2_2:
0x29: {  	s22 =	sadd.s32 s20, s11  }
0x2a: {  	[sflag:s13] =	ssyncadd.s32 $0xFFFFC180;
	s23 =	smov.u32 s21;
	s24 =	sadd.s32 $0xFA, s21  }
0x2b: {  	[tilespmem:s15], [sflag:$0x1] =	stream.linear.gather [hbm4b:s22+s4], $0x7D0, $0x38;
	[tilespmem:$0x1D620] =	vst v63  }
0x2c: {  	p0 =	sne.s32 s21, $0x60AE;
	_ =	swait.ge [sflag:s13], $0x7D0  }
0x2d: {  	[sflag:s13] =	ssyncset.done $0x0  }
0x2e: {  	s21 =	sadd.s32 s20, s10;
	s20 =	smov.u32 s23;
	[sflag:s13] =	ssyncadd.s32 $0xFFFFF830  }
0x2f: {  	[tilespmem:s16], [sflag:$0x1] =	stream.linear.gather [hbm4b:s21+s4], $0x7D0, $0x38;
	[tilespmem:$0x1D620] =	vst v63  }
0x30: {  	_ =	swait.ge [sflag:s13], $0x7D0  }
0x31: {  	[sflag:s13] =	ssyncset.done $0x0  }
0x32: {  	[sflag:s13] =	ssyncadd.s32 $0xFFFFF830  }
0x33: {  	[tilespmem:s18], [sflag:$0x1] =	stream.indirect.gather [spmem:s1], $0x8, s15, s17, $0xb8;
	[tilespmem:$0x1D620] =	vst v63  }
0x34: {  	_ =	swait.ge [sflag:s13], $0x3E80  }
.Ltmp0:
0x35: {  	[sflag:s13] =	ssyncset.done $0x0;
	(pc) =	sbr.rel @p0 .LBB2_2-.Ltmp0, $4  }
0x36: {  	[sflag:s13] =	ssyncadd.s32 $0xFFFFC180  }
0x37: {  	[spmem:s3] =	stream.indirect.scatter.add.f32 [tilespmem:s18], [sflag:$0x1], $0x8, s16, s17, $0xb8;
	[tilespmem:$0x1D620] =	vst v63  }
0x38: {  	_ =	swait.ge [sflag:s13], $0x3E80  }
0x39: {  	s21 =	smov.u32 s24;
	[sflag:s13] =	ssyncset.done $0x0  }
0x3a: {  	s21 =	sadd.s32 s20, s11;
	[sflag:s13] =	ssyncadd.s32 $0xFFFFC180  }
0x3b: {  	[tilespmem:s15], [sflag:$0x1] =	stream.linear.gather [hbm4b:s21+s4], $0x7D0, $0x38;
	[tilespmem:$0x1D620] =	vst v63  }
0x3c: {  	_ =	swait.ge [sflag:s13], $0x7D0  }
0x3d: {  	[sflag:s13] =	ssyncset.done $0x0  }
0x3e: {  	s31 =	sadd.s32 s20, s10;
	[sflag:s13] =	ssyncadd.s32 $0xFFFFF830  }
0x3f: {  	[tilespmem:s16], [sflag:$0x1] =	stream.linear.gather [hbm4b:s31+s4], $0x7D0, $0x38;
	[tilespmem:$0x1D620] =	vst v63  }
0x40: {  	_ =	swait.ge [sflag:s13], $0x7D0  }
0x41: {  	[sflag:s13] =	ssyncset.done $0x0  }
0x42: {  	[sflag:s13] =	ssyncadd.s32 $0xFFFFF830  }
0x43: {  	[tilespmem:s18], [sflag:$0x1] =	stream.indirect.gather [spmem:s1], $0x8, s15, s17, $0xb8;
	[tilespmem:$0x1D620] =	vst v63  }
0x44: {  	_ =	swait.ge [sflag:s13], $0x3E80  }
0x45: {  	[sflag:s13] =	ssyncset.done $0x0  }
0x46: {  	[sflag:s13] =	ssyncadd.s32 $0xFFFFC180  }
0x47: {  	[spmem:s3] =	stream.indirect.scatter.add.f32 [tilespmem:s18], [sflag:$0x1], $0x8, s16, s17, $0xb8;
	[tilespmem:$0x1D620] =	vst v63  }
0x48: {  	_ =	swait.ge [sflag:s13], $0x3E80  }
0x49: {  	s19 =	sadd.s32 $0x1, s19;
	[sflag:s13] =	ssyncset.done $0x0  }
0x4a: {  	p0 =	sne.s32 s19, s9;
	[sflag:s13] =	ssyncadd.s32 $0xFFFFC180  }
.Ltmp1:
0x4b: {  	[bflag:$0x0] =	sbarrier.arrive $0xFFFF;
	(pc) =	sbr.rel @p0 .LBB2_1-.Ltmp1, $4  }
0x4c: {  	[hbm:s8], [sflag:s7] =	dma.local [spmem:s14], $0x1880  }
0x4d: {  	_ =	swait.ge [sflag:s13], $0x1880  }
0x4e: {  	[sflag:s13] =	ssyncset.done $0x0  }
0x4f: {  	[sflag:s13] =	ssyncadd.s32 $0xFFFFE780  }
0x50: {  	_ =	sfence.sel $0x180000  }
0x51: {  	[bflag:$0x0] =	sbarrier.arrive $0xFFFF  }
0x52: {  	p0 =	sne.s32 s0, $0x0;
	_ =	strace $0x90000053  }
0x53: {  	s0 =	sadd.s32 @!p0 $0x100000, s2;
	[bflag:$0x2] =	sbarrier.arrive $0xFFFF  }
0x54: {  	[sflag:s0] =	ssyncadd.tile.s32 @!p0 $0x1;
	_ =	shalt  }
.Lfunc_end2:
_tile_overlayer_lowered:
.L_overlay_start_2:
0x55: {  	(tag) =	ssettag $0x2  }
0x56: {  	s0 =	rddreg [dreg:$0x0];
	s2 =	stileid.u32  }
0x57: {  	s1 =	rddreg [dreg:$0x1];
	p0 =	sne.s32 s2, $0x0  }
0x58: {  	s3 =	rddreg [dreg:$0x2];
	[bflag:$0x3] =	sbarrier.arrive $0xFFFF;
	s2 =	simm.s32 @!p0 $0x1C01  }
0x59: {  	[timem:s3], [sflag:s2] =	dma.local @!p0 [hbm:s0], s1  }
0x5a: {  	s0 =	simm.s32 @!p0 $0x1  }
0x5b: {  	_ =	swait.ge @!p0 [sflag:s0], s1  }
0x5c: {  	s1 =	ssub.s32 @!p0 $0x0, s1;
	[sflag:s0] =	ssyncset.done @!p0 $0x0  }
0x5d: {  	[sflag:s0] =	ssyncadd.s32 @!p0 s1  }
0x5e: {  	[bflag:$0x3] =	sbarrier.arrive $0xFFFF  }
0x5f: {  	_ =	shalt  }

// kernel: kernel.24.cloned.1.call-start
scs
__scs_entry_jumppad:
0x0: {  	(pc) =	sbr.rel $0x88, $3  }
0x1: {  	(tag) =	ssettag $0x0;
	lr =	simm.s32 $0x1  }
0x2: {  	[smem:$0x3F9B] =	sst lr;
	_ =	strace $0xD0000000  }
0x3: {  	_ = 	snop  }
0x4: {  	_ = 	snop  }
0x5: {  	_ = 	snop  }
0x6: {  	_ = 	snop  }
0x7: {  	_ = 	snop  }
__scs_overlays_trampoline_lowered:
0x8: {  	[smem:$0x3FAA] =	sst s0  }
0x9: {  	[smem:$0x3FAB] =	sst s1  }
0xa: {  	[smem:$0x3FAC] =	sst s2  }
0xb: {  	[smem:$0x3FAD] =	sst s3  }
0xc: {  	[smem:$0x3FAE] =	sst s4  }
0xd: {  	[smem:$0x3FAF] =	sst s5  }
0xe: {  	[smem:$0x3FB0] =	sst s6  }
0xf: {  	[smem:$0x3FB1] =	sst s7  }
0x10: {  	[smem:$0x3FB2] =	sst s8  }
0x11: {  	[smem:$0x3FB3] =	sst s9;
	s0 =	simm.s32 @!p0 $0x0  }
0x12: {  	s1 =	sld [smem:$0x3F99];
	s0 =	simm.s32 @p0 $0x1  }
0x13: {  	[smem:$0x3FB4] =	sst s0;
	s0 =	simm.s32 @!p1 $0x0  }
0x14: {  	s2 =	sld [smem:$0x3F98];
	s0 =	simm.s32 @p1 $0x1  }
0x15: {  	[smem:$0x3FB5] =	sst s0;
	s0 =	simm.s32 @!p2 $0x0  }
0x16: {  	s3 =	sld [smem:$0x3FDB];
	s0 =	simm.s32 @p2 $0x1  }
0x17: {  	s4 =	simm.s32 $0x1BF5;
	[smem:$0x3FB7] =	sst s0  }
0x18: {  	s0 =	sld [smem:$0x3F9A];
	_ =	swait.ge [sflag:s4], $0x0  }
0x19: {  	s7 =	sld [smem:$0x3F9B]  }
0x1a: {  	s8 =	sadd.s32 $0xFFFFE003, lr  }
0x1b: {  	s9 =	sadd.s32 $0xFFFFFEF7, lr;
	s5 =	simm.s32 $0xFFFFFFFF;
	p2 =	slt.u32 s8, $0xFFFFF086  }
0x1c: {  	p1 =	slt.u32 s9, $0xF7A;
	s5 =	simm.s32 @!p2 $0x0  }
0x1d: {  	s5 =	simm.s32 @p1 $0x1;
	p0 =	seq.s32 s7, s2  }
0x1e: {  	s7 =	smul.u32 @!p0 $0xF7A, s2;
	p2 =	seq.s32 @!p0 s5, $0x0  }
0x1f: {  	s9 =	smul.u32 $0xF7A, s1;
	s8 =	simm.s32 @!p0 $0x1BF5;
	p2 =	por !p2, p0  }
0x20: {  	[sflag:s8] =	ssyncset.s32 @!p0 $0xFFFFF086;
	s6 =	sadd.s32 @!p0 s3, s7;
	s7 =	simm.s32 @!p0 $0x108  }
0x21: {  	s3 =	sadd.s32 s3, s9;
	s6 =	sadd.s32 @!p0 $0x88, s6;
	s7 =	simm.s32 @p2 $0x1082  }
0x22: {  	[simem:s7], [sflag:s8] =	dma.local @!p0 [hbm:s6], $0xF7A  }
0x23: {  	s9 =	sor.u32 $0xD0000000, s2;
	s6 =	simm.s32 $0x108;
	_ =	swait.ge @!p0 [sflag:s8], $0x0  }
0x24: {  	s3 =	sadd.s32 $0x88, s3;
	s6 =	simm.s32 @!p1 $0x1082;
	[sflag:s4] =	ssyncset.s32 $0xFFFFF086  }
0x25: {  	[simem:s6], [sflag:s4] =	dma.local [hbm:s3], $0xF7A  }
0x26: {  	[smem:$0x3F9B] =	sst s1;
	(tag) =	ssettag s2;
	_ =	strace s9  }
0x27: {  	s1 =	sld [smem:$0x3FAB]  }
0x28: {  	s2 =	sld [smem:$0x3FAC]  }
0x29: {  	s4 =	sld [smem:$0x3FAE]  }
0x2a: {  	p0 =	seq.s32 s5, $0x0;
	s5 =	sld [smem:$0x3FAF]  }
0x2b: {  	s6 =	sld [smem:$0x3FB0]  }
0x2c: {  	s7 =	sld [smem:$0x3FB1]  }
0x2d: {  	s3 =	simm.s32 $0x108;
	s8 =	sld [smem:$0x3FB2]  }
0x2e: {  	s3 =	simm.s32 @!p0 $0x1082;
	s9 =	sld [smem:$0x3FB3]  }
0x2f: {  	lr =	sadd.s32 s0, s3;
	s0 =	sld [smem:$0x3FAA]  }
0x30: {  	s3 =	sld [smem:$0x3FAD]  }
0x31: {  	[smem:$0x3FB6] =	sst s10  }
0x32: {  	s10 =	sld [smem:$0x3FB4];
	_ =	sdelay $0x3  }
0x33: {  	p0 =	seq.s32 s10, $0x1;
	s10 =	sld [smem:$0x3FB6];
	_ =	sdelay $0x3  }
0x34: {  	[smem:$0x3FB6] =	sst s10  }
0x35: {  	s10 =	sld [smem:$0x3FB5];
	_ =	sdelay $0x3  }
0x36: {  	p1 =	seq.s32 s10, $0x1;
	s10 =	sld [smem:$0x3FB6];
	_ =	sdelay $0x3  }
0x37: {  	[smem:$0x3FB6] =	sst s10  }
0x38: {  	s10 =	sld [smem:$0x3FB7]  }
0x39: {  	_ = 	snop;
	(pc) =	sbr.ind lr, $3  }
0x3a: {  	_ = 	snop  }
0x3b: {  	_ = 	snop  }
0x3c: {  	p2 =	seq.s32 s10, $0x1;
	s10 =	sld [smem:$0x3FB6]  }
0x3d: {  	_ =	shalt  }
0x3e: {  	_ =	shalt  }
0x3f: {  	_ =	shalt  }
0x40: {  	_ =	shalt  }
0x41: {  	_ =	shalt  }
0x42: {  	_ =	shalt  }
0x43: {  	_ =	shalt  }
0x44: {  	_ =	shalt  }
0x45: {  	_ =	shalt  }
0x46: {  	_ =	shalt  }
0x47: {  	_ =	shalt  }
0x48: {  	_ =	shalt  }
0x49: {  	_ =	shalt  }
0x4a: {  	_ =	shalt  }
0x4b: {  	_ =	shalt  }
0x4c: {  	_ =	shalt  }
0x4d: {  	_ =	shalt  }
0x4e: {  	_ =	shalt  }
0x4f: {  	_ =	shalt  }
0x50: {  	_ =	shalt  }
0x51: {  	_ =	shalt  }
0x52: {  	_ =	shalt  }
0x53: {  	_ =	shalt  }
0x54: {  	_ =	shalt  }
0x55: {  	_ =	shalt  }
0x56: {  	_ =	shalt  }
0x57: {  	_ =	shalt  }
0x58: {  	_ =	shalt  }
0x59: {  	_ =	shalt  }
0x5a: {  	_ =	shalt  }
0x5b: {  	_ =	shalt  }
0x5c: {  	_ =	shalt  }
0x5d: {  	_ =	shalt  }
0x5e: {  	_ =	shalt  }
0x5f: {  	_ =	shalt  }
0x60: {  	_ =	shalt  }
0x61: {  	_ =	shalt  }
0x62: {  	_ =	shalt  }
0x63: {  	_ =	shalt  }
0x64: {  	_ =	shalt  }
0x65: {  	_ =	shalt  }
0x66: {  	_ =	shalt  }
0x67: {  	_ =	shalt  }
0x68: {  	_ =	shalt  }
0x69: {  	_ =	shalt  }
0x6a: {  	_ =	shalt  }
0x6b: {  	_ =	shalt  }
0x6c: {  	_ =	shalt  }
0x6d: {  	_ =	shalt  }
0x6e: {  	_ =	shalt  }
0x6f: {  	_ =	shalt  }
0x70: {  	_ =	shalt  }
0x71: {  	_ =	shalt  }
0x72: {  	_ =	shalt  }
0x73: {  	_ =	shalt  }
0x74: {  	_ =	shalt  }
0x75: {  	_ =	shalt  }
0x76: {  	_ =	shalt  }
0x77: {  	_ =	shalt  }
0x78: {  	_ =	shalt  }
0x79: {  	_ =	shalt  }
0x7a: {  	_ =	shalt  }
0x7b: {  	_ =	shalt  }
0x7c: {  	_ =	shalt  }
0x7d: {  	_ =	shalt  }
0x7e: {  	_ =	shalt  }
0x7f: {  	_ =	shalt  }
0x80: {  	_ =	shalt  }
0x81: {  	_ =	shalt  }
0x82: {  	_ =	shalt  }
0x83: {  	_ =	shalt  }
0x84: {  	_ =	shalt  }
0x85: {  	_ =	shalt  }
0x86: {  	_ =	shalt  }
0x87: {  	_ =	shalt  }
.Lfunc_end0:
.L_simem_size_0:
called_computation.5_lowered:
.L_overlay_start_0:
0x88: {  	s2 =	sld [smem:$0x3FD9]  }
0x89: {  	s3 =	sld [smem:$0x3FFE];
	_ =	sdelay $0x1  }
0x8a: {  	s1 =	srdreg.scid  }
0x8b: {  	s0 =	sand.u32 $0x1, s1  }
0x8c: {  	s17 =	sshll.u32 s0, $0xA;
	s2 =	sadd.s32 s3, s2  }
0x8d: {  	s2 =	sadd.s32 s2, s17  }
0x8e: {  	[smem:$0x3FC2] =	sst s2  }
0x8f: {  	_ = 	snop  }
0x90: {  	s2 =	sld [smem:$0x3FD0];
	(tm) =	ssettm $0x1  }
0x91: {  	s18 =	sld [smem:$0x3FFB];
	_ =	sdelay $0x3  }
0x92: {  	_ =	strace s18  }
0x93: {  	s3 =	sld [smem:$0x3FFC];
	_ =	sdelay $0x3  }
0x94: {  	_ =	strace s3  }
0x95: {  	s3 =	sld [smem:$0x3FFD];
	_ =	sdelay $0x3  }
0x96: {  	_ =	strace s3  }
0x97: {  	_ =	strace $0x8FFFFFFF  }
0x98: {  	s19 =	sld [smem:$0x3FDB];
	_ =	sdelay $0x1  }
0x99: {  	s4 =	simm.s32 $_scs_section_size  }
0x9a: {  	s5 =	simm.s32 $_size__tile_overlayer_lowered;
	s6 =	simm.s32 $_tile_overlayer_lowered  }
0x9b: {  	s22 =	simm.s32 $0x1BFF;
	s21 =	sshll.u32 s6, $0x1;
	s3 =	sadd.s32 s4, s19  }
0x9c: {  	s7 =	simm.s32 $0x0;
	s20 =	sshll.u32 s5, $0x1;
	s5 =	sadd.s32 s21, s3  }
0x9d: {  	[timem:s7], [sflag:s22] =	dma.local [hbm:s5], s20  }
0x9e: {  	_ =	swait.ge [sflag:s22], s20  }
0x9f: {  	s4 =	ssub.s32 $0x0, s20;
	[sflag:s22] =	ssyncset.done $0x0  }
0xa0: {  	[sflag:s22] =	ssyncadd.s32 s4;
	_ =	sdelay $0x1  }
0xa1: {  	s23 =	simm.s32 $0x1B8B  }
0xa2: {  	_ =	swait.ge [sflag:s23], $0x1  }
0xa3: {  	[sflag:s23] =	ssyncset.done $0x0  }
0xa4: {  	s25 =	simm.s32 $0x1B8E;
	s24 =	sld [smem:$0x3FFE];
	[sflag:s23] =	ssyncadd.s32 $0xFFFFFFFF  }
0xa5: {  	s26 =	simm.s32 $execute0_lowered;
	[smem:$0x3FD2] =	sst s25  }
0xa6: {  	s5 =	sshll.u32 s26, $0x1;
	_ =	strace $0x80000055;
	[dreg:$0x1] =	wrdreg $0xFFFFFFFF  }
0xa7: {  	s28 =	simm.s32 $_size_execute0_lowered;
	s3 =	sadd.s32 s3, s5;
	[dreg:$0x0] =	wrdreg $0x0  }
0xa8: {  	s5 =	sshll.u32 s28, $0x1;
	[dreg:$0x2] =	wrdreg s3  }
0xa9: {  	[dreg:$0x3] =	wrdreg s5  }
0xaa: {  	[dreg:$0x4] =	wrdreg $0xC0  }
0xab: {  	_ =	task [dreg:s7], $0x5FFFF  }
0xac: {  	[dreg:$0x1] =	wrdreg $0xFFFFFFFF  }
0xad: {  	[dreg:$0x0] =	wrdreg $0x60  }
0xae: {  	[dreg:$0x2] =	wrdreg s24  }
0xaf: {  	[dreg:$0x3] =	wrdreg s2  }
0xb0: {  	[dreg:$0x4] =	wrdreg $0x9  }
0xb1: {  	_ =	task.clear_ibuf [dreg:s7], $0x5FFFF;
	_ =	strace $0x90000055  }
0xb2: {  	s29 =	simm.s32 $0x9;
	_ =	strace $0x80000057  }
0xb3: {  	_ =	swait.ge [sflag:s29], $0x1  }
0xb4: {  	[sflag:s29] =	ssyncadd.s32 $0xFFFFFFFF  }
0xb5: {  	_ =	strace $0x90000057  }
0xb6: {  	_ =	sfence  }
0xb7: {  	s30 =	sld [smem:$0x0];
	_ =	sdelay $0x2  }
0xb8: {  	s31 =	sshll.u32 s1, $0xD;
	s1 =	sshrl.u32 s1, $0x2  }
0xb9: {  	s3 =	sand.u32 $0x4000, s31;
	s1 =	sadd.s32 s1, s30  }
0xba: {  	s0 =	sor.u32 s3, s0;
	s1 =	sshll.u32 s1, $0x11  }
0xbb: {  	s0 =	sor.u32 s1, s0  }
0xbc: {  	s0 =	sadd.s32 $0x8F2B, s0  }
0xbd: {  	[sflag:s0] =	ssyncadd.remote.s32 $0x1  }
0xbe: {  	_ =	sfence.sel $0xFFFF  }
0xbf: {  	[dreg:$0x0] =	wrdreg $0xFFFFFFFF;
	(pc) =	sbr.abs _section_cstart, $3  }
0xc0: {  	[dreg:$0x1] =	wrdreg $0xFFFFFFFF  }
0xc1: {  	_ =	task.clear_ibuf [dreg:s7], $0x2FFFF;
	_ =	strace $0x9FFFFFFF  }
0xc2: {  	(tm) =	ssettm $0x7FFFFFFF  }
0xc3: {  	_ =	shalt  }
tec
execute0_lowered:
.L_overlay_start_1:
0x0: {  	(tag) =	ssettag $0x1  }
0x1: {  	s1 =	srdreg.scid;
	s4 =	rddreg [dreg:$0x0]  }
0x2: {  	s0 =	stileid.u32;
	s2 =	rddreg [dreg:$0x1]  }
0x3: {  	s3 =	simm.s32 $0x0;
	s13 =	simm.s32 $0x1;
	s14 =	simm.s32 $0x6200  }
0x4: {  	s15 =	simm.s32 $0xC400;
	s16 =	simm.s32 $0x12600;
	s17 =	simm.s32 $0x13240  }
0x5: {  	s18 =	simm.s32 $0x19490;
	s5 =	sand.u32 $0x1, s1;
	s28 =	sshll.u32 s0, $0x1  }
0x6: {  	s19 =	simm.s32 $0x19470;
	[smem:$0x7FF] =	sst s3;
	s6 =	sor.u32 s5, s28  }
0x7: {  	s1 =	rddreg [dreg:$0x2];
	_ =	strace $0x80000056;
	s7 =	smul.u32 $0x188, s6  }
0x8: {  	v0 =	vimm.s32 $0xFEDCBA98;
	s5 =	ssub.s32 $0x2, s5;
	s8 =	smul.u32 $0x6200, s6;
	s30 =	sshll.u32 s6, $0x2  }
0x9: {  	v1 =	vimm.s32 $0x76543210;
	v0 =	vunpack.c.l.s4.s8 v0;
	s31 =	sshrl.u32 s5, $0x1;
	p0 =	seq.s32 s6, $0x1F;
	s11 =	sadd.s32 s30, s4  }
0xa: {  	v1 =	vunpack.c.l.s4.s8 v1;
	s12 =	ssub.s32 s5, s31;
	s9 =	sadd.s32 s7, s4;
	s29 =	sshrl.u32 s8, $0x3  }
0xb: {  	v2 =	vunpack.c.0.s8.s32 v0;
	s10 =	sadd.s32 s29, s4;
	s4 =	simm.s32 $0xAE0;
	s8 =	sadd.s32 $0x1D5C00, s9  }
0xc: {  	v3 =	vlaneseq.u32;
	v4 =	vunpack.c.0.s8.s32 v1;
	s9 =	sadd.s32 $0x1D5A00, s11;
	s11 =	smax.u32 s12, $0x1;
	s5 =	sadd.s32 $0x18C200, s10  }
0xd: {  	v0 =	vor.u32 $0x28, v3;
	v1 =	vshrl.u32 v3, $0x3;
	v5 =	vand.u32 $0xF, v2;
	s12 =	simm.s32 $0x19440;
	s6 =	sadd.s32 $0x1A4A00, s10;
	s4 =	simm.s32 @!p0 $0xC40  }
0xe: {  	s20 =	simm.s32 $0x0;
	v2 =	vand.u32 $0x7, v3;
	v3 =	vcombine.low v5, v4;
	v4 =	vmul.u32 $0x8, v1;
	s7 =	sadd.s32 $0x1D8E00, s10;
	s10 =	sadd.s32 $0x1BD200, s10  }
.LBB2_1:
0xf: {  	[tilespmem:s12], [sflag:$0x1] =	stream.linear.gather [hbm4b:s2+s3], $0x30, $0x38;
	[tilespmem:$0x194A0] =	vst v63  }
0x10: {  	_ =	swait.ge [sflag:s13], $0x30  }
0x11: {  	[sflag:s13] =	ssyncset.done $0x0  }
0x12: {  	[sflag:s13] =	ssyncadd.s32 $0xFFFFFFD0  }
0x13: {  	[tilespmem:s3], [sflag:$0x1] =	stream.linear.gather [hbm4b:s5+s3], $0x6200, $0x38;
	[tilespmem:$0x194A0] =	vst v63  }
0x14: {  	_ =	swait.ge [sflag:s13], $0x6200  }
0x15: {  	[sflag:s13] =	ssyncset.done $0x0  }
0x16: {  	[sflag:s13] =	ssyncadd.s32 $0xFFFF9E00  }
0x17: {  	[tilespmem:s14], [sflag:$0x1] =	stream.linear.gather [hbm4b:s6+s3], $0x6200, $0x38;
	[tilespmem:$0x194A0] =	vst v63  }
0x18: {  	_ =	swait.ge [sflag:s13], $0x6200  }
0x19: {  	[sflag:s13] =	ssyncset.done $0x0  }
0x1a: {  	[sflag:s13] =	ssyncadd.s32 $0xFFFF9E00  }
0x1b: {  	[tilespmem:s15], [sflag:$0x1] =	stream.linear.gather [hbm4b:s7+s3], $0x6200, $0x38;
	[tilespmem:$0x194A0] =	vst v63  }
0x1c: {  	v8 =	vor.u32 s3, v1;
	_ =	swait.ge [sflag:s13], $0x6200  }
0x1d: {  	v5 =	vshll.u32 v8, $0x3;
	[sflag:s13] =	ssyncset.done $0x0  }
0x1e: {  	v5 =	vor.u32 v2, v5;
	[sflag:s13] =	ssyncadd.s32 $0xFFFF9E00  }
0x1f: {  	[tilespmem:s16], [sflag:$0x1] =	stream.linear.gather [hbm4b:s8+s3], $0xC40, $0x38;
	[tilespmem:$0x194A0] =	vst v63  }
0x20: {  	_ =	swait.ge [sflag:s13], $0xC40  }
0x21: {  	[sflag:s13] =	ssyncset.done $0x0  }
0x22: {  	[sflag:s13] =	ssyncadd.s32 $0xFFFFF3C0  }
0x23: {  	v10 =	vld.idx.msk [tilespmem:v5+s14+$0x0], $0xffff  }
0x24: {  	p1 =	sne.s32 s4, $0x2;
	v11 =	vld.idx.msk [tilespmem:v5+s3+$0x0], $0xffff  }
.Ltmp0:
0x25: {  	_ = 	snop;
	(pc) =	sbr.rel @!p1 .LBB2_3-.Ltmp0, $3  }
0x26: {  	v9 =	vld.idx.msk [tilespmem:v5+s15+$0x0], $0xffff;
	_ =	sdelay $0x1  }
0x27: {  	v8 =	vld.idx.msk [tilespmem:v8+s16+$0x0], $0xffff  }
0x28: {  	v7 =	vimm.f32 $-1.000000020e+30;
	s21 =	simm.s32 $0x2;
	v6 =	vld.idx.msk [tilespmem:v0+s12+$0x0], $0xffff;
	v10 =	vadd.f32 v10, v11  }
.LBB2_2:
0x29: {  	_ = 	snop  }
0x2a: {  	v11 =	vor.u32 s21, v1;
	v9 =	vadd.f32 v9, v10  }
0x2b: {  	s21 =	sadd.s32 $0x2, s21;
	v10 =	vshll.u32 v11, $0x3  }
0x2c: {  	p1 =	sne.s32 s4, s21;
	v10 =	vor.u32 v2, v10;
	v8 =	vmul.f32 v9, v8;
	_ =	sdelay $0x1  }
0x2d: {  	v8 =	vadd.f32 v8, v6;
	_ =	sdelay $0x1  }
0x2e: {  	[tilespmem:v5+s17+$0x0] =	vst.idx.msk $0xffff, v8;
	v7 =	vmax.f32 v7, v8;
	v5 =	vmov v10  }
0x2f: {  	v12 =	vld.idx.msk [tilespmem:v10+s14+$0x0], $0xffff  }
0x30: {  	v13 =	vld.idx.msk [tilespmem:v10+s3+$0x0], $0xffff;
	_ =	sdelay $0x1  }
.Ltmp1:
0x31: {  	v9 =	vld.idx.msk [tilespmem:v10+s15+$0x0], $0xffff;
	(pc) =	sbr.rel @p1 .LBB2_2-.Ltmp1, $3  }
0x32: {  	_ = 	snop  }
0x33: {  	v8 =	vld.idx.msk [tilespmem:v11+s16+$0x0], $0xffff;
	_ =	sdelay $0x1  }
0x34: {  	v10 =	vadd.f32 v12, v13  }
.LBB2_3:
0x35: {  	_ = 	snop  }
0x36: {  	v9 =	vadd.f32 v9, v10;
	_ =	sdelay $0x1  }
0x37: {  	v8 =	vmul.f32 v9, v8;
	_ =	sdelay $0x1  }
0x38: {  	v6 =	vadd.f32 v8, v6;
	_ =	sdelay $0x1  }
0x39: {  	[tilespmem:v5+s17+$0x0] =	vst.idx.msk $0xffff, v6;
	v5 =	vmax.f32 v7, v6  }
0x3a: {  	[tilespmem:$0x19490] =	vst v5  }
0x3b: {  	p5 =	sne.s32 s4, $0x2;
	v6 =	vld.idx.msk [tilespmem:v3+s18+$0x0], $0xffff  }
.Ltmp2:
0x3c: {  	s21 =	simm.s32 $0x0;
	(pc) =	sbr.rel @!p5 .LBB2_4-.Ltmp2, $4  }
0x3d: {  	v7 =	vmov s21  }
0x3e: {  	v7 =	vshll.u32 v7, $0x3  }
0x3f: {  	p1 =	por $0x0, $0x0;
	p2 =	por $0x0, $0x0;
	v7 =	vor.u32 v4, v7  }
0x40: {  	p3 =	por $0x0, $0x0;
	p4 =	por $0x0, $0x0;
	s21 =	simm.s32 $0x2;
	v7 =	vor.u32 v2, v7;
	v5 =	vmax.f32 v5, v6;
	v6 =	vimm.f32 $0.0e+00  }
0x41: {  	p5 =	sne.s32 s4, $0x4  }
.Ltmp3:
0x42: {  	_ = 	snop;
	(pc) =	sbr.rel @!p5 .LBB2_6-.Ltmp3, $4  }
0x43: {  	v8 =	vmov s21  }
0x44: {  	v8 =	vshll.u32 v8, $0x3  }
0x45: {  	v8 =	vor.u32 v4, v8  }
0x46: {  	v9 =	vld.idx.msk [tilespmem:v7+s17+$0x0], $0xffff;
	s21 =	simm.s32 $0x4;
	p1 =	por $0x1, $0x1;
	v7 =	vor.u32 v2, v8  }
0x47: {  	p5 =	sne.s32 s4, $0x6  }
.Ltmp4:
0x48: {  	_ = 	snop;
	(pc) =	sbr.rel @!p5 .LBB2_8-.Ltmp4, $4  }
0x49: {  	v8 =	vmov s21  }
0x4a: {  	v8 =	vshll.u32 v8, $0x3  }
0x4b: {  	v10 =	vor.u32 v4, v8  }
0x4c: {  	s21 =	simm.s32 $0x6;
	p2 =	por $0x1, $0x1;
	v8 =	vld.idx.msk [tilespmem:v7+s17+$0x0], $0xffff;
	v7 =	vor.u32 v2, v10;
	v11 =	vsub.f32 v9, v5  }
0x4d: {  	p5 =	sne.s32 s4, $0x8  }
.Ltmp5:
0x4e: {  	_ = 	snop;
	(pc) =	sbr.rel @!p5 .LBB2_10-.Ltmp5, $4  }
0x4f: {  	v9 =	vmov s21  }
0x50: {  	v10 =	vmul.f32 $1.442695020e+00, v11;
	v9 =	vshll.u32 v9, $0x3  }
0x51: {  	v11 =	vor.u32 v4, v9  }
0x52: {  	v13 =	vld.idx.msk [tilespmem:v7+s17+$0x0], $0xffff;
	s21 =	simm.s32 $0x8;
	p3 =	por $0x1, $0x1;
	(erf) = vpow2.f32 v10;
	v7 =	vor.u32 v2, v11;
	v9 =	vsub.f32 v8, v5  }
0x53: {  	_ =	sdelay $0x2  }
0x54: {  	p5 =	sne.s32 s4, $0xA  }
.Ltmp6:
0x55: {  	v8 =	vmul.f32 $1.442695020e+00, v9;
	(pc) =	sbr.rel @!p5 .LBB2_12-.Ltmp6, $4  }
0x56: {  	v10 =	vmov s21  }
0x57: {  	v10 =	vshll.u32 v10, $0x3;
	(erf) = vpow2.f32 v8  }
0x58: {  	v10 =	vor.u32 v4, v10  }
0x59: {  	s21 =	simm.s32 $0xA;
	p4 =	por $0x1, $0x1;
	v8 =	vld.idx.msk [tilespmem:v7+s17+$0x0], $0xffff;
	v7 =	vor.u32 v2, v10;
	v10 =	vimm.f32 $0.0e+00;
	v11 =	vsub.f32 v13, v5;
	v12 =	vpop (erf)  }
.LBB2_13:
0x5a: {  	s22 =	smov.u32 s21;
	s21 =	sadd.s32 $0x2, s21  }
0x5b: {  	v11 =	vmul.f32 $1.442695020e+00, v11;
	v10 =	vadd.f32 v12, v10;
	p5 =	sne.s32 s4, s21  }
.Ltmp7:
0x5c: {  	(pc) =	sbr.rel @p5 .LBB2_13-.Ltmp7, $4  }
0x5d: {  	v12 =	vmov s22;
	(erf) = vpow2.f32 v11  }
0x5e: {  	v11 =	vshll.u32 v12, $0x3  }
0x5f: {  	v13 =	vor.u32 v4, v11;
	v11 =	vsub.f32 v8, v5;
	v8 =	vld.idx.msk [tilespmem:v7+s17+$0x0], $0xffff  }
0x60: {  	v7 =	vor.u32 v2, v13;
	v12 =	vpop (erf)  }
0x61: {  	_ = 	snop  }
.LBB2_15:
0x62: {  	_ =	sdelay $0x2  }
0x63: {  	v11 =	vmul.f32 @p2 $1.442695020e+00, v11  }
0x64: {  	v7 =	vld.idx.msk [tilespmem:v7+s17+$0x0], $0xffff;
	v8 =	vsub.f32 @p1 v8, v5  }
0x65: {  	(erf) = vpow2.f32 @p2 v11  }
0x66: {  	v8 =	vpsel p1, v8, v9  }
0x67: {  	v8 =	vmul.f32 @p1 $1.442695020e+00, v8;
	_ =	sdelay $0x1  }
0x68: {  	v7 =	vsub.f32 v7, v5;
	(erf) = vpow2.f32 @p1 v8;
	v8 =	vadd.f32 @p4 v12, v10;
	_ =	sdelay $0x1  }
0x69: {  	v7 =	vmul.f32 $1.442695020e+00, v7;
	v8 =	vpsel p4, v8, v6  }
0x6a: {  	v9 =	vpop @p3 (erf)  }
0x6b: {  	v9 =	vpsel p3, v9, v0;
	(erf) = vpow2.f32 v7  }
0x6c: {  	v7 =	vadd.f32 @p3 v9, v8;
	v8 =	vpop @p2 (erf)  }
0x6d: {  	v8 =	vpsel p2, v8, v0  }
0x6e: {  	v7 =	vpsel p3, v7, v6  }
0x6f: {  	v7 =	vadd.f32 @p2 v8, v7  }
0x70: {  	v8 =	vpop @p1 (erf)  }
0x71: {  	v7 =	vpsel p2, v7, v6;
	v8 =	vpsel p1, v8, v0  }
0x72: {  	v7 =	vadd.f32 @p1 v8, v7;
	_ =	sdelay $0x1  }
0x73: {  	v63 =	vpop (erf);
	v6 =	vpsel p1, v7, v6  }
0x74: {  	v6 =	vadd.f32 v63, v6;
	_ =	sdelay $0x1  }
0x75: {  	[tilespmem:$0x19490] =	vst v6  }
0x76: {  	v7 =	vld.idx.msk [tilespmem:v3+s18+$0x0], $0xffff;
	_ =	sdelay $0x4  }
0x77: {  	v6 =	vadd.f32 v7, v6  }
0x78: {  	[tilespmem:$0x19470] =	vst v5  }
0x79: {  	[tilespmem:$0x19480] =	vst v6  }
0x7a: {  	[hbm4b:s9+s3] =	stream.linear.scatter [tilespmem:s19], [sflag:$0x1], $0x20, $0x38;
	[tilespmem:$0x194A0] =	vst v63  }
0x7b: {  	_ =	swait.ge [sflag:s13], $0x20  }
0x7c: {  	[sflag:s13] =	ssyncset.done $0x0  }
0x7d: {  	s21 =	simm.s32 @p0 $0x0;
	s22 =	simm.s32 @p0 $0x13240;
	[sflag:s13] =	ssyncadd.s32 $0xFFFFFFE0  }
0x7e: {  	[hbm4b:s10+s21] =	stream.linear.scatter @p0 [tilespmem:s22], [sflag:$0x1], $0x5700, $0x38;
	[tilespmem:$0x194A0] =	vst v63  }
0x7f: {  	s21 =	simm.s32 @p0 $0x1  }
0x80: {  	s20 =	sadd.s32 $0x1, s20;
	_ =	swait.ge @p0 [sflag:s21], $0x5700  }
0x81: {  	p1 =	sne.s32 s20, s11;
	[sflag:s21] =	ssyncset.done @p0 $0x0  }
0x82: {  	s22 =	simm.s32 @!p0 $0x13240;
	[sflag:s21] =	ssyncadd.s32 @p0 $0xFFFFA900;
	s21 =	simm.s32 @!p0 $0x0  }
0x83: {  	[hbm4b:s10+s21] =	stream.linear.scatter @!p0 [tilespmem:s22], [sflag:$0x1], $0x6200, $0x38;
	[tilespmem:$0x194A0] =	vst v63  }
.Ltmp8:
0x84: {  	_ = 	snop;
	(pc) =	sbr.rel @p1 .LBB2_1-.Ltmp8, $4  }
.Ltmp9:
0x85: {  	s21 =	simm.s32 @!p0 $0x1;
	(pc) =	sbr.rel @!p1 .LBB2_16-.Ltmp9, $4  }
0x86: {  	_ =	swait.ge @!p0 [sflag:s21], $0x6200  }
0x87: {  	[sflag:s21] =	ssyncset.done @!p0 $0x0  }
0x88: {  	[sflag:s21] =	ssyncadd.s32 @!p0 $0xFFFF9E00  }
0x89: {  	_ = 	snop  }
.LBB2_4:
.Ltmp10:
0x8a: {  	(pc) =	sbr.rel .LBB2_15-.Ltmp10, $2  }
0x8b: {  	_ =	sdelay $0x2  }
0x8c: {  	v10 =	vimm.f32 $0.0e+00  }
.LBB2_6:
.Ltmp11:
0x8d: {  	_ = 	snop;
	(pc) =	sbr.rel .LBB2_15-.Ltmp11, $2  }
0x8e: {  	_ =	sdelay $0x2  }
0x8f: {  	v10 =	vimm.f32 $0.0e+00;
	v8 =	vmov v9  }
.LBB2_8:
.Ltmp12:
0x90: {  	(pc) =	sbr.rel .LBB2_15-.Ltmp12, $2  }
0x91: {  	_ =	sdelay $0x2  }
0x92: {  	v10 =	vimm.f32 $0.0e+00  }
.LBB2_10:
.Ltmp13:
0x93: {  	_ = 	snop;
	(pc) =	sbr.rel .LBB2_15-.Ltmp13, $2  }
0x94: {  	_ =	sdelay $0x2  }
0x95: {  	v10 =	vimm.f32 $0.0e+00;
	v11 =	vmov v9;
	v8 =	vmov v13  }
.LBB2_12:
.Ltmp14:
0x96: {  	(pc) =	sbr.rel .LBB2_15-.Ltmp14, $2  }
0x97: {  	_ =	sdelay $0x2  }
0x98: {  	v10 =	vimm.f32 $0.0e+00  }
.LBB2_16:
0x99: {  	_ =	sfence.sel $0x180000  }
0x9a: {  	[bflag:$0x0] =	sbarrier.arrive $0xFFFF  }
0x9b: {  	p0 =	sne.s32 s0, $0x0;
	_ =	strace $0x90000056  }
0x9c: {  	s0 =	sadd.s32 @!p0 $0x100000, s1;
	[bflag:$0x2] =	sbarrier.arrive $0xFFFF  }
0x9d: {  	[sflag:s0] =	ssyncadd.tile.s32 @!p0 $0x1;
	_ =	shalt  }
.Lfunc_end2:
_tile_overlayer_lowered:
.L_overlay_start_2:
0x9e: {  	(tag) =	ssettag $0x2  }
0x9f: {  	s0 =	rddreg [dreg:$0x0];
	s2 =	stileid.u32  }
0xa0: {  	s1 =	rddreg [dreg:$0x1];
	p0 =	sne.s32 s2, $0x0  }
0xa1: {  	s3 =	rddreg [dreg:$0x2];
	[bflag:$0x3] =	sbarrier.arrive $0xFFFF;
	s2 =	simm.s32 @!p0 $0x1C01  }
0xa2: {  	[timem:s3], [sflag:s2] =	dma.local @!p0 [hbm:s0], s1  }
0xa3: {  	s0 =	simm.s32 @!p0 $0x1  }
0xa4: {  	_ =	swait.ge @!p0 [sflag:s0], s1  }
0xa5: {  	s1 =	ssub.s32 @!p0 $0x0, s1;
	[sflag:s0] =	ssyncset.done @!p0 $0x0  }
0xa6: {  	[sflag:s0] =	ssyncadd.s32 @!p0 s1  }
0xa7: {  	[bflag:$0x3] =	sbarrier.arrive $0xFFFF  }
0xa8: {  	_ =	shalt  }

// kernel: kernel.27.cloned.1.call-start
scs
__scs_entry_jumppad:
0x0: {  	(pc) =	sbr.rel $0x88, $3  }
0x1: {  	(tag) =	ssettag $0x0;
	lr =	simm.s32 $0x1  }
0x2: {  	[smem:$0x3F9B] =	sst lr;
	_ =	strace $0xD0000000  }
0x3: {  	_ = 	snop  }
0x4: {  	_ = 	snop  }
0x5: {  	_ = 	snop  }
0x6: {  	_ = 	snop  }
0x7: {  	_ = 	snop  }
__scs_overlays_trampoline_lowered:
0x8: {  	[smem:$0x3FAA] =	sst s0  }
0x9: {  	[smem:$0x3FAB] =	sst s1  }
0xa: {  	[smem:$0x3FAC] =	sst s2  }
0xb: {  	[smem:$0x3FAD] =	sst s3  }
0xc: {  	[smem:$0x3FAE] =	sst s4  }
0xd: {  	[smem:$0x3FAF] =	sst s5  }
0xe: {  	[smem:$0x3FB0] =	sst s6  }
0xf: {  	[smem:$0x3FB1] =	sst s7  }
0x10: {  	[smem:$0x3FB2] =	sst s8  }
0x11: {  	[smem:$0x3FB3] =	sst s9;
	s0 =	simm.s32 @!p0 $0x0  }
0x12: {  	s1 =	sld [smem:$0x3F99];
	s0 =	simm.s32 @p0 $0x1  }
0x13: {  	[smem:$0x3FB4] =	sst s0;
	s0 =	simm.s32 @!p1 $0x0  }
0x14: {  	s2 =	sld [smem:$0x3F98];
	s0 =	simm.s32 @p1 $0x1  }
0x15: {  	[smem:$0x3FB5] =	sst s0;
	s0 =	simm.s32 @!p2 $0x0  }
0x16: {  	s3 =	sld [smem:$0x3FDB];
	s0 =	simm.s32 @p2 $0x1  }
0x17: {  	s4 =	simm.s32 $0x1BF5;
	[smem:$0x3FB7] =	sst s0  }
0x18: {  	s0 =	sld [smem:$0x3F9A];
	_ =	swait.ge [sflag:s4], $0x0  }
0x19: {  	s7 =	sld [smem:$0x3F9B]  }
0x1a: {  	s8 =	sadd.s32 $0xFFFFE003, lr  }
0x1b: {  	s9 =	sadd.s32 $0xFFFFFEF7, lr;
	s5 =	simm.s32 $0xFFFFFFFF;
	p2 =	slt.u32 s8, $0xFFFFF086  }
0x1c: {  	p1 =	slt.u32 s9, $0xF7A;
	s5 =	simm.s32 @!p2 $0x0  }
0x1d: {  	s5 =	simm.s32 @p1 $0x1;
	p0 =	seq.s32 s7, s2  }
0x1e: {  	s7 =	smul.u32 @!p0 $0xF7A, s2;
	p2 =	seq.s32 @!p0 s5, $0x0  }
0x1f: {  	s9 =	smul.u32 $0xF7A, s1;
	s8 =	simm.s32 @!p0 $0x1BF5;
	p2 =	por !p2, p0  }
0x20: {  	[sflag:s8] =	ssyncset.s32 @!p0 $0xFFFFF086;
	s6 =	sadd.s32 @!p0 s3, s7;
	s7 =	simm.s32 @!p0 $0x108  }
0x21: {  	s3 =	sadd.s32 s3, s9;
	s6 =	sadd.s32 @!p0 $0x88, s6;
	s7 =	simm.s32 @p2 $0x1082  }
0x22: {  	[simem:s7], [sflag:s8] =	dma.local @!p0 [hbm:s6], $0xF7A  }
0x23: {  	s9 =	sor.u32 $0xD0000000, s2;
	s6 =	simm.s32 $0x108;
	_ =	swait.ge @!p0 [sflag:s8], $0x0  }
0x24: {  	s3 =	sadd.s32 $0x88, s3;
	s6 =	simm.s32 @!p1 $0x1082;
	[sflag:s4] =	ssyncset.s32 $0xFFFFF086  }
0x25: {  	[simem:s6], [sflag:s4] =	dma.local [hbm:s3], $0xF7A  }
0x26: {  	[smem:$0x3F9B] =	sst s1;
	(tag) =	ssettag s2;
	_ =	strace s9  }
0x27: {  	s1 =	sld [smem:$0x3FAB]  }
0x28: {  	s2 =	sld [smem:$0x3FAC]  }
0x29: {  	s4 =	sld [smem:$0x3FAE]  }
0x2a: {  	p0 =	seq.s32 s5, $0x0;
	s5 =	sld [smem:$0x3FAF]  }
0x2b: {  	s6 =	sld [smem:$0x3FB0]  }
0x2c: {  	s7 =	sld [smem:$0x3FB1]  }
0x2d: {  	s3 =	simm.s32 $0x108;
	s8 =	sld [smem:$0x3FB2]  }
0x2e: {  	s3 =	simm.s32 @!p0 $0x1082;
	s9 =	sld [smem:$0x3FB3]  }
0x2f: {  	lr =	sadd.s32 s0, s3;
	s0 =	sld [smem:$0x3FAA]  }
0x30: {  	s3 =	sld [smem:$0x3FAD]  }
0x31: {  	[smem:$0x3FB6] =	sst s10  }
0x32: {  	s10 =	sld [smem:$0x3FB4];
	_ =	sdelay $0x3  }
0x33: {  	p0 =	seq.s32 s10, $0x1;
	s10 =	sld [smem:$0x3FB6];
	_ =	sdelay $0x3  }
0x34: {  	[smem:$0x3FB6] =	sst s10  }
0x35: {  	s10 =	sld [smem:$0x3FB5];
	_ =	sdelay $0x3  }
0x36: {  	p1 =	seq.s32 s10, $0x1;
	s10 =	sld [smem:$0x3FB6];
	_ =	sdelay $0x3  }
0x37: {  	[smem:$0x3FB6] =	sst s10  }
0x38: {  	s10 =	sld [smem:$0x3FB7]  }
0x39: {  	_ = 	snop;
	(pc) =	sbr.ind lr, $3  }
0x3a: {  	_ = 	snop  }
0x3b: {  	_ = 	snop  }
0x3c: {  	p2 =	seq.s32 s10, $0x1;
	s10 =	sld [smem:$0x3FB6]  }
0x3d: {  	_ =	shalt  }
0x3e: {  	_ =	shalt  }
0x3f: {  	_ =	shalt  }
0x40: {  	_ =	shalt  }
0x41: {  	_ =	shalt  }
0x42: {  	_ =	shalt  }
0x43: {  	_ =	shalt  }
0x44: {  	_ =	shalt  }
0x45: {  	_ =	shalt  }
0x46: {  	_ =	shalt  }
0x47: {  	_ =	shalt  }
0x48: {  	_ =	shalt  }
0x49: {  	_ =	shalt  }
0x4a: {  	_ =	shalt  }
0x4b: {  	_ =	shalt  }
0x4c: {  	_ =	shalt  }
0x4d: {  	_ =	shalt  }
0x4e: {  	_ =	shalt  }
0x4f: {  	_ =	shalt  }
0x50: {  	_ =	shalt  }
0x51: {  	_ =	shalt  }
0x52: {  	_ =	shalt  }
0x53: {  	_ =	shalt  }
0x54: {  	_ =	shalt  }
0x55: {  	_ =	shalt  }
0x56: {  	_ =	shalt  }
0x57: {  	_ =	shalt  }
0x58: {  	_ =	shalt  }
0x59: {  	_ =	shalt  }
0x5a: {  	_ =	shalt  }
0x5b: {  	_ =	shalt  }
0x5c: {  	_ =	shalt  }
0x5d: {  	_ =	shalt  }
0x5e: {  	_ =	shalt  }
0x5f: {  	_ =	shalt  }
0x60: {  	_ =	shalt  }
0x61: {  	_ =	shalt  }
0x62: {  	_ =	shalt  }
0x63: {  	_ =	shalt  }
0x64: {  	_ =	shalt  }
0x65: {  	_ =	shalt  }
0x66: {  	_ =	shalt  }
0x67: {  	_ =	shalt  }
0x68: {  	_ =	shalt  }
0x69: {  	_ =	shalt  }
0x6a: {  	_ =	shalt  }
0x6b: {  	_ =	shalt  }
0x6c: {  	_ =	shalt  }
0x6d: {  	_ =	shalt  }
0x6e: {  	_ =	shalt  }
0x6f: {  	_ =	shalt  }
0x70: {  	_ =	shalt  }
0x71: {  	_ =	shalt  }
0x72: {  	_ =	shalt  }
0x73: {  	_ =	shalt  }
0x74: {  	_ =	shalt  }
0x75: {  	_ =	shalt  }
0x76: {  	_ =	shalt  }
0x77: {  	_ =	shalt  }
0x78: {  	_ =	shalt  }
0x79: {  	_ =	shalt  }
0x7a: {  	_ =	shalt  }
0x7b: {  	_ =	shalt  }
0x7c: {  	_ =	shalt  }
0x7d: {  	_ =	shalt  }
0x7e: {  	_ =	shalt  }
0x7f: {  	_ =	shalt  }
0x80: {  	_ =	shalt  }
0x81: {  	_ =	shalt  }
0x82: {  	_ =	shalt  }
0x83: {  	_ =	shalt  }
0x84: {  	_ =	shalt  }
0x85: {  	_ =	shalt  }
0x86: {  	_ =	shalt  }
0x87: {  	_ =	shalt  }
.Lfunc_end0:
.L_simem_size_0:
called_computation.6_lowered:
.L_overlay_start_0:
0x88: {  	s2 =	sld [smem:$0x3FD9]  }
0x89: {  	s3 =	sld [smem:$0x3FFE];
	_ =	sdelay $0x1  }
0x8a: {  	s1 =	srdreg.scid  }
0x8b: {  	s0 =	sand.u32 $0x1, s1  }
0x8c: {  	s17 =	sshll.u32 s0, $0xA;
	s2 =	sadd.s32 s3, s2  }
0x8d: {  	s2 =	sadd.s32 s2, s17  }
0x8e: {  	[smem:$0x3FC2] =	sst s2  }
0x8f: {  	_ = 	snop  }
0x90: {  	s2 =	sld [smem:$0x3FD0];
	(tm) =	ssettm $0x1  }
0x91: {  	s18 =	sld [smem:$0x3FFB];
	_ =	sdelay $0x3  }
0x92: {  	_ =	strace s18  }
0x93: {  	s3 =	sld [smem:$0x3FFC];
	_ =	sdelay $0x3  }
0x94: {  	_ =	strace s3  }
0x95: {  	s3 =	sld [smem:$0x3FFD];
	_ =	sdelay $0x3  }
0x96: {  	_ =	strace s3  }
0x97: {  	_ =	strace $0x8FFFFFFF  }
0x98: {  	s19 =	sld [smem:$0x3FDB];
	_ =	sdelay $0x1  }
0x99: {  	s4 =	simm.s32 $_scs_section_size  }
0x9a: {  	s5 =	simm.s32 $_size__tile_overlayer_lowered;
	s6 =	simm.s32 $_tile_overlayer_lowered  }
0x9b: {  	s22 =	simm.s32 $0x1BFF;
	s21 =	sshll.u32 s6, $0x1;
	s3 =	sadd.s32 s4, s19  }
0x9c: {  	s7 =	simm.s32 $0x0;
	s20 =	sshll.u32 s5, $0x1;
	s5 =	sadd.s32 s21, s3  }
0x9d: {  	[timem:s7], [sflag:s22] =	dma.local [hbm:s5], s20  }
0x9e: {  	_ =	swait.ge [sflag:s22], s20  }
0x9f: {  	s4 =	ssub.s32 $0x0, s20;
	[sflag:s22] =	ssyncset.done $0x0  }
0xa0: {  	[sflag:s22] =	ssyncadd.s32 s4;
	_ =	sdelay $0x1  }
0xa1: {  	s23 =	simm.s32 $0x1B8B  }
0xa2: {  	_ =	swait.ge [sflag:s23], $0x1  }
0xa3: {  	[sflag:s23] =	ssyncset.done $0x0  }
0xa4: {  	s25 =	simm.s32 $0x1B8E;
	s24 =	sld [smem:$0x3FFE];
	[sflag:s23] =	ssyncadd.s32 $0xFFFFFFFF  }
0xa5: {  	s26 =	simm.s32 $execute0_lowered;
	[smem:$0x3FD2] =	sst s25  }
0xa6: {  	s5 =	sshll.u32 s26, $0x1;
	_ =	strace $0x80000058;
	[dreg:$0x1] =	wrdreg $0xFFFFFFFF  }
0xa7: {  	s28 =	simm.s32 $_size_execute0_lowered;
	s3 =	sadd.s32 s3, s5;
	[dreg:$0x0] =	wrdreg $0x0  }
0xa8: {  	s5 =	sshll.u32 s28, $0x1;
	[dreg:$0x2] =	wrdreg s3  }
0xa9: {  	[dreg:$0x3] =	wrdreg s5  }
0xaa: {  	[dreg:$0x4] =	wrdreg $0xC0  }
0xab: {  	_ =	task [dreg:s7], $0x5FFFF  }
0xac: {  	[dreg:$0x1] =	wrdreg $0xFFFFFFFF  }
0xad: {  	[dreg:$0x0] =	wrdreg $0x60  }
0xae: {  	[dreg:$0x2] =	wrdreg s24  }
0xaf: {  	[dreg:$0x3] =	wrdreg s2  }
0xb0: {  	[dreg:$0x4] =	wrdreg $0x9  }
0xb1: {  	_ =	task.clear_ibuf [dreg:s7], $0x5FFFF;
	_ =	strace $0x90000058  }
0xb2: {  	s29 =	simm.s32 $0x9;
	_ =	strace $0x8000005A  }
0xb3: {  	_ =	swait.ge [sflag:s29], $0x1  }
0xb4: {  	[sflag:s29] =	ssyncadd.s32 $0xFFFFFFFF  }
0xb5: {  	_ =	strace $0x9000005A  }
0xb6: {  	_ =	sfence  }
0xb7: {  	s30 =	sld [smem:$0x0];
	_ =	sdelay $0x2  }
0xb8: {  	s31 =	sshll.u32 s1, $0xD;
	s1 =	sshrl.u32 s1, $0x2  }
0xb9: {  	s3 =	sand.u32 $0x4000, s31;
	s1 =	sadd.s32 s1, s30  }
0xba: {  	s0 =	sor.u32 s3, s0;
	s1 =	sshll.u32 s1, $0x11  }
0xbb: {  	s0 =	sor.u32 s1, s0  }
0xbc: {  	s0 =	sadd.s32 $0x8F2B, s0  }
0xbd: {  	[sflag:s0] =	ssyncadd.remote.s32 $0x1  }
0xbe: {  	_ =	sfence.sel $0xFFFF  }
0xbf: {  	[dreg:$0x0] =	wrdreg $0xFFFFFFFF;
	(pc) =	sbr.abs _section_cstart, $3  }
0xc0: {  	[dreg:$0x1] =	wrdreg $0xFFFFFFFF  }
0xc1: {  	_ =	task.clear_ibuf [dreg:s7], $0x2FFFF;
	_ =	strace $0x9FFFFFFF  }
0xc2: {  	(tm) =	ssettm $0x7FFFFFFF  }
0xc3: {  	_ =	shalt  }
tec
execute0_lowered:
.L_overlay_start_1:
0x0: {  	(tag) =	ssettag $0x1  }
0x1: {  	s6 =	rddreg [dreg:$0x0];
	s1 =	srdreg.scid  }
0x2: {  	s0 =	stileid.u32;
	s8 =	rddreg [dreg:$0x1]  }
0x3: {  	s2 =	simm.s32 $0x0;
	s11 =	simm.s32 $0x1;
	s12 =	simm.s32 $0x0  }
0x4: {  	s3 =	sand.u32 $0x1, s1;
	s4 =	sshll.u32 s0, $0x1;
	[smem:$0x7FF] =	sst s2  }
0x5: {  	s1 =	rddreg [dreg:$0x2];
	s4 =	sor.u32 s3, s4;
	_ =	strace $0x80000059  }
0x6: {  	s5 =	ssub.s32 $0x2, s3;
	s3 =	sadd.s32 $0x1D5A00, s6;
	s7 =	smul.u32 $0xC40, s4  }
0x7: {  	s10 =	sshrl.u32 s5, $0x1;
	p0 =	seq.s32 s4, $0x1F;
	s4 =	simm.s32 $0xAE0  }
0x8: {  	v1 =	vlaneseq.u32;
	s10 =	ssub.s32 s5, s10;
	s4 =	simm.s32 @!p0 $0xC40;
	s9 =	sadd.s32 s7, s6  }
0x9: {  	v0 =	vshrl.u32 v1, $0x3;
	s6 =	sadd.s32 $0x1D4DC0, s6;
	s7 =	sadd.s32 s8, s7;
	s8 =	sadd.s32 $0x17BC0, s8  }
0xa: {  	v1 =	vand.u32 $0x7, v1;
	v0 =	vmul.u32 $0x8, v0;
	s5 =	sadd.s32 $0x1BD200, s9;
	s9 =	smax.u32 s10, $0x1;
	s10 =	simm.s32 $0x6200  }
.LBB2_1:
0xb: {  	[tilespmem:s10], [sflag:$0x1] =	stream.linear.gather [hbm4b:s3+s2], $0x400, $0x38;
	[tilespmem:$0x6600] =	vst v63  }
0xc: {  	_ =	swait.ge [sflag:s11], $0x400  }
0xd: {  	[sflag:s11] =	ssyncset.done $0x0  }
0xe: {  	s14 =	simm.s32 $0x0;
	[sflag:s11] =	ssyncadd.s32 $0xFFFFFC00  }
0xf: {  	v2 =	vld [tilespmem:s14+$0x6200];
	_ =	sdelay $0x3  }
0x10: {  	v3 =	vimm.f32 $-1.000000020e+30  }
0x11: {  	v4 =	vmax.f32 v3, v2  }
0x12: {  	s16 =	simm.s32 $0x20;
	v3 =	vsub.f32 v3, v4  }
0x13: {  	v5 =	vld [tilespmem:s16+$0x6200]  }
0x14: {  	v2 =	vsub.f32 v2, v4;
	v3 =	vmul.f32 $1.442695020e+00, v3  }
0x15: {  	s13 =	simm.s32 $0x40  }
0x16: {  	v2 =	vmul.f32 $1.442695020e+00, v2;
	(erf) = vpow2.f32 v3;
	v3 =	vld [tilespmem:s13+$0x6200];
	_ =	sdelay $0x1  }
0x17: {  	v6 =	vmax.f32 v4, v5;
	(erf) = vpow2.f32 v2  }
0x18: {  	v2 =	vsub.f32 v4, v6  }
0x19: {  	v4 =	vsub.f32 v5, v6  }
0x1a: {  	v5 =	vmul.f32 $1.442695020e+00, v2;
	v2 =	vmax.f32 v6, v3  }
0x1b: {  	v4 =	vmul.f32 $1.442695020e+00, v4;
	v6 =	vsub.f32 v6, v2  }
0x1c: {  	v8 =	vld [tilespmem:s14+$0x6210];
	(erf) = vpow2.f32 v5;
	v3 =	vsub.f32 v3, v2  }
0x1d: {  	s14 =	simm.s32 $0x60;
	(erf) = vpow2.f32 v4;
	v10 =	vmul.f32 $1.442695020e+00, v6  }
0x1e: {  	v4 =	vld [tilespmem:s14+$0x6200]  }
0x1f: {  	v5 =	vimm.f32 $0.0e+00;
	v9 =	vpop (erf);
	(erf) = vpow2.f32 v10  }
0x20: {  	v7 =	vmul.f32 $1.442695020e+00, v3;
	v3 =	vpop (erf)  }
0x21: {  	v6 =	vmul.f32 v9, v5;
	v8 =	vmul.f32 v3, v8  }
0x22: {  	s15 =	simm.s32 $0x200;
	v5 =	vmov v2;
	v3 =	vld [tilespmem:s16+$0x6210]  }
.LBB2_2:
0x23: {  	s16 =	sshra.s32 s15, $0x2;
	v2 =	vmax.f32 v2, v4;
	(erf) = vpow2.f32 v7;
	v6 =	vadd.f32 v8, v6;
	p1 =	sne.s32 s15, $0xF80  }
.Ltmp0:
0x24: {  	s15 =	sadd.s32 $0x80, s15;
	v7 =	vsub.f32 v5, v2;
	v11 =	vsub.f32 v4, v2;
	v4 =	vld [tilespmem:s16+$0x6200];
	v5 =	vmov v2;
	(pc) =	sbr.rel @p1 .LBB2_2-.Ltmp0, $4  }
0x25: {  	v9 =	vpop (erf)  }
0x26: {  	v10 =	vmul.f32 $1.442695020e+00, v7;
	v7 =	vmul.f32 $1.442695020e+00, v11;
	v8 =	vpop (erf)  }
0x27: {  	v6 =	vmul.f32 v9, v6;
	v8 =	vmul.f32 v8, v3  }
0x28: {  	(erf) = vpow2.f32 v10;
	v3 =	vld [tilespmem:s13+$0x6210];
	s13 =	smov.u32 s14;
	s14 =	smov.u32 s16  }
0x29: {  	v9 =	vmax.f32 v2, v4  }
0x2a: {  	v4 =	vsub.f32 v4, v9  }
0x2b: {  	v2 =	vsub.f32 v5, v9  }
0x2c: {  	v4 =	vmul.f32 $1.442695020e+00, v4  }
0x2d: {  	(erf) = vpow2.f32 v7;
	v2 =	vmul.f32 $1.442695020e+00, v2;
	_ =	sdelay $0x1  }
0x2e: {  	v5 =	vpop (erf);
	(erf) = vpow2.f32 v2  }
0x2f: {  	(erf) = vpow2.f32 v4;
	v4 =	vpop (erf)  }
0x30: {  	v2 =	vadd.f32 v8, v6;
	v3 =	vmul.f32 v4, v3  }
0x31: {  	v6 =	vld [tilespmem:s13+$0x6210]  }
0x32: {  	v2 =	vmul.f32 v5, v2;
	_ =	sdelay $0x1  }
0x33: {  	v2 =	vadd.f32 v3, v2;
	v3 =	vpop (erf)  }
0x34: {  	v4 =	vpop (erf)  }
0x35: {  	v2 =	vmul.f32 v3, v2;
	v3 =	vmul.f32 v4, v6  }
0x36: {  	v5 =	vld [tilespmem:s14+$0x6210];
	_ =	sdelay $0x2  }
0x37: {  	v2 =	vadd.f32 v3, v2;
	v3 =	vpop (erf)  }
0x38: {  	v4 =	vpop (erf)  }
0x39: {  	v2 =	vmul.f32 v3, v2;
	v3 =	vmul.f32 v4, v5;
	_ =	sdelay $0x1  }
0x3a: {  	v2 =	vadd.f32 v3, v2;
	_ =	sdelay $0x1  }
0x3b: {  	v3 =	vshrl.u32 v2, $0x17  }
0x3c: {  	v3 =	vadd.s32 $0xFFFFFF81, v3  }
0x3d: {  	v3 =	vcvt.s32.f32 v3;
	_ =	sdelay $0x1  }
0x3e: {  	v3 =	vmul.f32 $6.931471820e-01, v3;
	_ =	sdelay $0x1  }
0x3f: {  	v3 =	vadd.f32 $3.465999960e-01, v3;
	_ =	sdelay $0x1  }
0x40: {  	v4 =	vsub.f32 $0.0e+00, v3;
	_ =	sdelay $0x1  }
0x41: {  	v4 =	vmul.f32 $1.442695020e+00, v4;
	_ =	sdelay $0x1  }
0x42: {  	(erf) = vpow2.f32 v4;
	_ =	sdelay $0x8  }
0x43: {  	v4 =	vpop (erf)  }
0x44: {  	v4 =	vmul.f32 v4, v2;
	_ =	sdelay $0x1  }
0x45: {  	v3 =	vadd.f32 v4, v3;
	_ =	sdelay $0x1  }
0x46: {  	v3 =	vadd.f32 $-1.000000000e+00, v3;
	_ =	sdelay $0x1  }
0x47: {  	v4 =	vsub.f32 $0.0e+00, v3;
	_ =	sdelay $0x1  }
0x48: {  	v4 =	vmul.f32 $1.442695020e+00, v4;
	_ =	sdelay $0x1  }
0x49: {  	(erf) = vpow2.f32 v4;
	_ =	sdelay $0x8  }
0x4a: {  	v4 =	vpop (erf)  }
0x4b: {  	v4 =	vmul.f32 v4, v2;
	_ =	sdelay $0x1  }
0x4c: {  	v3 =	vadd.f32 v4, v3;
	_ =	sdelay $0x1  }
0x4d: {  	v3 =	vadd.f32 $-1.000000000e+00, v3;
	_ =	sdelay $0x1  }
0x4e: {  	v4 =	vsub.f32 $0.0e+00, v3;
	_ =	sdelay $0x1  }
0x4f: {  	v4 =	vmul.f32 $1.442695020e+00, v4;
	_ =	sdelay $0x1  }
0x50: {  	(erf) = vpow2.f32 v4;
	_ =	sdelay $0x8  }
0x51: {  	v4 =	vpop (erf)  }
0x52: {  	v4 =	vmul.f32 v4, v2;
	_ =	sdelay $0x1  }
0x53: {  	v3 =	vadd.f32 v4, v3;
	_ =	sdelay $0x1  }
0x54: {  	v3 =	vadd.f32 $-1.000000000e+00, v3;
	_ =	sdelay $0x1  }
0x55: {  	v4 =	vsub.f32 $0.0e+00, v3;
	_ =	sdelay $0x1  }
0x56: {  	v4 =	vmul.f32 $1.442695020e+00, v4;
	_ =	sdelay $0x1  }
0x57: {  	(erf) = vpow2.f32 v4;
	_ =	sdelay $0x6  }
0x58: {  	s13 =	simm.s32 @p0 $0x0  }
0x59: {  	[tilespmem:s13], [sflag:$0x1] =	stream.linear.gather @p0 [hbm4b:s6+s13], $0x5700, $0x38;
	[tilespmem:$0x6600] =	vst v63  }
0x5a: {  	s15 =	simm.s32 $0x0;
	s14 =	simm.s32 @p0 $0x1;
	v4 =	vpop (erf)  }
0x5b: {  	v5 =	vmov s15;
	_ =	swait.ge @p0 [sflag:s14], $0x5700  }
0x5c: {  	v5 =	vshll.u32 v5, $0x3;
	[sflag:s14] =	ssyncset.done @p0 $0x0  }
0x5d: {  	p1 =	sne.s32 s4, $0x2;
	s15 =	simm.s32 @!p0 $0x0;
	v4 =	vmul.f32 v4, v2;
	v2 =	vor.u32 v0, v5;
	[sflag:s14] =	ssyncadd.s32 @p0 $0xFFFFA900  }
0x5e: {  	v2 =	vor.u32 v1, v2;
	[tilespmem:s15], [sflag:$0x1] =	stream.linear.gather @!p0 [hbm4b:s5+s15], $0x6200, $0x38;
	[tilespmem:$0x6600] =	vst v63  }
.Ltmp1:
0x5f: {  	s16 =	simm.s32 @!p0 $0x1;
	v3 =	vadd.f32 v4, v3;
	(pc) =	sbr.rel @!p1 .LBB2_5-.Ltmp1, $4  }
0x60: {  	_ =	swait.ge @!p0 [sflag:s16], $0x6200  }
0x61: {  	v3 =	vadd.f32 $-1.000000000e+00, v3;
	[sflag:s16] =	ssyncset.done @!p0 $0x0  }
0x62: {  	[sflag:s16] =	ssyncadd.s32 @!p0 $0xFFFF9E00  }
0x63: {  	s17 =	simm.s32 $0x2;
	v3 =	vadd.f32 v3, v9;
	v4 =	vld.idx.msk [tilespmem:v2+s2+$0x0], $0xffff  }
.LBB2_4:
0x64: {  	v5 =	vmov s17;
	s17 =	sadd.s32 $0x2, s17  }
0x65: {  	v5 =	vshll.u32 v5, $0x3;
	p1 =	sne.s32 s4, s17  }
0x66: {  	v5 =	vor.u32 v0, v5  }
0x67: {  	v5 =	vor.u32 v1, v5  }
.Ltmp2:
0x68: {  	(pc) =	sbr.rel @p1 .LBB2_4-.Ltmp2, $3  }
0x69: {  	v4 =	vsub.f32 v4, v3;
	_ =	sdelay $0x1  }
0x6a: {  	[tilespmem:v2+s2+$0x0] =	vst.idx.msk $0xffff, v4;
	v2 =	vmov v5  }
0x6b: {  	v4 =	vld.idx.msk [tilespmem:v5+s2+$0x0], $0xffff  }
.LBB2_5:
0x6c: {  	_ =	sdelay $0x3  }
0x6d: {  	v3 =	vsub.f32 v4, v3;
	_ =	sdelay $0x1  }
0x6e: {  	[tilespmem:v2+s2+$0x0] =	vst.idx.msk $0xffff, v3  }
0x6f: {  	[hbm4b:s8+s13] =	stream.linear.scatter @p0 [tilespmem:s13], [sflag:$0x1], $0x5700, $0x38;
	[tilespmem:$0x6600] =	vst v63  }
0x70: {  	s12 =	sadd.s32 $0x1, s12;
	_ =	swait.ge @p0 [sflag:s14], $0x5700  }
0x71: {  	p1 =	sne.s32 s12, s9;
	[sflag:s14] =	ssyncset.done @p0 $0x0  }
.Ltmp3:
0x72: {  	[sflag:s14] =	ssyncadd.s32 @p0 $0xFFFFA900;
	(pc) =	sbr.rel @p1 .LBB2_1-.Ltmp3, $4  }
0x73: {  	[hbm4b:s7+s15] =	stream.linear.scatter @!p0 [tilespmem:s15], [sflag:$0x1], $0x6200, $0x38;
	[tilespmem:$0x6600] =	vst v63  }
0x74: {  	_ =	swait.ge @!p0 [sflag:s16], $0x6200  }
0x75: {  	[sflag:s16] =	ssyncset.done @!p0 $0x0  }
0x76: {  	[sflag:s16] =	ssyncadd.s32 @!p0 $0xFFFF9E00  }
0x77: {  	_ =	sfence.sel $0x180000  }
0x78: {  	[bflag:$0x0] =	sbarrier.arrive $0xFFFF  }
0x79: {  	p0 =	sne.s32 s0, $0x0;
	_ =	strace $0x90000059  }
0x7a: {  	s0 =	sadd.s32 @!p0 $0x100000, s1;
	[bflag:$0x2] =	sbarrier.arrive $0xFFFF  }
0x7b: {  	[sflag:s0] =	ssyncadd.tile.s32 @!p0 $0x1;
	_ =	shalt  }
.Lfunc_end2:
_tile_overlayer_lowered:
.L_overlay_start_2:
0x7c: {  	(tag) =	ssettag $0x2  }
0x7d: {  	s0 =	rddreg [dreg:$0x0];
	s2 =	stileid.u32  }
0x7e: {  	s1 =	rddreg [dreg:$0x1];
	p0 =	sne.s32 s2, $0x0  }
0x7f: {  	s3 =	rddreg [dreg:$0x2];
	[bflag:$0x3] =	sbarrier.arrive $0xFFFF;
	s2 =	simm.s32 @!p0 $0x1C01  }
0x80: {  	[timem:s3], [sflag:s2] =	dma.local @!p0 [hbm:s0], s1  }
0x81: {  	s0 =	simm.s32 @!p0 $0x1  }
0x82: {  	_ =	swait.ge @!p0 [sflag:s0], s1  }
0x83: {  	s1 =	ssub.s32 @!p0 $0x0, s1;
	[sflag:s0] =	ssyncset.done @!p0 $0x0  }
0x84: {  	[sflag:s0] =	ssyncadd.s32 @!p0 s1  }
0x85: {  	[bflag:$0x3] =	sbarrier.arrive $0xFFFF  }
0x86: {  	_ =	shalt  }

// kernel: kernel.9.cloned.1.call-start
scs
__scs_entry_jumppad:
0x0: {  	(pc) =	sbr.rel $0x88, $3  }
0x1: {  	(tag) =	ssettag $0x0;
	lr =	simm.s32 $0x1  }
0x2: {  	[smem:$0x3F9B] =	sst lr;
	_ =	strace $0xD0000000  }
0x3: {  	_ = 	snop  }
0x4: {  	_ = 	snop  }
0x5: {  	_ = 	snop  }
0x6: {  	_ = 	snop  }
0x7: {  	_ = 	snop  }
__scs_overlays_trampoline_lowered:
0x8: {  	[smem:$0x3FAA] =	sst s0  }
0x9: {  	[smem:$0x3FAB] =	sst s1  }
0xa: {  	[smem:$0x3FAC] =	sst s2  }
0xb: {  	[smem:$0x3FAD] =	sst s3  }
0xc: {  	[smem:$0x3FAE] =	sst s4  }
0xd: {  	[smem:$0x3FAF] =	sst s5  }
0xe: {  	[smem:$0x3FB0] =	sst s6  }
0xf: {  	[smem:$0x3FB1] =	sst s7  }
0x10: {  	[smem:$0x3FB2] =	sst s8  }
0x11: {  	[smem:$0x3FB3] =	sst s9;
	s0 =	simm.s32 @!p0 $0x0  }
0x12: {  	s1 =	sld [smem:$0x3F99];
	s0 =	simm.s32 @p0 $0x1  }
0x13: {  	[smem:$0x3FB4] =	sst s0;
	s0 =	simm.s32 @!p1 $0x0  }
0x14: {  	s2 =	sld [smem:$0x3F98];
	s0 =	simm.s32 @p1 $0x1  }
0x15: {  	[smem:$0x3FB5] =	sst s0;
	s0 =	simm.s32 @!p2 $0x0  }
0x16: {  	s3 =	sld [smem:$0x3FDB];
	s0 =	simm.s32 @p2 $0x1  }
0x17: {  	s4 =	simm.s32 $0x1BF5;
	[smem:$0x3FB7] =	sst s0  }
0x18: {  	s0 =	sld [smem:$0x3F9A];
	_ =	swait.ge [sflag:s4], $0x0  }
0x19: {  	s7 =	sld [smem:$0x3F9B]  }
0x1a: {  	s8 =	sadd.s32 $0xFFFFE003, lr  }
0x1b: {  	s9 =	sadd.s32 $0xFFFFFEF7, lr;
	s5 =	simm.s32 $0xFFFFFFFF;
	p2 =	slt.u32 s8, $0xFFFFF086  }
0x1c: {  	p1 =	slt.u32 s9, $0xF7A;
	s5 =	simm.s32 @!p2 $0x0  }
0x1d: {  	s5 =	simm.s32 @p1 $0x1;
	p0 =	seq.s32 s7, s2  }
0x1e: {  	s7 =	smul.u32 @!p0 $0xF7A, s2;
	p2 =	seq.s32 @!p0 s5, $0x0  }
0x1f: {  	s9 =	smul.u32 $0xF7A, s1;
	s8 =	simm.s32 @!p0 $0x1BF5;
	p2 =	por !p2, p0  }
0x20: {  	[sflag:s8] =	ssyncset.s32 @!p0 $0xFFFFF086;
	s6 =	sadd.s32 @!p0 s3, s7;
	s7 =	simm.s32 @!p0 $0x108  }
0x21: {  	s3 =	sadd.s32 s3, s9;
	s6 =	sadd.s32 @!p0 $0x88, s6;
	s7 =	simm.s32 @p2 $0x1082  }
0x22: {  	[simem:s7], [sflag:s8] =	dma.local @!p0 [hbm:s6], $0xF7A  }
0x23: {  	s9 =	sor.u32 $0xD0000000, s2;
	s6 =	simm.s32 $0x108;
	_ =	swait.ge @!p0 [sflag:s8], $0x0  }
0x24: {  	s3 =	sadd.s32 $0x88, s3;
	s6 =	simm.s32 @!p1 $0x1082;
	[sflag:s4] =	ssyncset.s32 $0xFFFFF086  }
0x25: {  	[simem:s6], [sflag:s4] =	dma.local [hbm:s3], $0xF7A  }
0x26: {  	[smem:$0x3F9B] =	sst s1;
	(tag) =	ssettag s2;
	_ =	strace s9  }
0x27: {  	s1 =	sld [smem:$0x3FAB]  }
0x28: {  	s2 =	sld [smem:$0x3FAC]  }
0x29: {  	s4 =	sld [smem:$0x3FAE]  }
0x2a: {  	p0 =	seq.s32 s5, $0x0;
	s5 =	sld [smem:$0x3FAF]  }
0x2b: {  	s6 =	sld [smem:$0x3FB0]  }
0x2c: {  	s7 =	sld [smem:$0x3FB1]  }
0x2d: {  	s3 =	simm.s32 $0x108;
	s8 =	sld [smem:$0x3FB2]  }
0x2e: {  	s3 =	simm.s32 @!p0 $0x1082;
	s9 =	sld [smem:$0x3FB3]  }
0x2f: {  	lr =	sadd.s32 s0, s3;
	s0 =	sld [smem:$0x3FAA]  }
0x30: {  	s3 =	sld [smem:$0x3FAD]  }
0x31: {  	[smem:$0x3FB6] =	sst s10  }
0x32: {  	s10 =	sld [smem:$0x3FB4];
	_ =	sdelay $0x3  }
0x33: {  	p0 =	seq.s32 s10, $0x1;
	s10 =	sld [smem:$0x3FB6];
	_ =	sdelay $0x3  }
0x34: {  	[smem:$0x3FB6] =	sst s10  }
0x35: {  	s10 =	sld [smem:$0x3FB5];
	_ =	sdelay $0x3  }
0x36: {  	p1 =	seq.s32 s10, $0x1;
	s10 =	sld [smem:$0x3FB6];
	_ =	sdelay $0x3  }
0x37: {  	[smem:$0x3FB6] =	sst s10  }
0x38: {  	s10 =	sld [smem:$0x3FB7]  }
0x39: {  	_ = 	snop;
	(pc) =	sbr.ind lr, $3  }
0x3a: {  	_ = 	snop  }
0x3b: {  	_ = 	snop  }
0x3c: {  	p2 =	seq.s32 s10, $0x1;
	s10 =	sld [smem:$0x3FB6]  }
0x3d: {  	_ =	shalt  }
0x3e: {  	_ =	shalt  }
0x3f: {  	_ =	shalt  }
0x40: {  	_ =	shalt  }
0x41: {  	_ =	shalt  }
0x42: {  	_ =	shalt  }
0x43: {  	_ =	shalt  }
0x44: {  	_ =	shalt  }
0x45: {  	_ =	shalt  }
0x46: {  	_ =	shalt  }
0x47: {  	_ =	shalt  }
0x48: {  	_ =	shalt  }
0x49: {  	_ =	shalt  }
0x4a: {  	_ =	shalt  }
0x4b: {  	_ =	shalt  }
0x4c: {  	_ =	shalt  }
0x4d: {  	_ =	shalt  }
0x4e: {  	_ =	shalt  }
0x4f: {  	_ =	shalt  }
0x50: {  	_ =	shalt  }
0x51: {  	_ =	shalt  }
0x52: {  	_ =	shalt  }
0x53: {  	_ =	shalt  }
0x54: {  	_ =	shalt  }
0x55: {  	_ =	shalt  }
0x56: {  	_ =	shalt  }
0x57: {  	_ =	shalt  }
0x58: {  	_ =	shalt  }
0x59: {  	_ =	shalt  }
0x5a: {  	_ =	shalt  }
0x5b: {  	_ =	shalt  }
0x5c: {  	_ =	shalt  }
0x5d: {  	_ =	shalt  }
0x5e: {  	_ =	shalt  }
0x5f: {  	_ =	shalt  }
0x60: {  	_ =	shalt  }
0x61: {  	_ =	shalt  }
0x62: {  	_ =	shalt  }
0x63: {  	_ =	shalt  }
0x64: {  	_ =	shalt  }
0x65: {  	_ =	shalt  }
0x66: {  	_ =	shalt  }
0x67: {  	_ =	shalt  }
0x68: {  	_ =	shalt  }
0x69: {  	_ =	shalt  }
0x6a: {  	_ =	shalt  }
0x6b: {  	_ =	shalt  }
0x6c: {  	_ =	shalt  }
0x6d: {  	_ =	shalt  }
0x6e: {  	_ =	shalt  }
0x6f: {  	_ =	shalt  }
0x70: {  	_ =	shalt  }
0x71: {  	_ =	shalt  }
0x72: {  	_ =	shalt  }
0x73: {  	_ =	shalt  }
0x74: {  	_ =	shalt  }
0x75: {  	_ =	shalt  }
0x76: {  	_ =	shalt  }
0x77: {  	_ =	shalt  }
0x78: {  	_ =	shalt  }
0x79: {  	_ =	shalt  }
0x7a: {  	_ =	shalt  }
0x7b: {  	_ =	shalt  }
0x7c: {  	_ =	shalt  }
0x7d: {  	_ =	shalt  }
0x7e: {  	_ =	shalt  }
0x7f: {  	_ =	shalt  }
0x80: {  	_ =	shalt  }
0x81: {  	_ =	shalt  }
0x82: {  	_ =	shalt  }
0x83: {  	_ =	shalt  }
0x84: {  	_ =	shalt  }
0x85: {  	_ =	shalt  }
0x86: {  	_ =	shalt  }
0x87: {  	_ =	shalt  }
.Lfunc_end0:
.L_simem_size_0:
called_computation_lowered:
.L_overlay_start_0:
0x88: {  	s2 =	sld [smem:$0x3FD9]  }
0x89: {  	s3 =	sld [smem:$0x3FFE];
	_ =	sdelay $0x1  }
0x8a: {  	s1 =	srdreg.scid  }
0x8b: {  	s0 =	sand.u32 $0x1, s1  }
0x8c: {  	s16 =	sshll.u32 s0, $0xA;
	s2 =	sadd.s32 s3, s2  }
0x8d: {  	s2 =	sadd.s32 s2, s16  }
0x8e: {  	[smem:$0x3FC2] =	sst s2  }
0x8f: {  	_ = 	snop  }
0x90: {  	(tm) =	ssettm $0x1  }
0x91: {  	s17 =	sld [smem:$0x3FFB];
	_ =	sdelay $0x3  }
0x92: {  	_ =	strace s17  }
0x93: {  	s2 =	sld [smem:$0x3FFC];
	_ =	sdelay $0x3  }
0x94: {  	_ =	strace s2  }
0x95: {  	s2 =	sld [smem:$0x3FFD];
	_ =	sdelay $0x3  }
0x96: {  	_ =	strace s2  }
0x97: {  	_ =	strace $0x8FFFFFFF  }
0x98: {  	s18 =	sld [smem:$0x3FDB];
	_ =	sdelay $0x1  }
0x99: {  	s19 =	simm.s32 $_scs_section_size  }
0x9a: {  	s4 =	simm.s32 $_size__tile_overlayer_lowered;
	s5 =	simm.s32 $_tile_overlayer_lowered  }
0x9b: {  	s22 =	simm.s32 $0x1BFF;
	s21 =	sshll.u32 s5, $0x1;
	s2 =	sadd.s32 s19, s18  }
0x9c: {  	s6 =	simm.s32 $0x0;
	s20 =	sshll.u32 s4, $0x1;
	s4 =	sadd.s32 s21, s2  }
0x9d: {  	[timem:s6], [sflag:s22] =	dma.local [hbm:s4], s20  }
0x9e: {  	_ =	swait.ge [sflag:s22], s20  }
0x9f: {  	s3 =	ssub.s32 $0x0, s20;
	[sflag:s22] =	ssyncset.done $0x0  }
0xa0: {  	[sflag:s22] =	ssyncadd.s32 s3;
	_ =	sdelay $0x1  }
0xa1: {  	s23 =	simm.s32 $0x1B8B  }
0xa2: {  	_ =	swait.ge [sflag:s23], $0x1  }
0xa3: {  	[sflag:s23] =	ssyncset.done $0x0  }
0xa4: {  	s25 =	simm.s32 $0x1B8E;
	s24 =	sld [smem:$0x3FFE];
	[sflag:s23] =	ssyncadd.s32 $0xFFFFFFFF  }
0xa5: {  	s26 =	simm.s32 $execute0_lowered;
	[smem:$0x3FD2] =	sst s25  }
0xa6: {  	s4 =	sshll.u32 s26, $0x1;
	_ =	strace $0x80000046;
	[dreg:$0x1] =	wrdreg $0xFFFFFFFF  }
0xa7: {  	s28 =	simm.s32 $_size_execute0_lowered;
	s2 =	sadd.s32 s2, s4;
	[dreg:$0x0] =	wrdreg $0x0  }
0xa8: {  	s4 =	sshll.u32 s28, $0x1;
	[dreg:$0x2] =	wrdreg s2  }
0xa9: {  	[dreg:$0x3] =	wrdreg s4  }
0xaa: {  	[dreg:$0x4] =	wrdreg $0xC0  }
0xab: {  	_ =	task [dreg:s6], $0x5FFFF  }
0xac: {  	[dreg:$0x1] =	wrdreg $0xFFFFFFFF  }
0xad: {  	[dreg:$0x0] =	wrdreg $0x60  }
0xae: {  	[dreg:$0x2] =	wrdreg s24  }
0xaf: {  	[dreg:$0x3] =	wrdreg $0x0  }
0xb0: {  	[dreg:$0x4] =	wrdreg $0x9  }
0xb1: {  	_ =	task.clear_ibuf [dreg:s6], $0x5FFFF;
	_ =	strace $0x90000046  }
0xb2: {  	s29 =	simm.s32 $0x9;
	_ =	strace $0x80000048  }
0xb3: {  	_ =	swait.ge [sflag:s29], $0x1  }
0xb4: {  	[sflag:s29] =	ssyncadd.s32 $0xFFFFFFFF  }
0xb5: {  	_ =	strace $0x90000048  }
0xb6: {  	_ =	sfence  }
0xb7: {  	s30 =	sld [smem:$0x0];
	_ =	sdelay $0x2  }
0xb8: {  	s31 =	sshll.u32 s1, $0xD;
	s1 =	sshrl.u32 s1, $0x2  }
0xb9: {  	s3 =	sand.u32 $0x4000, s31;
	s1 =	sadd.s32 s1, s30  }
0xba: {  	s0 =	sor.u32 s3, s0;
	s1 =	sshll.u32 s1, $0x11  }
0xbb: {  	s0 =	sor.u32 s1, s0  }
0xbc: {  	s0 =	sadd.s32 $0x8F2B, s0  }
0xbd: {  	[sflag:s0] =	ssyncadd.remote.s32 $0x1  }
0xbe: {  	_ =	sfence.sel $0xFFFF  }
0xbf: {  	[dreg:$0x0] =	wrdreg $0xFFFFFFFF;
	(pc) =	sbr.abs _section_cstart, $3  }
0xc0: {  	[dreg:$0x1] =	wrdreg $0xFFFFFFFF  }
0xc1: {  	_ =	task.clear_ibuf [dreg:s6], $0x2FFFF;
	_ =	strace $0x9FFFFFFF  }
0xc2: {  	(tm) =	ssettm $0x7FFFFFFF  }
0xc3: {  	_ =	shalt  }
tec
execute0_lowered:
.L_overlay_start_1:
0x0: {  	(tag) =	ssettag $0x1  }
0x1: {  	s1 =	srdreg.scid  }
0x2: {  	s0 =	stileid.u32;
	s6 =	rddreg [dreg:$0x0]  }
0x3: {  	s2 =	rddreg [dreg:$0x1];
	s3 =	simm.s32 $0x0;
	s4 =	smul.u32 $0x61A80, s0  }
0x4: {  	s14 =	simm.s32 $0xFA0;
	s7 =	sand.u32 $0x1, s1;
	s8 =	smul.u32 $0xC400, s0  }
0x5: {  	s15 =	simm.s32 $0x0;
	s1 =	rddreg [dreg:$0x2];
	s5 =	smul.u32 $0x30D40, s7  }
0x6: {  	[smem:$0x7FF] =	sst s3;
	s30 =	smul.u32 $0xC4000, s7;
	s7 =	ssub.s32 $0x2, s7  }
0x7: {  	s11 =	sshll.u32 s0, $0x6;
	_ =	strace $0x80000047;
	s31 =	sshrl.u32 s7, $0x1  }
0x8: {  	s13 =	sadd.s32 s8, s2;
	s4 =	sadd.s32 s5, s4;
	s10 =	sadd.s32 s8, s30  }
0x9: {  	s5 =	sadd.s32 $0x18A800, s6;
	s12 =	ssub.s32 s7, s31;
	s4 =	sshrl.u32 s4, $0x3  }
0xa: {  	s10 =	sshrl.u32 s10, $0x3;
	s8 =	smax.u32 s12, $0x1;
	s12 =	simm.s32 $0xD3A0  }
0xb: {  	s9 =	sadd.s32 s4, s6;
	s4 =	sadd.s32 $0x2C00, s6;
	s10 =	sadd.s32 s10, s6  }
0xc: {  	s6 =	sor.u32 $0x1C01, s11;
	s11 =	simm.s32 $0x1;
	s7 =	sadd.s32 $0x18C200, s10  }
0xd: {  	s9 =	sadd.s32 $0xC7200, s9;
	s10 =	sshrl.u32 s13, $0x3;
	s13 =	simm.s32 $0xC400  }
.LBB2_1:
0xe: {  	[spmem:s10], [sflag:s6] =	dma.local [hbm:s5], $0x1880  }
0xf: {  	_ =	swait.ge [sflag:s11], $0x1880  }
0x10: {  	[sflag:s11] =	ssyncset.done $0x0  }
0x11: {  	[sflag:s11] =	ssyncadd.s32 $0xFFFFE780  }
0x12: {  	[tilespmem:s12], [sflag:$0x1] =	stream.linear.gather [hbm4b:s4+s3], $0x7D00, $0x38;
	[tilespmem:$0x150A0] =	vst v63  }
0x13: {  	_ =	swait.ge [sflag:s11], $0x7D00  }
0x14: {  	[sflag:s11] =	ssyncset.done $0x0  }
0x15: {  	[sflag:s11] =	ssyncadd.s32 $0xFFFF8300  }
0x16: {  	s16 =	sadd.s32 $0x0, s9;
	[bflag:$0x0] =	sbarrier.arrive $0xFFFF  }
0x17: {  	[tilespmem:s13], [sflag:$0x1] =	stream.linear.gather [hbm4b:s16+s3], $0xFA0, $0x38;
	[tilespmem:$0x150A0] =	vst v63  }
0x18: {  	_ =	swait.ge [sflag:s11], $0xFA0  }
0x19: {  	[sflag:s11] =	ssyncset.done $0x0  }
0x1a: {  	[sflag:s11] =	ssyncadd.s32 $0xFFFFF060  }
0x1b: {  	[spmem:s2] =	stream.indirect.scatter.add.f32 [tilespmem:s12], [sflag:$0x1], $0x8, s13, s14, $0xb8;
	[tilespmem:$0x150A0] =	vst v63  }
0x1c: {  	_ =	swait.ge [sflag:s11], $0x7D00  }
0x1d: {  	s17 =	simm.s32 $0x3E8;
	s16 =	simm.s32 $0x1F4;
	[sflag:s11] =	ssyncset.done $0x0  }
.LBB2_2:
0x1e: {  	s18 =	sadd.s32 s16, s9  }
0x1f: {  	[sflag:s11] =	ssyncadd.s32 $0xFFFF8300;
	s16 =	smov.u32 s17;
	s19 =	sadd.s32 $0x1F4, s17  }
0x20: {  	[tilespmem:s13], [sflag:$0x1] =	stream.linear.gather [hbm4b:s18+s3], $0xFA0, $0x38;
	[tilespmem:$0x150A0] =	vst v63  }
0x21: {  	p0 =	sne.s32 s17, $0x5FB4;
	_ =	swait.ge [sflag:s11], $0xFA0  }
.Ltmp0:
0x22: {  	[sflag:s11] =	ssyncset.done $0x0;
	(pc) =	sbr.rel @p0 .LBB2_2-.Ltmp0, $4  }
0x23: {  	[sflag:s11] =	ssyncadd.s32 $0xFFFFF060  }
0x24: {  	[spmem:s2] =	stream.indirect.scatter.add.f32 [tilespmem:s12], [sflag:$0x1], $0x8, s13, s14, $0xb8;
	[tilespmem:$0x150A0] =	vst v63  }
0x25: {  	_ =	swait.ge [sflag:s11], $0x7D00  }
0x26: {  	s17 =	smov.u32 s19;
	[sflag:s11] =	ssyncset.done $0x0  }
0x27: {  	s16 =	sadd.s32 s16, s9;
	[sflag:s11] =	ssyncadd.s32 $0xFFFF8300  }
0x28: {  	[tilespmem:s13], [sflag:$0x1] =	stream.linear.gather [hbm4b:s16+s3], $0xFA0, $0x38;
	[tilespmem:$0x150A0] =	vst v63  }
0x29: {  	_ =	swait.ge [sflag:s11], $0xFA0  }
0x2a: {  	[sflag:s11] =	ssyncset.done $0x0  }
0x2b: {  	[sflag:s11] =	ssyncadd.s32 $0xFFFFF060  }
0x2c: {  	[spmem:s2] =	stream.indirect.scatter.add.f32 [tilespmem:s12], [sflag:$0x1], $0x8, s13, s14, $0xb8;
	[tilespmem:$0x150A0] =	vst v63  }
0x2d: {  	_ =	swait.ge [sflag:s11], $0x7D00  }
0x2e: {  	s15 =	sadd.s32 $0x1, s15;
	[sflag:s11] =	ssyncset.done $0x0  }
0x2f: {  	p0 =	sne.s32 s15, s8;
	[sflag:s11] =	ssyncadd.s32 $0xFFFF8300  }
.Ltmp1:
0x30: {  	[bflag:$0x0] =	sbarrier.arrive $0xFFFF;
	(pc) =	sbr.rel @p0 .LBB2_1-.Ltmp1, $4  }
0x31: {  	[hbm:s7], [sflag:s6] =	dma.local [spmem:s10], $0x1880  }
0x32: {  	_ =	swait.ge [sflag:s11], $0x1880  }
0x33: {  	[sflag:s11] =	ssyncset.done $0x0  }
0x34: {  	[sflag:s11] =	ssyncadd.s32 $0xFFFFE780  }
0x35: {  	_ =	sfence.sel $0x180000  }
0x36: {  	[bflag:$0x0] =	sbarrier.arrive $0xFFFF  }
0x37: {  	p0 =	sne.s32 s0, $0x0;
	_ =	strace $0x90000047  }
0x38: {  	s0 =	sadd.s32 @!p0 $0x100000, s1;
	[bflag:$0x2] =	sbarrier.arrive $0xFFFF  }
0x39: {  	[sflag:s0] =	ssyncadd.tile.s32 @!p0 $0x1;
	_ =	shalt  }
.Lfunc_end2:
_tile_overlayer_lowered:
.L_overlay_start_2:
0x3a: {  	(tag) =	ssettag $0x2  }
0x3b: {  	s0 =	rddreg [dreg:$0x0];
	s2 =	stileid.u32  }
0x3c: {  	s1 =	rddreg [dreg:$0x1];
	p0 =	sne.s32 s2, $0x0  }
0x3d: {  	s3 =	rddreg [dreg:$0x2];
	[bflag:$0x3] =	sbarrier.arrive $0xFFFF;
	s2 =	simm.s32 @!p0 $0x1C01  }
0x3e: {  	[timem:s3], [sflag:s2] =	dma.local @!p0 [hbm:s0], s1  }
0x3f: {  	s0 =	simm.s32 @!p0 $0x1  }
0x40: {  	_ =	swait.ge @!p0 [sflag:s0], s1  }
0x41: {  	s1 =	ssub.s32 @!p0 $0x0, s1;
	[sflag:s0] =	ssyncset.done @!p0 $0x0  }
0x42: {  	[sflag:s0] =	ssyncadd.s32 @!p0 s1  }
0x43: {  	[bflag:$0x3] =	sbarrier.arrive $0xFFFF  }
0x44: {  	_ =	shalt  }

</sc_bundles>
